<compile_context>
chip_gen: v7x
topology: tpu7x:2x2x1
jax: 0.10.2.dev20260603
libtpu: 0.0.44.dev20260713+nightly
codegen_flags: <defaults>
</compile_context>

<pallas_src>
import functools

import jax
import jax.numpy as jnp
from jax import lax
from jax.experimental import pallas as pl
from jax.experimental.pallas import tpu as pltpu
from jax.experimental.pallas import tpu_sc as plsc

N = 8192
B = 8
K = 20
BIG = 1e30
BIG2 = 2e30


_RKNN = 256
_CW = 512
_IBIG = 2**30


def _knn_body(c0_ref, nch_ref, x_ref, xr_ref, d2c_ref, bc_ref, br_ref,
              idx_ref, dist_ref):
    i = pl.program_id(0)
    c0 = c0_ref[i]
    nch = nch_ref[i]
    br = br_ref[:]
    xr = xr_ref[:]
    dx = xr.shape[1]
    d2r = lax.dot_general(
        jnp.ones((1, dx), jnp.float32), xr * xr,
        dimension_numbers=(((1,), (1,)), ((), ())),
        preferred_element_type=jnp.float32,
    )
    rowi0 = lax.broadcasted_iota(jnp.int32, (_CW, _RKNN), 0)
    minf = jnp.full((1, _RKNN), jnp.inf, jnp.float32)
    ibig = jnp.full((1, _RKNN), _IBIG, jnp.int32)

    def _scan_chunk(d, off, m, ji):
        lm = jnp.min(d, axis=0, keepdims=True)
        la = jnp.min(jnp.where(d == lm, rowi0, jnp.int32(_IBIG)),
                     axis=0, keepdims=True) + off
        better = lm < m
        return jnp.minimum(m, lm), jnp.where(better, la, ji)

    def fill(t, mj):
        m, ji = mj
        start = jnp.minimum(c0 + t * _CW, N - _CW)
        mm = lax.dot_general(
            x_ref[pl.ds(start, _CW), :], xr,
            dimension_numbers=(((1,), (1,)), ((), ())),
            preferred_element_type=jnp.float32,
            precision=lax.Precision.DEFAULT,
        )
        d = d2c_ref[pl.ds(start, _CW), :] + d2r - 2.0 * mm
        d = jnp.where(bc_ref[pl.ds(start, _CW), :] != br, BIG, d)
        dist_ref[pl.ds(t * _CW, _CW), :] = d
        return _scan_chunk(d, start, m, ji)

    m, ji = lax.fori_loop(0, nch, fill, (minf, ibig))

    picks = [ji]
    for step in range(1, K):
        prev = ji
        last = step == K - 1

        def ext(t, mj, prev=prev, last=last):
            m2, ji2 = mj
            off = jnp.minimum(c0 + t * _CW, N - _CW)
            d = dist_ref[pl.ds(t * _CW, _CW), :]
            d = jnp.where(rowi0 == (prev - off), BIG2, d)
            if not last:
                dist_ref[pl.ds(t * _CW, _CW), :] = d
            return _scan_chunk(d, off, m2, ji2)

        m, ji = lax.fori_loop(0, nch, ext, (minf, ibig))
        picks.append(ji)
    idx_ref[:] = jnp.concatenate(picks, axis=0)


def _knn(x, d2c, bc, br, c0s, nchs):
    dx = x.shape[1]
    grid_spec = pltpu.PrefetchScalarGridSpec(
        num_scalar_prefetch=2,
        grid=(N // _RKNN,),
        in_specs=[
            pl.BlockSpec((N, dx), lambda i, *_: (0, 0)),
            pl.BlockSpec((_RKNN, dx), lambda i, *_: (i, 0)),
            pl.BlockSpec((N, 1), lambda i, *_: (0, 0)),
            pl.BlockSpec((N, 1), lambda i, *_: (0, 0)),
            pl.BlockSpec((1, _RKNN), lambda i, *_: (0, i)),
        ],
        out_specs=pl.BlockSpec((K, _RKNN), lambda i, *_: (0, i)),
        scratch_shapes=[pltpu.VMEM((N, _RKNN), jnp.float32)],
    )
    return pl.pallas_call(
        _knn_body,
        grid_spec=grid_spec,
        out_shape=jax.ShapeDtypeStruct((K, N), jnp.int32),
    )(c0s, nchs, x, x, d2c, bc, br)


def _seg_ranges(batch):
    ar = jnp.arange(B, dtype=batch.dtype)
    seg_start = jnp.searchsorted(batch, ar).astype(jnp.int32)
    seg_end = jnp.searchsorted(batch, ar, side="right").astype(jnp.int32)
    sizes = seg_end - seg_start
    degenerate = jnp.any((sizes > 0) & (sizes < K))
    b2 = batch.reshape(N // _RKNN, _RKNN)
    first_b = b2[:, 0]
    last_b = b2[:, -1]
    c0 = jnp.minimum((seg_start[first_b] // 8) * 8, N - _CW)
    nch = (seg_end[last_b] - c0 + _CW - 1) // _CW
    c0 = jnp.where(degenerate, 0, c0).astype(jnp.int32)
    nch = jnp.where(degenerate, N // _CW, nch).astype(jnp.int32)
    return c0, nch



_NC = 2
_NS = 16
_NW = _NC * _NS
_CH = 256


def _sc_gather(table, idx, d, dw=None):
    dw = d if dw is None else dw
    e = idx.shape[0]
    per_w = e // _NW
    n_ch = per_w // _CH
    mesh = plsc.VectorSubcoreMesh(core_axis_name="c", subcore_axis_name="s")

    @functools.partial(
        pl.kernel,
        out_type=jax.ShapeDtypeStruct((e, dw), jnp.float32),
        mesh=mesh,
        scratch_types=[
            pltpu.VMEM((_CH,), jnp.int32),
            pltpu.VMEM((_CH,), jnp.int32),
            pltpu.VMEM((_CH, d), jnp.float32),
            pltpu.VMEM((_CH, d), jnp.float32),
            pltpu.SemaphoreType.DMA,
            pltpu.SemaphoreType.DMA,
        ],
    )
    def gk(table_hbm, idx_hbm, out_hbm, idx0, idx1, rows0, rows1, gsem, osem):
        wid = lax.axis_index("s") * _NC + lax.axis_index("c")
        base = wid * per_w
        wb = (lambda rv: rv) if dw == d else (
            lambda rv: rv.at[:, pl.ds(0, dw)])

        def body(t2, carry):
            for b, (iv, rv) in enumerate(((idx0, rows0), (idx1, rows1))):
                off = base + (t2 * 2 + b) * _CH

                @pl.when(t2 >= 1)
                def _(rv=rv, off=off):
                    pltpu.make_async_copy(
                        wb(rv), out_hbm.at[pl.ds(off, _CH)], osem).wait()

                pltpu.sync_copy(idx_hbm.at[pl.ds(off, _CH)], iv)
                pltpu.async_copy(table_hbm.at[iv], rv, gsem).wait()
                pltpu.async_copy(wb(rv), out_hbm.at[pl.ds(off, _CH)], osem)
            return carry

        lax.fori_loop(0, n_ch // 2, body, 0)
        pltpu.make_async_copy(wb(rows0), out_hbm.at[pl.ds(base, _CH)],
                              osem).wait()
        pltpu.make_async_copy(wb(rows1), out_hbm.at[pl.ds(base, _CH)],
                              osem).wait()

    return gk(table, idx)



_RMLP = 512
_E1 = K * N


def _ag_body(p_ref, wd_ref, wb_ref, b1_ref, a_ref, g_ref, d2_ref):
    p = p_ref[:]
    a_ref[:] = jnp.dot(p, wd_ref[:], preferred_element_type=jnp.float32) + b1_ref[:]
    g_ref[:] = jnp.dot(p, wb_ref[:], preferred_element_type=jnp.float32)
    d2_ref[:] = jnp.sum(p * p, axis=1, keepdims=True)


def _ag(pos, wd, wb, b1):
    return pl.pallas_call(
        _ag_body,
        out_shape=(
            jax.ShapeDtypeStruct((N, 64), jnp.float32),
            jax.ShapeDtypeStruct((N, 128), jnp.float32),
            jax.ShapeDtypeStruct((N, 1), jnp.float32),
        ),
    )(pos, wd, jnp.concatenate([wb, jnp.zeros((3, 64), jnp.float32)], axis=1),
      b1.reshape(1, 64))


def _bn_coefs(st_ref, gamma_ref, beta_ref, count):
    mu = st_ref[0:1, :] * (1.0 / count)
    var = st_ref[1:2, :] * (1.0 / count) - mu * mu
    scale = gamma_ref[:] / jnp.sqrt(var + 1e-5)
    shift = beta_ref[:] - mu * scale
    return scale, shift


def _p2_body(g_ref, a_ref, ga_ref, be_ref, w_ref, b_ref, h1_ref, s_ref,
             s2_ref):
    p = pl.program_id(0)
    i = pl.program_id(1)
    h0 = g_ref[:, :, 0:64] + a_ref[:][None]

    @pl.when(p == 0)
    def _():
        @pl.when(i == 0)
        def _():
            s_ref[:] = jnp.zeros_like(s_ref)

        t = jnp.sum(h0, axis=0)
        u = jnp.sum(h0 * h0, axis=0)
        s_ref[0:1, :] += jnp.sum(t, axis=0, keepdims=True)
        s_ref[1:2, :] += jnp.sum(u, axis=0, keepdims=True)

    @pl.when(p == 1)
    def _():
        @pl.when(i == 0)
        def _():
            s2_ref[:] = jnp.zeros_like(s2_ref)

        scale, shift = _bn_coefs(s_ref, ga_ref, be_ref, _E1)
        y = jnp.maximum(h0 * scale[None] + shift[None], 0.0)
        y2 = y.reshape(K * _RMLP, 64)
        h1 = jnp.dot(y2, w_ref[:], preferred_element_type=jnp.float32) + b_ref[:]
        h1_ref[:] = h1.reshape(K, _RMLP, 64)
        s2_ref[0:1, :] += jnp.sum(h1, axis=0, keepdims=True)
        s2_ref[1:2, :] += jnp.sum(h1 * h1, axis=0, keepdims=True)


def _p2(g3, a, gamma, beta, w2, b2):
    return pl.pallas_call(
        _p2_body,
        grid=(2, N // _RMLP),
        in_specs=[
            pl.BlockSpec((K, _RMLP, 128), lambda p, i: (0, i, 0)),
            pl.BlockSpec((_RMLP, 64), lambda p, i: (i, 0)),
            pl.BlockSpec((1, 64), lambda p, i: (0, 0)),
            pl.BlockSpec((1, 64), lambda p, i: (0, 0)),
            pl.BlockSpec((64, 64), lambda p, i: (0, 0)),
            pl.BlockSpec((1, 64), lambda p, i: (0, 0)),
        ],
        out_specs=(
            pl.BlockSpec((K, _RMLP, 64), lambda p, i: (0, i * p, 0)),
            pl.BlockSpec((8, 64), lambda p, i: (0, 0)),
            pl.BlockSpec((8, 64), lambda p, i: (0, 0)),
        ),
        out_shape=(
            jax.ShapeDtypeStruct((K, N, 64), jnp.float32),
            jax.ShapeDtypeStruct((8, 64), jnp.float32),
            jax.ShapeDtypeStruct((8, 64), jnp.float32),
        ),
    )(g3, a, gamma.reshape(1, 64), beta.reshape(1, 64), w2, b2.reshape(1, 64))


def _p3_body(h1_ref, st_ref, ga_ref, be_ref, w_ref, b_ref, wz_ref, bz_ref,
             wy_ref, x1_ref, z_ref, y_ref, d2_ref):
    scale, shift = _bn_coefs(st_ref, ga_ref, be_ref, _E1)
    yact = jnp.maximum(h1_ref[:] * scale[None] + shift[None], 0.0)
    y2 = yact.reshape(K * _RMLP, 64)
    h2 = jnp.dot(y2, w_ref[:], preferred_element_type=jnp.float32) + b_ref[:]
    x1 = jnp.max(h2.reshape(K, _RMLP, 64), axis=0)
    x1_ref[:] = x1
    z_ref[:] = jnp.dot(x1, wz_ref[:], preferred_element_type=jnp.float32) + bz_ref[:]
    y_ref[:] = jnp.dot(x1, wy_ref[:], preferred_element_type=jnp.float32)
    d2_ref[:] = jnp.sum(x1 * x1, axis=1, keepdims=True)


def _p3(h1, st, gamma, beta, w3, b3, wz, bz, wy):
    return pl.pallas_call(
        _p3_body,
        grid=(N // _RMLP,),
        in_specs=[
            pl.BlockSpec((K, _RMLP, 64), lambda i: (0, i, 0)),
            pl.BlockSpec((8, 64), lambda i: (0, 0)),
            pl.BlockSpec((1, 64), lambda i: (0, 0)),
            pl.BlockSpec((1, 64), lambda i: (0, 0)),
            pl.BlockSpec((64, 64), lambda i: (0, 0)),
            pl.BlockSpec((1, 64), lambda i: (0, 0)),
            pl.BlockSpec((64, 128), lambda i: (0, 0)),
            pl.BlockSpec((1, 128), lambda i: (0, 0)),
            pl.BlockSpec((64, 128), lambda i: (0, 0)),
        ],
        out_specs=(
            pl.BlockSpec((_RMLP, 64), lambda i: (i, 0)),
            pl.BlockSpec((_RMLP, 128), lambda i: (i, 0)),
            pl.BlockSpec((_RMLP, 128), lambda i: (i, 0)),
            pl.BlockSpec((_RMLP, 1), lambda i: (i, 0)),
        ),
        out_shape=(
            jax.ShapeDtypeStruct((N, 64), jnp.float32),
            jax.ShapeDtypeStruct((N, 128), jnp.float32),
            jax.ShapeDtypeStruct((N, 128), jnp.float32),
            jax.ShapeDtypeStruct((N, 1), jnp.float32),
        ),
    )(h1, st, gamma.reshape(1, 64), beta.reshape(1, 64), w3, b3.reshape(1, 64),
      wz, bz.reshape(1, 128), wy)



_NPB = N // _RMLP


def _pool_body(fb_ref, lb_ref, x1_ref, yg_ref, z_ref, bt_ref, wl_ref, bl_ref,
               wm1_ref, bm1_ref, wm2_ref, bm2_ref, wm3_ref, bm3_ref,
               o_ref, p_ref):
    i = pl.program_id(0)

    @pl.when(i == 0)
    def _():
        p_ref[:] = jnp.full_like(p_ref, -jnp.inf)

    @pl.when(i < _NPB)
    def _():
        x2 = z_ref[:] + jnp.max(yg_ref[:], axis=0)
        xc = jnp.concatenate([x1_ref[:], x2], axis=1)
        out = jnp.dot(xc, wl_ref[:], preferred_element_type=jnp.float32) + bl_ref[:]
        bt = bt_ref[:]
        ic = jnp.minimum(i, _NPB - 1)

        def seg(b, carry):
            mb = jnp.max(jnp.where(bt == b, out, -jnp.inf), axis=0,
                         keepdims=True)
            p_ref[pl.ds(b, 1), :] = jnp.maximum(p_ref[pl.ds(b, 1), :], mb)
            return carry

        lax.fori_loop(fb_ref[ic], lb_ref[ic] + 1, seg, 0)

    @pl.when(i == _NPB)
    def _():
        h = jnp.maximum(
            jnp.dot(p_ref[:], wm1_ref[:],
                    preferred_element_type=jnp.float32) + bm1_ref[:], 0.0)
        h = jnp.maximum(
            jnp.dot(h, wm2_ref[:],
                    preferred_element_type=jnp.float32) + bm2_ref[:], 0.0)
        h = jnp.dot(h, wm3_ref[:], preferred_element_type=jnp.float32) + bm3_ref[:]
        m = jnp.max(h, axis=1, keepdims=True)
        s = h - m
        o_ref[:] = s - jnp.log(jnp.sum(jnp.exp(s), axis=1, keepdims=True))


def _pool_head(x1, yg3, z, bc, fb, lb, wl, bl, wm1, bm1, wm2, bm2, wm3, bm3):
    blk = lambda i: jnp.minimum(i, _NPB - 1)
    grid_spec = pltpu.PrefetchScalarGridSpec(
        num_scalar_prefetch=2,
        grid=(_NPB + 1,),
        in_specs=[
            pl.BlockSpec((_RMLP, 64), lambda i, *_: (blk(i), 0)),
            pl.BlockSpec((K, _RMLP, 128), lambda i, *_: (0, blk(i), 0)),
            pl.BlockSpec((_RMLP, 128), lambda i, *_: (blk(i), 0)),
            pl.BlockSpec((_RMLP, 1), lambda i, *_: (blk(i), 0)),
            pl.BlockSpec((192, 1024), lambda i, *_: (0, 0)),
            pl.BlockSpec((1, 1024), lambda i, *_: (0, 0)),
            pl.BlockSpec((1024, 512), lambda i, *_: (0, 0)),
            pl.BlockSpec((1, 512), lambda i, *_: (0, 0)),
            pl.BlockSpec((512, 256), lambda i, *_: (0, 0)),
            pl.BlockSpec((1, 256), lambda i, *_: (0, 0)),
            pl.BlockSpec((256, 40), lambda i, *_: (0, 0)),
            pl.BlockSpec((1, 40), lambda i, *_: (0, 0)),
        ],
        out_specs=pl.BlockSpec((B, 40), lambda i, *_: (0, 0)),
        scratch_shapes=[pltpu.VMEM((B, 1024), jnp.float32)],
    )
    return pl.pallas_call(
        _pool_body,
        grid_spec=grid_spec,
        out_shape=jax.ShapeDtypeStruct((B, 40), jnp.float32),
    )(fb, lb, x1, yg3, z, bc, wl, bl.reshape(1, 1024), wm1,
      bm1.reshape(1, 512), wm2, bm2.reshape(1, 256), wm3, bm3.reshape(1, 40))




def kernel(pos, batch, W1, b1, g1, be1, W2, b2, g2, be2, W3, b3, Wc2, bc2,
           Wl, bl, Wm1, bm1, Wm2, bm2, Wm3, bm3):
    batch = batch.astype(jnp.int32)
    bc = batch.reshape(N, 1)
    br = batch.reshape(1, N)
    c0s, nchs = _seg_ranges(batch)

    a1, g1t, d2p = _ag(pos, W1[:3] - W1[3:], W1[3:], b1)
    idx1 = _knn(pos, d2p, bc, br, c0s, nchs)
    gat = _sc_gather(g1t, idx1.reshape(K * N), 128)
    g3 = gat.reshape(K, N, 128)
    h1, st1, st2 = _p2(g3, a1, g1, be1, W2, b2)
    x1, z, y, d2x = _p3(h1, st2, g2, be2, W3, b3,
                        Wc2[:64] - Wc2[64:], bc2, Wc2[64:])

    idx2 = _knn(x1, d2x, bc, br, c0s, nchs)
    yg = _sc_gather(y, idx2.reshape(K * N), 128)

    bp = batch.reshape(_NPB, _RMLP)
    return _pool_head(x1, yg.reshape(K, N, 128), z, bc,
                      bp[:, 0], bp[:, -1], Wl, bl,
                      Wm1, bm1, Wm2, bm2, Wm3, bm3)

# --- scband reference (transcript-rebuilt; emitter-appended) ---
"""Pipeline reference for scband-dgcnn-24129126269182 (READ-ONLY COPY).

The authoritative reference and input builder live on the scoring server;
editing this copy changes nothing except your own understanding.
"""

import jax, jax.numpy as jnp
import numpy as np

N = 8192
B = 8
K = 20
OUT_DIM = 40

def _lin_init(k, fi, fo):
    s = 1.0 / np.sqrt(fi)
    k1, k2 = jax.random.split(k)
    W = jax.random.uniform(k1, (fi, fo), jnp.float32, -s, s)
    b = jax.random.uniform(k2, (fo,), jnp.float32, -s, s)
    return W, b

def setup_inputs(seed: int = 0):
    key = jax.random.key(seed)
    ks = jax.random.split(key, 10)
    inp = {}
    inp['pos'] = jax.random.normal(ks[0], (N, 3), dtype=jnp.float32)
    inp['batch'] = jnp.sort(jax.random.randint(ks[1], (N,), 0, B))
    inp['W1'], inp['b1'] = _lin_init(ks[2], 6, 64)
    inp['g1'] = jnp.ones((64,), jnp.float32); inp['be1'] = jnp.zeros((64,), jnp.float32)
    inp['W2'], inp['b2'] = _lin_init(ks[3], 64, 64)
    inp['g2'] = jnp.ones((64,), jnp.float32); inp['be2'] = jnp.zeros((64,), jnp.float32)
    inp['W3'], inp['b3'] = _lin_init(ks[4], 64, 64)
    inp['Wc2'], inp['bc2'] = _lin_init(ks[5], 128, 128)
    inp['Wl'], inp['bl'] = _lin_init(ks[6], 192, 1024)
    inp['Wm1'], inp['bm1'] = _lin_init(ks[7], 1024, 512)
    inp['Wm2'], inp['bm2'] = _lin_init(ks[8], 512, 256)
    inp['Wm3'], inp['bm3'] = _lin_init(ks[9], 256, OUT_DIM)
    return inp

def _bn(x, g, b):
    m = jnp.mean(x, axis=0)
    v = jnp.var(x, axis=0)
    return (x - m) / jnp.sqrt(v + 1e-5) * g + b

def _knn_idx(x, batch, k):
    d2 = jnp.sum(x * x, axis=1)
    dist = d2[:, None] + d2[None, :] - 2.0 * (x @ x.T)
    dist = jnp.where(batch[:, None] != batch[None, :], jnp.inf, dist)
    _, idx = jax.lax.top_k(-dist, k)
    return idx

def _edge_conv(x, batch, k, nn_fn):
    idx = _knn_idx(x, batch, k)
    xi = jnp.broadcast_to(x[:, None, :], (x.shape[0], k, x.shape[1]))
    xj = x[idx]
    e = jnp.concatenate([xi, xj - xi], axis=-1).reshape(x.shape[0] * k, 2 * x.shape[1])
    h = nn_fn(e).reshape(x.shape[0], k, -1)
    return jnp.max(h, axis=1)

def reference(pos, batch, W1, b1, g1, be1, W2, b2, g2, be2, W3, b3, Wc2, bc2, Wl, bl, Wm1, bm1, Wm2, bm2, Wm3, bm3):
    def nn1(e):
        h = jnp.maximum(_bn(e @ W1 + b1, g1, be1), 0.0)
        h = jnp.maximum(_bn(h @ W2 + b2, g2, be2), 0.0)
        return h @ W3 + b3
    x1 = _edge_conv(pos, batch, K, nn1)
    x2 = _edge_conv(x1, batch, K, lambda e: e @ Wc2 + bc2)
    out = jnp.concatenate([x1, x2], axis=1) @ Wl + bl
    pooled = jax.ops.segment_max(out, batch, num_segments=B)
    h = jnp.maximum(pooled @ Wm1 + bm1, 0.0)
    h = jnp.maximum(h @ Wm2 + bm2, 0.0)
    h = h @ Wm3 + bm3
    return jax.nn.log_softmax(h, axis=1)

if __name__ == "__main__":
    import jax
    _d = setup_inputs()
    print(jax.jit(kernel)(*tuple(_d.values())))

</pallas_src>

<mosaic_0001>
#map = affine_map<(d0, d1) -> (0, 0)>
#map1 = affine_map<(d0, d1) -> (0)>
module attributes {stable_mosaic.version = 14 : i64} {
  func.func @gk(%arg0: i32, %arg1: i32, %arg2: memref<8192x128xf32, #tpu.memory_space<hbm>>, %arg3: memref<163840xi32, #tpu.memory_space<hbm>>, %arg4: memref<163840x128xf32, #tpu.memory_space<hbm>>, %arg5: memref<256xi32, #tpu.memory_space<vmem>>, %arg6: memref<256xi32, #tpu.memory_space<vmem>>, %arg7: memref<256x128xf32, #tpu.memory_space<vmem>>, %arg8: memref<256x128xf32, #tpu.memory_space<vmem>>, %arg9: memref<!tpu.dma_semaphore, #tpu.memory_space<semaphore_mem>>, %arg10: memref<!tpu.dma_semaphore, #tpu.memory_space<semaphore_mem>>) attributes {dimension_semantics = [#tpu.dimension_semantics<core_parallel>, #tpu.dimension_semantics<subcore_parallel>], iteration_bounds = array<i64: 2, 16>, scalar_prefetch = 0 : i64, scratch_operands = 6 : i64, tpu.core_type = #tpu.core_type<sc_vector_subcore>, window_params = [{transform_indices = #map}, {transform_indices = #map1}, {transform_indices = #map}]} {
    %mul3A = arith.constant 2 : i32
    %mul3A_0 = arith.muli %arg1, %mul3A : i32
    %add3A = arith.addi %mul3A_0, %arg0 : i32
    %mul3A_1 = arith.constant 5120 : i32
    %mul3A_2 = arith.muli %add3A, %mul3A_1 : i32
    %scan3A = arith.constant 0 : i32
    %scan3A_3 = arith.constant 0 : i32
    %scan3A_4 = arith.constant 10 : i32
    %scan3A_5 = arith.addi %scan3A_3, %scan3A_4 : i32
    %scan3A_6 = arith.constant 1 : i32
    scf.for %scan3A_15 = %scan3A_3 to %scan3A_5 step %scan3A_6  : i32 {
      %mul3A_16 = arith.constant 2 : i32
      %mul3A_17 = arith.muli %scan3A_15, %mul3A_16 : i32
      %add3A_18 = arith.constant 0 : i32
      %add3A_19 = arith.addi %mul3A_17, %add3A_18 : i32
      %mul3A_20 = arith.constant 256 : i32
      %mul3A_21 = arith.muli %add3A_19, %mul3A_20 : i32
      %add3A_22 = arith.addi %mul3A_2, %mul3A_21 : i32
      %ge3A = arith.constant 1 : i32
      %ge3A_23 = arith.cmpi sge, %scan3A_15, %ge3A : i32
      %convert_element_type3A = arith.extui %ge3A_23 : i1 to i32
      %cond3A = arith.constant 0 : i32
      %cond3A_24 = arith.cmpi ne, %convert_element_type3A, %cond3A : i32
      scf.if %cond3A_24 {
        %dma_wait3A_56 = arith.constant 0 : i32
        %dma_wait3A_57 = tpu.memref_slice %arg4[%add3A_22, %dma_wait3A_56] : memref<163840x128xf32, #tpu.memory_space<hbm>> -> memref<256x128xf32, #tpu.memory_space<hbm>>
        %dma_wait3A_58 = arith.constant 0 : i32
        %dma_wait3A_59 = tpu.memref_slice %arg4[%add3A_22, %dma_wait3A_58] : memref<163840x128xf32, #tpu.memory_space<hbm>> -> memref<256x128xf32, #tpu.memory_space<hbm>>
        tpu.wait_dma2 semaphore(%arg10 : memref<!tpu.dma_semaphore, #tpu.memory_space<semaphore_mem>>) src(%arg7 : memref<256x128xf32, #tpu.memory_space<vmem>>) dst(%dma_wait3A_59 : memref<256x128xf32, #tpu.memory_space<hbm>>)
      } else {
      }
      "tpu.region"() ({
        %run_scoped3A = tpu.sem_alloc : memref<!tpu.dma_semaphore, #tpu.memory_space<semaphore_mem>>
        %dma_start3A_56 = tpu.memref_slice %arg3[%add3A_22] : memref<163840xi32, #tpu.memory_space<hbm>> -> memref<256xi32, #tpu.memory_space<hbm>>
        %dma_start3A_57 = tpu.memref_slice %arg3[%add3A_22] : memref<163840xi32, #tpu.memory_space<hbm>> -> memref<256xi32, #tpu.memory_space<hbm>>
        tpu.enqueue_dma source(%dma_start3A_57 : memref<256xi32, #tpu.memory_space<hbm>>) target(%arg5 : memref<256xi32, #tpu.memory_space<vmem>>) target_semaphore(%run_scoped3A : memref<!tpu.dma_semaphore, #tpu.memory_space<semaphore_mem>>)
        %dma_wait3A_58 = tpu.memref_slice %arg3[%add3A_22] : memref<163840xi32, #tpu.memory_space<hbm>> -> memref<256xi32, #tpu.memory_space<hbm>>
        %dma_wait3A_59 = tpu.memref_slice %arg3[%add3A_22] : memref<163840xi32, #tpu.memory_space<hbm>> -> memref<256xi32, #tpu.memory_space<hbm>>
        tpu.wait_dma2 semaphore(%run_scoped3A : memref<!tpu.dma_semaphore, #tpu.memory_space<semaphore_mem>>) src(%dma_wait3A_59 : memref<256xi32, #tpu.memory_space<hbm>>) dst(%arg5 : memref<256xi32, #tpu.memory_space<vmem>>)
        tpu.yield
      }) : () -> ()
      %dma_start3A = arith.constant 0 : i32
      %dma_start3A_25 = arith.constant 0 : i32
      %dma_start3A_26 = tpu.memref_slice %arg2[%dma_start3A, %dma_start3A_25] : memref<8192x128xf32, #tpu.memory_space<hbm>> -> memref<8192x128xf32, #tpu.memory_space<hbm>>
      tpu.enqueue_indirect_dma source(%dma_start3A_26 : memref<8192x128xf32, #tpu.memory_space<hbm>>) target(%arg7 : memref<256x128xf32, #tpu.memory_space<vmem>>) offsets(%arg5 : memref<256xi32, #tpu.memory_space<vmem>>) semaphore(%arg9 : memref<!tpu.dma_semaphore, #tpu.memory_space<semaphore_mem>>)
      %dma_wait3A_27 = arith.constant 0 : i32
      %dma_wait3A_28 = arith.constant 0 : i32
      %dma_wait3A_29 = tpu.memref_slice %arg2[%dma_wait3A_27, %dma_wait3A_28] : memref<8192x128xf32, #tpu.memory_space<hbm>> -> memref<8192x128xf32, #tpu.memory_space<hbm>>
      tpu.wait_indirect_dma semaphore(%arg9 : memref<!tpu.dma_semaphore, #tpu.memory_space<semaphore_mem>>) src(%dma_wait3A_29 : memref<8192x128xf32, #tpu.memory_space<hbm>>) dst(%arg7 : memref<256x128xf32, #tpu.memory_space<vmem>>)
      %dma_start3A_30 = arith.constant 0 : i32
      %dma_start3A_31 = tpu.memref_slice %arg4[%add3A_22, %dma_start3A_30] : memref<163840x128xf32, #tpu.memory_space<hbm>> -> memref<256x128xf32, #tpu.memory_space<hbm>>
      %dma_start3A_32 = arith.constant 0 : i32
      %dma_start3A_33 = tpu.memref_slice %arg4[%add3A_22, %dma_start3A_32] : memref<163840x128xf32, #tpu.memory_space<hbm>> -> memref<256x128xf32, #tpu.memory_space<hbm>>
      tpu.enqueue_dma source(%arg7 : memref<256x128xf32, #tpu.memory_space<vmem>>) target(%dma_start3A_33 : memref<256x128xf32, #tpu.memory_space<hbm>>) target_semaphore(%arg10 : memref<!tpu.dma_semaphore, #tpu.memory_space<semaphore_mem>>)
      %mul3A_34 = arith.constant 2 : i32
      %mul3A_35 = arith.muli %scan3A_15, %mul3A_34 : i32
      %add3A_36 = arith.constant 1 : i32
      %add3A_37 = arith.addi %mul3A_35, %add3A_36 : i32
      %mul3A_38 = arith.constant 256 : i32
      %mul3A_39 = arith.muli %add3A_37, %mul3A_38 : i32
      %add3A_40 = arith.addi %mul3A_2, %mul3A_39 : i32
      %ge3A_41 = arith.constant 1 : i32
      %ge3A_42 = arith.cmpi sge, %scan3A_15, %ge3A_41 : i32
      %convert_element_type3A_43 = arith.extui %ge3A_42 : i1 to i32
      %cond3A_44 = arith.constant 0 : i32
      %cond3A_45 = arith.cmpi ne, %convert_element_type3A_43, %cond3A_44 : i32
      scf.if %cond3A_45 {
        %dma_wait3A_56 = arith.constant 0 : i32
        %dma_wait3A_57 = tpu.memref_slice %arg4[%add3A_40, %dma_wait3A_56] : memref<163840x128xf32, #tpu.memory_space<hbm>> -> memref<256x128xf32, #tpu.memory_space<hbm>>
        %dma_wait3A_58 = arith.constant 0 : i32
        %dma_wait3A_59 = tpu.memref_slice %arg4[%add3A_40, %dma_wait3A_58] : memref<163840x128xf32, #tpu.memory_space<hbm>> -> memref<256x128xf32, #tpu.memory_space<hbm>>
        tpu.wait_dma2 semaphore(%arg10 : memref<!tpu.dma_semaphore, #tpu.memory_space<semaphore_mem>>) src(%arg8 : memref<256x128xf32, #tpu.memory_space<vmem>>) dst(%dma_wait3A_59 : memref<256x128xf32, #tpu.memory_space<hbm>>)
      } else {
      }
      "tpu.region"() ({
        %run_scoped3A = tpu.sem_alloc : memref<!tpu.dma_semaphore, #tpu.memory_space<semaphore_mem>>
        %dma_start3A_56 = tpu.memref_slice %arg3[%add3A_40] : memref<163840xi32, #tpu.memory_space<hbm>> -> memref<256xi32, #tpu.memory_space<hbm>>
        %dma_start3A_57 = tpu.memref_slice %arg3[%add3A_40] : memref<163840xi32, #tpu.memory_space<hbm>> -> memref<256xi32, #tpu.memory_space<hbm>>
        tpu.enqueue_dma source(%dma_start3A_57 : memref<256xi32, #tpu.memory_space<hbm>>) target(%arg6 : memref<256xi32, #tpu.memory_space<vmem>>) target_semaphore(%run_scoped3A : memref<!tpu.dma_semaphore, #tpu.memory_space<semaphore_mem>>)
        %dma_wait3A_58 = tpu.memref_slice %arg3[%add3A_40] : memref<163840xi32, #tpu.memory_space<hbm>> -> memref<256xi32, #tpu.memory_space<hbm>>
        %dma_wait3A_59 = tpu.memref_slice %arg3[%add3A_40] : memref<163840xi32, #tpu.memory_space<hbm>> -> memref<256xi32, #tpu.memory_space<hbm>>
        tpu.wait_dma2 semaphore(%run_scoped3A : memref<!tpu.dma_semaphore, #tpu.memory_space<semaphore_mem>>) src(%dma_wait3A_59 : memref<256xi32, #tpu.memory_space<hbm>>) dst(%arg6 : memref<256xi32, #tpu.memory_space<vmem>>)
        tpu.yield
      }) : () -> ()
      %dma_start3A_46 = arith.constant 0 : i32
      %dma_start3A_47 = arith.constant 0 : i32
      %dma_start3A_48 = tpu.memref_slice %arg2[%dma_start3A_46, %dma_start3A_47] : memref<8192x128xf32, #tpu.memory_space<hbm>> -> memref<8192x128xf32, #tpu.memory_space<hbm>>
      tpu.enqueue_indirect_dma source(%dma_start3A_48 : memref<8192x128xf32, #tpu.memory_space<hbm>>) target(%arg8 : memref<256x128xf32, #tpu.memory_space<vmem>>) offsets(%arg6 : memref<256xi32, #tpu.memory_space<vmem>>) semaphore(%arg9 : memref<!tpu.dma_semaphore, #tpu.memory_space<semaphore_mem>>)
      %dma_wait3A_49 = arith.constant 0 : i32
      %dma_wait3A_50 = arith.constant 0 : i32
      %dma_wait3A_51 = tpu.memref_slice %arg2[%dma_wait3A_49, %dma_wait3A_50] : memref<8192x128xf32, #tpu.memory_space<hbm>> -> memref<8192x128xf32, #tpu.memory_space<hbm>>
      tpu.wait_indirect_dma semaphore(%arg9 : memref<!tpu.dma_semaphore, #tpu.memory_space<semaphore_mem>>) src(%dma_wait3A_51 : memref<8192x128xf32, #tpu.memory_space<hbm>>) dst(%arg8 : memref<256x128xf32, #tpu.memory_space<vmem>>)
      %dma_start3A_52 = arith.constant 0 : i32
      %dma_start3A_53 = tpu.memref_slice %arg4[%add3A_40, %dma_start3A_52] : memref<163840x128xf32, #tpu.memory_space<hbm>> -> memref<256x128xf32, #tpu.memory_space<hbm>>
      %dma_start3A_54 = arith.constant 0 : i32
      %dma_start3A_55 = tpu.memref_slice %arg4[%add3A_40, %dma_start3A_54] : memref<163840x128xf32, #tpu.memory_space<hbm>> -> memref<256x128xf32, #tpu.memory_space<hbm>>
      tpu.enqueue_dma source(%arg8 : memref<256x128xf32, #tpu.memory_space<vmem>>) target(%dma_start3A_55 : memref<256x128xf32, #tpu.memory_space<hbm>>) target_semaphore(%arg10 : memref<!tpu.dma_semaphore, #tpu.memory_space<semaphore_mem>>)
    }
    %scan3A_7 = arith.constant 10 : i32
    %dma_wait3A = arith.constant 0 : i32
    %dma_wait3A_8 = tpu.memref_slice %arg4[%mul3A_2, %dma_wait3A] : memref<163840x128xf32, #tpu.memory_space<hbm>> -> memref<256x128xf32, #tpu.memory_space<hbm>>
    %dma_wait3A_9 = arith.constant 0 : i32
    %dma_wait3A_10 = tpu.memref_slice %arg4[%mul3A_2, %dma_wait3A_9] : memref<163840x128xf32, #tpu.memory_space<hbm>> -> memref<256x128xf32, #tpu.memory_space<hbm>>
    tpu.wait_dma2 semaphore(%arg10 : memref<!tpu.dma_semaphore, #tpu.memory_space<semaphore_mem>>) src(%arg7 : memref<256x128xf32, #tpu.memory_space<vmem>>) dst(%dma_wait3A_10 : memref<256x128xf32, #tpu.memory_space<hbm>>)
    %dma_wait3A_11 = arith.constant 0 : i32
    %dma_wait3A_12 = tpu.memref_slice %arg4[%mul3A_2, %dma_wait3A_11] : memref<163840x128xf32, #tpu.memory_space<hbm>> -> memref<256x128xf32, #tpu.memory_space<hbm>>
    %dma_wait3A_13 = arith.constant 0 : i32
    %dma_wait3A_14 = tpu.memref_slice %arg4[%mul3A_2, %dma_wait3A_13] : memref<163840x128xf32, #tpu.memory_space<hbm>> -> memref<256x128xf32, #tpu.memory_space<hbm>>
    tpu.wait_dma2 semaphore(%arg10 : memref<!tpu.dma_semaphore, #tpu.memory_space<semaphore_mem>>) src(%arg8 : memref<256x128xf32, #tpu.memory_space<vmem>>) dst(%dma_wait3A_14 : memref<256x128xf32, #tpu.memory_space<hbm>>)
    return
  }
}

#map = affine_map<(d0, d1) -> (0, 0)>
#map1 = affine_map<(d0, d1) -> (0)>
module attributes {stable_mosaic.version = 14 : i64} {
  func.func @gk(%arg0: i32, %arg1: i32, %arg2: memref<8192x128xf32, #tpu.memory_space<hbm>>, %arg3: memref<163840xi32, #tpu.memory_space<hbm>>, %arg4: memref<163840x128xf32, #tpu.memory_space<hbm>>, %arg5: memref<256xi32, #tpu.memory_space<vmem>>, %arg6: memref<256xi32, #tpu.memory_space<vmem>>, %arg7: memref<256x128xf32, #tpu.memory_space<vmem>>, %arg8: memref<256x128xf32, #tpu.memory_space<vmem>>, %arg9: memref<!tpu.dma_semaphore, #tpu.memory_space<semaphore_mem>>, %arg10: memref<!tpu.dma_semaphore, #tpu.memory_space<semaphore_mem>>) attributes {dimension_semantics = [#tpu.dimension_semantics<core_parallel>, #tpu.dimension_semantics<subcore_parallel>], iteration_bounds = array<i64: 2, 16>, scalar_prefetch = 0 : i64, scratch_operands = 6 : i64, tpu.core_type = #tpu.core_type<sc_vector_subcore>, window_params = [{transform_indices = #map}, {transform_indices = #map1}, {transform_indices = #map}]} {
    %mul3A = arith.constant 2 : i32
    %mul3A_0 = arith.muli %arg1, %mul3A : i32
    %add3A = arith.addi %mul3A_0, %arg0 : i32
    %mul3A_1 = arith.constant 5120 : i32
    %mul3A_2 = arith.muli %add3A, %mul3A_1 : i32
    %scan3A = arith.constant 0 : i32
    %scan3A_3 = arith.constant 0 : i32
    %scan3A_4 = arith.constant 10 : i32
    %scan3A_5 = arith.addi %scan3A_3, %scan3A_4 : i32
    %scan3A_6 = arith.constant 1 : i32
    scf.for %scan3A_15 = %scan3A_3 to %scan3A_5 step %scan3A_6  : i32 {
      %mul3A_16 = arith.constant 2 : i32
      %mul3A_17 = arith.muli %scan3A_15, %mul3A_16 : i32
      %add3A_18 = arith.constant 0 : i32
      %add3A_19 = arith.addi %mul3A_17, %add3A_18 : i32
      %mul3A_20 = arith.constant 256 : i32
      %mul3A_21 = arith.muli %add3A_19, %mul3A_20 : i32
      %add3A_22 = arith.addi %mul3A_2, %mul3A_21 : i32
      %ge3A = arith.constant 1 : i32
      %ge3A_23 = arith.cmpi sge, %scan3A_15, %ge3A : i32
      %convert_element_type3A = arith.extui %ge3A_23 : i1 to i32
      %cond3A = arith.constant 0 : i32
      %cond3A_24 = arith.cmpi ne, %convert_element_type3A, %cond3A : i32
      scf.if %cond3A_24 {
        %dma_wait3A_56 = arith.constant 0 : i32
        %dma_wait3A_57 = tpu.memref_slice %arg4[%add3A_22, %dma_wait3A_56] : memref<163840x128xf32, #tpu.memory_space<hbm>> -> memref<256x128xf32, #tpu.memory_space<hbm>>
        %dma_wait3A_58 = arith.constant 0 : i32
        %dma_wait3A_59 = tpu.memref_slice %arg4[%add3A_22, %dma_wait3A_58] : memref<163840x128xf32, #tpu.memory_space<hbm>> -> memref<256x128xf32, #tpu.memory_space<hbm>>
        tpu.wait_dma2 semaphore(%arg10 : memref<!tpu.dma_semaphore, #tpu.memory_space<semaphore_mem>>) src(%arg7 : memref<256x128xf32, #tpu.memory_space<vmem>>) dst(%dma_wait3A_59 : memref<256x128xf32, #tpu.memory_space<hbm>>)
      } else {
      }
      "tpu.region"() ({
        %run_scoped3A = tpu.sem_alloc : memref<!tpu.dma_semaphore, #tpu.memory_space<semaphore_mem>>
        %dma_start3A_56 = tpu.memref_slice %arg3[%add3A_22] : memref<163840xi32, #tpu.memory_space<hbm>> -> memref<256xi32, #tpu.memory_space<hbm>>
        %dma_start3A_57 = tpu.memref_slice %arg3[%add3A_22] : memref<163840xi32, #tpu.memory_space<hbm>> -> memref<256xi32, #tpu.memory_space<hbm>>
        tpu.enqueue_dma source(%dma_start3A_57 : memref<256xi32, #tpu.memory_space<hbm>>) target(%arg5 : memref<256xi32, #tpu.memory_space<vmem>>) target_semaphore(%run_scoped3A : memref<!tpu.dma_semaphore, #tpu.memory_space<semaphore_mem>>)
        %dma_wait3A_58 = tpu.memref_slice %arg3[%add3A_22] : memref<163840xi32, #tpu.memory_space<hbm>> -> memref<256xi32, #tpu.memory_space<hbm>>
        %dma_wait3A_59 = tpu.memref_slice %arg3[%add3A_22] : memref<163840xi32, #tpu.memory_space<hbm>> -> memref<256xi32, #tpu.memory_space<hbm>>
        tpu.wait_dma2 semaphore(%run_scoped3A : memref<!tpu.dma_semaphore, #tpu.memory_space<semaphore_mem>>) src(%dma_wait3A_59 : memref<256xi32, #tpu.memory_space<hbm>>) dst(%arg5 : memref<256xi32, #tpu.memory_space<vmem>>)
        tpu.yield
      }) : () -> ()
      %dma_start3A = arith.constant 0 : i32
      %dma_start3A_25 = arith.constant 0 : i32
      %dma_start3A_26 = tpu.memref_slice %arg2[%dma_start3A, %dma_start3A_25] : memref<8192x128xf32, #tpu.memory_space<hbm>> -> memref<8192x128xf32, #tpu.memory_space<hbm>>
      tpu.enqueue_indirect_dma source(%dma_start3A_26 : memref<8192x128xf32, #tpu.memory_space<hbm>>) target(%arg7 : memref<256x128xf32, #tpu.memory_space<vmem>>) offsets(%arg5 : memref<256xi32, #tpu.memory_space<vmem>>) semaphore(%arg9 : memref<!tpu.dma_semaphore, #tpu.memory_space<semaphore_mem>>)
      %dma_wait3A_27 = arith.constant 0 : i32
      %dma_wait3A_28 = arith.constant 0 : i32
      %dma_wait3A_29 = tpu.memref_slice %arg2[%dma_wait3A_27, %dma_wait3A_28] : memref<8192x128xf32, #tpu.memory_space<hbm>> -> memref<8192x128xf32, #tpu.memory_space<hbm>>
      tpu.wait_indirect_dma semaphore(%arg9 : memref<!tpu.dma_semaphore, #tpu.memory_space<semaphore_mem>>) src(%dma_wait3A_29 : memref<8192x128xf32, #tpu.memory_space<hbm>>) dst(%arg7 : memref<256x128xf32, #tpu.memory_space<vmem>>)
      %dma_start3A_30 = arith.constant 0 : i32
      %dma_start3A_31 = tpu.memref_slice %arg4[%add3A_22, %dma_start3A_30] : memref<163840x128xf32, #tpu.memory_space<hbm>> -> memref<256x128xf32, #tpu.memory_space<hbm>>
      %dma_start3A_32 = arith.constant 0 : i32
      %dma_start3A_33 = tpu.memref_slice %arg4[%add3A_22, %dma_start3A_32] : memref<163840x128xf32, #tpu.memory_space<hbm>> -> memref<256x128xf32, #tpu.memory_space<hbm>>
      tpu.enqueue_dma source(%arg7 : memref<256x128xf32, #tpu.memory_space<vmem>>) target(%dma_start3A_33 : memref<256x128xf32, #tpu.memory_space<hbm>>) target_semaphore(%arg10 : memref<!tpu.dma_semaphore, #tpu.memory_space<semaphore_mem>>)
      %mul3A_34 = arith.constant 2 : i32
      %mul3A_35 = arith.muli %scan3A_15, %mul3A_34 : i32
      %add3A_36 = arith.constant 1 : i32
      %add3A_37 = arith.addi %mul3A_35, %add3A_36 : i32
      %mul3A_38 = arith.constant 256 : i32
      %mul3A_39 = arith.muli %add3A_37, %mul3A_38 : i32
      %add3A_40 = arith.addi %mul3A_2, %mul3A_39 : i32
      %ge3A_41 = arith.constant 1 : i32
      %ge3A_42 = arith.cmpi sge, %scan3A_15, %ge3A_41 : i32
      %convert_element_type3A_43 = arith.extui %ge3A_42 : i1 to i32
      %cond3A_44 = arith.constant 0 : i32
      %cond3A_45 = arith.cmpi ne, %convert_element_type3A_43, %cond3A_44 : i32
      scf.if %cond3A_45 {
        %dma_wait3A_56 = arith.constant 0 : i32
        %dma_wait3A_57 = tpu.memref_slice %arg4[%add3A_40, %dma_wait3A_56] : memref<163840x128xf32, #tpu.memory_space<hbm>> -> memref<256x128xf32, #tpu.memory_space<hbm>>
        %dma_wait3A_58 = arith.constant 0 : i32
        %dma_wait3A_59 = tpu.memref_slice %arg4[%add3A_40, %dma_wait3A_58] : memref<163840x128xf32, #tpu.memory_space<hbm>> -> memref<256x128xf32, #tpu.memory_space<hbm>>
        tpu.wait_dma2 semaphore(%arg10 : memref<!tpu.dma_semaphore, #tpu.memory_space<semaphore_mem>>) src(%arg8 : memref<256x128xf32, #tpu.memory_space<vmem>>) dst(%dma_wait3A_59 : memref<256x128xf32, #tpu.memory_space<hbm>>)
      } else {
      }
      "tpu.region"() ({
        %run_scoped3A = tpu.sem_alloc : memref<!tpu.dma_semaphore, #tpu.memory_space<semaphore_mem>>
        %dma_start3A_56 = tpu.memref_slice %arg3[%add3A_40] : memref<163840xi32, #tpu.memory_space<hbm>> -> memref<256xi32, #tpu.memory_space<hbm>>
        %dma_start3A_57 = tpu.memref_slice %arg3[%add3A_40] : memref<163840xi32, #tpu.memory_space<hbm>> -> memref<256xi32, #tpu.memory_space<hbm>>
        tpu.enqueue_dma source(%dma_start3A_57 : memref<256xi32, #tpu.memory_space<hbm>>) target(%arg6 : memref<256xi32, #tpu.memory_space<vmem>>) target_semaphore(%run_scoped3A : memref<!tpu.dma_semaphore, #tpu.memory_space<semaphore_mem>>)
        %dma_wait3A_58 = tpu.memref_slice %arg3[%add3A_40] : memref<163840xi32, #tpu.memory_space<hbm>> -> memref<256xi32, #tpu.memory_space<hbm>>
        %dma_wait3A_59 = tpu.memref_slice %arg3[%add3A_40] : memref<163840xi32, #tpu.memory_space<hbm>> -> memref<256xi32, #tpu.memory_space<hbm>>
        tpu.wait_dma2 semaphore(%run_scoped3A : memref<!tpu.dma_semaphore, #tpu.memory_space<semaphore_mem>>) src(%dma_wait3A_59 : memref<256xi32, #tpu.memory_space<hbm>>) dst(%arg6 : memref<256xi32, #tpu.memory_space<vmem>>)
        tpu.yield
      }) : () -> ()
      %dma_start3A_46 = arith.constant 0 : i32
      %dma_start3A_47 = arith.constant 0 : i32
      %dma_start3A_48 = tpu.memref_slice %arg2[%dma_start3A_46, %dma_start3A_47] : memref<8192x128xf32, #tpu.memory_space<hbm>> -> memref<8192x128xf32, #tpu.memory_space<hbm>>
      tpu.enqueue_indirect_dma source(%dma_start3A_48 : memref<8192x128xf32, #tpu.memory_space<hbm>>) target(%arg8 : memref<256x128xf32, #tpu.memory_space<vmem>>) offsets(%arg6 : memref<256xi32, #tpu.memory_space<vmem>>) semaphore(%arg9 : memref<!tpu.dma_semaphore, #tpu.memory_space<semaphore_mem>>)
      %dma_wait3A_49 = arith.constant 0 : i32
      %dma_wait3A_50 = arith.constant 0 : i32
      %dma_wait3A_51 = tpu.memref_slice %arg2[%dma_wait3A_49, %dma_wait3A_50] : memref<8192x128xf32, #tpu.memory_space<hbm>> -> memref<8192x128xf32, #tpu.memory_space<hbm>>
      tpu.wait_indirect_dma semaphore(%arg9 : memref<!tpu.dma_semaphore, #tpu.memory_space<semaphore_mem>>) src(%dma_wait3A_51 : memref<8192x128xf32, #tpu.memory_space<hbm>>) dst(%arg8 : memref<256x128xf32, #tpu.memory_space<vmem>>)
      %dma_start3A_52 = arith.constant 0 : i32
      %dma_start3A_53 = tpu.memref_slice %arg4[%add3A_40, %dma_start3A_52] : memref<163840x128xf32, #tpu.memory_space<hbm>> -> memref<256x128xf32, #tpu.memory_space<hbm>>
      %dma_start3A_54 = arith.constant 0 : i32
      %dma_start3A_55 = tpu.memref_slice %arg4[%add3A_40, %dma_start3A_54] : memref<163840x128xf32, #tpu.memory_space<hbm>> -> memref<256x128xf32, #tpu.memory_space<hbm>>
      tpu.enqueue_dma source(%arg8 : memref<256x128xf32, #tpu.memory_space<vmem>>) target(%dma_start3A_55 : memref<256x128xf32, #tpu.memory_space<hbm>>) target_semaphore(%arg10 : memref<!tpu.dma_semaphore, #tpu.memory_space<semaphore_mem>>)
    }
    %scan3A_7 = arith.constant 10 : i32
    %dma_wait3A = arith.constant 0 : i32
    %dma_wait3A_8 = tpu.memref_slice %arg4[%mul3A_2, %dma_wait3A] : memref<163840x128xf32, #tpu.memory_space<hbm>> -> memref<256x128xf32, #tpu.memory_space<hbm>>
    %dma_wait3A_9 = arith.constant 0 : i32
    %dma_wait3A_10 = tpu.memref_slice %arg4[%mul3A_2, %dma_wait3A_9] : memref<163840x128xf32, #tpu.memory_space<hbm>> -> memref<256x128xf32, #tpu.memory_space<hbm>>
    tpu.wait_dma2 semaphore(%arg10 : memref<!tpu.dma_semaphore, #tpu.memory_space<semaphore_mem>>) src(%arg7 : memref<256x128xf32, #tpu.memory_space<vmem>>) dst(%dma_wait3A_10 : memref<256x128xf32, #tpu.memory_space<hbm>>)
    %dma_wait3A_11 = arith.constant 0 : i32
    %dma_wait3A_12 = tpu.memref_slice %arg4[%mul3A_2, %dma_wait3A_11] : memref<163840x128xf32, #tpu.memory_space<hbm>> -> memref<256x128xf32, #tpu.memory_space<hbm>>
    %dma_wait3A_13 = arith.constant 0 : i32
    %dma_wait3A_14 = tpu.memref_slice %arg4[%mul3A_2, %dma_wait3A_13] : memref<163840x128xf32, #tpu.memory_space<hbm>> -> memref<256x128xf32, #tpu.memory_space<hbm>>
    tpu.wait_dma2 semaphore(%arg10 : memref<!tpu.dma_semaphore, #tpu.memory_space<semaphore_mem>>) src(%arg8 : memref<256x128xf32, #tpu.memory_space<vmem>>) dst(%dma_wait3A_14 : memref<256x128xf32, #tpu.memory_space<hbm>>)
    return
  }
}

module attributes {stable_mosaic.version = 14 : i64} {
  func.func @_ag_body(%arg0: memref<8192x3xf32, #tpu.memory_space<vmem>>, %arg1: memref<3x64xf32, #tpu.memory_space<vmem>>, %arg2: memref<3x128xf32, #tpu.memory_space<vmem>>, %arg3: memref<1x64xf32, #tpu.memory_space<vmem>>, %arg4: memref<8192x64xf32, #tpu.memory_space<vmem>>, %arg5: memref<8192x128xf32, #tpu.memory_space<vmem>>, %arg6: memref<8192x1xf32, #tpu.memory_space<vmem>>) attributes {dimension_semantics = [], scalar_prefetch = 0 : i64, scratch_operands = 0 : i64, tpu.core_type = #tpu.core_type<tc>} {
    %get3A = arith.constant 0 : index
    %get3A_0 = arith.constant 0 : index
    %get3A_1 = vector.load %arg0[%get3A, %get3A_0] : memref<8192x3xf32, #tpu.memory_space<vmem>>, vector<8192x3xf32>
    %get3A_2 = arith.constant 0 : index
    %get3A_3 = arith.constant 0 : index
    %get3A_4 = vector.load %arg1[%get3A_2, %get3A_3] : memref<3x64xf32, #tpu.memory_space<vmem>>, vector<3x64xf32>
    %dot_general3A = arith.constant dense<0.000000e+00> : vector<8192x64xf32>
    %dot_general3A_5 = tpu.matmul %get3A_1, %get3A_4, %dot_general3A {dimension_numbers = #tpu.dot_dimension_numbers<[1], [0], [0], [1], [0, 0, 1, 1], [], []>, transpose_lhs_hint = false} : vector<8192x3xf32>, vector<3x64xf32>, vector<8192x64xf32> -> vector<8192x64xf32>
    %get3A_6 = arith.constant 0 : index
    %get3A_7 = arith.constant 0 : index
    %get3A_8 = vector.load %arg3[%get3A_6, %get3A_7] : memref<1x64xf32, #tpu.memory_space<vmem>>, vector<1x64xf32>
    %add3A = vector.broadcast %get3A_8 : vector<1x64xf32> to vector<8192x64xf32>
    %add3A_9 = arith.addf %dot_general3A_5, %add3A : vector<8192x64xf32>
    %swap3A = arith.constant 0 : index
    %swap3A_10 = arith.constant 0 : index
    %swap3A_11 = vector.load %arg4[%swap3A, %swap3A_10] : memref<8192x64xf32, #tpu.memory_space<vmem>>, vector<8192x64xf32>
    tpu.vector_store %arg4[%swap3A, %swap3A_10], %add3A_9 {strides = array<i32>} : memref<8192x64xf32, #tpu.memory_space<vmem>>, vector<8192x64xf32>,
    %get3A_12 = arith.constant 0 : index
    %get3A_13 = arith.constant 0 : index
    %get3A_14 = vector.load %arg2[%get3A_12, %get3A_13] : memref<3x128xf32, #tpu.memory_space<vmem>>, vector<3x128xf32>
    %dot_general3A_15 = arith.constant dense<0.000000e+00> : vector<8192x128xf32>
    %dot_general3A_16 = tpu.matmul %get3A_1, %get3A_14, %dot_general3A_15 {dimension_numbers = #tpu.dot_dimension_numbers<[1], [0], [0], [1], [0, 0, 1, 1], [], []>, transpose_lhs_hint = false} : vector<8192x3xf32>, vector<3x128xf32>, vector<8192x128xf32> -> vector<8192x128xf32>
    %swap3A_17 = arith.constant 0 : index
    %swap3A_18 = arith.constant 0 : index
    %swap3A_19 = vector.load %arg5[%swap3A_17, %swap3A_18] : memref<8192x128xf32, #tpu.memory_space<vmem>>, vector<8192x128xf32>
    tpu.vector_store %arg5[%swap3A_17, %swap3A_18], %dot_general3A_16 {strides = array<i32>} : memref<8192x128xf32, #tpu.memory_space<vmem>>, vector<8192x128xf32>,
    %mul3A = arith.mulf %get3A_1, %get3A_1 : vector<8192x3xf32>
    %reduce_sum3A = arith.constant dense<0.000000e+00> : vector<8192xf32>
    %reduce_sum3A_20 = vector.multi_reduction <add>, %mul3A, %reduce_sum3A [1] : vector<8192x3xf32> to vector<8192xf32>
    %broadcast_in_dim3A = vector.shape_cast %reduce_sum3A_20 : vector<8192xf32> to vector<8192x1xf32>
    %swap3A_21 = arith.constant 0 : index
    %swap3A_22 = arith.constant 0 : index
    %swap3A_23 = vector.load %arg6[%swap3A_21, %swap3A_22] : memref<8192x1xf32, #tpu.memory_space<vmem>>, vector<8192x1xf32>
    tpu.vector_store %arg6[%swap3A_21, %swap3A_22], %broadcast_in_dim3A {strides = array<i32>} : memref<8192x1xf32, #tpu.memory_space<vmem>>, vector<8192x1xf32>,
    return
  }
}

module attributes {stable_mosaic.version = 14 : i64} {
  func.func @_knn_body(%arg0: i32, %arg1: memref<32xi32, #tpu.memory_space<smem>>, %arg2: memref<32xi32, #tpu.memory_space<smem>>, %arg3: memref<8192x3xf32, #tpu.memory_space<vmem>>, %arg4: memref<256x3xf32, #tpu.memory_space<vmem>>, %arg5: memref<8192x1xf32, #tpu.memory_space<vmem>>, %arg6: memref<8192x1xi32, #tpu.memory_space<vmem>>, %arg7: memref<1x256xi32, #tpu.memory_space<vmem>>, %arg8: memref<20x256xi32, #tpu.memory_space<vmem>>, %arg9: memref<8192x256xf32, #tpu.memory_space<vmem>>) attributes {dimension_semantics = [#tpu.dimension_semantics<arbitrary>], iteration_bounds = array<i64: 32>, scalar_prefetch = 2 : i64, scratch_operands = 1 : i64, tpu.core_type = #tpu.core_type<tc>, window_params = [{pipeline_mode = #tpu.pipeline_mode<synchronous>, transform_indices = @transform_0, window_bounds = array<i64: 8192, 3>}, {transform_indices = @transform_1, window_bounds = array<i64: 256, 3>}, {pipeline_mode = #tpu.pipeline_mode<synchronous>, transform_indices = @transform_2, window_bounds = array<i64: 8192, 1>}, {pipeline_mode = #tpu.pipeline_mode<synchronous>, transform_indices = @transform_3, window_bounds = array<i64: 8192, 1>}, {transform_indices = @transform_4, window_bounds = array<i64: 1, 256>}, {transform_indices = @transform_5, window_bounds = array<i64: 20, 256>}]} {
    %get3A = arith.index_cast %arg0 : i32 to index
    %get3A_0 = memref.load %arg1[%get3A] : memref<32xi32, #tpu.memory_space<smem>>
    %get3A_1 = arith.index_cast %arg0 : i32 to index
    %get3A_2 = memref.load %arg2[%get3A_1] : memref<32xi32, #tpu.memory_space<smem>>
    %get3A_3 = arith.constant 0 : index
    %get3A_4 = arith.constant 0 : index
    %get3A_5 = vector.load %arg7[%get3A_3, %get3A_4] : memref<1x256xi32, #tpu.memory_space<vmem>>, vector<1x256xi32>
    %get3A_6 = arith.constant 0 : index
    %get3A_7 = arith.constant 0 : index
    %get3A_8 = vector.load %arg4[%get3A_6, %get3A_7] : memref<256x3xf32, #tpu.memory_space<vmem>>, vector<256x3xf32>
    %broadcast_in_dim3A = arith.constant 1.000000e+00 : f32
    %broadcast_in_dim3A_9 = vector.broadcast %broadcast_in_dim3A : f32 to vector<1x3xf32>
    %mul3A = arith.mulf %get3A_8, %get3A_8 : vector<256x3xf32>
    %dot_general3A = arith.constant dense<0.000000e+00> : vector<1x256xf32>
    %dot_general3A_10 = tpu.matmul %broadcast_in_dim3A_9, %mul3A, %dot_general3A {dimension_numbers = #tpu.dot_dimension_numbers<[1], [1], [0], [0], [0, 0, 1, 0], [], []>, transpose_lhs_hint = false} : vector<1x3xf32>, vector<256x3xf32>, vector<1x256xf32> -> vector<1x256xf32>
    %iota3A = tpu.iota {dimensions = array<i32: 0>} : vector<512x256xi32>
    %broadcast_in_dim3A_11 = arith.constant 0x7F800000 : f32
    %broadcast_in_dim3A_12 = vector.broadcast %broadcast_in_dim3A_11 : f32 to vector<1x256xf32>
    %broadcast_in_dim3A_13 = arith.constant 1073741824 : i32
    %broadcast_in_dim3A_14 = vector.broadcast %broadcast_in_dim3A_13 : i32 to vector<1x256xi32>
    %while3A = arith.constant 0 : i32
    %while3A_15 = arith.subi %get3A_2, %while3A : i32
    %while3A_16 = arith.addi %while3A, %while3A_15 : i32
    %while3A_17 = arith.constant 1 : i32
    %while3A_18 = arith.divsi %while3A_15, %while3A_17 : i32
    %while3A_19 = arith.muli %while3A_18, %while3A_17 : i32
    %while3A_20 = arith.addi %while3A, %while3A_19 : i32
    %while3A_21 = arith.constant 1 : i32
    %while3A_22:2 = scf.for %while3A_236 = %while3A to %while3A_20 step %while3A_21 iter_args(%while3A_237 = %broadcast_in_dim3A_12, %while3A_238 = %broadcast_in_dim3A_14) -> (vector<1x256xf32>, vector<1x256xi32>)  : i32 {
      %mul3A_239 = arith.constant 512 : i32
      %mul3A_240 = arith.muli %while3A_236, %mul3A_239 : i32
      %add3A = arith.addi %get3A_0, %mul3A_240 : i32
      %min3A = arith.constant 7680 : i32
      %min3A_241 = arith.minsi %add3A, %min3A : i32
      %get3A_242 = arith.index_cast %min3A_241 : i32 to index
      %get3A_243 = arith.constant 0 : index
      %get3A_244 = vector.load %arg3[%get3A_242, %get3A_243] : memref<8192x3xf32, #tpu.memory_space<vmem>>, vector<512x3xf32>
      %dot_general3A_245 = arith.constant dense<0.000000e+00> : vector<512x256xf32>
      %dot_general3A_246 = tpu.matmul %get3A_244, %get3A_8, %dot_general3A_245 {dimension_numbers = #tpu.dot_dimension_numbers<[1], [1], [0], [0], [0, 0, 1, 0], [], []>, transpose_lhs_hint = false} : vector<512x3xf32>, vector<256x3xf32>, vector<512x256xf32> -> vector<512x256xf32>
      %get3A_247 = arith.index_cast %min3A_241 : i32 to index
      %get3A_248 = arith.constant 0 : index
      %get3A_249 = vector.load %arg5[%get3A_247, %get3A_248] : memref<8192x1xf32, #tpu.memory_space<vmem>>, vector<512x1xf32>
      %add3A_250 = vector.broadcast %get3A_249 : vector<512x1xf32> to vector<512x256xf32>
      %add3A_251 = vector.broadcast %dot_general3A_10 : vector<1x256xf32> to vector<512x256xf32>
      %add3A_252 = arith.addf %add3A_250, %add3A_251 : vector<512x256xf32>
      %mul3A_253 = arith.constant 2.000000e+00 : f32
      %mul3A_254 = vector.broadcast %mul3A_253 : f32 to vector<512x256xf32>
      %mul3A_255 = arith.mulf %mul3A_254, %dot_general3A_246 : vector<512x256xf32>
      %sub3A = arith.subf %add3A_252, %mul3A_255 : vector<512x256xf32>
      %get3A_256 = arith.index_cast %min3A_241 : i32 to index
      %get3A_257 = arith.constant 0 : index
      %get3A_258 = vector.load %arg6[%get3A_256, %get3A_257] : memref<8192x1xi32, #tpu.memory_space<vmem>>, vector<512x1xi32>
      %ne3A = vector.broadcast %get3A_258 : vector<512x1xi32> to vector<512x256xi32>
      %ne3A_259 = vector.broadcast %get3A_5 : vector<1x256xi32> to vector<512x256xi32>
      %ne3A_260 = arith.cmpi ne, %ne3A, %ne3A_259 : vector<512x256xi32>
      %jit3A = arith.constant 1.000000e+30 : f32
      %broadcast_in_dim3A_261 = vector.broadcast %jit3A : f32 to vector<512x256xf32>
      %select_n3A = arith.select %ne3A_260, %broadcast_in_dim3A_261, %sub3A : vector<512x256xi1>, vector<512x256xf32>
      %mul3A_262 = arith.constant 512 : i32
      %mul3A_263 = arith.muli %while3A_236, %mul3A_262 : i32
      %swap3A_264 = arith.index_cast %mul3A_263 : i32 to index
      %swap3A_265 = arith.constant 0 : index
      %swap3A_266 = vector.load %arg9[%swap3A_264, %swap3A_265] : memref<8192x256xf32, #tpu.memory_space<vmem>>, vector<512x256xf32>
      tpu.vector_store %arg9[%swap3A_264, %swap3A_265], %select_n3A {strides = array<i32>} : memref<8192x256xf32, #tpu.memory_space<vmem>>, vector<512x256xf32>,
      %reduce_min3A = arith.constant dense<0x7F800000> : vector<256xf32>
      %reduce_min3A_267 = vector.multi_reduction <minimumf>, %select_n3A, %reduce_min3A [0] : vector<512x256xf32> to vector<256xf32>
      %broadcast_in_dim3A_268 = vector.shape_cast %reduce_min3A_267 : vector<256xf32> to vector<1x256xf32>
      %eq3A = vector.broadcast %broadcast_in_dim3A_268 : vector<1x256xf32> to vector<512x256xf32>
      %eq3A_269 = arith.cmpf oeq, %select_n3A, %eq3A : vector<512x256xf32>
      %jit3A_270 = arith.constant 1073741824 : i32
      %broadcast_in_dim3A_271 = vector.broadcast %jit3A_270 : i32 to vector<512x256xi32>
      %select_n3A_272 = arith.select %eq3A_269, %iota3A, %broadcast_in_dim3A_271 : vector<512x256xi1>, vector<512x256xi32>
      %reduce_min3A_273 = arith.constant dense<2147483647> : vector<256xi32>
      %reduce_min3A_274 = vector.multi_reduction <minsi>, %select_n3A_272, %reduce_min3A_273 [0] : vector<512x256xi32> to vector<256xi32>
      %broadcast_in_dim3A_275 = vector.shape_cast %reduce_min3A_274 : vector<256xi32> to vector<1x256xi32>
      %add3A_276 = vector.broadcast %min3A_241 : i32 to vector<1x256xi32>
      %add3A_277 = arith.addi %broadcast_in_dim3A_275, %add3A_276 : vector<1x256xi32>
      %lt3A = arith.cmpf olt, %broadcast_in_dim3A_268, %while3A_237 : vector<1x256xf32>
      %min3A_278 = arith.minimumf %while3A_237, %broadcast_in_dim3A_268 : vector<1x256xf32>
      %select_n3A_279 = arith.select %lt3A, %add3A_277, %while3A_238 : vector<1x256xi1>, vector<1x256xi32>
      scf.yield %min3A_278, %select_n3A_279 : vector<1x256xf32>, vector<1x256xi32>
    }
    %while3A_23 = arith.constant 1 : i32
    %while3A_24:2 = scf.for %while3A_236 = %while3A_20 to %while3A_16 step %while3A_23 iter_args(%while3A_237 = %while3A_22#0, %while3A_238 = %while3A_22#1) -> (vector<1x256xf32>, vector<1x256xi32>)  : i32 {
      %mul3A_239 = arith.constant 512 : i32
      %mul3A_240 = arith.muli %while3A_236, %mul3A_239 : i32
      %add3A = arith.addi %get3A_0, %mul3A_240 : i32
      %min3A = arith.constant 7680 : i32
      %min3A_241 = arith.minsi %add3A, %min3A : i32
      %get3A_242 = arith.index_cast %min3A_241 : i32 to index
      %get3A_243 = arith.constant 0 : index
      %get3A_244 = vector.load %arg3[%get3A_242, %get3A_243] : memref<8192x3xf32, #tpu.memory_space<vmem>>, vector<512x3xf32>
      %dot_general3A_245 = arith.constant dense<0.000000e+00> : vector<512x256xf32>
      %dot_general3A_246 = tpu.matmul %get3A_244, %get3A_8, %dot_general3A_245 {dimension_numbers = #tpu.dot_dimension_numbers<[1], [1], [0], [0], [0, 0, 1, 0], [], []>, transpose_lhs_hint = false} : vector<512x3xf32>, vector<256x3xf32>, vector<512x256xf32> -> vector<512x256xf32>
      %get3A_247 = arith.index_cast %min3A_241 : i32 to index
      %get3A_248 = arith.constant 0 : index
      %get3A_249 = vector.load %arg5[%get3A_247, %get3A_248] : memref<8192x1xf32, #tpu.memory_space<vmem>>, vector<512x1xf32>
      %add3A_250 = vector.broadcast %get3A_249 : vector<512x1xf32> to vector<512x256xf32>
      %add3A_251 = vector.broadcast %dot_general3A_10 : vector<1x256xf32> to vector<512x256xf32>
      %add3A_252 = arith.addf %add3A_250, %add3A_251 : vector<512x256xf32>
      %mul3A_253 = arith.constant 2.000000e+00 : f32
      %mul3A_254 = vector.broadcast %mul3A_253 : f32 to vector<512x256xf32>
      %mul3A_255 = arith.mulf %mul3A_254, %dot_general3A_246 : vector<512x256xf32>
      %sub3A = arith.subf %add3A_252, %mul3A_255 : vector<512x256xf32>
      %get3A_256 = arith.index_cast %min3A_241 : i32 to index
      %get3A_257 = arith.constant 0 : index
      %get3A_258 = vector.load %arg6[%get3A_256, %get3A_257] : memref<8192x1xi32, #tpu.memory_space<vmem>>, vector<512x1xi32>
      %ne3A = vector.broadcast %get3A_258 : vector<512x1xi32> to vector<512x256xi32>
      %ne3A_259 = vector.broadcast %get3A_5 : vector<1x256xi32> to vector<512x256xi32>
      %ne3A_260 = arith.cmpi ne, %ne3A, %ne3A_259 : vector<512x256xi32>
      %jit3A = arith.constant 1.000000e+30 : f32
      %broadcast_in_dim3A_261 = vector.broadcast %jit3A : f32 to vector<512x256xf32>
      %select_n3A = arith.select %ne3A_260, %broadcast_in_dim3A_261, %sub3A : vector<512x256xi1>, vector<512x256xf32>
      %mul3A_262 = arith.constant 512 : i32
      %mul3A_263 = arith.muli %while3A_236, %mul3A_262 : i32
      %swap3A_264 = arith.index_cast %mul3A_263 : i32 to index
      %swap3A_265 = arith.constant 0 : index
      %swap3A_266 = vector.load %arg9[%swap3A_264, %swap3A_265] : memref<8192x256xf32, #tpu.memory_space<vmem>>, vector<512x256xf32>
      tpu.vector_store %arg9[%swap3A_264, %swap3A_265], %select_n3A {strides = array<i32>} : memref<8192x256xf32, #tpu.memory_space<vmem>>, vector<512x256xf32>,
      %reduce_min3A = arith.constant dense<0x7F800000> : vector<256xf32>
      %reduce_min3A_267 = vector.multi_reduction <minimumf>, %select_n3A, %reduce_min3A [0] : vector<512x256xf32> to vector<256xf32>
      %broadcast_in_dim3A_268 = vector.shape_cast %reduce_min3A_267 : vector<256xf32> to vector<1x256xf32>
      %eq3A = vector.broadcast %broadcast_in_dim3A_268 : vector<1x256xf32> to vector<512x256xf32>
      %eq3A_269 = arith.cmpf oeq, %select_n3A, %eq3A : vector<512x256xf32>
      %jit3A_270 = arith.constant 1073741824 : i32
      %broadcast_in_dim3A_271 = vector.broadcast %jit3A_270 : i32 to vector<512x256xi32>
      %select_n3A_272 = arith.select %eq3A_269, %iota3A, %broadcast_in_dim3A_271 : vector<512x256xi1>, vector<512x256xi32>
      %reduce_min3A_273 = arith.constant dense<2147483647> : vector<256xi32>
      %reduce_min3A_274 = vector.multi_reduction <minsi>, %select_n3A_272, %reduce_min3A_273 [0] : vector<512x256xi32> to vector<256xi32>
      %broadcast_in_dim3A_275 = vector.shape_cast %reduce_min3A_274 : vector<256xi32> to vector<1x256xi32>
      %add3A_276 = vector.broadcast %min3A_241 : i32 to vector<1x256xi32>
      %add3A_277 = arith.addi %broadcast_in_dim3A_275, %add3A_276 : vector<1x256xi32>
      %lt3A = arith.cmpf olt, %broadcast_in_dim3A_268, %while3A_237 : vector<1x256xf32>
      %min3A_278 = arith.minimumf %while3A_237, %broadcast_in_dim3A_268 : vector<1x256xf32>
      %select_n3A_279 = arith.select %lt3A, %add3A_277, %while3A_238 : vector<1x256xi1>, vector<1x256xi32>
      scf.yield %min3A_278, %select_n3A_279 : vector<1x256xf32>, vector<1x256xi32>
    }
    %while3A_25 = arith.constant 0 : i32
    %while3A_26 = arith.subi %get3A_2, %while3A_25 : i32
    %while3A_27 = arith.addi %while3A_25, %while3A_26 : i32
    %while3A_28 = arith.constant 1 : i32
    %while3A_29 = arith.divsi %while3A_26, %while3A_28 : i32
    %while3A_30 = arith.muli %while3A_29, %while3A_28 : i32
    %while3A_31 = arith.addi %while3A_25, %while3A_30 : i32
    %while3A_32 = arith.constant 1 : i32
    %while3A_33:2 = scf.for %while3A_236 = %while3A_25 to %while3A_31 step %while3A_32 iter_args(%while3A_237 = %broadcast_in_dim3A_12, %while3A_238 = %broadcast_in_dim3A_14) -> (vector<1x256xf32>, vector<1x256xi32>)  : i32 {
      %mul3A_239 = arith.constant 512 : i32
      %mul3A_240 = arith.muli %while3A_236, %mul3A_239 : i32
      %add3A = arith.addi %get3A_0, %mul3A_240 : i32
      %min3A = arith.constant 7680 : i32
      %min3A_241 = arith.minsi %add3A, %min3A : i32
      %mul3A_242 = arith.constant 512 : i32
      %mul3A_243 = arith.muli %while3A_236, %mul3A_242 : i32
      %get3A_244 = arith.index_cast %mul3A_243 : i32 to index
      %get3A_245 = arith.constant 0 : index
      %get3A_246 = vector.load %arg9[%get3A_244, %get3A_245] : memref<8192x256xf32, #tpu.memory_space<vmem>>, vector<512x256xf32>
      %sub3A = vector.broadcast %min3A_241 : i32 to vector<1x256xi32>
      %sub3A_247 = arith.subi %while3A_24#1, %sub3A : vector<1x256xi32>
      %eq3A = vector.broadcast %sub3A_247 : vector<1x256xi32> to vector<512x256xi32>
      %eq3A_248 = arith.cmpi eq, %iota3A, %eq3A : vector<512x256xi32>
      %jit3A = arith.constant 2.000000e+30 : f32
      %broadcast_in_dim3A_249 = vector.broadcast %jit3A : f32 to vector<512x256xf32>
      %select_n3A = arith.select %eq3A_248, %broadcast_in_dim3A_249, %get3A_246 : vector<512x256xi1>, vector<512x256xf32>
      %mul3A_250 = arith.constant 512 : i32
      %mul3A_251 = arith.muli %while3A_236, %mul3A_250 : i32
      %swap3A_252 = arith.index_cast %mul3A_251 : i32 to index
      %swap3A_253 = arith.constant 0 : index
      %swap3A_254 = vector.load %arg9[%swap3A_252, %swap3A_253] : memref<8192x256xf32, #tpu.memory_space<vmem>>, vector<512x256xf32>
      tpu.vector_store %arg9[%swap3A_252, %swap3A_253], %select_n3A {strides = array<i32>} : memref<8192x256xf32, #tpu.memory_space<vmem>>, vector<512x256xf32>,
      %reduce_min3A = arith.constant dense<0x7F800000> : vector<256xf32>
      %reduce_min3A_255 = vector.multi_reduction <minimumf>, %select_n3A, %reduce_min3A [0] : vector<512x256xf32> to vector<256xf32>
      %broadcast_in_dim3A_256 = vector.shape_cast %reduce_min3A_255 : vector<256xf32> to vector<1x256xf32>
      %eq3A_257 = vector.broadcast %broadcast_in_dim3A_256 : vector<1x256xf32> to vector<512x256xf32>
      %eq3A_258 = arith.cmpf oeq, %select_n3A, %eq3A_257 : vector<512x256xf32>
      %jit3A_259 = arith.constant 1073741824 : i32
      %broadcast_in_dim3A_260 = vector.broadcast %jit3A_259 : i32 to vector<512x256xi32>
      %select_n3A_261 = arith.select %eq3A_258, %iota3A, %broadcast_in_dim3A_260 : vector<512x256xi1>, vector<512x256xi32>
      %reduce_min3A_262 = arith.constant dense<2147483647> : vector<256xi32>
      %reduce_min3A_263 = vector.multi_reduction <minsi>, %select_n3A_261, %reduce_min3A_262 [0] : vector<512x256xi32> to vector<256xi32>
      %broadcast_in_dim3A_264 = vector.shape_cast %reduce_min3A_263 : vector<256xi32> to vector<1x256xi32>
      %add3A_265 = vector.broadcast %min3A_241 : i32 to vector<1x256xi32>
      %add3A_266 = arith.addi %broadcast_in_dim3A_264, %add3A_265 : vector<1x256xi32>
      %lt3A = arith.cmpf olt, %broadcast_in_dim3A_256, %while3A_237 : vector<1x256xf32>
      %min3A_267 = arith.minimumf %while3A_237, %broadcast_in_dim3A_256 : vector<1x256xf32>
      %select_n3A_268 = arith.select %lt3A, %add3A_266, %while3A_238 : vector<1x256xi1>, vector<1x256xi32>
      scf.yield %min3A_267, %select_n3A_268 : vector<1x256xf32>, vector<1x256xi32>
    }
    %while3A_34 = arith.constant 1 : i32
    %while3A_35:2 = scf.for %while3A_236 = %while3A_31 to %while3A_27 step %while3A_34 iter_args(%while3A_237 = %while3A_33#0, %while3A_238 = %while3A_33#1) -> (vector<1x256xf32>, vector<1x256xi32>)  : i32 {
      %mul3A_239 = arith.constant 512 : i32
      %mul3A_240 = arith.muli %while3A_236, %mul3A_239 : i32
      %add3A = arith.addi %get3A_0, %mul3A_240 : i32
      %min3A = arith.constant 7680 : i32
      %min3A_241 = arith.minsi %add3A, %min3A : i32
      %mul3A_242 = arith.constant 512 : i32
      %mul3A_243 = arith.muli %while3A_236, %mul3A_242 : i32
      %get3A_244 = arith.index_cast %mul3A_243 : i32 to index
      %get3A_245 = arith.constant 0 : index
      %get3A_246 = vector.load %arg9[%get3A_244, %get3A_245] : memref<8192x256xf32, #tpu.memory_space<vmem>>, vector<512x256xf32>
      %sub3A = vector.broadcast %min3A_241 : i32 to vector<1x256xi32>
      %sub3A_247 = arith.subi %while3A_24#1, %sub3A : vector<1x256xi32>
      %eq3A = vector.broadcast %sub3A_247 : vector<1x256xi32> to vector<512x256xi32>
      %eq3A_248 = arith.cmpi eq, %iota3A, %eq3A : vector<512x256xi32>
      %jit3A = arith.constant 2.000000e+30 : f32
      %broadcast_in_dim3A_249 = vector.broadcast %jit3A : f32 to vector<512x256xf32>
      %select_n3A = arith.select %eq3A_248, %broadcast_in_dim3A_249, %get3A_246 : vector<512x256xi1>, vector<512x256xf32>
      %mul3A_250 = arith.constant 512 : i32
      %mul3A_251 = arith.muli %while3A_236, %mul3A_250 : i32
      %swap3A_252 = arith.index_cast %mul3A_251 : i32 to index
      %swap3A_253 = arith.constant 0 : index
      %swap3A_254 = vector.load %arg9[%swap3A_252, %swap3A_253] : memref<8192x256xf32, #tpu.memory_space<vmem>>, vector<512x256xf32>
      tpu.vector_store %arg9[%swap3A_252, %swap3A_253], %select_n3A {strides = array<i32>} : memref<8192x256xf32, #tpu.memory_space<vmem>>, vector<512x256xf32>,
      %reduce_min3A = arith.constant dense<0x7F800000> : vector<256xf32>
      %reduce_min3A_255 = vector.multi_reduction <minimumf>, %select_n3A, %reduce_min3A [0] : vector<512x256xf32> to vector<256xf32>
      %broadcast_in_dim3A_256 = vector.shape_cast %reduce_min3A_255 : vector<256xf32> to vector<1x256xf32>
      %eq3A_257 = vector.broadcast %broadcast_in_dim3A_256 : vector<1x256xf32> to vector<512x256xf32>
      %eq3A_258 = arith.cmpf oeq, %select_n3A, %eq3A_257 : vector<512x256xf32>
      %jit3A_259 = arith.constant 1073741824 : i32
      %broadcast_in_dim3A_260 = vector.broadcast %jit3A_259 : i32 to vector<512x256xi32>
      %select_n3A_261 = arith.select %eq3A_258, %iota3A, %broadcast_in_dim3A_260 : vector<512x256xi1>, vector<512x256xi32>
      %reduce_min3A_262 = arith.constant dense<2147483647> : vector<256xi32>
      %reduce_min3A_263 = vector.multi_reduction <minsi>, %select_n3A_261, %reduce_min3A_262 [0] : vector<512x256xi32> to vector<256xi32>
      %broadcast_in_dim3A_264 = vector.shape_cast %reduce_min3A_263 : vector<256xi32> to vector<1x256xi32>
      %add3A_265 = vector.broadcast %min3A_241 : i32 to vector<1x256xi32>
      %add3A_266 = arith.addi %broadcast_in_dim3A_264, %add3A_265 : vector<1x256xi32>
      %lt3A = arith.cmpf olt, %broadcast_in_dim3A_256, %while3A_237 : vector<1x256xf32>
      %min3A_267 = arith.minimumf %while3A_237, %broadcast_in_dim3A_256 : vector<1x256xf32>
      %select_n3A_268 = arith.select %lt3A, %add3A_266, %while3A_238 : vector<1x256xi1>, vector<1x256xi32>
      scf.yield %min3A_267, %select_n3A_268 : vector<1x256xf32>, vector<1x256xi32>
    }
    %while3A_36 = arith.constant 0 : i32
    %while3A_37 = arith.subi %get3A_2, %while3A_36 : i32
    %while3A_38 = arith.addi %while3A_36, %while3A_37 : i32
    %while3A_39 = arith.constant 1 : i32
    %while3A_40 = arith.divsi %while3A_37, %while3A_39 : i32
    %while3A_41 = arith.muli %while3A_40, %while3A_39 : i32
    %while3A_42 = arith.addi %while3A_36, %while3A_41 : i32
    %while3A_43 = arith.constant 1 : i32
    %while3A_44:2 = scf.for %while3A_236 = %while3A_36 to %while3A_42 step %while3A_43 iter_args(%while3A_237 = %broadcast_in_dim3A_12, %while3A_238 = %broadcast_in_dim3A_14) -> (vector<1x256xf32>, vector<1x256xi32>)  : i32 {
      %mul3A_239 = arith.constant 512 : i32
      %mul3A_240 = arith.muli %while3A_236, %mul3A_239 : i32
      %add3A = arith.addi %get3A_0, %mul3A_240 : i32
      %min3A = arith.constant 7680 : i32
      %min3A_241 = arith.minsi %add3A, %min3A : i32
      %mul3A_242 = arith.constant 512 : i32
      %mul3A_243 = arith.muli %while3A_236, %mul3A_242 : i32
      %get3A_244 = arith.index_cast %mul3A_243 : i32 to index
      %get3A_245 = arith.constant 0 : index
      %get3A_246 = vector.load %arg9[%get3A_244, %get3A_245] : memref<8192x256xf32, #tpu.memory_space<vmem>>, vector<512x256xf32>
      %sub3A = vector.broadcast %min3A_241 : i32 to vector<1x256xi32>
      %sub3A_247 = arith.subi %while3A_35#1, %sub3A : vector<1x256xi32>
      %eq3A = vector.broadcast %sub3A_247 : vector<1x256xi32> to vector<512x256xi32>
      %eq3A_248 = arith.cmpi eq, %iota3A, %eq3A : vector<512x256xi32>
      %jit3A = arith.constant 2.000000e+30 : f32
      %broadcast_in_dim3A_249 = vector.broadcast %jit3A : f32 to vector<512x256xf32>
      %select_n3A = arith.select %eq3A_248, %broadcast_in_dim3A_249, %get3A_246 : vector<512x256xi1>, vector<512x256xf32>
      %mul3A_250 = arith.constant 512 : i32
      %mul3A_251 = arith.muli %while3A_236, %mul3A_250 : i32
      %swap3A_252 = arith.index_cast %mul3A_251 : i32 to index
      %swap3A_253 = arith.constant 0 : index
      %swap3A_254 = vector.load %arg9[%swap3A_252, %swap3A_253] : memref<8192x256xf32, #tpu.memory_space<vmem>>, vector<512x256xf32>
      tpu.vector_store %arg9[%swap3A_252, %swap3A_253], %select_n3A {strides = array<i32>} : memref<8192x256xf32, #tpu.memory_space<vmem>>, vector<512x256xf32>,
      %reduce_min3A = arith.constant dense<0x7F800000> : vector<256xf32>
      %reduce_min3A_255 = vector.multi_reduction <minimumf>, %select_n3A, %reduce_min3A [0] : vector<512x256xf32> to vector<256xf32>
      %broadcast_in_dim3A_256 = vector.shape_cast %reduce_min3A_255 : vector<256xf32> to vector<1x256xf32>
      %eq3A_257 = vector.broadcast %broadcast_in_dim3A_256 : vector<1x256xf32> to vector<512x256xf32>
      %eq3A_258 = arith.cmpf oeq, %select_n3A, %eq3A_257 : vector<512x256xf32>
      %jit3A_259 = arith.constant 1073741824 : i32
      %broadcast_in_dim3A_260 = vector.broadcast %jit3A_259 : i32 to vector<512x256xi32>
      %select_n3A_261 = arith.select %eq3A_258, %iota3A, %broadcast_in_dim3A_260 : vector<512x256xi1>, vector<512x256xi32>
      %reduce_min3A_262 = arith.constant dense<2147483647> : vector<256xi32>
      %reduce_min3A_263 = vector.multi_reduction <minsi>, %select_n3A_261, %reduce_min3A_262 [0] : vector<512x256xi32> to vector<256xi32>
      %broadcast_in_dim3A_264 = vector.shape_cast %reduce_min3A_263 : vector<256xi32> to vector<1x256xi32>
      %add3A_265 = vector.broadcast %min3A_241 : i32 to vector<1x256xi32>
      %add3A_266 = arith.addi %broadcast_in_dim3A_264, %add3A_265 : vector<1x256xi32>
      %lt3A = arith.cmpf olt, %broadcast_in_dim3A_256, %while3A_237 : vector<1x256xf32>
      %min3A_267 = arith.minimumf %while3A_237, %broadcast_in_dim3A_256 : vector<1x256xf32>
      %select_n3A_268 = arith.select %lt3A, %add3A_266, %while3A_238 : vector<1x256xi1>, vector<1x256xi32>
      scf.yield %min3A_267, %select_n3A_268 : vector<1x256xf32>, vector<1x256xi32>
    }
    %while3A_45 = arith.constant 1 : i32
    %while3A_46:2 = scf.for %while3A_236 = %while3A_42 to %while3A_38 step %while3A_45 iter_args(%while3A_237 = %while3A_44#0, %while3A_238 = %while3A_44#1) -> (vector<1x256xf32>, vector<1x256xi32>)  : i32 {
      %mul3A_239 = arith.constant 512 : i32
      %mul3A_240 = arith.muli %while3A_236, %mul3A_239 : i32
      %add3A = arith.addi %get3A_0, %mul3A_240 : i32
      %min3A = arith.constant 7680 : i32
      %min3A_241 = arith.minsi %add3A, %min3A : i32
      %mul3A_242 = arith.constant 512 : i32
      %mul3A_243 = arith.muli %while3A_236, %mul3A_242 : i32
      %get3A_244 = arith.index_cast %mul3A_243 : i32 to index
      %get3A_245 = arith.constant 0 : index
      %get3A_246 = vector.load %arg9[%get3A_244, %get3A_245] : memref<8192x256xf32, #tpu.memory_space<vmem>>, vector<512x256xf32>
      %sub3A = vector.broadcast %min3A_241 : i32 to vector<1x256xi32>
      %sub3A_247 = arith.subi %while3A_35#1, %sub3A : vector<1x256xi32>
      %eq3A = vector.broadcast %sub3A_247 : vector<1x256xi32> to vector<512x256xi32>
      %eq3A_248 = arith.cmpi eq, %iota3A, %eq3A : vector<512x256xi32>
      %jit3A = arith.constant 2.000000e+30 : f32
      %broadcast_in_dim3A_249 = vector.broadcast %jit3A : f32 to vector<512x256xf32>
      %select_n3A = arith.select %eq3A_248, %broadcast_in_dim3A_249, %get3A_246 : vector<512x256xi1>, vector<512x256xf32>
      %mul3A_250 = arith.constant 512 : i32
      %mul3A_251 = arith.muli %while3A_236, %mul3A_250 : i32
      %swap3A_252 = arith.index_cast %mul3A_251 : i32 to index
      %swap3A_253 = arith.constant 0 : index
      %swap3A_254 = vector.load %arg9[%swap3A_252, %swap3A_253] : memref<8192x256xf32, #tpu.memory_space<vmem>>, vector<512x256xf32>
      tpu.vector_store %arg9[%swap3A_252, %swap3A_253], %select_n3A {strides = array<i32>} : memref<8192x256xf32, #tpu.memory_space<vmem>>, vector<512x256xf32>,
      %reduce_min3A = arith.constant dense<0x7F800000> : vector<256xf32>
      %reduce_min3A_255 = vector.multi_reduction <minimumf>, %select_n3A, %reduce_min3A [0] : vector<512x256xf32> to vector<256xf32>
      %broadcast_in_dim3A_256 = vector.shape_cast %reduce_min3A_255 : vector<256xf32> to vector<1x256xf32>
      %eq3A_257 = vector.broadcast %broadcast_in_dim3A_256 : vector<1x256xf32> to vector<512x256xf32>
      %eq3A_258 = arith.cmpf oeq, %select_n3A, %eq3A_257 : vector<512x256xf32>
      %jit3A_259 = arith.constant 1073741824 : i32
      %broadcast_in_dim3A_260 = vector.broadcast %jit3A_259 : i32 to vector<512x256xi32>
      %select_n3A_261 = arith.select %eq3A_258, %iota3A, %broadcast_in_dim3A_260 : vector<512x256xi1>, vector<512x256xi32>
      %reduce_min3A_262 = arith.constant dense<2147483647> : vector<256xi32>
      %reduce_min3A_263 = vector.multi_reduction <minsi>, %select_n3A_261, %reduce_min3A_262 [0] : vector<512x256xi32> to vector<256xi32>
      %broadcast_in_dim3A_264 = vector.shape_cast %reduce_min3A_263 : vector<256xi32> to vector<1x256xi32>
      %add3A_265 = vector.broadcast %min3A_241 : i32 to vector<1x256xi32>
      %add3A_266 = arith.addi %broadcast_in_dim3A_264, %add3A_265 : vector<1x256xi32>
      %lt3A = arith.cmpf olt, %broadcast_in_dim3A_256, %while3A_237 : vector<1x256xf32>
      %min3A_267 = arith.minimumf %while3A_237, %broadcast_in_dim3A_256 : vector<1x256xf32>
      %select_n3A_268 = arith.select %lt3A, %add3A_266, %while3A_238 : vector<1x256xi1>, vector<1x256xi32>
      scf.yield %min3A_267, %select_n3A_268 : vector<1x256xf32>, vector<1x256xi32>
    }
    %while3A_47 = arith.constant 0 : i32
    %while3A_48 = arith.subi %get3A_2, %while3A_47 : i32
    %while3A_49 = arith.addi %while3A_47, %while3A_48 : i32
    %while3A_50 = arith.constant 1 : i32
    %while3A_51 = arith.divsi %while3A_48, %while3A_50 : i32
    %while3A_52 = arith.muli %while3A_51, %while3A_50 : i32
    %while3A_53 = arith.addi %while3A_47, %while3A_52 : i32
    %while3A_54 = arith.constant 1 : i32
    %while3A_55:2 = scf.for %while3A_236 = %while3A_47 to %while3A_53 step %while3A_54 iter_args(%while3A_237 = %broadcast_in_dim3A_12, %while3A_238 = %broadcast_in_dim3A_14) -> (vector<1x256xf32>, vector<1x256xi32>)  : i32 {
      %mul3A_239 = arith.constant 512 : i32
      %mul3A_240 = arith.muli %while3A_236, %mul3A_239 : i32
      %add3A = arith.addi %get3A_0, %mul3A_240 : i32
      %min3A = arith.constant 7680 : i32
      %min3A_241 = arith.minsi %add3A, %min3A : i32
      %mul3A_242 = arith.constant 512 : i32
      %mul3A_243 = arith.muli %while3A_236, %mul3A_242 : i32
      %get3A_244 = arith.index_cast %mul3A_243 : i32 to index
      %get3A_245 = arith.constant 0 : index
      %get3A_246 = vector.load %arg9[%get3A_244, %get3A_245] : memref<8192x256xf32, #tpu.memory_space<vmem>>, vector<512x256xf32>
      %sub3A = vector.broadcast %min3A_241 : i32 to vector<1x256xi32>
      %sub3A_247 = arith.subi %while3A_46#1, %sub3A : vector<1x256xi32>
      %eq3A = vector.broadcast %sub3A_247 : vector<1x256xi32> to vector<512x256xi32>
      %eq3A_248 = arith.cmpi eq, %iota3A, %eq3A : vector<512x256xi32>
      %jit3A = arith.constant 2.000000e+30 : f32
      %broadcast_in_dim3A_249 = vector.broadcast %jit3A : f32 to vector<512x256xf32>
      %select_n3A = arith.select %eq3A_248, %broadcast_in_dim3A_249, %get3A_246 : vector<512x256xi1>, vector<512x256xf32>
      %mul3A_250 = arith.constant 512 : i32
      %mul3A_251 = arith.muli %while3A_236, %mul3A_250 : i32
      %swap3A_252 = arith.index_cast %mul3A_251 : i32 to index
      %swap3A_253 = arith.constant 0 : index
      %swap3A_254 = vector.load %arg9[%swap3A_252, %swap3A_253] : memref<8192x256xf32, #tpu.memory_space<vmem>>, vector<512x256xf32>
      tpu.vector_store %arg9[%swap3A_252, %swap3A_253], %select_n3A {strides = array<i32>} : memref<8192x256xf32, #tpu.memory_space<vmem>>, vector<512x256xf32>,
      %reduce_min3A = arith.constant dense<0x7F800000> : vector<256xf32>
      %reduce_min3A_255 = vector.multi_reduction <minimumf>, %select_n3A, %reduce_min3A [0] : vector<512x256xf32> to vector<256xf32>
      %broadcast_in_dim3A_256 = vector.shape_cast %reduce_min3A_255 : vector<256xf32> to vector<1x256xf32>
      %eq3A_257 = vector.broadcast %broadcast_in_dim3A_256 : vector<1x256xf32> to vector<512x256xf32>
      %eq3A_258 = arith.cmpf oeq, %select_n3A, %eq3A_257 : vector<512x256xf32>
      %jit3A_259 = arith.constant 1073741824 : i32
      %broadcast_in_dim3A_260 = vector.broadcast %jit3A_259 : i32 to vector<512x256xi32>
      %select_n3A_261 = arith.select %eq3A_258, %iota3A, %broadcast_in_dim3A_260 : vector<512x256xi1>, vector<512x256xi32>
      %reduce_min3A_262 = arith.constant dense<2147483647> : vector<256xi32>
      %reduce_min3A_263 = vector.multi_reduction <minsi>, %select_n3A_261, %reduce_min3A_262 [0] : vector<512x256xi32> to vector<256xi32>
      %broadcast_in_dim3A_264 = vector.shape_cast %reduce_min3A_263 : vector<256xi32> to vector<1x256xi32>
      %add3A_265 = vector.broadcast %min3A_241 : i32 to vector<1x256xi32>
      %add3A_266 = arith.addi %broadcast_in_dim3A_264, %add3A_265 : vector<1x256xi32>
      %lt3A = arith.cmpf olt, %broadcast_in_dim3A_256, %while3A_237 : vector<1x256xf32>
      %min3A_267 = arith.minimumf %while3A_237, %broadcast_in_dim3A_256 : vector<1x256xf32>
      %select_n3A_268 = arith.select %lt3A, %add3A_266, %while3A_238 : vector<1x256xi1>, vector<1x256xi32>
      scf.yield %min3A_267, %select_n3A_268 : vector<1x256xf32>, vector<1x256xi32>
    }
    %while3A_56 = arith.constant 1 : i32
    %while3A_57:2 = scf.for %while3A_236 = %while3A_53 to %while3A_49 step %while3A_56 iter_args(%while3A_237 = %while3A_55#0, %while3A_238 = %while3A_55#1) -> (vector<1x256xf32>, vector<1x256xi32>)  : i32 {
      %mul3A_239 = arith.constant 512 : i32
      %mul3A_240 = arith.muli %while3A_236, %mul3A_239 : i32
      %add3A = arith.addi %get3A_0, %mul3A_240 : i32
      %min3A = arith.constant 7680 : i32
      %min3A_241 = arith.minsi %add3A, %min3A : i32
      %mul3A_242 = arith.constant 512 : i32
      %mul3A_243 = arith.muli %while3A_236, %mul3A_242 : i32
      %get3A_244 = arith.index_cast %mul3A_243 : i32 to index
      %get3A_245 = arith.constant 0 : index
      %get3A_246 = vector.load %arg9[%get3A_244, %get3A_245] : memref<8192x256xf32, #tpu.memory_space<vmem>>, vector<512x256xf32>
      %sub3A = vector.broadcast %min3A_241 : i32 to vector<1x256xi32>
      %sub3A_247 = arith.subi %while3A_46#1, %sub3A : vector<1x256xi32>
      %eq3A = vector.broadcast %sub3A_247 : vector<1x256xi32> to vector<512x256xi32>
      %eq3A_248 = arith.cmpi eq, %iota3A, %eq3A : vector<512x256xi32>
      %jit3A = arith.constant 2.000000e+30 : f32
      %broadcast_in_dim3A_249 = vector.broadcast %jit3A : f32 to vector<512x256xf32>
      %select_n3A = arith.select %eq3A_248, %broadcast_in_dim3A_249, %get3A_246 : vector<512x256xi1>, vector<512x256xf32>
      %mul3A_250 = arith.constant 512 : i32
      %mul3A_251 = arith.muli %while3A_236, %mul3A_250 : i32
      %swap3A_252 = arith.index_cast %mul3A_251 : i32 to index
      %swap3A_253 = arith.constant 0 : index
      %swap3A_254 = vector.load %arg9[%swap3A_252, %swap3A_253] : memref<8192x256xf32, #tpu.memory_space<vmem>>, vector<512x256xf32>
      tpu.vector_store %arg9[%swap3A_252, %swap3A_253], %select_n3A {strides = array<i32>} : memref<8192x256xf32, #tpu.memory_space<vmem>>, vector<512x256xf32>,
      %reduce_min3A = arith.constant dense<0x7F800000> : vector<256xf32>
      %reduce_min3A_255 = vector.multi_reduction <minimumf>, %select_n3A, %reduce_min3A [0] : vector<512x256xf32> to vector<256xf32>
      %broadcast_in_dim3A_256 = vector.shape_cast %reduce_min3A_255 : vector<256xf32> to vector<1x256xf32>
      %eq3A_257 = vector.broadcast %broadcast_in_dim3A_256 : vector<1x256xf32> to vector<512x256xf32>
      %eq3A_258 = arith.cmpf oeq, %select_n3A, %eq3A_257 : vector<512x256xf32>
      %jit3A_259 = arith.constant 1073741824 : i32
      %broadcast_in_dim3A_260 = vector.broadcast %jit3A_259 : i32 to vector<512x256xi32>
      %select_n3A_261 = arith.select %eq3A_258, %iota3A, %broadcast_in_dim3A_260 : vector<512x256xi1>, vector<512x256xi32>
      %reduce_min3A_262 = arith.constant dense<2147483647> : vector<256xi32>
      %reduce_min3A_263 = vector.multi_reduction <minsi>, %select_n3A_261, %reduce_min3A_262 [0] : vector<512x256xi32> to vector<256xi32>
      %broadcast_in_dim3A_264 = vector.shape_cast %reduce_min3A_263 : vector<256xi32> to vector<1x256xi32>
      %add3A_265 = vector.broadcast %min3A_241 : i32 to vector<1x256xi32>
      %add3A_266 = arith.addi %broadcast_in_dim3A_264, %add3A_265 : vector<1x256xi32>
      %lt3A = arith.cmpf olt, %broadcast_in_dim3A_256, %while3A_237 : vector<1x256xf32>
      %min3A_267 = arith.minimumf %while3A_237, %broadcast_in_dim3A_256 : vector<1x256xf32>
      %select_n3A_268 = arith.select %lt3A, %add3A_266, %while3A_238 : vector<1x256xi1>, vector<1x256xi32>
      scf.yield %min3A_267, %select_n3A_268 : vector<1x256xf32>, vector<1x256xi32>
    }
    %while3A_58 = arith.constant 0 : i32
    %while3A_59 = arith.subi %get3A_2, %while3A_58 : i32
    %while3A_60 = arith.addi %while3A_58, %while3A_59 : i32
    %while3A_61 = arith.constant 1 : i32
    %while3A_62 = arith.divsi %while3A_59, %while3A_61 : i32
    %while3A_63 = arith.muli %while3A_62, %while3A_61 : i32
    %while3A_64 = arith.addi %while3A_58, %while3A_63 : i32
    %while3A_65 = arith.constant 1 : i32
    %while3A_66:2 = scf.for %while3A_236 = %while3A_58 to %while3A_64 step %while3A_65 iter_args(%while3A_237 = %broadcast_in_dim3A_12, %while3A_238 = %broadcast_in_dim3A_14) -> (vector<1x256xf32>, vector<1x256xi32>)  : i32 {
      %mul3A_239 = arith.constant 512 : i32
      %mul3A_240 = arith.muli %while3A_236, %mul3A_239 : i32
      %add3A = arith.addi %get3A_0, %mul3A_240 : i32
      %min3A = arith.constant 7680 : i32
      %min3A_241 = arith.minsi %add3A, %min3A : i32
      %mul3A_242 = arith.constant 512 : i32
      %mul3A_243 = arith.muli %while3A_236, %mul3A_242 : i32
      %get3A_244 = arith.index_cast %mul3A_243 : i32 to index
      %get3A_245 = arith.constant 0 : index
      %get3A_246 = vector.load %arg9[%get3A_244, %get3A_245] : memref<8192x256xf32, #tpu.memory_space<vmem>>, vector<512x256xf32>
      %sub3A = vector.broadcast %min3A_241 : i32 to vector<1x256xi32>
      %sub3A_247 = arith.subi %while3A_57#1, %sub3A : vector<1x256xi32>
      %eq3A = vector.broadcast %sub3A_247 : vector<1x256xi32> to vector<512x256xi32>
      %eq3A_248 = arith.cmpi eq, %iota3A, %eq3A : vector<512x256xi32>
      %jit3A = arith.constant 2.000000e+30 : f32
      %broadcast_in_dim3A_249 = vector.broadcast %jit3A : f32 to vector<512x256xf32>
      %select_n3A = arith.select %eq3A_248, %broadcast_in_dim3A_249, %get3A_246 : vector<512x256xi1>, vector<512x256xf32>
      %mul3A_250 = arith.constant 512 : i32
      %mul3A_251 = arith.muli %while3A_236, %mul3A_250 : i32
      %swap3A_252 = arith.index_cast %mul3A_251 : i32 to index
      %swap3A_253 = arith.constant 0 : index
      %swap3A_254 = vector.load %arg9[%swap3A_252, %swap3A_253] : memref<8192x256xf32, #tpu.memory_space<vmem>>, vector<512x256xf32>
      tpu.vector_store %arg9[%swap3A_252, %swap3A_253], %select_n3A {strides = array<i32>} : memref<8192x256xf32, #tpu.memory_space<vmem>>, vector<512x256xf32>,
      %reduce_min3A = arith.constant dense<0x7F800000> : vector<256xf32>
      %reduce_min3A_255 = vector.multi_reduction <minimumf>, %select_n3A, %reduce_min3A [0] : vector<512x256xf32> to vector<256xf32>
      %broadcast_in_dim3A_256 = vector.shape_cast %reduce_min3A_255 : vector<256xf32> to vector<1x256xf32>
      %eq3A_257 = vector.broadcast %broadcast_in_dim3A_256 : vector<1x256xf32> to vector<512x256xf32>
      %eq3A_258 = arith.cmpf oeq, %select_n3A, %eq3A_257 : vector<512x256xf32>
      %jit3A_259 = arith.constant 1073741824 : i32
      %broadcast_in_dim3A_260 = vector.broadcast %jit3A_259 : i32 to vector<512x256xi32>
      %select_n3A_261 = arith.select %eq3A_258, %iota3A, %broadcast_in_dim3A_260 : vector<512x256xi1>, vector<512x256xi32>
      %reduce_min3A_262 = arith.constant dense<2147483647> : vector<256xi32>
      %reduce_min3A_263 = vector.multi_reduction <minsi>, %select_n3A_261, %reduce_min3A_262 [0] : vector<512x256xi32> to vector<256xi32>
      %broadcast_in_dim3A_264 = vector.shape_cast %reduce_min3A_263 : vector<256xi32> to vector<1x256xi32>
      %add3A_265 = vector.broadcast %min3A_241 : i32 to vector<1x256xi32>
      %add3A_266 = arith.addi %broadcast_in_dim3A_264, %add3A_265 : vector<1x256xi32>
      %lt3A = arith.cmpf olt, %broadcast_in_dim3A_256, %while3A_237 : vector<1x256xf32>
      %min3A_267 = arith.minimumf %while3A_237, %broadcast_in_dim3A_256 : vector<1x256xf32>
      %select_n3A_268 = arith.select %lt3A, %add3A_266, %while3A_238 : vector<1x256xi1>, vector<1x256xi32>
      scf.yield %min3A_267, %select_n3A_268 : vector<1x256xf32>, vector<1x256xi32>
    }
    %while3A_67 = arith.constant 1 : i32
    %while3A_68:2 = scf.for %while3A_236 = %while3A_64 to %while3A_60 step %while3A_67 iter_args(%while3A_237 = %while3A_66#0, %while3A_238 = %while3A_66#1) -> (vector<1x256xf32>, vector<1x256xi32>)  : i32 {
      %mul3A_239 = arith.constant 512 : i32
      %mul3A_240 = arith.muli %while3A_236, %mul3A_239 : i32
      %add3A = arith.addi %get3A_0, %mul3A_240 : i32
      %min3A = arith.constant 7680 : i32
      %min3A_241 = arith.minsi %add3A, %min3A : i32
      %mul3A_242 = arith.constant 512 : i32
      %mul3A_243 = arith.muli %while3A_236, %mul3A_242 : i32
      %get3A_244 = arith.index_cast %mul3A_243 : i32 to index
      %get3A_245 = arith.constant 0 : index
      %get3A_246 = vector.load %arg9[%get3A_244, %get3A_245] : memref<8192x256xf32, #tpu.memory_space<vmem>>, vector<512x256xf32>
      %sub3A = vector.broadcast %min3A_241 : i32 to vector<1x256xi32>
      %sub3A_247 = arith.subi %while3A_57#1, %sub3A : vector<1x256xi32>
      %eq3A = vector.broadcast %sub3A_247 : vector<1x256xi32> to vector<512x256xi32>
      %eq3A_248 = arith.cmpi eq, %iota3A, %eq3A : vector<512x256xi32>
      %jit3A = arith.constant 2.000000e+30 : f32
      %broadcast_in_dim3A_249 = vector.broadcast %jit3A : f32 to vector<512x256xf32>
      %select_n3A = arith.select %eq3A_248, %broadcast_in_dim3A_249, %get3A_246 : vector<512x256xi1>, vector<512x256xf32>
      %mul3A_250 = arith.constant 512 : i32
      %mul3A_251 = arith.muli %while3A_236, %mul3A_250 : i32
      %swap3A_252 = arith.index_cast %mul3A_251 : i32 to index
      %swap3A_253 = arith.constant 0 : index
      %swap3A_254 = vector.load %arg9[%swap3A_252, %swap3A_253] : memref<8192x256xf32, #tpu.memory_space<vmem>>, vector<512x256xf32>
      tpu.vector_store %arg9[%swap3A_252, %swap3A_253], %select_n3A {strides = array<i32>} : memref<8192x256xf32, #tpu.memory_space<vmem>>, vector<512x256xf32>,
      %reduce_min3A = arith.constant dense<0x7F800000> : vector<256xf32>
      %reduce_min3A_255 = vector.multi_reduction <minimumf>, %select_n3A, %reduce_min3A [0] : vector<512x256xf32> to vector<256xf32>
      %broadcast_in_dim3A_256 = vector.shape_cast %reduce_min3A_255 : vector<256xf32> to vector<1x256xf32>
      %eq3A_257 = vector.broadcast %broadcast_in_dim3A_256 : vector<1x256xf32> to vector<512x256xf32>
      %eq3A_258 = arith.cmpf oeq, %select_n3A, %eq3A_257 : vector<512x256xf32>
      %jit3A_259 = arith.constant 1073741824 : i32
      %broadcast_in_dim3A_260 = vector.broadcast %jit3A_259 : i32 to vector<512x256xi32>
      %select_n3A_261 = arith.select %eq3A_258, %iota3A, %broadcast_in_dim3A_260 : vector<512x256xi1>, vector<512x256xi32>
      %reduce_min3A_262 = arith.constant dense<2147483647> : vector<256xi32>
      %reduce_min3A_263 = vector.multi_reduction <minsi>, %select_n3A_261, %reduce_min3A_262 [0] : vector<512x256xi32> to vector<256xi32>
      %broadcast_in_dim3A_264 = vector.shape_cast %reduce_min3A_263 : vector<256xi32> to vector<1x256xi32>
      %add3A_265 = vector.broadcast %min3A_241 : i32 to vector<1x256xi32>
      %add3A_266 = arith.addi %broadcast_in_dim3A_264, %add3A_265 : vector<1x256xi32>
      %lt3A = arith.cmpf olt, %broadcast_in_dim3A_256, %while3A_237 : vector<1x256xf32>
      %min3A_267 = arith.minimumf %while3A_237, %broadcast_in_dim3A_256 : vector<1x256xf32>
      %select_n3A_268 = arith.select %lt3A, %add3A_266, %while3A_238 : vector<1x256xi1>, vector<1x256xi32>
      scf.yield %min3A_267, %select_n3A_268 : vector<1x256xf32>, vector<1x256xi32>
    }
    %while3A_69 = arith.constant 0 : i32
    %while3A_70 = arith.subi %get3A_2, %while3A_69 : i32
    %while3A_71 = arith.addi %while3A_69, %while3A_70 : i32
    %while3A_72 = arith.constant 1 : i32
    %while3A_73 = arith.divsi %while3A_70, %while3A_72 : i32
    %while3A_74 = arith.muli %while3A_73, %while3A_72 : i32
    %while3A_75 = arith.addi %while3A_69, %while3A_74 : i32
    %while3A_76 = arith.constant 1 : i32
    %while3A_77:2 = scf.for %while3A_236 = %while3A_69 to %while3A_75 step %while3A_76 iter_args(%while3A_237 = %broadcast_in_dim3A_12, %while3A_238 = %broadcast_in_dim3A_14) -> (vector<1x256xf32>, vector<1x256xi32>)  : i32 {
      %mul3A_239 = arith.constant 512 : i32
      %mul3A_240 = arith.muli %while3A_236, %mul3A_239 : i32
      %add3A = arith.addi %get3A_0, %mul3A_240 : i32
      %min3A = arith.constant 7680 : i32
      %min3A_241 = arith.minsi %add3A, %min3A : i32
      %mul3A_242 = arith.constant 512 : i32
      %mul3A_243 = arith.muli %while3A_236, %mul3A_242 : i32
      %get3A_244 = arith.index_cast %mul3A_243 : i32 to index
      %get3A_245 = arith.constant 0 : index
      %get3A_246 = vector.load %arg9[%get3A_244, %get3A_245] : memref<8192x256xf32, #tpu.memory_space<vmem>>, vector<512x256xf32>
      %sub3A = vector.broadcast %min3A_241 : i32 to vector<1x256xi32>
      %sub3A_247 = arith.subi %while3A_68#1, %sub3A : vector<1x256xi32>
      %eq3A = vector.broadcast %sub3A_247 : vector<1x256xi32> to vector<512x256xi32>
      %eq3A_248 = arith.cmpi eq, %iota3A, %eq3A : vector<512x256xi32>
      %jit3A = arith.constant 2.000000e+30 : f32
      %broadcast_in_dim3A_249 = vector.broadcast %jit3A : f32 to vector<512x256xf32>
      %select_n3A = arith.select %eq3A_248, %broadcast_in_dim3A_249, %get3A_246 : vector<512x256xi1>, vector<512x256xf32>
      %mul3A_250 = arith.constant 512 : i32
      %mul3A_251 = arith.muli %while3A_236, %mul3A_250 : i32
      %swap3A_252 = arith.index_cast %mul3A_251 : i32 to index
      %swap3A_253 = arith.constant 0 : index
      %swap3A_254 = vector.load %arg9[%swap3A_252, %swap3A_253] : memref<8192x256xf32, #tpu.memory_space<vmem>>, vector<512x256xf32>
      tpu.vector_store %arg9[%swap3A_252, %swap3A_253], %select_n3A {strides = array<i32>} : memref<8192x256xf32, #tpu.memory_space<vmem>>, vector<512x256xf32>,
      %reduce_min3A = arith.constant dense<0x7F800000> : vector<256xf32>
      %reduce_min3A_255 = vector.multi_reduction <minimumf>, %select_n3A, %reduce_min3A [0] : vector<512x256xf32> to vector<256xf32>
      %broadcast_in_dim3A_256 = vector.shape_cast %reduce_min3A_255 : vector<256xf32> to vector<1x256xf32>
      %eq3A_257 = vector.broadcast %broadcast_in_dim3A_256 : vector<1x256xf32> to vector<512x256xf32>
      %eq3A_258 = arith.cmpf oeq, %select_n3A, %eq3A_257 : vector<512x256xf32>
      %jit3A_259 = arith.constant 1073741824 : i32
      %broadcast_in_dim3A_260 = vector.broadcast %jit3A_259 : i32 to vector<512x256xi32>
      %select_n3A_261 = arith.select %eq3A_258, %iota3A, %broadcast_in_dim3A_260 : vector<512x256xi1>, vector<512x256xi32>
      %reduce_min3A_262 = arith.constant dense<2147483647> : vector<256xi32>
      %reduce_min3A_263 = vector.multi_reduction <minsi>, %select_n3A_261, %reduce_min3A_262 [0] : vector<512x256xi32> to vector<256xi32>
      %broadcast_in_dim3A_264 = vector.shape_cast %reduce_min3A_263 : vector<256xi32> to vector<1x256xi32>
      %add3A_265 = vector.broadcast %min3A_241 : i32 to vector<1x256xi32>
      %add3A_266 = arith.addi %broadcast_in_dim3A_264, %add3A_265 : vector<1x256xi32>
      %lt3A = arith.cmpf olt, %broadcast_in_dim3A_256, %while3A_237 : vector<1x256xf32>
      %min3A_267 = arith.minimumf %while3A_237, %broadcast_in_dim3A_256 : vector<1x256xf32>
      %select_n3A_268 = arith.select %lt3A, %add3A_266, %while3A_238 : vector<1x256xi1>, vector<1x256xi32>
      scf.yield %min3A_267, %select_n3A_268 : vector<1x256xf32>, vector<1x256xi32>
    }
    %while3A_78 = arith.constant 1 : i32
    %while3A_79:2 = scf.for %while3A_236 = %while3A_75 to %while3A_71 step %while3A_78 iter_args(%while3A_237 = %while3A_77#0, %while3A_238 = %while3A_77#1) -> (vector<1x256xf32>, vector<1x256xi32>)  : i32 {
      %mul3A_239 = arith.constant 512 : i32
      %mul3A_240 = arith.muli %while3A_236, %mul3A_239 : i32
      %add3A = arith.addi %get3A_0, %mul3A_240 : i32
      %min3A = arith.constant 7680 : i32
      %min3A_241 = arith.minsi %add3A, %min3A : i32
      %mul3A_242 = arith.constant 512 : i32
      %mul3A_243 = arith.muli %while3A_236, %mul3A_242 : i32
      %get3A_244 = arith.index_cast %mul3A_243 : i32 to index
      %get3A_245 = arith.constant 0 : index
      %get3A_246 = vector.load %arg9[%get3A_244, %get3A_245] : memref<8192x256xf32, #tpu.memory_space<vmem>>, vector<512x256xf32>
      %sub3A = vector.broadcast %min3A_241 : i32 to vector<1x256xi32>
      %sub3A_247 = arith.subi %while3A_68#1, %sub3A : vector<1x256xi32>
      %eq3A = vector.broadcast %sub3A_247 : vector<1x256xi32> to vector<512x256xi32>
      %eq3A_248 = arith.cmpi eq, %iota3A, %eq3A : vector<512x256xi32>
      %jit3A = arith.constant 2.000000e+30 : f32
      %broadcast_in_dim3A_249 = vector.broadcast %jit3A : f32 to vector<512x256xf32>
      %select_n3A = arith.select %eq3A_248, %broadcast_in_dim3A_249, %get3A_246 : vector<512x256xi1>, vector<512x256xf32>
      %mul3A_250 = arith.constant 512 : i32
      %mul3A_251 = arith.muli %while3A_236, %mul3A_250 : i32
      %swap3A_252 = arith.index_cast %mul3A_251 : i32 to index
      %swap3A_253 = arith.constant 0 : index
      %swap3A_254 = vector.load %arg9[%swap3A_252, %swap3A_253] : memref<8192x256xf32, #tpu.memory_space<vmem>>, vector<512x256xf32>
      tpu.vector_store %arg9[%swap3A_252, %swap3A_253], %select_n3A {strides = array<i32>} : memref<8192x256xf32, #tpu.memory_space<vmem>>, vector<512x256xf32>,
      %reduce_min3A = arith.constant dense<0x7F800000> : vector<256xf32>
      %reduce_min3A_255 = vector.multi_reduction <minimumf>, %select_n3A, %reduce_min3A [0] : vector<512x256xf32> to vector<256xf32>
      %broadcast_in_dim3A_256 = vector.shape_cast %reduce_min3A_255 : vector<256xf32> to vector<1x256xf32>
      %eq3A_257 = vector.broadcast %broadcast_in_dim3A_256 : vector<1x256xf32> to vector<512x256xf32>
      %eq3A_258 = arith.cmpf oeq, %select_n3A, %eq3A_257 : vector<512x256xf32>
      %jit3A_259 = arith.constant 1073741824 : i32
      %broadcast_in_dim3A_260 = vector.broadcast %jit3A_259 : i32 to vector<512x256xi32>
      %select_n3A_261 = arith.select %eq3A_258, %iota3A, %broadcast_in_dim3A_260 : vector<512x256xi1>, vector<512x256xi32>
      %reduce_min3A_262 = arith.constant dense<2147483647> : vector<256xi32>
      %reduce_min3A_263 = vector.multi_reduction <minsi>, %select_n3A_261, %reduce_min3A_262 [0] : vector<512x256xi32> to vector<256xi32>
      %broadcast_in_dim3A_264 = vector.shape_cast %reduce_min3A_263 : vector<256xi32> to vector<1x256xi32>
      %add3A_265 = vector.broadcast %min3A_241 : i32 to vector<1x256xi32>
      %add3A_266 = arith.addi %broadcast_in_dim3A_264, %add3A_265 : vector<1x256xi32>
      %lt3A = arith.cmpf olt, %broadcast_in_dim3A_256, %while3A_237 : vector<1x256xf32>
      %min3A_267 = arith.minimumf %while3A_237, %broadcast_in_dim3A_256 : vector<1x256xf32>
      %select_n3A_268 = arith.select %lt3A, %add3A_266, %while3A_238 : vector<1x256xi1>, vector<1x256xi32>
      scf.yield %min3A_267, %select_n3A_268 : vector<1x256xf32>, vector<1x256xi32>
    }
    %while3A_80 = arith.constant 0 : i32
    %while3A_81 = arith.subi %get3A_2, %while3A_80 : i32
    %while3A_82 = arith.addi %while3A_80, %while3A_81 : i32
    %while3A_83 = arith.constant 1 : i32
    %while3A_84 = arith.divsi %while3A_81, %while3A_83 : i32
    %while3A_85 = arith.muli %while3A_84, %while3A_83 : i32
    %while3A_86 = arith.addi %while3A_80, %while3A_85 : i32
    %while3A_87 = arith.constant 1 : i32
    %while3A_88:2 = scf.for %while3A_236 = %while3A_80 to %while3A_86 step %while3A_87 iter_args(%while3A_237 = %broadcast_in_dim3A_12, %while3A_238 = %broadcast_in_dim3A_14) -> (vector<1x256xf32>, vector<1x256xi32>)  : i32 {
      %mul3A_239 = arith.constant 512 : i32
      %mul3A_240 = arith.muli %while3A_236, %mul3A_239 : i32
      %add3A = arith.addi %get3A_0, %mul3A_240 : i32
      %min3A = arith.constant 7680 : i32
      %min3A_241 = arith.minsi %add3A, %min3A : i32
      %mul3A_242 = arith.constant 512 : i32
      %mul3A_243 = arith.muli %while3A_236, %mul3A_242 : i32
      %get3A_244 = arith.index_cast %mul3A_243 : i32 to index
      %get3A_245 = arith.constant 0 : index
      %get3A_246 = vector.load %arg9[%get3A_244, %get3A_245] : memref<8192x256xf32, #tpu.memory_space<vmem>>, vector<512x256xf32>
      %sub3A = vector.broadcast %min3A_241 : i32 to vector<1x256xi32>
      %sub3A_247 = arith.subi %while3A_79#1, %sub3A : vector<1x256xi32>
      %eq3A = vector.broadcast %sub3A_247 : vector<1x256xi32> to vector<512x256xi32>
      %eq3A_248 = arith.cmpi eq, %iota3A, %eq3A : vector<512x256xi32>
      %jit3A = arith.constant 2.000000e+30 : f32
      %broadcast_in_dim3A_249 = vector.broadcast %jit3A : f32 to vector<512x256xf32>
      %select_n3A = arith.select %eq3A_248, %broadcast_in_dim3A_249, %get3A_246 : vector<512x256xi1>, vector<512x256xf32>
      %mul3A_250 = arith.constant 512 : i32
      %mul3A_251 = arith.muli %while3A_236, %mul3A_250 : i32
      %swap3A_252 = arith.index_cast %mul3A_251 : i32 to index
      %swap3A_253 = arith.constant 0 : index
      %swap3A_254 = vector.load %arg9[%swap3A_252, %swap3A_253] : memref<8192x256xf32, #tpu.memory_space<vmem>>, vector<512x256xf32>
      tpu.vector_store %arg9[%swap3A_252, %swap3A_253], %select_n3A {strides = array<i32>} : memref<8192x256xf32, #tpu.memory_space<vmem>>, vector<512x256xf32>,
      %reduce_min3A = arith.constant dense<0x7F800000> : vector<256xf32>
      %reduce_min3A_255 = vector.multi_reduction <minimumf>, %select_n3A, %reduce_min3A [0] : vector<512x256xf32> to vector<256xf32>
      %broadcast_in_dim3A_256 = vector.shape_cast %reduce_min3A_255 : vector<256xf32> to vector<1x256xf32>
      %eq3A_257 = vector.broadcast %broadcast_in_dim3A_256 : vector<1x256xf32> to vector<512x256xf32>
      %eq3A_258 = arith.cmpf oeq, %select_n3A, %eq3A_257 : vector<512x256xf32>
      %jit3A_259 = arith.constant 1073741824 : i32
      %broadcast_in_dim3A_260 = vector.broadcast %jit3A_259 : i32 to vector<512x256xi32>
      %select_n3A_261 = arith.select %eq3A_258, %iota3A, %broadcast_in_dim3A_260 : vector<512x256xi1>, vector<512x256xi32>
      %reduce_min3A_262 = arith.constant dense<2147483647> : vector<256xi32>
      %reduce_min3A_263 = vector.multi_reduction <minsi>, %select_n3A_261, %reduce_min3A_262 [0] : vector<512x256xi32> to vector<256xi32>
      %broadcast_in_dim3A_264 = vector.shape_cast %reduce_min3A_263 : vector<256xi32> to vector<1x256xi32>
      %add3A_265 = vector.broadcast %min3A_241 : i32 to vector<1x256xi32>
      %add3A_266 = arith.addi %broadcast_in_dim3A_264, %add3A_265 : vector<1x256xi32>
      %lt3A = arith.cmpf olt, %broadcast_in_dim3A_256, %while3A_237 : vector<1x256xf32>
      %min3A_267 = arith.minimumf %while3A_237, %broadcast_in_dim3A_256 : vector<1x256xf32>
      %select_n3A_268 = arith.select %lt3A, %add3A_266, %while3A_238 : vector<1x256xi1>, vector<1x256xi32>
      scf.yield %min3A_267, %select_n3A_268 : vector<1x256xf32>, vector<1x256xi32>
    }
    %while3A_89 = arith.constant 1 : i32
    %while3A_90:2 = scf.for %while3A_236 = %while3A_86 to %while3A_82 step %while3A_89 iter_args(%while3A_237 = %while3A_88#0, %while3A_238 = %while3A_88#1) -> (vector<1x256xf32>, vector<1x256xi32>)  : i32 {
      %mul3A_239 = arith.constant 512 : i32
      %mul3A_240 = arith.muli %while3A_236, %mul3A_239 : i32
      %add3A = arith.addi %get3A_0, %mul3A_240 : i32
      %min3A = arith.constant 7680 : i32
      %min3A_241 = arith.minsi %add3A, %min3A : i32
      %mul3A_242 = arith.constant 512 : i32
      %mul3A_243 = arith.muli %while3A_236, %mul3A_242 : i32
      %get3A_244 = arith.index_cast %mul3A_243 : i32 to index
      %get3A_245 = arith.constant 0 : index
      %get3A_246 = vector.load %arg9[%get3A_244, %get3A_245] : memref<8192x256xf32, #tpu.memory_space<vmem>>, vector<512x256xf32>
      %sub3A = vector.broadcast %min3A_241 : i32 to vector<1x256xi32>
      %sub3A_247 = arith.subi %while3A_79#1, %sub3A : vector<1x256xi32>
      %eq3A = vector.broadcast %sub3A_247 : vector<1x256xi32> to vector<512x256xi32>
      %eq3A_248 = arith.cmpi eq, %iota3A, %eq3A : vector<512x256xi32>
      %jit3A = arith.constant 2.000000e+30 : f32
      %broadcast_in_dim3A_249 = vector.broadcast %jit3A : f32 to vector<512x256xf32>
      %select_n3A = arith.select %eq3A_248, %broadcast_in_dim3A_249, %get3A_246 : vector<512x256xi1>, vector<512x256xf32>
      %mul3A_250 = arith.constant 512 : i32
      %mul3A_251 = arith.muli %while3A_236, %mul3A_250 : i32
      %swap3A_252 = arith.index_cast %mul3A_251 : i32 to index
      %swap3A_253 = arith.constant 0 : index
      %swap3A_254 = vector.load %arg9[%swap3A_252, %swap3A_253] : memref<8192x256xf32, #tpu.memory_space<vmem>>, vector<512x256xf32>
      tpu.vector_store %arg9[%swap3A_252, %swap3A_253], %select_n3A {strides = array<i32>} : memref<8192x256xf32, #tpu.memory_space<vmem>>, vector<512x256xf32>,
      %reduce_min3A = arith.constant dense<0x7F800000> : vector<256xf32>
      %reduce_min3A_255 = vector.multi_reduction <minimumf>, %select_n3A, %reduce_min3A [0] : vector<512x256xf32> to vector<256xf32>
      %broadcast_in_dim3A_256 = vector.shape_cast %reduce_min3A_255 : vector<256xf32> to vector<1x256xf32>
      %eq3A_257 = vector.broadcast %broadcast_in_dim3A_256 : vector<1x256xf32> to vector<512x256xf32>
      %eq3A_258 = arith.cmpf oeq, %select_n3A, %eq3A_257 : vector<512x256xf32>
      %jit3A_259 = arith.constant 1073741824 : i32
      %broadcast_in_dim3A_260 = vector.broadcast %jit3A_259 : i32 to vector<512x256xi32>
      %select_n3A_261 = arith.select %eq3A_258, %iota3A, %broadcast_in_dim3A_260 : vector<512x256xi1>, vector<512x256xi32>
      %reduce_min3A_262 = arith.constant dense<2147483647> : vector<256xi32>
      %reduce_min3A_263 = vector.multi_reduction <minsi>, %select_n3A_261, %reduce_min3A_262 [0] : vector<512x256xi32> to vector<256xi32>
      %broadcast_in_dim3A_264 = vector.shape_cast %reduce_min3A_263 : vector<256xi32> to vector<1x256xi32>
      %add3A_265 = vector.broadcast %min3A_241 : i32 to vector<1x256xi32>
      %add3A_266 = arith.addi %broadcast_in_dim3A_264, %add3A_265 : vector<1x256xi32>
      %lt3A = arith.cmpf olt, %broadcast_in_dim3A_256, %while3A_237 : vector<1x256xf32>
      %min3A_267 = arith.minimumf %while3A_237, %broadcast_in_dim3A_256 : vector<1x256xf32>
      %select_n3A_268 = arith.select %lt3A, %add3A_266, %while3A_238 : vector<1x256xi1>, vector<1x256xi32>
      scf.yield %min3A_267, %select_n3A_268 : vector<1x256xf32>, vector<1x256xi32>
    }
    %while3A_91 = arith.constant 0 : i32
    %while3A_92 = arith.subi %get3A_2, %while3A_91 : i32
    %while3A_93 = arith.addi %while3A_91, %while3A_92 : i32
    %while3A_94 = arith.constant 1 : i32
    %while3A_95 = arith.divsi %while3A_92, %while3A_94 : i32
    %while3A_96 = arith.muli %while3A_95, %while3A_94 : i32
    %while3A_97 = arith.addi %while3A_91, %while3A_96 : i32
    %while3A_98 = arith.constant 1 : i32
    %while3A_99:2 = scf.for %while3A_236 = %while3A_91 to %while3A_97 step %while3A_98 iter_args(%while3A_237 = %broadcast_in_dim3A_12, %while3A_238 = %broadcast_in_dim3A_14) -> (vector<1x256xf32>, vector<1x256xi32>)  : i32 {
      %mul3A_239 = arith.constant 512 : i32
      %mul3A_240 = arith.muli %while3A_236, %mul3A_239 : i32
      %add3A = arith.addi %get3A_0, %mul3A_240 : i32
      %min3A = arith.constant 7680 : i32
      %min3A_241 = arith.minsi %add3A, %min3A : i32
      %mul3A_242 = arith.constant 512 : i32
      %mul3A_243 = arith.muli %while3A_236, %mul3A_242 : i32
      %get3A_244 = arith.index_cast %mul3A_243 : i32 to index
      %get3A_245 = arith.constant 0 : index
      %get3A_246 = vector.load %arg9[%get3A_244, %get3A_245] : memref<8192x256xf32, #tpu.memory_space<vmem>>, vector<512x256xf32>
      %sub3A = vector.broadcast %min3A_241 : i32 to vector<1x256xi32>
      %sub3A_247 = arith.subi %while3A_90#1, %sub3A : vector<1x256xi32>
      %eq3A = vector.broadcast %sub3A_247 : vector<1x256xi32> to vector<512x256xi32>
      %eq3A_248 = arith.cmpi eq, %iota3A, %eq3A : vector<512x256xi32>
      %jit3A = arith.constant 2.000000e+30 : f32
      %broadcast_in_dim3A_249 = vector.broadcast %jit3A : f32 to vector<512x256xf32>
      %select_n3A = arith.select %eq3A_248, %broadcast_in_dim3A_249, %get3A_246 : vector<512x256xi1>, vector<512x256xf32>
      %mul3A_250 = arith.constant 512 : i32
      %mul3A_251 = arith.muli %while3A_236, %mul3A_250 : i32
      %swap3A_252 = arith.index_cast %mul3A_251 : i32 to index
      %swap3A_253 = arith.constant 0 : index
      %swap3A_254 = vector.load %arg9[%swap3A_252, %swap3A_253] : memref<8192x256xf32, #tpu.memory_space<vmem>>, vector<512x256xf32>
      tpu.vector_store %arg9[%swap3A_252, %swap3A_253], %select_n3A {strides = array<i32>} : memref<8192x256xf32, #tpu.memory_space<vmem>>, vector<512x256xf32>,
      %reduce_min3A = arith.constant dense<0x7F800000> : vector<256xf32>
      %reduce_min3A_255 = vector.multi_reduction <minimumf>, %select_n3A, %reduce_min3A [0] : vector<512x256xf32> to vector<256xf32>
      %broadcast_in_dim3A_256 = vector.shape_cast %reduce_min3A_255 : vector<256xf32> to vector<1x256xf32>
      %eq3A_257 = vector.broadcast %broadcast_in_dim3A_256 : vector<1x256xf32> to vector<512x256xf32>
      %eq3A_258 = arith.cmpf oeq, %select_n3A, %eq3A_257 : vector<512x256xf32>
      %jit3A_259 = arith.constant 1073741824 : i32
      %broadcast_in_dim3A_260 = vector.broadcast %jit3A_259 : i32 to vector<512x256xi32>
      %select_n3A_261 = arith.select %eq3A_258, %iota3A, %broadcast_in_dim3A_260 : vector<512x256xi1>, vector<512x256xi32>
      %reduce_min3A_262 = arith.constant dense<2147483647> : vector<256xi32>
      %reduce_min3A_263 = vector.multi_reduction <minsi>, %select_n3A_261, %reduce_min3A_262 [0] : vector<512x256xi32> to vector<256xi32>
      %broadcast_in_dim3A_264 = vector.shape_cast %reduce_min3A_263 : vector<256xi32> to vector<1x256xi32>
      %add3A_265 = vector.broadcast %min3A_241 : i32 to vector<1x256xi32>
      %add3A_266 = arith.addi %broadcast_in_dim3A_264, %add3A_265 : vector<1x256xi32>
      %lt3A = arith.cmpf olt, %broadcast_in_dim3A_256, %while3A_237 : vector<1x256xf32>
      %min3A_267 = arith.minimumf %while3A_237, %broadcast_in_dim3A_256 : vector<1x256xf32>
      %select_n3A_268 = arith.select %lt3A, %add3A_266, %while3A_238 : vector<1x256xi1>, vector<1x256xi32>
      scf.yield %min3A_267, %select_n3A_268 : vector<1x256xf32>, vector<1x256xi32>
    }
    %while3A_100 = arith.constant 1 : i32
    %while3A_101:2 = scf.for %while3A_236 = %while3A_97 to %while3A_93 step %while3A_100 iter_args(%while3A_237 = %while3A_99#0, %while3A_238 = %while3A_99#1) -> (vector<1x256xf32>, vector<1x256xi32>)  : i32 {
      %mul3A_239 = arith.constant 512 : i32
      %mul3A_240 = arith.muli %while3A_236, %mul3A_239 : i32
      %add3A = arith.addi %get3A_0, %mul3A_240 : i32
      %min3A = arith.constant 7680 : i32
      %min3A_241 = arith.minsi %add3A, %min3A : i32
      %mul3A_242 = arith.constant 512 : i32
      %mul3A_243 = arith.muli %while3A_236, %mul3A_242 : i32
      %get3A_244 = arith.index_cast %mul3A_243 : i32 to index
      %get3A_245 = arith.constant 0 : index
      %get3A_246 = vector.load %arg9[%get3A_244, %get3A_245] : memref<8192x256xf32, #tpu.memory_space<vmem>>, vector<512x256xf32>
      %sub3A = vector.broadcast %min3A_241 : i32 to vector<1x256xi32>
      %sub3A_247 = arith.subi %while3A_90#1, %sub3A : vector<1x256xi32>
      %eq3A = vector.broadcast %sub3A_247 : vector<1x256xi32> to vector<512x256xi32>
      %eq3A_248 = arith.cmpi eq, %iota3A, %eq3A : vector<512x256xi32>
      %jit3A = arith.constant 2.000000e+30 : f32
      %broadcast_in_dim3A_249 = vector.broadcast %jit3A : f32 to vector<512x256xf32>
      %select_n3A = arith.select %eq3A_248, %broadcast_in_dim3A_249, %get3A_246 : vector<512x256xi1>, vector<512x256xf32>
      %mul3A_250 = arith.constant 512 : i32
      %mul3A_251 = arith.muli %while3A_236, %mul3A_250 : i32
      %swap3A_252 = arith.index_cast %mul3A_251 : i32 to index
      %swap3A_253 = arith.constant 0 : index
      %swap3A_254 = vector.load %arg9[%swap3A_252, %swap3A_253] : memref<8192x256xf32, #tpu.memory_space<vmem>>, vector<512x256xf32>
      tpu.vector_store %arg9[%swap3A_252, %swap3A_253], %select_n3A {strides = array<i32>} : memref<8192x256xf32, #tpu.memory_space<vmem>>, vector<512x256xf32>,
      %reduce_min3A = arith.constant dense<0x7F800000> : vector<256xf32>
      %reduce_min3A_255 = vector.multi_reduction <minimumf>, %select_n3A, %reduce_min3A [0] : vector<512x256xf32> to vector<256xf32>
      %broadcast_in_dim3A_256 = vector.shape_cast %reduce_min3A_255 : vector<256xf32> to vector<1x256xf32>
      %eq3A_257 = vector.broadcast %broadcast_in_dim3A_256 : vector<1x256xf32> to vector<512x256xf32>
      %eq3A_258 = arith.cmpf oeq, %select_n3A, %eq3A_257 : vector<512x256xf32>
      %jit3A_259 = arith.constant 1073741824 : i32
      %broadcast_in_dim3A_260 = vector.broadcast %jit3A_259 : i32 to vector<512x256xi32>
      %select_n3A_261 = arith.select %eq3A_258, %iota3A, %broadcast_in_dim3A_260 : vector<512x256xi1>, vector<512x256xi32>
      %reduce_min3A_262 = arith.constant dense<2147483647> : vector<256xi32>
      %reduce_min3A_263 = vector.multi_reduction <minsi>, %select_n3A_261, %reduce_min3A_262 [0] : vector<512x256xi32> to vector<256xi32>
      %broadcast_in_dim3A_264 = vector.shape_cast %reduce_min3A_263 : vector<256xi32> to vector<1x256xi32>
      %add3A_265 = vector.broadcast %min3A_241 : i32 to vector<1x256xi32>
      %add3A_266 = arith.addi %broadcast_in_dim3A_264, %add3A_265 : vector<1x256xi32>
      %lt3A = arith.cmpf olt, %broadcast_in_dim3A_256, %while3A_237 : vector<1x256xf32>
      %min3A_267 = arith.minimumf %while3A_237, %broadcast_in_dim3A_256 : vector<1x256xf32>
      %select_n3A_268 = arith.select %lt3A, %add3A_266, %while3A_238 : vector<1x256xi1>, vector<1x256xi32>
      scf.yield %min3A_267, %select_n3A_268 : vector<1x256xf32>, vector<1x256xi32>
    }
    %while3A_102 = arith.constant 0 : i32
    %while3A_103 = arith.subi %get3A_2, %while3A_102 : i32
    %while3A_104 = arith.addi %while3A_102, %while3A_103 : i32
    %while3A_105 = arith.constant 1 : i32
    %while3A_106 = arith.divsi %while3A_103, %while3A_105 : i32
    %while3A_107 = arith.muli %while3A_106, %while3A_105 : i32
    %while3A_108 = arith.addi %while3A_102, %while3A_107 : i32
    %while3A_109 = arith.constant 1 : i32
    %while3A_110:2 = scf.for %while3A_236 = %while3A_102 to %while3A_108 step %while3A_109 iter_args(%while3A_237 = %broadcast_in_dim3A_12, %while3A_238 = %broadcast_in_dim3A_14) -> (vector<1x256xf32>, vector<1x256xi32>)  : i32 {
      %mul3A_239 = arith.constant 512 : i32
      %mul3A_240 = arith.muli %while3A_236, %mul3A_239 : i32
      %add3A = arith.addi %get3A_0, %mul3A_240 : i32
      %min3A = arith.constant 7680 : i32
      %min3A_241 = arith.minsi %add3A, %min3A : i32
      %mul3A_242 = arith.constant 512 : i32
      %mul3A_243 = arith.muli %while3A_236, %mul3A_242 : i32
      %get3A_244 = arith.index_cast %mul3A_243 : i32 to index
      %get3A_245 = arith.constant 0 : index
      %get3A_246 = vector.load %arg9[%get3A_244, %get3A_245] : memref<8192x256xf32, #tpu.memory_space<vmem>>, vector<512x256xf32>
      %sub3A = vector.broadcast %min3A_241 : i32 to vector<1x256xi32>
      %sub3A_247 = arith.subi %while3A_101#1, %sub3A : vector<1x256xi32>
      %eq3A = vector.broadcast %sub3A_247 : vector<1x256xi32> to vector<512x256xi32>
      %eq3A_248 = arith.cmpi eq, %iota3A, %eq3A : vector<512x256xi32>
      %jit3A = arith.constant 2.000000e+30 : f32
      %broadcast_in_dim3A_249 = vector.broadcast %jit3A : f32 to vector<512x256xf32>
      %select_n3A = arith.select %eq3A_248, %broadcast_in_dim3A_249, %get3A_246 : vector<512x256xi1>, vector<512x256xf32>
      %mul3A_250 = arith.constant 512 : i32
      %mul3A_251 = arith.muli %while3A_236, %mul3A_250 : i32
      %swap3A_252 = arith.index_cast %mul3A_251 : i32 to index
      %swap3A_253 = arith.constant 0 : index
      %swap3A_254 = vector.load %arg9[%swap3A_252, %swap3A_253] : memref<8192x256xf32, #tpu.memory_space<vmem>>, vector<512x256xf32>
      tpu.vector_store %arg9[%swap3A_252, %swap3A_253], %select_n3A {strides = array<i32>} : memref<8192x256xf32, #tpu.memory_space<vmem>>, vector<512x256xf32>,
      %reduce_min3A = arith.constant dense<0x7F800000> : vector<256xf32>
      %reduce_min3A_255 = vector.multi_reduction <minimumf>, %select_n3A, %reduce_min3A [0] : vector<512x256xf32> to vector<256xf32>
      %broadcast_in_dim3A_256 = vector.shape_cast %reduce_min3A_255 : vector<256xf32> to vector<1x256xf32>
      %eq3A_257 = vector.broadcast %broadcast_in_dim3A_256 : vector<1x256xf32> to vector<512x256xf32>
      %eq3A_258 = arith.cmpf oeq, %select_n3A, %eq3A_257 : vector<512x256xf32>
      %jit3A_259 = arith.constant 1073741824 : i32
      %broadcast_in_dim3A_260 = vector.broadcast %jit3A_259 : i32 to vector<512x256xi32>
      %select_n3A_261 = arith.select %eq3A_258, %iota3A, %broadcast_in_dim3A_260 : vector<512x256xi1>, vector<512x256xi32>
      %reduce_min3A_262 = arith.constant dense<2147483647> : vector<256xi32>
      %reduce_min3A_263 = vector.multi_reduction <minsi>, %select_n3A_261, %reduce_min3A_262 [0] : vector<512x256xi32> to vector<256xi32>
      %broadcast_in_dim3A_264 = vector.shape_cast %reduce_min3A_263 : vector<256xi32> to vector<1x256xi32>
      %add3A_265 = vector.broadcast %min3A_241 : i32 to vector<1x256xi32>
      %add3A_266 = arith.addi %broadcast_in_dim3A_264, %add3A_265 : vector<1x256xi32>
      %lt3A = arith.cmpf olt, %broadcast_in_dim3A_256, %while3A_237 : vector<1x256xf32>
      %min3A_267 = arith.minimumf %while3A_237, %broadcast_in_dim3A_256 : vector<1x256xf32>
      %select_n3A_268 = arith.select %lt3A, %add3A_266, %while3A_238 : vector<1x256xi1>, vector<1x256xi32>
      scf.yield %min3A_267, %select_n3A_268 : vector<1x256xf32>, vector<1x256xi32>
    }
    %while3A_111 = arith.constant 1 : i32
    %while3A_112:2 = scf.for %while3A_236 = %while3A_108 to %while3A_104 step %while3A_111 iter_args(%while3A_237 = %while3A_110#0, %while3A_238 = %while3A_110#1) -> (vector<1x256xf32>, vector<1x256xi32>)  : i32 {
      %mul3A_239 = arith.constant 512 : i32
      %mul3A_240 = arith.muli %while3A_236, %mul3A_239 : i32
      %add3A = arith.addi %get3A_0, %mul3A_240 : i32
      %min3A = arith.constant 7680 : i32
      %min3A_241 = arith.minsi %add3A, %min3A : i32
      %mul3A_242 = arith.constant 512 : i32
      %mul3A_243 = arith.muli %while3A_236, %mul3A_242 : i32
      %get3A_244 = arith.index_cast %mul3A_243 : i32 to index
      %get3A_245 = arith.constant 0 : index
      %get3A_246 = vector.load %arg9[%get3A_244, %get3A_245] : memref<8192x256xf32, #tpu.memory_space<vmem>>, vector<512x256xf32>
      %sub3A = vector.broadcast %min3A_241 : i32 to vector<1x256xi32>
      %sub3A_247 = arith.subi %while3A_101#1, %sub3A : vector<1x256xi32>
      %eq3A = vector.broadcast %sub3A_247 : vector<1x256xi32> to vector<512x256xi32>
      %eq3A_248 = arith.cmpi eq, %iota3A, %eq3A : vector<512x256xi32>
      %jit3A = arith.constant 2.000000e+30 : f32
      %broadcast_in_dim3A_249 = vector.broadcast %jit3A : f32 to vector<512x256xf32>
      %select_n3A = arith.select %eq3A_248, %broadcast_in_dim3A_249, %get3A_246 : vector<512x256xi1>, vector<512x256xf32>
      %mul3A_250 = arith.constant 512 : i32
      %mul3A_251 = arith.muli %while3A_236, %mul3A_250 : i32
      %swap3A_252 = arith.index_cast %mul3A_251 : i32 to index
      %swap3A_253 = arith.constant 0 : index
      %swap3A_254 = vector.load %arg9[%swap3A_252, %swap3A_253] : memref<8192x256xf32, #tpu.memory_space<vmem>>, vector<512x256xf32>
      tpu.vector_store %arg9[%swap3A_252, %swap3A_253], %select_n3A {strides = array<i32>} : memref<8192x256xf32, #tpu.memory_space<vmem>>, vector<512x256xf32>,
      %reduce_min3A = arith.constant dense<0x7F800000> : vector<256xf32>
      %reduce_min3A_255 = vector.multi_reduction <minimumf>, %select_n3A, %reduce_min3A [0] : vector<512x256xf32> to vector<256xf32>
      %broadcast_in_dim3A_256 = vector.shape_cast %reduce_min3A_255 : vector<256xf32> to vector<1x256xf32>
      %eq3A_257 = vector.broadcast %broadcast_in_dim3A_256 : vector<1x256xf32> to vector<512x256xf32>
      %eq3A_258 = arith.cmpf oeq, %select_n3A, %eq3A_257 : vector<512x256xf32>
      %jit3A_259 = arith.constant 1073741824 : i32
      %broadcast_in_dim3A_260 = vector.broadcast %jit3A_259 : i32 to vector<512x256xi32>
      %select_n3A_261 = arith.select %eq3A_258, %iota3A, %broadcast_in_dim3A_260 : vector<512x256xi1>, vector<512x256xi32>
      %reduce_min3A_262 = arith.constant dense<2147483647> : vector<256xi32>
      %reduce_min3A_263 = vector.multi_reduction <minsi>, %select_n3A_261, %reduce_min3A_262 [0] : vector<512x256xi32> to vector<256xi32>
      %broadcast_in_dim3A_264 = vector.shape_cast %reduce_min3A_263 : vector<256xi32> to vector<1x256xi32>
      %add3A_265 = vector.broadcast %min3A_241 : i32 to vector<1x256xi32>
      %add3A_266 = arith.addi %broadcast_in_dim3A_264, %add3A_265 : vector<1x256xi32>
      %lt3A = arith.cmpf olt, %broadcast_in_dim3A_256, %while3A_237 : vector<1x256xf32>
      %min3A_267 = arith.minimumf %while3A_237, %broadcast_in_dim3A_256 : vector<1x256xf32>
      %select_n3A_268 = arith.select %lt3A, %add3A_266, %while3A_238 : vector<1x256xi1>, vector<1x256xi32>
      scf.yield %min3A_267, %select_n3A_268 : vector<1x256xf32>, vector<1x256xi32>
    }
    %while3A_113 = arith.constant 0 : i32
    %while3A_114 = arith.subi %get3A_2, %while3A_113 : i32
    %while3A_115 = arith.addi %while3A_113, %while3A_114 : i32
    %while3A_116 = arith.constant 1 : i32
    %while3A_117 = arith.divsi %while3A_114, %while3A_116 : i32
    %while3A_118 = arith.muli %while3A_117, %while3A_116 : i32
    %while3A_119 = arith.addi %while3A_113, %while3A_118 : i32
    %while3A_120 = arith.constant 1 : i32
    %while3A_121:2 = scf.for %while3A_236 = %while3A_113 to %while3A_119 step %while3A_120 iter_args(%while3A_237 = %broadcast_in_dim3A_12, %while3A_238 = %broadcast_in_dim3A_14) -> (vector<1x256xf32>, vector<1x256xi32>)  : i32 {
      %mul3A_239 = arith.constant 512 : i32
      %mul3A_240 = arith.muli %while3A_236, %mul3A_239 : i32
      %add3A = arith.addi %get3A_0, %mul3A_240 : i32
      %min3A = arith.constant 7680 : i32
      %min3A_241 = arith.minsi %add3A, %min3A : i32
      %mul3A_242 = arith.constant 512 : i32
      %mul3A_243 = arith.muli %while3A_236, %mul3A_242 : i32
      %get3A_244 = arith.index_cast %mul3A_243 : i32 to index
      %get3A_245 = arith.constant 0 : index
      %get3A_246 = vector.load %arg9[%get3A_244, %get3A_245] : memref<8192x256xf32, #tpu.memory_space<vmem>>, vector<512x256xf32>
      %sub3A = vector.broadcast %min3A_241 : i32 to vector<1x256xi32>
      %sub3A_247 = arith.subi %while3A_112#1, %sub3A : vector<1x256xi32>
      %eq3A = vector.broadcast %sub3A_247 : vector<1x256xi32> to vector<512x256xi32>
      %eq3A_248 = arith.cmpi eq, %iota3A, %eq3A : vector<512x256xi32>
      %jit3A = arith.constant 2.000000e+30 : f32
      %broadcast_in_dim3A_249 = vector.broadcast %jit3A : f32 to vector<512x256xf32>
      %select_n3A = arith.select %eq3A_248, %broadcast_in_dim3A_249, %get3A_246 : vector<512x256xi1>, vector<512x256xf32>
      %mul3A_250 = arith.constant 512 : i32
      %mul3A_251 = arith.muli %while3A_236, %mul3A_250 : i32
      %swap3A_252 = arith.index_cast %mul3A_251 : i32 to index
      %swap3A_253 = arith.constant 0 : index
      %swap3A_254 = vector.load %arg9[%swap3A_252, %swap3A_253] : memref<8192x256xf32, #tpu.memory_space<vmem>>, vector<512x256xf32>
      tpu.vector_store %arg9[%swap3A_252, %swap3A_253], %select_n3A {strides = array<i32>} : memref<8192x256xf32, #tpu.memory_space<vmem>>, vector<512x256xf32>,
      %reduce_min3A = arith.constant dense<0x7F800000> : vector<256xf32>
      %reduce_min3A_255 = vector.multi_reduction <minimumf>, %select_n3A, %reduce_min3A [0] : vector<512x256xf32> to vector<256xf32>
      %broadcast_in_dim3A_256 = vector.shape_cast %reduce_min3A_255 : vector<256xf32> to vector<1x256xf32>
      %eq3A_257 = vector.broadcast %broadcast_in_dim3A_256 : vector<1x256xf32> to vector<512x256xf32>
      %eq3A_258 = arith.cmpf oeq, %select_n3A, %eq3A_257 : vector<512x256xf32>
      %jit3A_259 = arith.constant 1073741824 : i32
      %broadcast_in_dim3A_260 = vector.broadcast %jit3A_259 : i32 to vector<512x256xi32>
      %select_n3A_261 = arith.select %eq3A_258, %iota3A, %broadcast_in_dim3A_260 : vector<512x256xi1>, vector<512x256xi32>
      %reduce_min3A_262 = arith.constant dense<2147483647> : vector<256xi32>
      %reduce_min3A_263 = vector.multi_reduction <minsi>, %select_n3A_261, %reduce_min3A_262 [0] : vector<512x256xi32> to vector<256xi32>
      %broadcast_in_dim3A_264 = vector.shape_cast %reduce_min3A_263 : vector<256xi32> to vector<1x256xi32>
      %add3A_265 = vector.broadcast %min3A_241 : i32 to vector<1x256xi32>
      %add3A_266 = arith.addi %broadcast_in_dim3A_264, %add3A_265 : vector<1x256xi32>
      %lt3A = arith.cmpf olt, %broadcast_in_dim3A_256, %while3A_237 : vector<1x256xf32>
      %min3A_267 = arith.minimumf %while3A_237, %broadcast_in_dim3A_256 : vector<1x256xf32>
      %select_n3A_268 = arith.select %lt3A, %add3A_266, %while3A_238 : vector<1x256xi1>, vector<1x256xi32>
      scf.yield %min3A_267, %select_n3A_268 : vector<1x256xf32>, vector<1x256xi32>
    }
    %while3A_122 = arith.constant 1 : i32
    %while3A_123:2 = scf.for %while3A_236 = %while3A_119 to %while3A_115 step %while3A_122 iter_args(%while3A_237 = %while3A_121#0, %while3A_238 = %while3A_121#1) -> (vector<1x256xf32>, vector<1x256xi32>)  : i32 {
      %mul3A_239 = arith.constant 512 : i32
      %mul3A_240 = arith.muli %while3A_236, %mul3A_239 : i32
      %add3A = arith.addi %get3A_0, %mul3A_240 : i32
      %min3A = arith.constant 7680 : i32
      %min3A_241 = arith.minsi %add3A, %min3A : i32
      %mul3A_242 = arith.constant 512 : i32
      %mul3A_243 = arith.muli %while3A_236, %mul3A_242 : i32
      %get3A_244 = arith.index_cast %mul3A_243 : i32 to index
      %get3A_245 = arith.constant 0 : index
      %get3A_246 = vector.load %arg9[%get3A_244, %get3A_245] : memref<8192x256xf32, #tpu.memory_space<vmem>>, vector<512x256xf32>
      %sub3A = vector.broadcast %min3A_241 : i32 to vector<1x256xi32>
      %sub3A_247 = arith.subi %while3A_112#1, %sub3A : vector<1x256xi32>
      %eq3A = vector.broadcast %sub3A_247 : vector<1x256xi32> to vector<512x256xi32>
      %eq3A_248 = arith.cmpi eq, %iota3A, %eq3A : vector<512x256xi32>
      %jit3A = arith.constant 2.000000e+30 : f32
      %broadcast_in_dim3A_249 = vector.broadcast %jit3A : f32 to vector<512x256xf32>
      %select_n3A = arith.select %eq3A_248, %broadcast_in_dim3A_249, %get3A_246 : vector<512x256xi1>, vector<512x256xf32>
      %mul3A_250 = arith.constant 512 : i32
      %mul3A_251 = arith.muli %while3A_236, %mul3A_250 : i32
      %swap3A_252 = arith.index_cast %mul3A_251 : i32 to index
      %swap3A_253 = arith.constant 0 : index
      %swap3A_254 = vector.load %arg9[%swap3A_252, %swap3A_253] : memref<8192x256xf32, #tpu.memory_space<vmem>>, vector<512x256xf32>
      tpu.vector_store %arg9[%swap3A_252, %swap3A_253], %select_n3A {strides = array<i32>} : memref<8192x256xf32, #tpu.memory_space<vmem>>, vector<512x256xf32>,
      %reduce_min3A = arith.constant dense<0x7F800000> : vector<256xf32>
      %reduce_min3A_255 = vector.multi_reduction <minimumf>, %select_n3A, %reduce_min3A [0] : vector<512x256xf32> to vector<256xf32>
      %broadcast_in_dim3A_256 = vector.shape_cast %reduce_min3A_255 : vector<256xf32> to vector<1x256xf32>
      %eq3A_257 = vector.broadcast %broadcast_in_dim3A_256 : vector<1x256xf32> to vector<512x256xf32>
      %eq3A_258 = arith.cmpf oeq, %select_n3A, %eq3A_257 : vector<512x256xf32>
      %jit3A_259 = arith.constant 1073741824 : i32
      %broadcast_in_dim3A_260 = vector.broadcast %jit3A_259 : i32 to vector<512x256xi32>
      %select_n3A_261 = arith.select %eq3A_258, %iota3A, %broadcast_in_dim3A_260 : vector<512x256xi1>, vector<512x256xi32>
      %reduce_min3A_262 = arith.constant dense<2147483647> : vector<256xi32>
      %reduce_min3A_263 = vector.multi_reduction <minsi>, %select_n3A_261, %reduce_min3A_262 [0] : vector<512x256xi32> to vector<256xi32>
      %broadcast_in_dim3A_264 = vector.shape_cast %reduce_min3A_263 : vector<256xi32> to vector<1x256xi32>
      %add3A_265 = vector.broadcast %min3A_241 : i32 to vector<1x256xi32>
      %add3A_266 = arith.addi %broadcast_in_dim3A_264, %add3A_265 : vector<1x256xi32>
      %lt3A = arith.cmpf olt, %broadcast_in_dim3A_256, %while3A_237 : vector<1x256xf32>
      %min3A_267 = arith.minimumf %while3A_237, %broadcast_in_dim3A_256 : vector<1x256xf32>
      %select_n3A_268 = arith.select %lt3A, %add3A_266, %while3A_238 : vector<1x256xi1>, vector<1x256xi32>
      scf.yield %min3A_267, %select_n3A_268 : vector<1x256xf32>, vector<1x256xi32>
    }
    %while3A_124 = arith.constant 0 : i32
    %while3A_125 = arith.subi %get3A_2, %while3A_124 : i32
    %while3A_126 = arith.addi %while3A_124, %while3A_125 : i32
    %while3A_127 = arith.constant 1 : i32
    %while3A_128 = arith.divsi %while3A_125, %while3A_127 : i32
    %while3A_129 = arith.muli %while3A_128, %while3A_127 : i32
    %while3A_130 = arith.addi %while3A_124, %while3A_129 : i32
    %while3A_131 = arith.constant 1 : i32
    %while3A_132:2 = scf.for %while3A_236 = %while3A_124 to %while3A_130 step %while3A_131 iter_args(%while3A_237 = %broadcast_in_dim3A_12, %while3A_238 = %broadcast_in_dim3A_14) -> (vector<1x256xf32>, vector<1x256xi32>)  : i32 {
      %mul3A_239 = arith.constant 512 : i32
      %mul3A_240 = arith.muli %while3A_236, %mul3A_239 : i32
      %add3A = arith.addi %get3A_0, %mul3A_240 : i32
      %min3A = arith.constant 7680 : i32
      %min3A_241 = arith.minsi %add3A, %min3A : i32
      %mul3A_242 = arith.constant 512 : i32
      %mul3A_243 = arith.muli %while3A_236, %mul3A_242 : i32
      %get3A_244 = arith.index_cast %mul3A_243 : i32 to index
      %get3A_245 = arith.constant 0 : index
      %get3A_246 = vector.load %arg9[%get3A_244, %get3A_245] : memref<8192x256xf32, #tpu.memory_space<vmem>>, vector<512x256xf32>
      %sub3A = vector.broadcast %min3A_241 : i32 to vector<1x256xi32>
      %sub3A_247 = arith.subi %while3A_123#1, %sub3A : vector<1x256xi32>
      %eq3A = vector.broadcast %sub3A_247 : vector<1x256xi32> to vector<512x256xi32>
      %eq3A_248 = arith.cmpi eq, %iota3A, %eq3A : vector<512x256xi32>
      %jit3A = arith.constant 2.000000e+30 : f32
      %broadcast_in_dim3A_249 = vector.broadcast %jit3A : f32 to vector<512x256xf32>
      %select_n3A = arith.select %eq3A_248, %broadcast_in_dim3A_249, %get3A_246 : vector<512x256xi1>, vector<512x256xf32>
      %mul3A_250 = arith.constant 512 : i32
      %mul3A_251 = arith.muli %while3A_236, %mul3A_250 : i32
      %swap3A_252 = arith.index_cast %mul3A_251 : i32 to index
      %swap3A_253 = arith.constant 0 : index
      %swap3A_254 = vector.load %arg9[%swap3A_252, %swap3A_253] : memref<8192x256xf32, #tpu.memory_space<vmem>>, vector<512x256xf32>
      tpu.vector_store %arg9[%swap3A_252, %swap3A_253], %select_n3A {strides = array<i32>} : memref<8192x256xf32, #tpu.memory_space<vmem>>, vector<512x256xf32>,
      %reduce_min3A = arith.constant dense<0x7F800000> : vector<256xf32>
      %reduce_min3A_255 = vector.multi_reduction <minimumf>, %select_n3A, %reduce_min3A [0] : vector<512x256xf32> to vector<256xf32>
      %broadcast_in_dim3A_256 = vector.shape_cast %reduce_min3A_255 : vector<256xf32> to vector<1x256xf32>
      %eq3A_257 = vector.broadcast %broadcast_in_dim3A_256 : vector<1x256xf32> to vector<512x256xf32>
      %eq3A_258 = arith.cmpf oeq, %select_n3A, %eq3A_257 : vector<512x256xf32>
      %jit3A_259 = arith.constant 1073741824 : i32
      %broadcast_in_dim3A_260 = vector.broadcast %jit3A_259 : i32 to vector<512x256xi32>
      %select_n3A_261 = arith.select %eq3A_258, %iota3A, %broadcast_in_dim3A_260 : vector<512x256xi1>, vector<512x256xi32>
      %reduce_min3A_262 = arith.constant dense<2147483647> : vector<256xi32>
      %reduce_min3A_263 = vector.multi_reduction <minsi>, %select_n3A_261, %reduce_min3A_262 [0] : vector<512x256xi32> to vector<256xi32>
      %broadcast_in_dim3A_264 = vector.shape_cast %reduce_min3A_263 : vector<256xi32> to vector<1x256xi32>
      %add3A_265 = vector.broadcast %min3A_241 : i32 to vector<1x256xi32>
      %add3A_266 = arith.addi %broadcast_in_dim3A_264, %add3A_265 : vector<1x256xi32>
      %lt3A = arith.cmpf olt, %broadcast_in_dim3A_256, %while3A_237 : vector<1x256xf32>
      %min3A_267 = arith.minimumf %while3A_237, %broadcast_in_dim3A_256 : vector<1x256xf32>
      %select_n3A_268 = arith.select %lt3A, %add3A_266, %while3A_238 : vector<1x256xi1>, vector<1x256xi32>
      scf.yield %min3A_267, %select_n3A_268 : vector<1x256xf32>, vector<1x256xi32>
    }
    %while3A_133 = arith.constant 1 : i32
    %while3A_134:2 = scf.for %while3A_236 = %while3A_130 to %while3A_126 step %while3A_133 iter_args(%while3A_237 = %while3A_132#0, %while3A_238 = %while3A_132#1) -> (vector<1x256xf32>, vector<1x256xi32>)  : i32 {
      %mul3A_239 = arith.constant 512 : i32
      %mul3A_240 = arith.muli %while3A_236, %mul3A_239 : i32
      %add3A = arith.addi %get3A_0, %mul3A_240 : i32
      %min3A = arith.constant 7680 : i32
      %min3A_241 = arith.minsi %add3A, %min3A : i32
      %mul3A_242 = arith.constant 512 : i32
      %mul3A_243 = arith.muli %while3A_236, %mul3A_242 : i32
      %get3A_244 = arith.index_cast %mul3A_243 : i32 to index
      %get3A_245 = arith.constant 0 : index
      %get3A_246 = vector.load %arg9[%get3A_244, %get3A_245] : memref<8192x256xf32, #tpu.memory_space<vmem>>, vector<512x256xf32>
      %sub3A = vector.broadcast %min3A_241 : i32 to vector<1x256xi32>
      %sub3A_247 = arith.subi %while3A_123#1, %sub3A : vector<1x256xi32>
      %eq3A = vector.broadcast %sub3A_247 : vector<1x256xi32> to vector<512x256xi32>
      %eq3A_248 = arith.cmpi eq, %iota3A, %eq3A : vector<512x256xi32>
      %jit3A = arith.constant 2.000000e+30 : f32
      %broadcast_in_dim3A_249 = vector.broadcast %jit3A : f32 to vector<512x256xf32>
      %select_n3A = arith.select %eq3A_248, %broadcast_in_dim3A_249, %get3A_246 : vector<512x256xi1>, vector<512x256xf32>
      %mul3A_250 = arith.constant 512 : i32
      %mul3A_251 = arith.muli %while3A_236, %mul3A_250 : i32
      %swap3A_252 = arith.index_cast %mul3A_251 : i32 to index
      %swap3A_253 = arith.constant 0 : index
      %swap3A_254 = vector.load %arg9[%swap3A_252, %swap3A_253] : memref<8192x256xf32, #tpu.memory_space<vmem>>, vector<512x256xf32>
      tpu.vector_store %arg9[%swap3A_252, %swap3A_253], %select_n3A {strides = array<i32>} : memref<8192x256xf32, #tpu.memory_space<vmem>>, vector<512x256xf32>,
      %reduce_min3A = arith.constant dense<0x7F800000> : vector<256xf32>
      %reduce_min3A_255 = vector.multi_reduction <minimumf>, %select_n3A, %reduce_min3A [0] : vector<512x256xf32> to vector<256xf32>
      %broadcast_in_dim3A_256 = vector.shape_cast %reduce_min3A_255 : vector<256xf32> to vector<1x256xf32>
      %eq3A_257 = vector.broadcast %broadcast_in_dim3A_256 : vector<1x256xf32> to vector<512x256xf32>
      %eq3A_258 = arith.cmpf oeq, %select_n3A, %eq3A_257 : vector<512x256xf32>
      %jit3A_259 = arith.constant 1073741824 : i32
      %broadcast_in_dim3A_260 = vector.broadcast %jit3A_259 : i32 to vector<512x256xi32>
      %select_n3A_261 = arith.select %eq3A_258, %iota3A, %broadcast_in_dim3A_260 : vector<512x256xi1>, vector<512x256xi32>
      %reduce_min3A_262 = arith.constant dense<2147483647> : vector<256xi32>
      %reduce_min3A_263 = vector.multi_reduction <minsi>, %select_n3A_261, %reduce_min3A_262 [0] : vector<512x256xi32> to vector<256xi32>
      %broadcast_in_dim3A_264 = vector.shape_cast %reduce_min3A_263 : vector<256xi32> to vector<1x256xi32>
      %add3A_265 = vector.broadcast %min3A_241 : i32 to vector<1x256xi32>
      %add3A_266 = arith.addi %broadcast_in_dim3A_264, %add3A_265 : vector<1x256xi32>
      %lt3A = arith.cmpf olt, %broadcast_in_dim3A_256, %while3A_237 : vector<1x256xf32>
      %min3A_267 = arith.minimumf %while3A_237, %broadcast_in_dim3A_256 : vector<1x256xf32>
      %select_n3A_268 = arith.select %lt3A, %add3A_266, %while3A_238 : vector<1x256xi1>, vector<1x256xi32>
      scf.yield %min3A_267, %select_n3A_268 : vector<1x256xf32>, vector<1x256xi32>
    }
    %while3A_135 = arith.constant 0 : i32
    %while3A_136 = arith.subi %get3A_2, %while3A_135 : i32
    %while3A_137 = arith.addi %while3A_135, %while3A_136 : i32
    %while3A_138 = arith.constant 1 : i32
    %while3A_139 = arith.divsi %while3A_136, %while3A_138 : i32
    %while3A_140 = arith.muli %while3A_139, %while3A_138 : i32
    %while3A_141 = arith.addi %while3A_135, %while3A_140 : i32
    %while3A_142 = arith.constant 1 : i32
    %while3A_143:2 = scf.for %while3A_236 = %while3A_135 to %while3A_141 step %while3A_142 iter_args(%while3A_237 = %broadcast_in_dim3A_12, %while3A_238 = %broadcast_in_dim3A_14) -> (vector<1x256xf32>, vector<1x256xi32>)  : i32 {
      %mul3A_239 = arith.constant 512 : i32
      %mul3A_240 = arith.muli %while3A_236, %mul3A_239 : i32
      %add3A = arith.addi %get3A_0, %mul3A_240 : i32
      %min3A = arith.constant 7680 : i32
      %min3A_241 = arith.minsi %add3A, %min3A : i32
      %mul3A_242 = arith.constant 512 : i32
      %mul3A_243 = arith.muli %while3A_236, %mul3A_242 : i32
      %get3A_244 = arith.index_cast %mul3A_243 : i32 to index
      %get3A_245 = arith.constant 0 : index
      %get3A_246 = vector.load %arg9[%get3A_244, %get3A_245] : memref<8192x256xf32, #tpu.memory_space<vmem>>, vector<512x256xf32>
      %sub3A = vector.broadcast %min3A_241 : i32 to vector<1x256xi32>
      %sub3A_247 = arith.subi %while3A_134#1, %sub3A : vector<1x256xi32>
      %eq3A = vector.broadcast %sub3A_247 : vector<1x256xi32> to vector<512x256xi32>
      %eq3A_248 = arith.cmpi eq, %iota3A, %eq3A : vector<512x256xi32>
      %jit3A = arith.constant 2.000000e+30 : f32
      %broadcast_in_dim3A_249 = vector.broadcast %jit3A : f32 to vector<512x256xf32>
      %select_n3A = arith.select %eq3A_248, %broadcast_in_dim3A_249, %get3A_246 : vector<512x256xi1>, vector<512x256xf32>
      %mul3A_250 = arith.constant 512 : i32
      %mul3A_251 = arith.muli %while3A_236, %mul3A_250 : i32
      %swap3A_252 = arith.index_cast %mul3A_251 : i32 to index
      %swap3A_253 = arith.constant 0 : index
      %swap3A_254 = vector.load %arg9[%swap3A_252, %swap3A_253] : memref<8192x256xf32, #tpu.memory_space<vmem>>, vector<512x256xf32>
      tpu.vector_store %arg9[%swap3A_252, %swap3A_253], %select_n3A {strides = array<i32>} : memref<8192x256xf32, #tpu.memory_space<vmem>>, vector<512x256xf32>,
      %reduce_min3A = arith.constant dense<0x7F800000> : vector<256xf32>
      %reduce_min3A_255 = vector.multi_reduction <minimumf>, %select_n3A, %reduce_min3A [0] : vector<512x256xf32> to vector<256xf32>
      %broadcast_in_dim3A_256 = vector.shape_cast %reduce_min3A_255 : vector<256xf32> to vector<1x256xf32>
      %eq3A_257 = vector.broadcast %broadcast_in_dim3A_256 : vector<1x256xf32> to vector<512x256xf32>
      %eq3A_258 = arith.cmpf oeq, %select_n3A, %eq3A_257 : vector<512x256xf32>
      %jit3A_259 = arith.constant 1073741824 : i32
      %broadcast_in_dim3A_260 = vector.broadcast %jit3A_259 : i32 to vector<512x256xi32>
      %select_n3A_261 = arith.select %eq3A_258, %iota3A, %broadcast_in_dim3A_260 : vector<512x256xi1>, vector<512x256xi32>
      %reduce_min3A_262 = arith.constant dense<2147483647> : vector<256xi32>
      %reduce_min3A_263 = vector.multi_reduction <minsi>, %select_n3A_261, %reduce_min3A_262 [0] : vector<512x256xi32> to vector<256xi32>
      %broadcast_in_dim3A_264 = vector.shape_cast %reduce_min3A_263 : vector<256xi32> to vector<1x256xi32>
      %add3A_265 = vector.broadcast %min3A_241 : i32 to vector<1x256xi32>
      %add3A_266 = arith.addi %broadcast_in_dim3A_264, %add3A_265 : vector<1x256xi32>
      %lt3A = arith.cmpf olt, %broadcast_in_dim3A_256, %while3A_237 : vector<1x256xf32>
      %min3A_267 = arith.minimumf %while3A_237, %broadcast_in_dim3A_256 : vector<1x256xf32>
      %select_n3A_268 = arith.select %lt3A, %add3A_266, %while3A_238 : vector<1x256xi1>, vector<1x256xi32>
      scf.yield %min3A_267, %select_n3A_268 : vector<1x256xf32>, vector<1x256xi32>
    }
    %while3A_144 = arith.constant 1 : i32
    %while3A_145:2 = scf.for %while3A_236 = %while3A_141 to %while3A_137 step %while3A_144 iter_args(%while3A_237 = %while3A_143#0, %while3A_238 = %while3A_143#1) -> (vector<1x256xf32>, vector<1x256xi32>)  : i32 {
      %mul3A_239 = arith.constant 512 : i32
      %mul3A_240 = arith.muli %while3A_236, %mul3A_239 : i32
      %add3A = arith.addi %get3A_0, %mul3A_240 : i32
      %min3A = arith.constant 7680 : i32
      %min3A_241 = arith.minsi %add3A, %min3A : i32
      %mul3A_242 = arith.constant 512 : i32
      %mul3A_243 = arith.muli %while3A_236, %mul3A_242 : i32
      %get3A_244 = arith.index_cast %mul3A_243 : i32 to index
      %get3A_245 = arith.constant 0 : index
      %get3A_246 = vector.load %arg9[%get3A_244, %get3A_245] : memref<8192x256xf32, #tpu.memory_space<vmem>>, vector<512x256xf32>
      %sub3A = vector.broadcast %min3A_241 : i32 to vector<1x256xi32>
      %sub3A_247 = arith.subi %while3A_134#1, %sub3A : vector<1x256xi32>
      %eq3A = vector.broadcast %sub3A_247 : vector<1x256xi32> to vector<512x256xi32>
      %eq3A_248 = arith.cmpi eq, %iota3A, %eq3A : vector<512x256xi32>
      %jit3A = arith.constant 2.000000e+30 : f32
      %broadcast_in_dim3A_249 = vector.broadcast %jit3A : f32 to vector<512x256xf32>
      %select_n3A = arith.select %eq3A_248, %broadcast_in_dim3A_249, %get3A_246 : vector<512x256xi1>, vector<512x256xf32>
      %mul3A_250 = arith.constant 512 : i32
      %mul3A_251 = arith.muli %while3A_236, %mul3A_250 : i32
      %swap3A_252 = arith.index_cast %mul3A_251 : i32 to index
      %swap3A_253 = arith.constant 0 : index
      %swap3A_254 = vector.load %arg9[%swap3A_252, %swap3A_253] : memref<8192x256xf32, #tpu.memory_space<vmem>>, vector<512x256xf32>
      tpu.vector_store %arg9[%swap3A_252, %swap3A_253], %select_n3A {strides = array<i32>} : memref<8192x256xf32, #tpu.memory_space<vmem>>, vector<512x256xf32>,
      %reduce_min3A = arith.constant dense<0x7F800000> : vector<256xf32>
      %reduce_min3A_255 = vector.multi_reduction <minimumf>, %select_n3A, %reduce_min3A [0] : vector<512x256xf32> to vector<256xf32>
      %broadcast_in_dim3A_256 = vector.shape_cast %reduce_min3A_255 : vector<256xf32> to vector<1x256xf32>
      %eq3A_257 = vector.broadcast %broadcast_in_dim3A_256 : vector<1x256xf32> to vector<512x256xf32>
      %eq3A_258 = arith.cmpf oeq, %select_n3A, %eq3A_257 : vector<512x256xf32>
      %jit3A_259 = arith.constant 1073741824 : i32
      %broadcast_in_dim3A_260 = vector.broadcast %jit3A_259 : i32 to vector<512x256xi32>
      %select_n3A_261 = arith.select %eq3A_258, %iota3A, %broadcast_in_dim3A_260 : vector<512x256xi1>, vector<512x256xi32>
      %reduce_min3A_262 = arith.constant dense<2147483647> : vector<256xi32>
      %reduce_min3A_263 = vector.multi_reduction <minsi>, %select_n3A_261, %reduce_min3A_262 [0] : vector<512x256xi32> to vector<256xi32>
      %broadcast_in_dim3A_264 = vector.shape_cast %reduce_min3A_263 : vector<256xi32> to vector<1x256xi32>
      %add3A_265 = vector.broadcast %min3A_241 : i32 to vector<1x256xi32>
      %add3A_266 = arith.addi %broadcast_in_dim3A_264, %add3A_265 : vector<1x256xi32>
      %lt3A = arith.cmpf olt, %broadcast_in_dim3A_256, %while3A_237 : vector<1x256xf32>
      %min3A_267 = arith.minimumf %while3A_237, %broadcast_in_dim3A_256 : vector<1x256xf32>
      %select_n3A_268 = arith.select %lt3A, %add3A_266, %while3A_238 : vector<1x256xi1>, vector<1x256xi32>
      scf.yield %min3A_267, %select_n3A_268 : vector<1x256xf32>, vector<1x256xi32>
    }
    %while3A_146 = arith.constant 0 : i32
    %while3A_147 = arith.subi %get3A_2, %while3A_146 : i32
    %while3A_148 = arith.addi %while3A_146, %while3A_147 : i32
    %while3A_149 = arith.constant 1 : i32
    %while3A_150 = arith.divsi %while3A_147, %while3A_149 : i32
    %while3A_151 = arith.muli %while3A_150, %while3A_149 : i32
    %while3A_152 = arith.addi %while3A_146, %while3A_151 : i32
    %while3A_153 = arith.constant 1 : i32
    %while3A_154:2 = scf.for %while3A_236 = %while3A_146 to %while3A_152 step %while3A_153 iter_args(%while3A_237 = %broadcast_in_dim3A_12, %while3A_238 = %broadcast_in_dim3A_14) -> (vector<1x256xf32>, vector<1x256xi32>)  : i32 {
      %mul3A_239 = arith.constant 512 : i32
      %mul3A_240 = arith.muli %while3A_236, %mul3A_239 : i32
      %add3A = arith.addi %get3A_0, %mul3A_240 : i32
      %min3A = arith.constant 7680 : i32
      %min3A_241 = arith.minsi %add3A, %min3A : i32
      %mul3A_242 = arith.constant 512 : i32
      %mul3A_243 = arith.muli %while3A_236, %mul3A_242 : i32
      %get3A_244 = arith.index_cast %mul3A_243 : i32 to index
      %get3A_245 = arith.constant 0 : index
      %get3A_246 = vector.load %arg9[%get3A_244, %get3A_245] : memref<8192x256xf32, #tpu.memory_space<vmem>>, vector<512x256xf32>
      %sub3A = vector.broadcast %min3A_241 : i32 to vector<1x256xi32>
      %sub3A_247 = arith.subi %while3A_145#1, %sub3A : vector<1x256xi32>
      %eq3A = vector.broadcast %sub3A_247 : vector<1x256xi32> to vector<512x256xi32>
      %eq3A_248 = arith.cmpi eq, %iota3A, %eq3A : vector<512x256xi32>
      %jit3A = arith.constant 2.000000e+30 : f32
      %broadcast_in_dim3A_249 = vector.broadcast %jit3A : f32 to vector<512x256xf32>
      %select_n3A = arith.select %eq3A_248, %broadcast_in_dim3A_249, %get3A_246 : vector<512x256xi1>, vector<512x256xf32>
      %mul3A_250 = arith.constant 512 : i32
      %mul3A_251 = arith.muli %while3A_236, %mul3A_250 : i32
      %swap3A_252 = arith.index_cast %mul3A_251 : i32 to index
      %swap3A_253 = arith.constant 0 : index
      %swap3A_254 = vector.load %arg9[%swap3A_252, %swap3A_253] : memref<8192x256xf32, #tpu.memory_space<vmem>>, vector<512x256xf32>
      tpu.vector_store %arg9[%swap3A_252, %swap3A_253], %select_n3A {strides = array<i32>} : memref<8192x256xf32, #tpu.memory_space<vmem>>, vector<512x256xf32>,
      %reduce_min3A = arith.constant dense<0x7F800000> : vector<256xf32>
      %reduce_min3A_255 = vector.multi_reduction <minimumf>, %select_n3A, %reduce_min3A [0] : vector<512x256xf32> to vector<256xf32>
      %broadcast_in_dim3A_256 = vector.shape_cast %reduce_min3A_255 : vector<256xf32> to vector<1x256xf32>
      %eq3A_257 = vector.broadcast %broadcast_in_dim3A_256 : vector<1x256xf32> to vector<512x256xf32>
      %eq3A_258 = arith.cmpf oeq, %select_n3A, %eq3A_257 : vector<512x256xf32>
      %jit3A_259 = arith.constant 1073741824 : i32
      %broadcast_in_dim3A_260 = vector.broadcast %jit3A_259 : i32 to vector<512x256xi32>
      %select_n3A_261 = arith.select %eq3A_258, %iota3A, %broadcast_in_dim3A_260 : vector<512x256xi1>, vector<512x256xi32>
      %reduce_min3A_262 = arith.constant dense<2147483647> : vector<256xi32>
      %reduce_min3A_263 = vector.multi_reduction <minsi>, %select_n3A_261, %reduce_min3A_262 [0] : vector<512x256xi32> to vector<256xi32>
      %broadcast_in_dim3A_264 = vector.shape_cast %reduce_min3A_263 : vector<256xi32> to vector<1x256xi32>
      %add3A_265 = vector.broadcast %min3A_241 : i32 to vector<1x256xi32>
      %add3A_266 = arith.addi %broadcast_in_dim3A_264, %add3A_265 : vector<1x256xi32>
      %lt3A = arith.cmpf olt, %broadcast_in_dim3A_256, %while3A_237 : vector<1x256xf32>
      %min3A_267 = arith.minimumf %while3A_237, %broadcast_in_dim3A_256 : vector<1x256xf32>
      %select_n3A_268 = arith.select %lt3A, %add3A_266, %while3A_238 : vector<1x256xi1>, vector<1x256xi32>
      scf.yield %min3A_267, %select_n3A_268 : vector<1x256xf32>, vector<1x256xi32>
    }
    %while3A_155 = arith.constant 1 : i32
    %while3A_156:2 = scf.for %while3A_236 = %while3A_152 to %while3A_148 step %while3A_155 iter_args(%while3A_237 = %while3A_154#0, %while3A_238 = %while3A_154#1) -> (vector<1x256xf32>, vector<1x256xi32>)  : i32 {
      %mul3A_239 = arith.constant 512 : i32
      %mul3A_240 = arith.muli %while3A_236, %mul3A_239 : i32
      %add3A = arith.addi %get3A_0, %mul3A_240 : i32
      %min3A = arith.constant 7680 : i32
      %min3A_241 = arith.minsi %add3A, %min3A : i32
      %mul3A_242 = arith.constant 512 : i32
      %mul3A_243 = arith.muli %while3A_236, %mul3A_242 : i32
      %get3A_244 = arith.index_cast %mul3A_243 : i32 to index
      %get3A_245 = arith.constant 0 : index
      %get3A_246 = vector.load %arg9[%get3A_244, %get3A_245] : memref<8192x256xf32, #tpu.memory_space<vmem>>, vector<512x256xf32>
      %sub3A = vector.broadcast %min3A_241 : i32 to vector<1x256xi32>
      %sub3A_247 = arith.subi %while3A_145#1, %sub3A : vector<1x256xi32>
      %eq3A = vector.broadcast %sub3A_247 : vector<1x256xi32> to vector<512x256xi32>
      %eq3A_248 = arith.cmpi eq, %iota3A, %eq3A : vector<512x256xi32>
      %jit3A = arith.constant 2.000000e+30 : f32
      %broadcast_in_dim3A_249 = vector.broadcast %jit3A : f32 to vector<512x256xf32>
      %select_n3A = arith.select %eq3A_248, %broadcast_in_dim3A_249, %get3A_246 : vector<512x256xi1>, vector<512x256xf32>
      %mul3A_250 = arith.constant 512 : i32
      %mul3A_251 = arith.muli %while3A_236, %mul3A_250 : i32
      %swap3A_252 = arith.index_cast %mul3A_251 : i32 to index
      %swap3A_253 = arith.constant 0 : index
      %swap3A_254 = vector.load %arg9[%swap3A_252, %swap3A_253] : memref<8192x256xf32, #tpu.memory_space<vmem>>, vector<512x256xf32>
      tpu.vector_store %arg9[%swap3A_252, %swap3A_253], %select_n3A {strides = array<i32>} : memref<8192x256xf32, #tpu.memory_space<vmem>>, vector<512x256xf32>,
      %reduce_min3A = arith.constant dense<0x7F800000> : vector<256xf32>
      %reduce_min3A_255 = vector.multi_reduction <minimumf>, %select_n3A, %reduce_min3A [0] : vector<512x256xf32> to vector<256xf32>
      %broadcast_in_dim3A_256 = vector.shape_cast %reduce_min3A_255 : vector<256xf32> to vector<1x256xf32>
      %eq3A_257 = vector.broadcast %broadcast_in_dim3A_256 : vector<1x256xf32> to vector<512x256xf32>
      %eq3A_258 = arith.cmpf oeq, %select_n3A, %eq3A_257 : vector<512x256xf32>
      %jit3A_259 = arith.constant 1073741824 : i32
      %broadcast_in_dim3A_260 = vector.broadcast %jit3A_259 : i32 to vector<512x256xi32>
      %select_n3A_261 = arith.select %eq3A_258, %iota3A, %broadcast_in_dim3A_260 : vector<512x256xi1>, vector<512x256xi32>
      %reduce_min3A_262 = arith.constant dense<2147483647> : vector<256xi32>
      %reduce_min3A_263 = vector.multi_reduction <minsi>, %select_n3A_261, %reduce_min3A_262 [0] : vector<512x256xi32> to vector<256xi32>
      %broadcast_in_dim3A_264 = vector.shape_cast %reduce_min3A_263 : vector<256xi32> to vector<1x256xi32>
      %add3A_265 = vector.broadcast %min3A_241 : i32 to vector<1x256xi32>
      %add3A_266 = arith.addi %broadcast_in_dim3A_264, %add3A_265 : vector<1x256xi32>
      %lt3A = arith.cmpf olt, %broadcast_in_dim3A_256, %while3A_237 : vector<1x256xf32>
      %min3A_267 = arith.minimumf %while3A_237, %broadcast_in_dim3A_256 : vector<1x256xf32>
      %select_n3A_268 = arith.select %lt3A, %add3A_266, %while3A_238 : vector<1x256xi1>, vector<1x256xi32>
      scf.yield %min3A_267, %select_n3A_268 : vector<1x256xf32>, vector<1x256xi32>
    }
    %while3A_157 = arith.constant 0 : i32
    %while3A_158 = arith.subi %get3A_2, %while3A_157 : i32
    %while3A_159 = arith.addi %while3A_157, %while3A_158 : i32
    %while3A_160 = arith.constant 1 : i32
    %while3A_161 = arith.divsi %while3A_158, %while3A_160 : i32
    %while3A_162 = arith.muli %while3A_161, %while3A_160 : i32
    %while3A_163 = arith.addi %while3A_157, %while3A_162 : i32
    %while3A_164 = arith.constant 1 : i32
    %while3A_165:2 = scf.for %while3A_236 = %while3A_157 to %while3A_163 step %while3A_164 iter_args(%while3A_237 = %broadcast_in_dim3A_12, %while3A_238 = %broadcast_in_dim3A_14) -> (vector<1x256xf32>, vector<1x256xi32>)  : i32 {
      %mul3A_239 = arith.constant 512 : i32
      %mul3A_240 = arith.muli %while3A_236, %mul3A_239 : i32
      %add3A = arith.addi %get3A_0, %mul3A_240 : i32
      %min3A = arith.constant 7680 : i32
      %min3A_241 = arith.minsi %add3A, %min3A : i32
      %mul3A_242 = arith.constant 512 : i32
      %mul3A_243 = arith.muli %while3A_236, %mul3A_242 : i32
      %get3A_244 = arith.index_cast %mul3A_243 : i32 to index
      %get3A_245 = arith.constant 0 : index
      %get3A_246 = vector.load %arg9[%get3A_244, %get3A_245] : memref<8192x256xf32, #tpu.memory_space<vmem>>, vector<512x256xf32>
      %sub3A = vector.broadcast %min3A_241 : i32 to vector<1x256xi32>
      %sub3A_247 = arith.subi %while3A_156#1, %sub3A : vector<1x256xi32>
      %eq3A = vector.broadcast %sub3A_247 : vector<1x256xi32> to vector<512x256xi32>
      %eq3A_248 = arith.cmpi eq, %iota3A, %eq3A : vector<512x256xi32>
      %jit3A = arith.constant 2.000000e+30 : f32
      %broadcast_in_dim3A_249 = vector.broadcast %jit3A : f32 to vector<512x256xf32>
      %select_n3A = arith.select %eq3A_248, %broadcast_in_dim3A_249, %get3A_246 : vector<512x256xi1>, vector<512x256xf32>
      %mul3A_250 = arith.constant 512 : i32
      %mul3A_251 = arith.muli %while3A_236, %mul3A_250 : i32
      %swap3A_252 = arith.index_cast %mul3A_251 : i32 to index
      %swap3A_253 = arith.constant 0 : index
      %swap3A_254 = vector.load %arg9[%swap3A_252, %swap3A_253] : memref<8192x256xf32, #tpu.memory_space<vmem>>, vector<512x256xf32>
      tpu.vector_store %arg9[%swap3A_252, %swap3A_253], %select_n3A {strides = array<i32>} : memref<8192x256xf32, #tpu.memory_space<vmem>>, vector<512x256xf32>,
      %reduce_min3A = arith.constant dense<0x7F800000> : vector<256xf32>
      %reduce_min3A_255 = vector.multi_reduction <minimumf>, %select_n3A, %reduce_min3A [0] : vector<512x256xf32> to vector<256xf32>
      %broadcast_in_dim3A_256 = vector.shape_cast %reduce_min3A_255 : vector<256xf32> to vector<1x256xf32>
      %eq3A_257 = vector.broadcast %broadcast_in_dim3A_256 : vector<1x256xf32> to vector<512x256xf32>
      %eq3A_258 = arith.cmpf oeq, %select_n3A, %eq3A_257 : vector<512x256xf32>
      %jit3A_259 = arith.constant 1073741824 : i32
      %broadcast_in_dim3A_260 = vector.broadcast %jit3A_259 : i32 to vector<512x256xi32>
      %select_n3A_261 = arith.select %eq3A_258, %iota3A, %broadcast_in_dim3A_260 : vector<512x256xi1>, vector<512x256xi32>
      %reduce_min3A_262 = arith.constant dense<2147483647> : vector<256xi32>
      %reduce_min3A_263 = vector.multi_reduction <minsi>, %select_n3A_261, %reduce_min3A_262 [0] : vector<512x256xi32> to vector<256xi32>
      %broadcast_in_dim3A_264 = vector.shape_cast %reduce_min3A_263 : vector<256xi32> to vector<1x256xi32>
      %add3A_265 = vector.broadcast %min3A_241 : i32 to vector<1x256xi32>
      %add3A_266 = arith.addi %broadcast_in_dim3A_264, %add3A_265 : vector<1x256xi32>
      %lt3A = arith.cmpf olt, %broadcast_in_dim3A_256, %while3A_237 : vector<1x256xf32>
      %min3A_267 = arith.minimumf %while3A_237, %broadcast_in_dim3A_256 : vector<1x256xf32>
      %select_n3A_268 = arith.select %lt3A, %add3A_266, %while3A_238 : vector<1x256xi1>, vector<1x256xi32>
      scf.yield %min3A_267, %select_n3A_268 : vector<1x256xf32>, vector<1x256xi32>
    }
    %while3A_166 = arith.constant 1 : i32
    %while3A_167:2 = scf.for %while3A_236 = %while3A_163 to %while3A_159 step %while3A_166 iter_args(%while3A_237 = %while3A_165#0, %while3A_238 = %while3A_165#1) -> (vector<1x256xf32>, vector<1x256xi32>)  : i32 {
      %mul3A_239 = arith.constant 512 : i32
      %mul3A_240 = arith.muli %while3A_236, %mul3A_239 : i32
      %add3A = arith.addi %get3A_0, %mul3A_240 : i32
      %min3A = arith.constant 7680 : i32
      %min3A_241 = arith.minsi %add3A, %min3A : i32
      %mul3A_242 = arith.constant 512 : i32
      %mul3A_243 = arith.muli %while3A_236, %mul3A_242 : i32
      %get3A_244 = arith.index_cast %mul3A_243 : i32 to index
      %get3A_245 = arith.constant 0 : index
      %get3A_246 = vector.load %arg9[%get3A_244, %get3A_245] : memref<8192x256xf32, #tpu.memory_space<vmem>>, vector<512x256xf32>
      %sub3A = vector.broadcast %min3A_241 : i32 to vector<1x256xi32>
      %sub3A_247 = arith.subi %while3A_156#1, %sub3A : vector<1x256xi32>
      %eq3A = vector.broadcast %sub3A_247 : vector<1x256xi32> to vector<512x256xi32>
      %eq3A_248 = arith.cmpi eq, %iota3A, %eq3A : vector<512x256xi32>
      %jit3A = arith.constant 2.000000e+30 : f32
      %broadcast_in_dim3A_249 = vector.broadcast %jit3A : f32 to vector<512x256xf32>
      %select_n3A = arith.select %eq3A_248, %broadcast_in_dim3A_249, %get3A_246 : vector<512x256xi1>, vector<512x256xf32>
      %mul3A_250 = arith.constant 512 : i32
      %mul3A_251 = arith.muli %while3A_236, %mul3A_250 : i32
      %swap3A_252 = arith.index_cast %mul3A_251 : i32 to index
      %swap3A_253 = arith.constant 0 : index
      %swap3A_254 = vector.load %arg9[%swap3A_252, %swap3A_253] : memref<8192x256xf32, #tpu.memory_space<vmem>>, vector<512x256xf32>
      tpu.vector_store %arg9[%swap3A_252, %swap3A_253], %select_n3A {strides = array<i32>} : memref<8192x256xf32, #tpu.memory_space<vmem>>, vector<512x256xf32>,
      %reduce_min3A = arith.constant dense<0x7F800000> : vector<256xf32>
      %reduce_min3A_255 = vector.multi_reduction <minimumf>, %select_n3A, %reduce_min3A [0] : vector<512x256xf32> to vector<256xf32>
      %broadcast_in_dim3A_256 = vector.shape_cast %reduce_min3A_255 : vector<256xf32> to vector<1x256xf32>
      %eq3A_257 = vector.broadcast %broadcast_in_dim3A_256 : vector<1x256xf32> to vector<512x256xf32>
      %eq3A_258 = arith.cmpf oeq, %select_n3A, %eq3A_257 : vector<512x256xf32>
      %jit3A_259 = arith.constant 1073741824 : i32
      %broadcast_in_dim3A_260 = vector.broadcast %jit3A_259 : i32 to vector<512x256xi32>
      %select_n3A_261 = arith.select %eq3A_258, %iota3A, %broadcast_in_dim3A_260 : vector<512x256xi1>, vector<512x256xi32>
      %reduce_min3A_262 = arith.constant dense<2147483647> : vector<256xi32>
      %reduce_min3A_263 = vector.multi_reduction <minsi>, %select_n3A_261, %reduce_min3A_262 [0] : vector<512x256xi32> to vector<256xi32>
      %broadcast_in_dim3A_264 = vector.shape_cast %reduce_min3A_263 : vector<256xi32> to vector<1x256xi32>
      %add3A_265 = vector.broadcast %min3A_241 : i32 to vector<1x256xi32>
      %add3A_266 = arith.addi %broadcast_in_dim3A_264, %add3A_265 : vector<1x256xi32>
      %lt3A = arith.cmpf olt, %broadcast_in_dim3A_256, %while3A_237 : vector<1x256xf32>
      %min3A_267 = arith.minimumf %while3A_237, %broadcast_in_dim3A_256 : vector<1x256xf32>
      %select_n3A_268 = arith.select %lt3A, %add3A_266, %while3A_238 : vector<1x256xi1>, vector<1x256xi32>
      scf.yield %min3A_267, %select_n3A_268 : vector<1x256xf32>, vector<1x256xi32>
    }
    %while3A_168 = arith.constant 0 : i32
    %while3A_169 = arith.subi %get3A_2, %while3A_168 : i32
    %while3A_170 = arith.addi %while3A_168, %while3A_169 : i32
    %while3A_171 = arith.constant 1 : i32
    %while3A_172 = arith.divsi %while3A_169, %while3A_171 : i32
    %while3A_173 = arith.muli %while3A_172, %while3A_171 : i32
    %while3A_174 = arith.addi %while3A_168, %while3A_173 : i32
    %while3A_175 = arith.constant 1 : i32
    %while3A_176:2 = scf.for %while3A_236 = %while3A_168 to %while3A_174 step %while3A_175 iter_args(%while3A_237 = %broadcast_in_dim3A_12, %while3A_238 = %broadcast_in_dim3A_14) -> (vector<1x256xf32>, vector<1x256xi32>)  : i32 {
      %mul3A_239 = arith.constant 512 : i32
      %mul3A_240 = arith.muli %while3A_236, %mul3A_239 : i32
      %add3A = arith.addi %get3A_0, %mul3A_240 : i32
      %min3A = arith.constant 7680 : i32
      %min3A_241 = arith.minsi %add3A, %min3A : i32
      %mul3A_242 = arith.constant 512 : i32
      %mul3A_243 = arith.muli %while3A_236, %mul3A_242 : i32
      %get3A_244 = arith.index_cast %mul3A_243 : i32 to index
      %get3A_245 = arith.constant 0 : index
      %get3A_246 = vector.load %arg9[%get3A_244, %get3A_245] : memref<8192x256xf32, #tpu.memory_space<vmem>>, vector<512x256xf32>
      %sub3A = vector.broadcast %min3A_241 : i32 to vector<1x256xi32>
      %sub3A_247 = arith.subi %while3A_167#1, %sub3A : vector<1x256xi32>
      %eq3A = vector.broadcast %sub3A_247 : vector<1x256xi32> to vector<512x256xi32>
      %eq3A_248 = arith.cmpi eq, %iota3A, %eq3A : vector<512x256xi32>
      %jit3A = arith.constant 2.000000e+30 : f32
      %broadcast_in_dim3A_249 = vector.broadcast %jit3A : f32 to vector<512x256xf32>
      %select_n3A = arith.select %eq3A_248, %broadcast_in_dim3A_249, %get3A_246 : vector<512x256xi1>, vector<512x256xf32>
      %mul3A_250 = arith.constant 512 : i32
      %mul3A_251 = arith.muli %while3A_236, %mul3A_250 : i32
      %swap3A_252 = arith.index_cast %mul3A_251 : i32 to index
      %swap3A_253 = arith.constant 0 : index
      %swap3A_254 = vector.load %arg9[%swap3A_252, %swap3A_253] : memref<8192x256xf32, #tpu.memory_space<vmem>>, vector<512x256xf32>
      tpu.vector_store %arg9[%swap3A_252, %swap3A_253], %select_n3A {strides = array<i32>} : memref<8192x256xf32, #tpu.memory_space<vmem>>, vector<512x256xf32>,
      %reduce_min3A = arith.constant dense<0x7F800000> : vector<256xf32>
      %reduce_min3A_255 = vector.multi_reduction <minimumf>, %select_n3A, %reduce_min3A [0] : vector<512x256xf32> to vector<256xf32>
      %broadcast_in_dim3A_256 = vector.shape_cast %reduce_min3A_255 : vector<256xf32> to vector<1x256xf32>
      %eq3A_257 = vector.broadcast %broadcast_in_dim3A_256 : vector<1x256xf32> to vector<512x256xf32>
      %eq3A_258 = arith.cmpf oeq, %select_n3A, %eq3A_257 : vector<512x256xf32>
      %jit3A_259 = arith.constant 1073741824 : i32
      %broadcast_in_dim3A_260 = vector.broadcast %jit3A_259 : i32 to vector<512x256xi32>
      %select_n3A_261 = arith.select %eq3A_258, %iota3A, %broadcast_in_dim3A_260 : vector<512x256xi1>, vector<512x256xi32>
      %reduce_min3A_262 = arith.constant dense<2147483647> : vector<256xi32>
      %reduce_min3A_263 = vector.multi_reduction <minsi>, %select_n3A_261, %reduce_min3A_262 [0] : vector<512x256xi32> to vector<256xi32>
      %broadcast_in_dim3A_264 = vector.shape_cast %reduce_min3A_263 : vector<256xi32> to vector<1x256xi32>
      %add3A_265 = vector.broadcast %min3A_241 : i32 to vector<1x256xi32>
      %add3A_266 = arith.addi %broadcast_in_dim3A_264, %add3A_265 : vector<1x256xi32>
      %lt3A = arith.cmpf olt, %broadcast_in_dim3A_256, %while3A_237 : vector<1x256xf32>
      %min3A_267 = arith.minimumf %while3A_237, %broadcast_in_dim3A_256 : vector<1x256xf32>
      %select_n3A_268 = arith.select %lt3A, %add3A_266, %while3A_238 : vector<1x256xi1>, vector<1x256xi32>
      scf.yield %min3A_267, %select_n3A_268 : vector<1x256xf32>, vector<1x256xi32>
    }
    %while3A_177 = arith.constant 1 : i32
    %while3A_178:2 = scf.for %while3A_236 = %while3A_174 to %while3A_170 step %while3A_177 iter_args(%while3A_237 = %while3A_176#0, %while3A_238 = %while3A_176#1) -> (vector<1x256xf32>, vector<1x256xi32>)  : i32 {
      %mul3A_239 = arith.constant 512 : i32
      %mul3A_240 = arith.muli %while3A_236, %mul3A_239 : i32
      %add3A = arith.addi %get3A_0, %mul3A_240 : i32
      %min3A = arith.constant 7680 : i32
      %min3A_241 = arith.minsi %add3A, %min3A : i32
      %mul3A_242 = arith.constant 512 : i32
      %mul3A_243 = arith.muli %while3A_236, %mul3A_242 : i32
      %get3A_244 = arith.index_cast %mul3A_243 : i32 to index
      %get3A_245 = arith.constant 0 : index
      %get3A_246 = vector.load %arg9[%get3A_244, %get3A_245] : memref<8192x256xf32, #tpu.memory_space<vmem>>, vector<512x256xf32>
      %sub3A = vector.broadcast %min3A_241 : i32 to vector<1x256xi32>
      %sub3A_247 = arith.subi %while3A_167#1, %sub3A : vector<1x256xi32>
      %eq3A = vector.broadcast %sub3A_247 : vector<1x256xi32> to vector<512x256xi32>
      %eq3A_248 = arith.cmpi eq, %iota3A, %eq3A : vector<512x256xi32>
      %jit3A = arith.constant 2.000000e+30 : f32
      %broadcast_in_dim3A_249 = vector.broadcast %jit3A : f32 to vector<512x256xf32>
      %select_n3A = arith.select %eq3A_248, %broadcast_in_dim3A_249, %get3A_246 : vector<512x256xi1>, vector<512x256xf32>
      %mul3A_250 = arith.constant 512 : i32
      %mul3A_251 = arith.muli %while3A_236, %mul3A_250 : i32
      %swap3A_252 = arith.index_cast %mul3A_251 : i32 to index
      %swap3A_253 = arith.constant 0 : index
      %swap3A_254 = vector.load %arg9[%swap3A_252, %swap3A_253] : memref<8192x256xf32, #tpu.memory_space<vmem>>, vector<512x256xf32>
      tpu.vector_store %arg9[%swap3A_252, %swap3A_253], %select_n3A {strides = array<i32>} : memref<8192x256xf32, #tpu.memory_space<vmem>>, vector<512x256xf32>,
      %reduce_min3A = arith.constant dense<0x7F800000> : vector<256xf32>
      %reduce_min3A_255 = vector.multi_reduction <minimumf>, %select_n3A, %reduce_min3A [0] : vector<512x256xf32> to vector<256xf32>
      %broadcast_in_dim3A_256 = vector.shape_cast %reduce_min3A_255 : vector<256xf32> to vector<1x256xf32>
      %eq3A_257 = vector.broadcast %broadcast_in_dim3A_256 : vector<1x256xf32> to vector<512x256xf32>
      %eq3A_258 = arith.cmpf oeq, %select_n3A, %eq3A_257 : vector<512x256xf32>
      %jit3A_259 = arith.constant 1073741824 : i32
      %broadcast_in_dim3A_260 = vector.broadcast %jit3A_259 : i32 to vector<512x256xi32>
      %select_n3A_261 = arith.select %eq3A_258, %iota3A, %broadcast_in_dim3A_260 : vector<512x256xi1>, vector<512x256xi32>
      %reduce_min3A_262 = arith.constant dense<2147483647> : vector<256xi32>
      %reduce_min3A_263 = vector.multi_reduction <minsi>, %select_n3A_261, %reduce_min3A_262 [0] : vector<512x256xi32> to vector<256xi32>
      %broadcast_in_dim3A_264 = vector.shape_cast %reduce_min3A_263 : vector<256xi32> to vector<1x256xi32>
      %add3A_265 = vector.broadcast %min3A_241 : i32 to vector<1x256xi32>
      %add3A_266 = arith.addi %broadcast_in_dim3A_264, %add3A_265 : vector<1x256xi32>
      %lt3A = arith.cmpf olt, %broadcast_in_dim3A_256, %while3A_237 : vector<1x256xf32>
      %min3A_267 = arith.minimumf %while3A_237, %broadcast_in_dim3A_256 : vector<1x256xf32>
      %select_n3A_268 = arith.select %lt3A, %add3A_266, %while3A_238 : vector<1x256xi1>, vector<1x256xi32>
      scf.yield %min3A_267, %select_n3A_268 : vector<1x256xf32>, vector<1x256xi32>
    }
    %while3A_179 = arith.constant 0 : i32
    %while3A_180 = arith.subi %get3A_2, %while3A_179 : i32
    %while3A_181 = arith.addi %while3A_179, %while3A_180 : i32
    %while3A_182 = arith.constant 1 : i32
    %while3A_183 = arith.divsi %while3A_180, %while3A_182 : i32
    %while3A_184 = arith.muli %while3A_183, %while3A_182 : i32
    %while3A_185 = arith.addi %while3A_179, %while3A_184 : i32
    %while3A_186 = arith.constant 1 : i32
    %while3A_187:2 = scf.for %while3A_236 = %while3A_179 to %while3A_185 step %while3A_186 iter_args(%while3A_237 = %broadcast_in_dim3A_12, %while3A_238 = %broadcast_in_dim3A_14) -> (vector<1x256xf32>, vector<1x256xi32>)  : i32 {
      %mul3A_239 = arith.constant 512 : i32
      %mul3A_240 = arith.muli %while3A_236, %mul3A_239 : i32
      %add3A = arith.addi %get3A_0, %mul3A_240 : i32
      %min3A = arith.constant 7680 : i32
      %min3A_241 = arith.minsi %add3A, %min3A : i32
      %mul3A_242 = arith.constant 512 : i32
      %mul3A_243 = arith.muli %while3A_236, %mul3A_242 : i32
      %get3A_244 = arith.index_cast %mul3A_243 : i32 to index
      %get3A_245 = arith.constant 0 : index
      %get3A_246 = vector.load %arg9[%get3A_244, %get3A_245] : memref<8192x256xf32, #tpu.memory_space<vmem>>, vector<512x256xf32>
      %sub3A = vector.broadcast %min3A_241 : i32 to vector<1x256xi32>
      %sub3A_247 = arith.subi %while3A_178#1, %sub3A : vector<1x256xi32>
      %eq3A = vector.broadcast %sub3A_247 : vector<1x256xi32> to vector<512x256xi32>
      %eq3A_248 = arith.cmpi eq, %iota3A, %eq3A : vector<512x256xi32>
      %jit3A = arith.constant 2.000000e+30 : f32
      %broadcast_in_dim3A_249 = vector.broadcast %jit3A : f32 to vector<512x256xf32>
      %select_n3A = arith.select %eq3A_248, %broadcast_in_dim3A_249, %get3A_246 : vector<512x256xi1>, vector<512x256xf32>
      %mul3A_250 = arith.constant 512 : i32
      %mul3A_251 = arith.muli %while3A_236, %mul3A_250 : i32
      %swap3A_252 = arith.index_cast %mul3A_251 : i32 to index
      %swap3A_253 = arith.constant 0 : index
      %swap3A_254 = vector.load %arg9[%swap3A_252, %swap3A_253] : memref<8192x256xf32, #tpu.memory_space<vmem>>, vector<512x256xf32>
      tpu.vector_store %arg9[%swap3A_252, %swap3A_253], %select_n3A {strides = array<i32>} : memref<8192x256xf32, #tpu.memory_space<vmem>>, vector<512x256xf32>,
      %reduce_min3A = arith.constant dense<0x7F800000> : vector<256xf32>
      %reduce_min3A_255 = vector.multi_reduction <minimumf>, %select_n3A, %reduce_min3A [0] : vector<512x256xf32> to vector<256xf32>
      %broadcast_in_dim3A_256 = vector.shape_cast %reduce_min3A_255 : vector<256xf32> to vector<1x256xf32>
      %eq3A_257 = vector.broadcast %broadcast_in_dim3A_256 : vector<1x256xf32> to vector<512x256xf32>
      %eq3A_258 = arith.cmpf oeq, %select_n3A, %eq3A_257 : vector<512x256xf32>
      %jit3A_259 = arith.constant 1073741824 : i32
      %broadcast_in_dim3A_260 = vector.broadcast %jit3A_259 : i32 to vector<512x256xi32>
      %select_n3A_261 = arith.select %eq3A_258, %iota3A, %broadcast_in_dim3A_260 : vector<512x256xi1>, vector<512x256xi32>
      %reduce_min3A_262 = arith.constant dense<2147483647> : vector<256xi32>
      %reduce_min3A_263 = vector.multi_reduction <minsi>, %select_n3A_261, %reduce_min3A_262 [0] : vector<512x256xi32> to vector<256xi32>
      %broadcast_in_dim3A_264 = vector.shape_cast %reduce_min3A_263 : vector<256xi32> to vector<1x256xi32>
      %add3A_265 = vector.broadcast %min3A_241 : i32 to vector<1x256xi32>
      %add3A_266 = arith.addi %broadcast_in_dim3A_264, %add3A_265 : vector<1x256xi32>
      %lt3A = arith.cmpf olt, %broadcast_in_dim3A_256, %while3A_237 : vector<1x256xf32>
      %min3A_267 = arith.minimumf %while3A_237, %broadcast_in_dim3A_256 : vector<1x256xf32>
      %select_n3A_268 = arith.select %lt3A, %add3A_266, %while3A_238 : vector<1x256xi1>, vector<1x256xi32>
      scf.yield %min3A_267, %select_n3A_268 : vector<1x256xf32>, vector<1x256xi32>
    }
    %while3A_188 = arith.constant 1 : i32
    %while3A_189:2 = scf.for %while3A_236 = %while3A_185 to %while3A_181 step %while3A_188 iter_args(%while3A_237 = %while3A_187#0, %while3A_238 = %while3A_187#1) -> (vector<1x256xf32>, vector<1x256xi32>)  : i32 {
      %mul3A_239 = arith.constant 512 : i32
      %mul3A_240 = arith.muli %while3A_236, %mul3A_239 : i32
      %add3A = arith.addi %get3A_0, %mul3A_240 : i32
      %min3A = arith.constant 7680 : i32
      %min3A_241 = arith.minsi %add3A, %min3A : i32
      %mul3A_242 = arith.constant 512 : i32
      %mul3A_243 = arith.muli %while3A_236, %mul3A_242 : i32
      %get3A_244 = arith.index_cast %mul3A_243 : i32 to index
      %get3A_245 = arith.constant 0 : index
      %get3A_246 = vector.load %arg9[%get3A_244, %get3A_245] : memref<8192x256xf32, #tpu.memory_space<vmem>>, vector<512x256xf32>
      %sub3A = vector.broadcast %min3A_241 : i32 to vector<1x256xi32>
      %sub3A_247 = arith.subi %while3A_178#1, %sub3A : vector<1x256xi32>
      %eq3A = vector.broadcast %sub3A_247 : vector<1x256xi32> to vector<512x256xi32>
      %eq3A_248 = arith.cmpi eq, %iota3A, %eq3A : vector<512x256xi32>
      %jit3A = arith.constant 2.000000e+30 : f32
      %broadcast_in_dim3A_249 = vector.broadcast %jit3A : f32 to vector<512x256xf32>
      %select_n3A = arith.select %eq3A_248, %broadcast_in_dim3A_249, %get3A_246 : vector<512x256xi1>, vector<512x256xf32>
      %mul3A_250 = arith.constant 512 : i32
      %mul3A_251 = arith.muli %while3A_236, %mul3A_250 : i32
      %swap3A_252 = arith.index_cast %mul3A_251 : i32 to index
      %swap3A_253 = arith.constant 0 : index
      %swap3A_254 = vector.load %arg9[%swap3A_252, %swap3A_253] : memref<8192x256xf32, #tpu.memory_space<vmem>>, vector<512x256xf32>
      tpu.vector_store %arg9[%swap3A_252, %swap3A_253], %select_n3A {strides = array<i32>} : memref<8192x256xf32, #tpu.memory_space<vmem>>, vector<512x256xf32>,
      %reduce_min3A = arith.constant dense<0x7F800000> : vector<256xf32>
      %reduce_min3A_255 = vector.multi_reduction <minimumf>, %select_n3A, %reduce_min3A [0] : vector<512x256xf32> to vector<256xf32>
      %broadcast_in_dim3A_256 = vector.shape_cast %reduce_min3A_255 : vector<256xf32> to vector<1x256xf32>
      %eq3A_257 = vector.broadcast %broadcast_in_dim3A_256 : vector<1x256xf32> to vector<512x256xf32>
      %eq3A_258 = arith.cmpf oeq, %select_n3A, %eq3A_257 : vector<512x256xf32>
      %jit3A_259 = arith.constant 1073741824 : i32
      %broadcast_in_dim3A_260 = vector.broadcast %jit3A_259 : i32 to vector<512x256xi32>
      %select_n3A_261 = arith.select %eq3A_258, %iota3A, %broadcast_in_dim3A_260 : vector<512x256xi1>, vector<512x256xi32>
      %reduce_min3A_262 = arith.constant dense<2147483647> : vector<256xi32>
      %reduce_min3A_263 = vector.multi_reduction <minsi>, %select_n3A_261, %reduce_min3A_262 [0] : vector<512x256xi32> to vector<256xi32>
      %broadcast_in_dim3A_264 = vector.shape_cast %reduce_min3A_263 : vector<256xi32> to vector<1x256xi32>
      %add3A_265 = vector.broadcast %min3A_241 : i32 to vector<1x256xi32>
      %add3A_266 = arith.addi %broadcast_in_dim3A_264, %add3A_265 : vector<1x256xi32>
      %lt3A = arith.cmpf olt, %broadcast_in_dim3A_256, %while3A_237 : vector<1x256xf32>
      %min3A_267 = arith.minimumf %while3A_237, %broadcast_in_dim3A_256 : vector<1x256xf32>
      %select_n3A_268 = arith.select %lt3A, %add3A_266, %while3A_238 : vector<1x256xi1>, vector<1x256xi32>
      scf.yield %min3A_267, %select_n3A_268 : vector<1x256xf32>, vector<1x256xi32>
    }
    %while3A_190 = arith.constant 0 : i32
    %while3A_191 = arith.subi %get3A_2, %while3A_190 : i32
    %while3A_192 = arith.addi %while3A_190, %while3A_191 : i32
    %while3A_193 = arith.constant 1 : i32
    %while3A_194 = arith.divsi %while3A_191, %while3A_193 : i32
    %while3A_195 = arith.muli %while3A_194, %while3A_193 : i32
    %while3A_196 = arith.addi %while3A_190, %while3A_195 : i32
    %while3A_197 = arith.constant 1 : i32
    %while3A_198:2 = scf.for %while3A_236 = %while3A_190 to %while3A_196 step %while3A_197 iter_args(%while3A_237 = %broadcast_in_dim3A_12, %while3A_238 = %broadcast_in_dim3A_14) -> (vector<1x256xf32>, vector<1x256xi32>)  : i32 {
      %mul3A_239 = arith.constant 512 : i32
      %mul3A_240 = arith.muli %while3A_236, %mul3A_239 : i32
      %add3A = arith.addi %get3A_0, %mul3A_240 : i32
      %min3A = arith.constant 7680 : i32
      %min3A_241 = arith.minsi %add3A, %min3A : i32
      %mul3A_242 = arith.constant 512 : i32
      %mul3A_243 = arith.muli %while3A_236, %mul3A_242 : i32
      %get3A_244 = arith.index_cast %mul3A_243 : i32 to index
      %get3A_245 = arith.constant 0 : index
      %get3A_246 = vector.load %arg9[%get3A_244, %get3A_245] : memref<8192x256xf32, #tpu.memory_space<vmem>>, vector<512x256xf32>
      %sub3A = vector.broadcast %min3A_241 : i32 to vector<1x256xi32>
      %sub3A_247 = arith.subi %while3A_189#1, %sub3A : vector<1x256xi32>
      %eq3A = vector.broadcast %sub3A_247 : vector<1x256xi32> to vector<512x256xi32>
      %eq3A_248 = arith.cmpi eq, %iota3A, %eq3A : vector<512x256xi32>
      %jit3A = arith.constant 2.000000e+30 : f32
      %broadcast_in_dim3A_249 = vector.broadcast %jit3A : f32 to vector<512x256xf32>
      %select_n3A = arith.select %eq3A_248, %broadcast_in_dim3A_249, %get3A_246 : vector<512x256xi1>, vector<512x256xf32>
      %mul3A_250 = arith.constant 512 : i32
      %mul3A_251 = arith.muli %while3A_236, %mul3A_250 : i32
      %swap3A_252 = arith.index_cast %mul3A_251 : i32 to index
      %swap3A_253 = arith.constant 0 : index
      %swap3A_254 = vector.load %arg9[%swap3A_252, %swap3A_253] : memref<8192x256xf32, #tpu.memory_space<vmem>>, vector<512x256xf32>
      tpu.vector_store %arg9[%swap3A_252, %swap3A_253], %select_n3A {strides = array<i32>} : memref<8192x256xf32, #tpu.memory_space<vmem>>, vector<512x256xf32>,
      %reduce_min3A = arith.constant dense<0x7F800000> : vector<256xf32>
      %reduce_min3A_255 = vector.multi_reduction <minimumf>, %select_n3A, %reduce_min3A [0] : vector<512x256xf32> to vector<256xf32>
      %broadcast_in_dim3A_256 = vector.shape_cast %reduce_min3A_255 : vector<256xf32> to vector<1x256xf32>
      %eq3A_257 = vector.broadcast %broadcast_in_dim3A_256 : vector<1x256xf32> to vector<512x256xf32>
      %eq3A_258 = arith.cmpf oeq, %select_n3A, %eq3A_257 : vector<512x256xf32>
      %jit3A_259 = arith.constant 1073741824 : i32
      %broadcast_in_dim3A_260 = vector.broadcast %jit3A_259 : i32 to vector<512x256xi32>
      %select_n3A_261 = arith.select %eq3A_258, %iota3A, %broadcast_in_dim3A_260 : vector<512x256xi1>, vector<512x256xi32>
      %reduce_min3A_262 = arith.constant dense<2147483647> : vector<256xi32>
      %reduce_min3A_263 = vector.multi_reduction <minsi>, %select_n3A_261, %reduce_min3A_262 [0] : vector<512x256xi32> to vector<256xi32>
      %broadcast_in_dim3A_264 = vector.shape_cast %reduce_min3A_263 : vector<256xi32> to vector<1x256xi32>
      %add3A_265 = vector.broadcast %min3A_241 : i32 to vector<1x256xi32>
      %add3A_266 = arith.addi %broadcast_in_dim3A_264, %add3A_265 : vector<1x256xi32>
      %lt3A = arith.cmpf olt, %broadcast_in_dim3A_256, %while3A_237 : vector<1x256xf32>
      %min3A_267 = arith.minimumf %while3A_237, %broadcast_in_dim3A_256 : vector<1x256xf32>
      %select_n3A_268 = arith.select %lt3A, %add3A_266, %while3A_238 : vector<1x256xi1>, vector<1x256xi32>
      scf.yield %min3A_267, %select_n3A_268 : vector<1x256xf32>, vector<1x256xi32>
    }
    %while3A_199 = arith.constant 1 : i32
    %while3A_200:2 = scf.for %while3A_236 = %while3A_196 to %while3A_192 step %while3A_199 iter_args(%while3A_237 = %while3A_198#0, %while3A_238 = %while3A_198#1) -> (vector<1x256xf32>, vector<1x256xi32>)  : i32 {
      %mul3A_239 = arith.constant 512 : i32
      %mul3A_240 = arith.muli %while3A_236, %mul3A_239 : i32
      %add3A = arith.addi %get3A_0, %mul3A_240 : i32
      %min3A = arith.constant 7680 : i32
      %min3A_241 = arith.minsi %add3A, %min3A : i32
      %mul3A_242 = arith.constant 512 : i32
      %mul3A_243 = arith.muli %while3A_236, %mul3A_242 : i32
      %get3A_244 = arith.index_cast %mul3A_243 : i32 to index
      %get3A_245 = arith.constant 0 : index
      %get3A_246 = vector.load %arg9[%get3A_244, %get3A_245] : memref<8192x256xf32, #tpu.memory_space<vmem>>, vector<512x256xf32>
      %sub3A = vector.broadcast %min3A_241 : i32 to vector<1x256xi32>
      %sub3A_247 = arith.subi %while3A_189#1, %sub3A : vector<1x256xi32>
      %eq3A = vector.broadcast %sub3A_247 : vector<1x256xi32> to vector<512x256xi32>
      %eq3A_248 = arith.cmpi eq, %iota3A, %eq3A : vector<512x256xi32>
      %jit3A = arith.constant 2.000000e+30 : f32
      %broadcast_in_dim3A_249 = vector.broadcast %jit3A : f32 to vector<512x256xf32>
      %select_n3A = arith.select %eq3A_248, %broadcast_in_dim3A_249, %get3A_246 : vector<512x256xi1>, vector<512x256xf32>
      %mul3A_250 = arith.constant 512 : i32
      %mul3A_251 = arith.muli %while3A_236, %mul3A_250 : i32
      %swap3A_252 = arith.index_cast %mul3A_251 : i32 to index
      %swap3A_253 = arith.constant 0 : index
      %swap3A_254 = vector.load %arg9[%swap3A_252, %swap3A_253] : memref<8192x256xf32, #tpu.memory_space<vmem>>, vector<512x256xf32>
      tpu.vector_store %arg9[%swap3A_252, %swap3A_253], %select_n3A {strides = array<i32>} : memref<8192x256xf32, #tpu.memory_space<vmem>>, vector<512x256xf32>,
      %reduce_min3A = arith.constant dense<0x7F800000> : vector<256xf32>
      %reduce_min3A_255 = vector.multi_reduction <minimumf>, %select_n3A, %reduce_min3A [0] : vector<512x256xf32> to vector<256xf32>
      %broadcast_in_dim3A_256 = vector.shape_cast %reduce_min3A_255 : vector<256xf32> to vector<1x256xf32>
      %eq3A_257 = vector.broadcast %broadcast_in_dim3A_256 : vector<1x256xf32> to vector<512x256xf32>
      %eq3A_258 = arith.cmpf oeq, %select_n3A, %eq3A_257 : vector<512x256xf32>
      %jit3A_259 = arith.constant 1073741824 : i32
      %broadcast_in_dim3A_260 = vector.broadcast %jit3A_259 : i32 to vector<512x256xi32>
      %select_n3A_261 = arith.select %eq3A_258, %iota3A, %broadcast_in_dim3A_260 : vector<512x256xi1>, vector<512x256xi32>
      %reduce_min3A_262 = arith.constant dense<2147483647> : vector<256xi32>
      %reduce_min3A_263 = vector.multi_reduction <minsi>, %select_n3A_261, %reduce_min3A_262 [0] : vector<512x256xi32> to vector<256xi32>
      %broadcast_in_dim3A_264 = vector.shape_cast %reduce_min3A_263 : vector<256xi32> to vector<1x256xi32>
      %add3A_265 = vector.broadcast %min3A_241 : i32 to vector<1x256xi32>
      %add3A_266 = arith.addi %broadcast_in_dim3A_264, %add3A_265 : vector<1x256xi32>
      %lt3A = arith.cmpf olt, %broadcast_in_dim3A_256, %while3A_237 : vector<1x256xf32>
      %min3A_267 = arith.minimumf %while3A_237, %broadcast_in_dim3A_256 : vector<1x256xf32>
      %select_n3A_268 = arith.select %lt3A, %add3A_266, %while3A_238 : vector<1x256xi1>, vector<1x256xi32>
      scf.yield %min3A_267, %select_n3A_268 : vector<1x256xf32>, vector<1x256xi32>
    }
    %while3A_201 = arith.constant 0 : i32
    %while3A_202 = arith.subi %get3A_2, %while3A_201 : i32
    %while3A_203 = arith.addi %while3A_201, %while3A_202 : i32
    %while3A_204 = arith.constant 1 : i32
    %while3A_205 = arith.divsi %while3A_202, %while3A_204 : i32
    %while3A_206 = arith.muli %while3A_205, %while3A_204 : i32
    %while3A_207 = arith.addi %while3A_201, %while3A_206 : i32
    %while3A_208 = arith.constant 1 : i32
    %while3A_209:2 = scf.for %while3A_236 = %while3A_201 to %while3A_207 step %while3A_208 iter_args(%while3A_237 = %broadcast_in_dim3A_12, %while3A_238 = %broadcast_in_dim3A_14) -> (vector<1x256xf32>, vector<1x256xi32>)  : i32 {
      %mul3A_239 = arith.constant 512 : i32
      %mul3A_240 = arith.muli %while3A_236, %mul3A_239 : i32
      %add3A = arith.addi %get3A_0, %mul3A_240 : i32
      %min3A = arith.constant 7680 : i32
      %min3A_241 = arith.minsi %add3A, %min3A : i32
      %mul3A_242 = arith.constant 512 : i32
      %mul3A_243 = arith.muli %while3A_236, %mul3A_242 : i32
      %get3A_244 = arith.index_cast %mul3A_243 : i32 to index
      %get3A_245 = arith.constant 0 : index
      %get3A_246 = vector.load %arg9[%get3A_244, %get3A_245] : memref<8192x256xf32, #tpu.memory_space<vmem>>, vector<512x256xf32>
      %sub3A = vector.broadcast %min3A_241 : i32 to vector<1x256xi32>
      %sub3A_247 = arith.subi %while3A_200#1, %sub3A : vector<1x256xi32>
      %eq3A = vector.broadcast %sub3A_247 : vector<1x256xi32> to vector<512x256xi32>
      %eq3A_248 = arith.cmpi eq, %iota3A, %eq3A : vector<512x256xi32>
      %jit3A = arith.constant 2.000000e+30 : f32
      %broadcast_in_dim3A_249 = vector.broadcast %jit3A : f32 to vector<512x256xf32>
      %select_n3A = arith.select %eq3A_248, %broadcast_in_dim3A_249, %get3A_246 : vector<512x256xi1>, vector<512x256xf32>
      %mul3A_250 = arith.constant 512 : i32
      %mul3A_251 = arith.muli %while3A_236, %mul3A_250 : i32
      %swap3A_252 = arith.index_cast %mul3A_251 : i32 to index
      %swap3A_253 = arith.constant 0 : index
      %swap3A_254 = vector.load %arg9[%swap3A_252, %swap3A_253] : memref<8192x256xf32, #tpu.memory_space<vmem>>, vector<512x256xf32>
      tpu.vector_store %arg9[%swap3A_252, %swap3A_253], %select_n3A {strides = array<i32>} : memref<8192x256xf32, #tpu.memory_space<vmem>>, vector<512x256xf32>,
      %reduce_min3A = arith.constant dense<0x7F800000> : vector<256xf32>
      %reduce_min3A_255 = vector.multi_reduction <minimumf>, %select_n3A, %reduce_min3A [0] : vector<512x256xf32> to vector<256xf32>
      %broadcast_in_dim3A_256 = vector.shape_cast %reduce_min3A_255 : vector<256xf32> to vector<1x256xf32>
      %eq3A_257 = vector.broadcast %broadcast_in_dim3A_256 : vector<1x256xf32> to vector<512x256xf32>
      %eq3A_258 = arith.cmpf oeq, %select_n3A, %eq3A_257 : vector<512x256xf32>
      %jit3A_259 = arith.constant 1073741824 : i32
      %broadcast_in_dim3A_260 = vector.broadcast %jit3A_259 : i32 to vector<512x256xi32>
      %select_n3A_261 = arith.select %eq3A_258, %iota3A, %broadcast_in_dim3A_260 : vector<512x256xi1>, vector<512x256xi32>
      %reduce_min3A_262 = arith.constant dense<2147483647> : vector<256xi32>
      %reduce_min3A_263 = vector.multi_reduction <minsi>, %select_n3A_261, %reduce_min3A_262 [0] : vector<512x256xi32> to vector<256xi32>
      %broadcast_in_dim3A_264 = vector.shape_cast %reduce_min3A_263 : vector<256xi32> to vector<1x256xi32>
      %add3A_265 = vector.broadcast %min3A_241 : i32 to vector<1x256xi32>
      %add3A_266 = arith.addi %broadcast_in_dim3A_264, %add3A_265 : vector<1x256xi32>
      %lt3A = arith.cmpf olt, %broadcast_in_dim3A_256, %while3A_237 : vector<1x256xf32>
      %min3A_267 = arith.minimumf %while3A_237, %broadcast_in_dim3A_256 : vector<1x256xf32>
      %select_n3A_268 = arith.select %lt3A, %add3A_266, %while3A_238 : vector<1x256xi1>, vector<1x256xi32>
      scf.yield %min3A_267, %select_n3A_268 : vector<1x256xf32>, vector<1x256xi32>
    }
    %while3A_210 = arith.constant 1 : i32
    %while3A_211:2 = scf.for %while3A_236 = %while3A_207 to %while3A_203 step %while3A_210 iter_args(%while3A_237 = %while3A_209#0, %while3A_238 = %while3A_209#1) -> (vector<1x256xf32>, vector<1x256xi32>)  : i32 {
      %mul3A_239 = arith.constant 512 : i32
      %mul3A_240 = arith.muli %while3A_236, %mul3A_239 : i32
      %add3A = arith.addi %get3A_0, %mul3A_240 : i32
      %min3A = arith.constant 7680 : i32
      %min3A_241 = arith.minsi %add3A, %min3A : i32
      %mul3A_242 = arith.constant 512 : i32
      %mul3A_243 = arith.muli %while3A_236, %mul3A_242 : i32
      %get3A_244 = arith.index_cast %mul3A_243 : i32 to index
      %get3A_245 = arith.constant 0 : index
      %get3A_246 = vector.load %arg9[%get3A_244, %get3A_245] : memref<8192x256xf32, #tpu.memory_space<vmem>>, vector<512x256xf32>
      %sub3A = vector.broadcast %min3A_241 : i32 to vector<1x256xi32>
      %sub3A_247 = arith.subi %while3A_200#1, %sub3A : vector<1x256xi32>
      %eq3A = vector.broadcast %sub3A_247 : vector<1x256xi32> to vector<512x256xi32>
      %eq3A_248 = arith.cmpi eq, %iota3A, %eq3A : vector<512x256xi32>
      %jit3A = arith.constant 2.000000e+30 : f32
      %broadcast_in_dim3A_249 = vector.broadcast %jit3A : f32 to vector<512x256xf32>
      %select_n3A = arith.select %eq3A_248, %broadcast_in_dim3A_249, %get3A_246 : vector<512x256xi1>, vector<512x256xf32>
      %mul3A_250 = arith.constant 512 : i32
      %mul3A_251 = arith.muli %while3A_236, %mul3A_250 : i32
      %swap3A_252 = arith.index_cast %mul3A_251 : i32 to index
      %swap3A_253 = arith.constant 0 : index
      %swap3A_254 = vector.load %arg9[%swap3A_252, %swap3A_253] : memref<8192x256xf32, #tpu.memory_space<vmem>>, vector<512x256xf32>
      tpu.vector_store %arg9[%swap3A_252, %swap3A_253], %select_n3A {strides = array<i32>} : memref<8192x256xf32, #tpu.memory_space<vmem>>, vector<512x256xf32>,
      %reduce_min3A = arith.constant dense<0x7F800000> : vector<256xf32>
      %reduce_min3A_255 = vector.multi_reduction <minimumf>, %select_n3A, %reduce_min3A [0] : vector<512x256xf32> to vector<256xf32>
      %broadcast_in_dim3A_256 = vector.shape_cast %reduce_min3A_255 : vector<256xf32> to vector<1x256xf32>
      %eq3A_257 = vector.broadcast %broadcast_in_dim3A_256 : vector<1x256xf32> to vector<512x256xf32>
      %eq3A_258 = arith.cmpf oeq, %select_n3A, %eq3A_257 : vector<512x256xf32>
      %jit3A_259 = arith.constant 1073741824 : i32
      %broadcast_in_dim3A_260 = vector.broadcast %jit3A_259 : i32 to vector<512x256xi32>
      %select_n3A_261 = arith.select %eq3A_258, %iota3A, %broadcast_in_dim3A_260 : vector<512x256xi1>, vector<512x256xi32>
      %reduce_min3A_262 = arith.constant dense<2147483647> : vector<256xi32>
      %reduce_min3A_263 = vector.multi_reduction <minsi>, %select_n3A_261, %reduce_min3A_262 [0] : vector<512x256xi32> to vector<256xi32>
      %broadcast_in_dim3A_264 = vector.shape_cast %reduce_min3A_263 : vector<256xi32> to vector<1x256xi32>
      %add3A_265 = vector.broadcast %min3A_241 : i32 to vector<1x256xi32>
      %add3A_266 = arith.addi %broadcast_in_dim3A_264, %add3A_265 : vector<1x256xi32>
      %lt3A = arith.cmpf olt, %broadcast_in_dim3A_256, %while3A_237 : vector<1x256xf32>
      %min3A_267 = arith.minimumf %while3A_237, %broadcast_in_dim3A_256 : vector<1x256xf32>
      %select_n3A_268 = arith.select %lt3A, %add3A_266, %while3A_238 : vector<1x256xi1>, vector<1x256xi32>
      scf.yield %min3A_267, %select_n3A_268 : vector<1x256xf32>, vector<1x256xi32>
    }
    %while3A_212 = arith.constant 0 : i32
    %while3A_213 = arith.subi %get3A_2, %while3A_212 : i32
    %while3A_214 = arith.addi %while3A_212, %while3A_213 : i32
    %while3A_215 = arith.constant 1 : i32
    %while3A_216 = arith.divsi %while3A_213, %while3A_215 : i32
    %while3A_217 = arith.muli %while3A_216, %while3A_215 : i32
    %while3A_218 = arith.addi %while3A_212, %while3A_217 : i32
    %while3A_219 = arith.constant 1 : i32
    %while3A_220:2 = scf.for %while3A_236 = %while3A_212 to %while3A_218 step %while3A_219 iter_args(%while3A_237 = %broadcast_in_dim3A_12, %while3A_238 = %broadcast_in_dim3A_14) -> (vector<1x256xf32>, vector<1x256xi32>)  : i32 {
      %mul3A_239 = arith.constant 512 : i32
      %mul3A_240 = arith.muli %while3A_236, %mul3A_239 : i32
      %add3A = arith.addi %get3A_0, %mul3A_240 : i32
      %min3A = arith.constant 7680 : i32
      %min3A_241 = arith.minsi %add3A, %min3A : i32
      %mul3A_242 = arith.constant 512 : i32
      %mul3A_243 = arith.muli %while3A_236, %mul3A_242 : i32
      %get3A_244 = arith.index_cast %mul3A_243 : i32 to index
      %get3A_245 = arith.constant 0 : index
      %get3A_246 = vector.load %arg9[%get3A_244, %get3A_245] : memref<8192x256xf32, #tpu.memory_space<vmem>>, vector<512x256xf32>
      %sub3A = vector.broadcast %min3A_241 : i32 to vector<1x256xi32>
      %sub3A_247 = arith.subi %while3A_211#1, %sub3A : vector<1x256xi32>
      %eq3A = vector.broadcast %sub3A_247 : vector<1x256xi32> to vector<512x256xi32>
      %eq3A_248 = arith.cmpi eq, %iota3A, %eq3A : vector<512x256xi32>
      %jit3A = arith.constant 2.000000e+30 : f32
      %broadcast_in_dim3A_249 = vector.broadcast %jit3A : f32 to vector<512x256xf32>
      %select_n3A = arith.select %eq3A_248, %broadcast_in_dim3A_249, %get3A_246 : vector<512x256xi1>, vector<512x256xf32>
      %mul3A_250 = arith.constant 512 : i32
      %mul3A_251 = arith.muli %while3A_236, %mul3A_250 : i32
      %swap3A_252 = arith.index_cast %mul3A_251 : i32 to index
      %swap3A_253 = arith.constant 0 : index
      %swap3A_254 = vector.load %arg9[%swap3A_252, %swap3A_253] : memref<8192x256xf32, #tpu.memory_space<vmem>>, vector<512x256xf32>
      tpu.vector_store %arg9[%swap3A_252, %swap3A_253], %select_n3A {strides = array<i32>} : memref<8192x256xf32, #tpu.memory_space<vmem>>, vector<512x256xf32>,
      %reduce_min3A = arith.constant dense<0x7F800000> : vector<256xf32>
      %reduce_min3A_255 = vector.multi_reduction <minimumf>, %select_n3A, %reduce_min3A [0] : vector<512x256xf32> to vector<256xf32>
      %broadcast_in_dim3A_256 = vector.shape_cast %reduce_min3A_255 : vector<256xf32> to vector<1x256xf32>
      %eq3A_257 = vector.broadcast %broadcast_in_dim3A_256 : vector<1x256xf32> to vector<512x256xf32>
      %eq3A_258 = arith.cmpf oeq, %select_n3A, %eq3A_257 : vector<512x256xf32>
      %jit3A_259 = arith.constant 1073741824 : i32
      %broadcast_in_dim3A_260 = vector.broadcast %jit3A_259 : i32 to vector<512x256xi32>
      %select_n3A_261 = arith.select %eq3A_258, %iota3A, %broadcast_in_dim3A_260 : vector<512x256xi1>, vector<512x256xi32>
      %reduce_min3A_262 = arith.constant dense<2147483647> : vector<256xi32>
      %reduce_min3A_263 = vector.multi_reduction <minsi>, %select_n3A_261, %reduce_min3A_262 [0] : vector<512x256xi32> to vector<256xi32>
      %broadcast_in_dim3A_264 = vector.shape_cast %reduce_min3A_263 : vector<256xi32> to vector<1x256xi32>
      %add3A_265 = vector.broadcast %min3A_241 : i32 to vector<1x256xi32>
      %add3A_266 = arith.addi %broadcast_in_dim3A_264, %add3A_265 : vector<1x256xi32>
      %lt3A = arith.cmpf olt, %broadcast_in_dim3A_256, %while3A_237 : vector<1x256xf32>
      %min3A_267 = arith.minimumf %while3A_237, %broadcast_in_dim3A_256 : vector<1x256xf32>
      %select_n3A_268 = arith.select %lt3A, %add3A_266, %while3A_238 : vector<1x256xi1>, vector<1x256xi32>
      scf.yield %min3A_267, %select_n3A_268 : vector<1x256xf32>, vector<1x256xi32>
    }
    %while3A_221 = arith.constant 1 : i32
    %while3A_222:2 = scf.for %while3A_236 = %while3A_218 to %while3A_214 step %while3A_221 iter_args(%while3A_237 = %while3A_220#0, %while3A_238 = %while3A_220#1) -> (vector<1x256xf32>, vector<1x256xi32>)  : i32 {
      %mul3A_239 = arith.constant 512 : i32
      %mul3A_240 = arith.muli %while3A_236, %mul3A_239 : i32
      %add3A = arith.addi %get3A_0, %mul3A_240 : i32
      %min3A = arith.constant 7680 : i32
      %min3A_241 = arith.minsi %add3A, %min3A : i32
      %mul3A_242 = arith.constant 512 : i32
      %mul3A_243 = arith.muli %while3A_236, %mul3A_242 : i32
      %get3A_244 = arith.index_cast %mul3A_243 : i32 to index
      %get3A_245 = arith.constant 0 : index
      %get3A_246 = vector.load %arg9[%get3A_244, %get3A_245] : memref<8192x256xf32, #tpu.memory_space<vmem>>, vector<512x256xf32>
      %sub3A = vector.broadcast %min3A_241 : i32 to vector<1x256xi32>
      %sub3A_247 = arith.subi %while3A_211#1, %sub3A : vector<1x256xi32>
      %eq3A = vector.broadcast %sub3A_247 : vector<1x256xi32> to vector<512x256xi32>
      %eq3A_248 = arith.cmpi eq, %iota3A, %eq3A : vector<512x256xi32>
      %jit3A = arith.constant 2.000000e+30 : f32
      %broadcast_in_dim3A_249 = vector.broadcast %jit3A : f32 to vector<512x256xf32>
      %select_n3A = arith.select %eq3A_248, %broadcast_in_dim3A_249, %get3A_246 : vector<512x256xi1>, vector<512x256xf32>
      %mul3A_250 = arith.constant 512 : i32
      %mul3A_251 = arith.muli %while3A_236, %mul3A_250 : i32
      %swap3A_252 = arith.index_cast %mul3A_251 : i32 to index
      %swap3A_253 = arith.constant 0 : index
      %swap3A_254 = vector.load %arg9[%swap3A_252, %swap3A_253] : memref<8192x256xf32, #tpu.memory_space<vmem>>, vector<512x256xf32>
      tpu.vector_store %arg9[%swap3A_252, %swap3A_253], %select_n3A {strides = array<i32>} : memref<8192x256xf32, #tpu.memory_space<vmem>>, vector<512x256xf32>,
      %reduce_min3A = arith.constant dense<0x7F800000> : vector<256xf32>
      %reduce_min3A_255 = vector.multi_reduction <minimumf>, %select_n3A, %reduce_min3A [0] : vector<512x256xf32> to vector<256xf32>
      %broadcast_in_dim3A_256 = vector.shape_cast %reduce_min3A_255 : vector<256xf32> to vector<1x256xf32>
      %eq3A_257 = vector.broadcast %broadcast_in_dim3A_256 : vector<1x256xf32> to vector<512x256xf32>
      %eq3A_258 = arith.cmpf oeq, %select_n3A, %eq3A_257 : vector<512x256xf32>
      %jit3A_259 = arith.constant 1073741824 : i32
      %broadcast_in_dim3A_260 = vector.broadcast %jit3A_259 : i32 to vector<512x256xi32>
      %select_n3A_261 = arith.select %eq3A_258, %iota3A, %broadcast_in_dim3A_260 : vector<512x256xi1>, vector<512x256xi32>
      %reduce_min3A_262 = arith.constant dense<2147483647> : vector<256xi32>
      %reduce_min3A_263 = vector.multi_reduction <minsi>, %select_n3A_261, %reduce_min3A_262 [0] : vector<512x256xi32> to vector<256xi32>
      %broadcast_in_dim3A_264 = vector.shape_cast %reduce_min3A_263 : vector<256xi32> to vector<1x256xi32>
      %add3A_265 = vector.broadcast %min3A_241 : i32 to vector<1x256xi32>
      %add3A_266 = arith.addi %broadcast_in_dim3A_264, %add3A_265 : vector<1x256xi32>
      %lt3A = arith.cmpf olt, %broadcast_in_dim3A_256, %while3A_237 : vector<1x256xf32>
      %min3A_267 = arith.minimumf %while3A_237, %broadcast_in_dim3A_256 : vector<1x256xf32>
      %select_n3A_268 = arith.select %lt3A, %add3A_266, %while3A_238 : vector<1x256xi1>, vector<1x256xi32>
      scf.yield %min3A_267, %select_n3A_268 : vector<1x256xf32>, vector<1x256xi32>
    }
    %while3A_223 = arith.constant 0 : i32
    %while3A_224 = arith.subi %get3A_2, %while3A_223 : i32
    %while3A_225 = arith.addi %while3A_223, %while3A_224 : i32
    %while3A_226 = arith.constant 1 : i32
    %while3A_227 = arith.divsi %while3A_224, %while3A_226 : i32
    %while3A_228 = arith.muli %while3A_227, %while3A_226 : i32
    %while3A_229 = arith.addi %while3A_223, %while3A_228 : i32
    %while3A_230 = arith.constant 1 : i32
    %while3A_231:2 = scf.for %while3A_236 = %while3A_223 to %while3A_229 step %while3A_230 iter_args(%while3A_237 = %broadcast_in_dim3A_12, %while3A_238 = %broadcast_in_dim3A_14) -> (vector<1x256xf32>, vector<1x256xi32>)  : i32 {
      %mul3A_239 = arith.constant 512 : i32
      %mul3A_240 = arith.muli %while3A_236, %mul3A_239 : i32
      %add3A = arith.addi %get3A_0, %mul3A_240 : i32
      %min3A = arith.constant 7680 : i32
      %min3A_241 = arith.minsi %add3A, %min3A : i32
      %mul3A_242 = arith.constant 512 : i32
      %mul3A_243 = arith.muli %while3A_236, %mul3A_242 : i32
      %get3A_244 = arith.index_cast %mul3A_243 : i32 to index
      %get3A_245 = arith.constant 0 : index
      %get3A_246 = vector.load %arg9[%get3A_244, %get3A_245] : memref<8192x256xf32, #tpu.memory_space<vmem>>, vector<512x256xf32>
      %sub3A = vector.broadcast %min3A_241 : i32 to vector<1x256xi32>
      %sub3A_247 = arith.subi %while3A_222#1, %sub3A : vector<1x256xi32>
      %eq3A = vector.broadcast %sub3A_247 : vector<1x256xi32> to vector<512x256xi32>
      %eq3A_248 = arith.cmpi eq, %iota3A, %eq3A : vector<512x256xi32>
      %jit3A = arith.constant 2.000000e+30 : f32
      %broadcast_in_dim3A_249 = vector.broadcast %jit3A : f32 to vector<512x256xf32>
      %select_n3A = arith.select %eq3A_248, %broadcast_in_dim3A_249, %get3A_246 : vector<512x256xi1>, vector<512x256xf32>
      %reduce_min3A = arith.constant dense<0x7F800000> : vector<256xf32>
      %reduce_min3A_250 = vector.multi_reduction <minimumf>, %select_n3A, %reduce_min3A [0] : vector<512x256xf32> to vector<256xf32>
      %broadcast_in_dim3A_251 = vector.shape_cast %reduce_min3A_250 : vector<256xf32> to vector<1x256xf32>
      %eq3A_252 = vector.broadcast %broadcast_in_dim3A_251 : vector<1x256xf32> to vector<512x256xf32>
      %eq3A_253 = arith.cmpf oeq, %select_n3A, %eq3A_252 : vector<512x256xf32>
      %jit3A_254 = arith.constant 1073741824 : i32
      %broadcast_in_dim3A_255 = vector.broadcast %jit3A_254 : i32 to vector<512x256xi32>
      %select_n3A_256 = arith.select %eq3A_253, %iota3A, %broadcast_in_dim3A_255 : vector<512x256xi1>, vector<512x256xi32>
      %reduce_min3A_257 = arith.constant dense<2147483647> : vector<256xi32>
      %reduce_min3A_258 = vector.multi_reduction <minsi>, %select_n3A_256, %reduce_min3A_257 [0] : vector<512x256xi32> to vector<256xi32>
      %broadcast_in_dim3A_259 = vector.shape_cast %reduce_min3A_258 : vector<256xi32> to vector<1x256xi32>
      %add3A_260 = vector.broadcast %min3A_241 : i32 to vector<1x256xi32>
      %add3A_261 = arith.addi %broadcast_in_dim3A_259, %add3A_260 : vector<1x256xi32>
      %lt3A = arith.cmpf olt, %broadcast_in_dim3A_251, %while3A_237 : vector<1x256xf32>
      %min3A_262 = arith.minimumf %while3A_237, %broadcast_in_dim3A_251 : vector<1x256xf32>
      %select_n3A_263 = arith.select %lt3A, %add3A_261, %while3A_238 : vector<1x256xi1>, vector<1x256xi32>
      scf.yield %min3A_262, %select_n3A_263 : vector<1x256xf32>, vector<1x256xi32>
    }
    %while3A_232 = arith.constant 1 : i32
    %while3A_233:2 = scf.for %while3A_236 = %while3A_229 to %while3A_225 step %while3A_232 iter_args(%while3A_237 = %while3A_231#0, %while3A_238 = %while3A_231#1) -> (vector<1x256xf32>, vector<1x256xi32>)  : i32 {
      %mul3A_239 = arith.constant 512 : i32
      %mul3A_240 = arith.muli %while3A_236, %mul3A_239 : i32
      %add3A = arith.addi %get3A_0, %mul3A_240 : i32
      %min3A = arith.constant 7680 : i32
      %min3A_241 = arith.minsi %add3A, %min3A : i32
      %mul3A_242 = arith.constant 512 : i32
      %mul3A_243 = arith.muli %while3A_236, %mul3A_242 : i32
      %get3A_244 = arith.index_cast %mul3A_243 : i32 to index
      %get3A_245 = arith.constant 0 : index
      %get3A_246 = vector.load %arg9[%get3A_244, %get3A_245] : memref<8192x256xf32, #tpu.memory_space<vmem>>, vector<512x256xf32>
      %sub3A = vector.broadcast %min3A_241 : i32 to vector<1x256xi32>
      %sub3A_247 = arith.subi %while3A_222#1, %sub3A : vector<1x256xi32>
      %eq3A = vector.broadcast %sub3A_247 : vector<1x256xi32> to vector<512x256xi32>
      %eq3A_248 = arith.cmpi eq, %iota3A, %eq3A : vector<512x256xi32>
      %jit3A = arith.constant 2.000000e+30 : f32
      %broadcast_in_dim3A_249 = vector.broadcast %jit3A : f32 to vector<512x256xf32>
      %select_n3A = arith.select %eq3A_248, %broadcast_in_dim3A_249, %get3A_246 : vector<512x256xi1>, vector<512x256xf32>
      %reduce_min3A = arith.constant dense<0x7F800000> : vector<256xf32>
      %reduce_min3A_250 = vector.multi_reduction <minimumf>, %select_n3A, %reduce_min3A [0] : vector<512x256xf32> to vector<256xf32>
      %broadcast_in_dim3A_251 = vector.shape_cast %reduce_min3A_250 : vector<256xf32> to vector<1x256xf32>
      %eq3A_252 = vector.broadcast %broadcast_in_dim3A_251 : vector<1x256xf32> to vector<512x256xf32>
      %eq3A_253 = arith.cmpf oeq, %select_n3A, %eq3A_252 : vector<512x256xf32>
      %jit3A_254 = arith.constant 1073741824 : i32
      %broadcast_in_dim3A_255 = vector.broadcast %jit3A_254 : i32 to vector<512x256xi32>
      %select_n3A_256 = arith.select %eq3A_253, %iota3A, %broadcast_in_dim3A_255 : vector<512x256xi1>, vector<512x256xi32>
      %reduce_min3A_257 = arith.constant dense<2147483647> : vector<256xi32>
      %reduce_min3A_258 = vector.multi_reduction <minsi>, %select_n3A_256, %reduce_min3A_257 [0] : vector<512x256xi32> to vector<256xi32>
      %broadcast_in_dim3A_259 = vector.shape_cast %reduce_min3A_258 : vector<256xi32> to vector<1x256xi32>
      %add3A_260 = vector.broadcast %min3A_241 : i32 to vector<1x256xi32>
      %add3A_261 = arith.addi %broadcast_in_dim3A_259, %add3A_260 : vector<1x256xi32>
      %lt3A = arith.cmpf olt, %broadcast_in_dim3A_251, %while3A_237 : vector<1x256xf32>
      %min3A_262 = arith.minimumf %while3A_237, %broadcast_in_dim3A_251 : vector<1x256xf32>
      %select_n3A_263 = arith.select %lt3A, %add3A_261, %while3A_238 : vector<1x256xi1>, vector<1x256xi32>
      scf.yield %min3A_262, %select_n3A_263 : vector<1x256xf32>, vector<1x256xi32>
    }
    %concatenate3A = tpu.concatenate %while3A_24#1, %while3A_35#1, %while3A_46#1, %while3A_57#1, %while3A_68#1, %while3A_79#1, %while3A_90#1, %while3A_101#1, %while3A_112#1, %while3A_123#1, %while3A_134#1, %while3A_145#1, %while3A_156#1, %while3A_167#1, %while3A_178#1, %while3A_189#1, %while3A_200#1, %while3A_211#1, %while3A_222#1, %while3A_233#1 in 0 : vector<1x256xi32>, vector<1x256xi32>, vector<1x256xi32>, vector<1x256xi32>, vector<1x256xi32>, vector<1x256xi32>, vector<1x256xi32>, vector<1x256xi32>, vector<1x256xi32>, vector<1x256xi32>, vector<1x256xi32>, vector<1x256xi32>, vector<1x256xi32>, vector<1x256xi32>, vector<1x256xi32>, vector<1x256xi32>, vector<1x256xi32>, vector<1x256xi32>, vector<1x256xi32>, vector<1x256xi32> -> vector<20x256xi32>
    %swap3A = arith.constant 0 : index
    %swap3A_234 = arith.constant 0 : index
    %swap3A_235 = vector.load %arg8[%swap3A, %swap3A_234] : memref<20x256xi32, #tpu.memory_space<vmem>>, vector<20x256xi32>
    tpu.vector_store %arg8[%swap3A, %swap3A_234], %concatenate3A {strides = array<i32>} : memref<20x256xi32, #tpu.memory_space<vmem>>, vector<20x256xi32>,
    return
  }
  func.func @transform_0(%arg0: i32, %arg1: memref<32xi32, #tpu.memory_space<smem>>, %arg2: memref<32xi32, #tpu.memory_space<smem>>) -> (i32, i32) {
    %c0_i32 = arith.constant 0 : i32
    %c0_i32_0 = arith.constant 0 : i32
    %c0_i32_1 = arith.constant 0 : i32
    return %c0_i32, %c0_i32_0 : i32, i32
  }
  func.func @transform_1(%arg0: i32, %arg1: memref<32xi32, #tpu.memory_space<smem>>, %arg2: memref<32xi32, #tpu.memory_space<smem>>) -> (i32, i32) {
    %c0_i32 = arith.constant 0 : i32
    %c0_i32_0 = arith.constant 0 : i32
    return %arg0, %c0_i32 : i32, i32
  }
  func.func @transform_2(%arg0: i32, %arg1: memref<32xi32, #tpu.memory_space<smem>>, %arg2: memref<32xi32, #tpu.memory_space<smem>>) -> (i32, i32) {
    %c0_i32 = arith.constant 0 : i32
    %c0_i32_0 = arith.constant 0 : i32
    %c0_i32_1 = arith.constant 0 : i32
    return %c0_i32, %c0_i32_0 : i32, i32
  }
  func.func @transform_3(%arg0: i32, %arg1: memref<32xi32, #tpu.memory_space<smem>>, %arg2: memref<32xi32, #tpu.memory_space<smem>>) -> (i32, i32) {
    %c0_i32 = arith.constant 0 : i32
    %c0_i32_0 = arith.constant 0 : i32
    %c0_i32_1 = arith.constant 0 : i32
    return %c0_i32, %c0_i32_0 : i32, i32
  }
  func.func @transform_4(%arg0: i32, %arg1: memref<32xi32, #tpu.memory_space<smem>>, %arg2: memref<32xi32, #tpu.memory_space<smem>>) -> (i32, i32) {
    %c0_i32 = arith.constant 0 : i32
    %c0_i32_0 = arith.constant 0 : i32
    return %c0_i32, %arg0 : i32, i32
  }
  func.func @transform_5(%arg0: i32, %arg1: memref<32xi32, #tpu.memory_space<smem>>, %arg2: memref<32xi32, #tpu.memory_space<smem>>) -> (i32, i32) {
    %c0_i32 = arith.constant 0 : i32
    %c0_i32_0 = arith.constant 0 : i32
    return %c0_i32, %arg0 : i32, i32
  }
}

module attributes {stable_mosaic.version = 14 : i64} {
  func.func @_p2_body(%arg0: i32, %arg1: i32, %arg2: memref<20x512x128xf32, #tpu.memory_space<vmem>>, %arg3: memref<512x64xf32, #tpu.memory_space<vmem>>, %arg4: memref<1x64xf32, #tpu.memory_space<vmem>>, %arg5: memref<1x64xf32, #tpu.memory_space<vmem>>, %arg6: memref<64x64xf32, #tpu.memory_space<vmem>>, %arg7: memref<1x64xf32, #tpu.memory_space<vmem>>, %arg8: memref<20x512x64xf32, #tpu.memory_space<vmem>>, %arg9: memref<8x64xf32, #tpu.memory_space<vmem>>, %arg10: memref<8x64xf32, #tpu.memory_space<vmem>>) attributes {dimension_semantics = [#tpu.dimension_semantics<arbitrary>, #tpu.dimension_semantics<arbitrary>], iteration_bounds = array<i64: 2, 16>, scalar_prefetch = 0 : i64, scratch_operands = 0 : i64, tpu.core_type = #tpu.core_type<tc>, window_params = [{transform_indices = @transform_0, window_bounds = array<i64: 20, 512, 128>}, {transform_indices = @transform_1, window_bounds = array<i64: 512, 64>}, {pipeline_mode = #tpu.pipeline_mode<synchronous>, transform_indices = @transform_2, window_bounds = array<i64: 1, 64>}, {pipeline_mode = #tpu.pipeline_mode<synchronous>, transform_indices = @transform_3, window_bounds = array<i64: 1, 64>}, {pipeline_mode = #tpu.pipeline_mode<synchronous>, transform_indices = @transform_4, window_bounds = array<i64: 64, 64>}, {pipeline_mode = #tpu.pipeline_mode<synchronous>, transform_indices = @transform_5, window_bounds = array<i64: 1, 64>}, {transform_indices = @transform_6, window_bounds = array<i64: 20, 512, 64>}, {pipeline_mode = #tpu.pipeline_mode<synchronous>, transform_indices = @transform_7, window_bounds = array<i64: 8, 64>}, {pipeline_mode = #tpu.pipeline_mode<synchronous>, transform_indices = @transform_8, window_bounds = array<i64: 8, 64>}]} {
    %get3A = arith.constant 0 : index
    %get3A_0 = arith.constant 0 : index
    %get3A_1 = arith.constant 0 : index
    %get3A_2 = vector.load %arg2[%get3A, %get3A_0, %get3A_1] : memref<20x512x128xf32, #tpu.memory_space<vmem>>, vector<20x512x64xf32>
    %get3A_3 = arith.constant 0 : index
    %get3A_4 = arith.constant 0 : index
    %get3A_5 = vector.load %arg3[%get3A_3, %get3A_4] : memref<512x64xf32, #tpu.memory_space<vmem>>, vector<512x64xf32>
    %broadcast_in_dim3A = vector.shape_cast %get3A_5 : vector<512x64xf32> to vector<1x512x64xf32>
    %add3A = vector.broadcast %broadcast_in_dim3A : vector<1x512x64xf32> to vector<20x512x64xf32>
    %add3A_6 = arith.addf %get3A_2, %add3A : vector<20x512x64xf32>
    %eq3A = arith.constant 0 : i32
    %eq3A_7 = arith.cmpi eq, %arg0, %eq3A : i32
    %convert_element_type3A = arith.extui %eq3A_7 : i1 to i32
    %cond3A = arith.constant 0 : i32
    %cond3A_8 = arith.cmpi ne, %convert_element_type3A, %cond3A : i32
    scf.if %cond3A_8 {
      %eq3A_14 = arith.constant 0 : i32
      %eq3A_15 = arith.cmpi eq, %arg1, %eq3A_14 : i32
      %convert_element_type3A_16 = arith.extui %eq3A_15 : i1 to i32
      %cond3A_17 = arith.constant 0 : i32
      %cond3A_18 = arith.cmpi ne, %convert_element_type3A_16, %cond3A_17 : i32
      scf.if %cond3A_18 {
        %broadcast_in_dim3A_41 = arith.constant 0.000000e+00 : f32
        %broadcast_in_dim3A_42 = vector.broadcast %broadcast_in_dim3A_41 : f32 to vector<8x64xf32>
        %swap3A_43 = arith.constant 0 : index
        %swap3A_44 = arith.constant 0 : index
        %swap3A_45 = vector.load %arg9[%swap3A_43, %swap3A_44] : memref<8x64xf32, #tpu.memory_space<vmem>>, vector<8x64xf32>
        tpu.vector_store %arg9[%swap3A_43, %swap3A_44], %broadcast_in_dim3A_42 {strides = array<i32>} : memref<8x64xf32, #tpu.memory_space<vmem>>, vector<8x64xf32>,
      } else {
      }
      %reduce_sum3A = arith.constant dense<0.000000e+00> : vector<512x64xf32>
      %reduce_sum3A_19 = vector.multi_reduction <add>, %add3A_6, %reduce_sum3A [0] : vector<20x512x64xf32> to vector<512x64xf32>
      %mul3A = arith.mulf %add3A_6, %add3A_6 : vector<20x512x64xf32>
      %reduce_sum3A_20 = arith.constant dense<0.000000e+00> : vector<512x64xf32>
      %reduce_sum3A_21 = vector.multi_reduction <add>, %mul3A, %reduce_sum3A_20 [0] : vector<20x512x64xf32> to vector<512x64xf32>
      %get3A_22 = arith.constant 0 : index
      %get3A_23 = arith.constant 0 : index
      %get3A_24 = vector.load %arg9[%get3A_22, %get3A_23] : memref<8x64xf32, #tpu.memory_space<vmem>>, vector<1x64xf32>
      %reduce_sum3A_25 = arith.constant dense<0.000000e+00> : vector<64xf32>
      %reduce_sum3A_26 = vector.multi_reduction <add>, %reduce_sum3A_19, %reduce_sum3A_25 [0] : vector<512x64xf32> to vector<64xf32>
      %broadcast_in_dim3A_27 = vector.shape_cast %reduce_sum3A_26 : vector<64xf32> to vector<1x64xf32>
      %add3A_28 = arith.addf %get3A_24, %broadcast_in_dim3A_27 : vector<1x64xf32>
      %swap3A = arith.constant 0 : index
      %swap3A_29 = arith.constant 0 : index
      %swap3A_30 = vector.load %arg9[%swap3A, %swap3A_29] : memref<8x64xf32, #tpu.memory_space<vmem>>, vector<1x64xf32>
      tpu.vector_store %arg9[%swap3A, %swap3A_29], %add3A_28 {strides = array<i32>} : memref<8x64xf32, #tpu.memory_space<vmem>>, vector<1x64xf32>,
      %get3A_31 = arith.constant 1 : index
      %get3A_32 = arith.constant 0 : index
      %get3A_33 = vector.load %arg9[%get3A_31, %get3A_32] : memref<8x64xf32, #tpu.memory_space<vmem>>, vector<1x64xf32>
      %reduce_sum3A_34 = arith.constant dense<0.000000e+00> : vector<64xf32>
      %reduce_sum3A_35 = vector.multi_reduction <add>, %reduce_sum3A_21, %reduce_sum3A_34 [0] : vector<512x64xf32> to vector<64xf32>
      %broadcast_in_dim3A_36 = vector.shape_cast %reduce_sum3A_35 : vector<64xf32> to vector<1x64xf32>
      %add3A_37 = arith.addf %get3A_33, %broadcast_in_dim3A_36 : vector<1x64xf32>
      %swap3A_38 = arith.constant 1 : index
      %swap3A_39 = arith.constant 0 : index
      %swap3A_40 = vector.load %arg9[%swap3A_38, %swap3A_39] : memref<8x64xf32, #tpu.memory_space<vmem>>, vector<1x64xf32>
      tpu.vector_store %arg9[%swap3A_38, %swap3A_39], %add3A_37 {strides = array<i32>} : memref<8x64xf32, #tpu.memory_space<vmem>>, vector<1x64xf32>,
    } else {
    }
    %eq3A_9 = arith.constant 1 : i32
    %eq3A_10 = arith.cmpi eq, %arg0, %eq3A_9 : i32
    %convert_element_type3A_11 = arith.extui %eq3A_10 : i1 to i32
    %cond3A_12 = arith.constant 0 : i32
    %cond3A_13 = arith.cmpi ne, %convert_element_type3A_11, %cond3A_12 : i32
    scf.if %cond3A_13 {
      %eq3A_14 = arith.constant 0 : i32
      %eq3A_15 = arith.cmpi eq, %arg1, %eq3A_14 : i32
      %convert_element_type3A_16 = arith.extui %eq3A_15 : i1 to i32
      %cond3A_17 = arith.constant 0 : i32
      %cond3A_18 = arith.cmpi ne, %convert_element_type3A_16, %cond3A_17 : i32
      scf.if %cond3A_18 {
        %broadcast_in_dim3A_83 = arith.constant 0.000000e+00 : f32
        %broadcast_in_dim3A_84 = vector.broadcast %broadcast_in_dim3A_83 : f32 to vector<8x64xf32>
        %swap3A_85 = arith.constant 0 : index
        %swap3A_86 = arith.constant 0 : index
        %swap3A_87 = vector.load %arg10[%swap3A_85, %swap3A_86] : memref<8x64xf32, #tpu.memory_space<vmem>>, vector<8x64xf32>
        tpu.vector_store %arg10[%swap3A_85, %swap3A_86], %broadcast_in_dim3A_84 {strides = array<i32>} : memref<8x64xf32, #tpu.memory_space<vmem>>, vector<8x64xf32>,
      } else {
      }
      %get3A_19 = arith.constant 0 : index
      %get3A_20 = arith.constant 0 : index
      %get3A_21 = vector.load %arg9[%get3A_19, %get3A_20] : memref<8x64xf32, #tpu.memory_space<vmem>>, vector<1x64xf32>
      %mul3A = arith.constant 6.10351572E-6 : f32
      %mul3A_22 = vector.broadcast %mul3A : f32 to vector<1x64xf32>
      %mul3A_23 = arith.mulf %get3A_21, %mul3A_22 : vector<1x64xf32>
      %get3A_24 = arith.constant 1 : index
      %get3A_25 = arith.constant 0 : index
      %get3A_26 = vector.load %arg9[%get3A_24, %get3A_25] : memref<8x64xf32, #tpu.memory_space<vmem>>, vector<1x64xf32>
      %mul3A_27 = arith.constant 6.10351572E-6 : f32
      %mul3A_28 = vector.broadcast %mul3A_27 : f32 to vector<1x64xf32>
      %mul3A_29 = arith.mulf %get3A_26, %mul3A_28 : vector<1x64xf32>
      %mul3A_30 = arith.mulf %mul3A_23, %mul3A_23 : vector<1x64xf32>
      %sub3A = arith.subf %mul3A_29, %mul3A_30 : vector<1x64xf32>
      %get3A_31 = arith.constant 0 : index
      %get3A_32 = arith.constant 0 : index
      %get3A_33 = vector.load %arg4[%get3A_31, %get3A_32] : memref<1x64xf32, #tpu.memory_space<vmem>>, vector<1x64xf32>
      %add3A_34 = arith.constant 9.99999974E-6 : f32
      %add3A_35 = vector.broadcast %add3A_34 : f32 to vector<1x64xf32>
      %add3A_36 = arith.addf %sub3A, %add3A_35 : vector<1x64xf32>
      %sqrt3A = math.sqrt %add3A_36 : vector<1x64xf32>
      %div3A = arith.divf %get3A_33, %sqrt3A : vector<1x64xf32>
      %get3A_37 = arith.constant 0 : index
      %get3A_38 = arith.constant 0 : index
      %get3A_39 = vector.load %arg5[%get3A_37, %get3A_38] : memref<1x64xf32, #tpu.memory_space<vmem>>, vector<1x64xf32>
      %mul3A_40 = arith.mulf %mul3A_23, %div3A : vector<1x64xf32>
      %sub3A_41 = arith.subf %get3A_39, %mul3A_40 : vector<1x64xf32>
      %broadcast_in_dim3A_42 = vector.shape_cast %div3A : vector<1x64xf32> to vector<1x1x64xf32>
      %mul3A_43 = vector.broadcast %broadcast_in_dim3A_42 : vector<1x1x64xf32> to vector<20x512x64xf32>
      %mul3A_44 = arith.mulf %add3A_6, %mul3A_43 : vector<20x512x64xf32>
      %broadcast_in_dim3A_45 = vector.shape_cast %sub3A_41 : vector<1x64xf32> to vector<1x1x64xf32>
      %add3A_46 = vector.broadcast %broadcast_in_dim3A_45 : vector<1x1x64xf32> to vector<20x512x64xf32>
      %add3A_47 = arith.addf %mul3A_44, %add3A_46 : vector<20x512x64xf32>
      %max3A = arith.constant 0.000000e+00 : f32
      %max3A_48 = vector.broadcast %max3A : f32 to vector<20x512x64xf32>
      %max3A_49 = arith.maximumf %add3A_47, %max3A_48 : vector<20x512x64xf32>
      %reshape3A = vector.shape_cast %max3A_49 : vector<20x512x64xf32> to vector<10240x64xf32>
      %get3A_50 = arith.constant 0 : index
      %get3A_51 = arith.constant 0 : index
      %get3A_52 = vector.load %arg6[%get3A_50, %get3A_51] : memref<64x64xf32, #tpu.memory_space<vmem>>, vector<64x64xf32>
      %dot_general3A = arith.constant dense<0.000000e+00> : vector<10240x64xf32>
      %dot_general3A_53 = tpu.matmul %reshape3A, %get3A_52, %dot_general3A {dimension_numbers = #tpu.dot_dimension_numbers<[1], [0], [0], [1], [0, 0, 1, 1], [], []>, transpose_lhs_hint = false} : vector<10240x64xf32>, vector<64x64xf32>, vector<10240x64xf32> -> vector<10240x64xf32>
      %get3A_54 = arith.constant 0 : index
      %get3A_55 = arith.constant 0 : index
      %get3A_56 = vector.load %arg7[%get3A_54, %get3A_55] : memref<1x64xf32, #tpu.memory_space<vmem>>, vector<1x64xf32>
      %add3A_57 = vector.broadcast %get3A_56 : vector<1x64xf32> to vector<10240x64xf32>
      %add3A_58 = arith.addf %dot_general3A_53, %add3A_57 : vector<10240x64xf32>
      %reshape3A_59 = vector.shape_cast %add3A_58 : vector<10240x64xf32> to vector<20x512x64xf32>
      %swap3A = arith.constant 0 : index
      %swap3A_60 = arith.constant 0 : index
      %swap3A_61 = arith.constant 0 : index
      %swap3A_62 = vector.load %arg8[%swap3A, %swap3A_60, %swap3A_61] : memref<20x512x64xf32, #tpu.memory_space<vmem>>, vector<20x512x64xf32>
      tpu.vector_store %arg8[%swap3A, %swap3A_60, %swap3A_61], %reshape3A_59 {strides = array<i32>} : memref<20x512x64xf32, #tpu.memory_space<vmem>>, vector<20x512x64xf32>,
      %get3A_63 = arith.constant 0 : index
      %get3A_64 = arith.constant 0 : index
      %get3A_65 = vector.load %arg10[%get3A_63, %get3A_64] : memref<8x64xf32, #tpu.memory_space<vmem>>, vector<1x64xf32>
      %reduce_sum3A = arith.constant dense<0.000000e+00> : vector<64xf32>
      %reduce_sum3A_66 = vector.multi_reduction <add>, %add3A_58, %reduce_sum3A [0] : vector<10240x64xf32> to vector<64xf32>
      %broadcast_in_dim3A_67 = vector.shape_cast %reduce_sum3A_66 : vector<64xf32> to vector<1x64xf32>
      %add3A_68 = arith.addf %get3A_65, %broadcast_in_dim3A_67 : vector<1x64xf32>
      %swap3A_69 = arith.constant 0 : index
      %swap3A_70 = arith.constant 0 : index
      %swap3A_71 = vector.load %arg10[%swap3A_69, %swap3A_70] : memref<8x64xf32, #tpu.memory_space<vmem>>, vector<1x64xf32>
      tpu.vector_store %arg10[%swap3A_69, %swap3A_70], %add3A_68 {strides = array<i32>} : memref<8x64xf32, #tpu.memory_space<vmem>>, vector<1x64xf32>,
      %get3A_72 = arith.constant 1 : index
      %get3A_73 = arith.constant 0 : index
      %get3A_74 = vector.load %arg10[%get3A_72, %get3A_73] : memref<8x64xf32, #tpu.memory_space<vmem>>, vector<1x64xf32>
      %mul3A_75 = arith.mulf %add3A_58, %add3A_58 : vector<10240x64xf32>
      %reduce_sum3A_76 = arith.constant dense<0.000000e+00> : vector<64xf32>
      %reduce_sum3A_77 = vector.multi_reduction <add>, %mul3A_75, %reduce_sum3A_76 [0] : vector<10240x64xf32> to vector<64xf32>
      %broadcast_in_dim3A_78 = vector.shape_cast %reduce_sum3A_77 : vector<64xf32> to vector<1x64xf32>
      %add3A_79 = arith.addf %get3A_74, %broadcast_in_dim3A_78 : vector<1x64xf32>
      %swap3A_80 = arith.constant 1 : index
      %swap3A_81 = arith.constant 0 : index
      %swap3A_82 = vector.load %arg10[%swap3A_80, %swap3A_81] : memref<8x64xf32, #tpu.memory_space<vmem>>, vector<1x64xf32>
      tpu.vector_store %arg10[%swap3A_80, %swap3A_81], %add3A_79 {strides = array<i32>} : memref<8x64xf32, #tpu.memory_space<vmem>>, vector<1x64xf32>,
    } else {
    }
    return
  }
  func.func @transform_0(%arg0: i32, %arg1: i32) -> (i32, i32, i32) {
    %c0_i32 = arith.constant 0 : i32
    %c0_i32_0 = arith.constant 0 : i32
    %c0_i32_1 = arith.constant 0 : i32
    return %c0_i32, %arg1, %c0_i32_0 : i32, i32, i32
  }
  func.func @transform_1(%arg0: i32, %arg1: i32) -> (i32, i32) {
    %c0_i32 = arith.constant 0 : i32
    %c0_i32_0 = arith.constant 0 : i32
    return %arg1, %c0_i32 : i32, i32
  }
  func.func @transform_2(%arg0: i32, %arg1: i32) -> (i32, i32) {
    %c0_i32 = arith.constant 0 : i32
    %c0_i32_0 = arith.constant 0 : i32
    %c0_i32_1 = arith.constant 0 : i32
    return %c0_i32, %c0_i32_0 : i32, i32
  }
  func.func @transform_3(%arg0: i32, %arg1: i32) -> (i32, i32) {
    %c0_i32 = arith.constant 0 : i32
    %c0_i32_0 = arith.constant 0 : i32
    %c0_i32_1 = arith.constant 0 : i32
    return %c0_i32, %c0_i32_0 : i32, i32
  }
  func.func @transform_4(%arg0: i32, %arg1: i32) -> (i32, i32) {
    %c0_i32 = arith.constant 0 : i32
    %c0_i32_0 = arith.constant 0 : i32
    %c0_i32_1 = arith.constant 0 : i32
    return %c0_i32, %c0_i32_0 : i32, i32
  }
  func.func @transform_5(%arg0: i32, %arg1: i32) -> (i32, i32) {
    %c0_i32 = arith.constant 0 : i32
    %c0_i32_0 = arith.constant 0 : i32
    %c0_i32_1 = arith.constant 0 : i32
    return %c0_i32, %c0_i32_0 : i32, i32
  }
  func.func @transform_6(%arg0: i32, %arg1: i32) -> (i32, i32, i32) {
    %mul3A = arith.muli %arg1, %arg0 : i32
    %c0_i32 = arith.constant 0 : i32
    %c0_i32_0 = arith.constant 0 : i32
    %c0_i32_1 = arith.constant 0 : i32
    return %c0_i32, %mul3A, %c0_i32_0 : i32, i32, i32
  }
  func.func @transform_7(%arg0: i32, %arg1: i32) -> (i32, i32) {
    %c0_i32 = arith.constant 0 : i32
    %c0_i32_0 = arith.constant 0 : i32
    %c0_i32_1 = arith.constant 0 : i32
    return %c0_i32, %c0_i32_0 : i32, i32
  }
  func.func @transform_8(%arg0: i32, %arg1: i32) -> (i32, i32) {
    %c0_i32 = arith.constant 0 : i32
    %c0_i32_0 = arith.constant 0 : i32
    %c0_i32_1 = arith.constant 0 : i32
    return %c0_i32, %c0_i32_0 : i32, i32
  }
}

module attributes {stable_mosaic.version = 14 : i64} {
  func.func @_p3_body(%arg0: i32, %arg1: memref<20x512x64xf32, #tpu.memory_space<vmem>>, %arg2: memref<8x64xf32, #tpu.memory_space<vmem>>, %arg3: memref<1x64xf32, #tpu.memory_space<vmem>>, %arg4: memref<1x64xf32, #tpu.memory_space<vmem>>, %arg5: memref<64x64xf32, #tpu.memory_space<vmem>>, %arg6: memref<1x64xf32, #tpu.memory_space<vmem>>, %arg7: memref<64x128xf32, #tpu.memory_space<vmem>>, %arg8: memref<1x128xf32, #tpu.memory_space<vmem>>, %arg9: memref<64x128xf32, #tpu.memory_space<vmem>>, %arg10: memref<512x64xf32, #tpu.memory_space<vmem>>, %arg11: memref<512x128xf32, #tpu.memory_space<vmem>>, %arg12: memref<512x128xf32, #tpu.memory_space<vmem>>, %arg13: memref<512x1xf32, #tpu.memory_space<vmem>>) attributes {dimension_semantics = [#tpu.dimension_semantics<arbitrary>], iteration_bounds = array<i64: 16>, scalar_prefetch = 0 : i64, scratch_operands = 0 : i64, tpu.core_type = #tpu.core_type<tc>, window_params = [{transform_indices = @transform_0, window_bounds = array<i64: 20, 512, 64>}, {pipeline_mode = #tpu.pipeline_mode<synchronous>, transform_indices = @transform_1, window_bounds = array<i64: 8, 64>}, {pipeline_mode = #tpu.pipeline_mode<synchronous>, transform_indices = @transform_2, window_bounds = array<i64: 1, 64>}, {pipeline_mode = #tpu.pipeline_mode<synchronous>, transform_indices = @transform_3, window_bounds = array<i64: 1, 64>}, {pipeline_mode = #tpu.pipeline_mode<synchronous>, transform_indices = @transform_4, window_bounds = array<i64: 64, 64>}, {pipeline_mode = #tpu.pipeline_mode<synchronous>, transform_indices = @transform_5, window_bounds = array<i64: 1, 64>}, {pipeline_mode = #tpu.pipeline_mode<synchronous>, transform_indices = @transform_6, window_bounds = array<i64: 64, 128>}, {pipeline_mode = #tpu.pipeline_mode<synchronous>, transform_indices = @transform_7, window_bounds = array<i64: 1, 128>}, {pipeline_mode = #tpu.pipeline_mode<synchronous>, transform_indices = @transform_8, window_bounds = array<i64: 64, 128>}, {transform_indices = @transform_9, window_bounds = array<i64: 512, 64>}, {transform_indices = @transform_10, window_bounds = array<i64: 512, 128>}, {transform_indices = @transform_11, window_bounds = array<i64: 512, 128>}, {transform_indices = @transform_12, window_bounds = array<i64: 512, 1>}]} {
    %get3A = arith.constant 0 : index
    %get3A_0 = arith.constant 0 : index
    %get3A_1 = vector.load %arg2[%get3A, %get3A_0] : memref<8x64xf32, #tpu.memory_space<vmem>>, vector<1x64xf32>
    %mul3A = arith.constant 6.10351572E-6 : f32
    %mul3A_2 = vector.broadcast %mul3A : f32 to vector<1x64xf32>
    %mul3A_3 = arith.mulf %get3A_1, %mul3A_2 : vector<1x64xf32>
    %get3A_4 = arith.constant 1 : index
    %get3A_5 = arith.constant 0 : index
    %get3A_6 = vector.load %arg2[%get3A_4, %get3A_5] : memref<8x64xf32, #tpu.memory_space<vmem>>, vector<1x64xf32>
    %mul3A_7 = arith.constant 6.10351572E-6 : f32
    %mul3A_8 = vector.broadcast %mul3A_7 : f32 to vector<1x64xf32>
    %mul3A_9 = arith.mulf %get3A_6, %mul3A_8 : vector<1x64xf32>
    %mul3A_10 = arith.mulf %mul3A_3, %mul3A_3 : vector<1x64xf32>
    %sub3A = arith.subf %mul3A_9, %mul3A_10 : vector<1x64xf32>
    %get3A_11 = arith.constant 0 : index
    %get3A_12 = arith.constant 0 : index
    %get3A_13 = vector.load %arg3[%get3A_11, %get3A_12] : memref<1x64xf32, #tpu.memory_space<vmem>>, vector<1x64xf32>
    %add3A = arith.constant 9.99999974E-6 : f32
    %add3A_14 = vector.broadcast %add3A : f32 to vector<1x64xf32>
    %add3A_15 = arith.addf %sub3A, %add3A_14 : vector<1x64xf32>
    %sqrt3A = math.sqrt %add3A_15 : vector<1x64xf32>
    %div3A = arith.divf %get3A_13, %sqrt3A : vector<1x64xf32>
    %get3A_16 = arith.constant 0 : index
    %get3A_17 = arith.constant 0 : index
    %get3A_18 = vector.load %arg4[%get3A_16, %get3A_17] : memref<1x64xf32, #tpu.memory_space<vmem>>, vector<1x64xf32>
    %mul3A_19 = arith.mulf %mul3A_3, %div3A : vector<1x64xf32>
    %sub3A_20 = arith.subf %get3A_18, %mul3A_19 : vector<1x64xf32>
    %get3A_21 = arith.constant 0 : index
    %get3A_22 = arith.constant 0 : index
    %get3A_23 = arith.constant 0 : index
    %get3A_24 = vector.load %arg1[%get3A_21, %get3A_22, %get3A_23] : memref<20x512x64xf32, #tpu.memory_space<vmem>>, vector<20x512x64xf32>
    %broadcast_in_dim3A = vector.shape_cast %div3A : vector<1x64xf32> to vector<1x1x64xf32>
    %mul3A_25 = vector.broadcast %broadcast_in_dim3A : vector<1x1x64xf32> to vector<20x512x64xf32>
    %mul3A_26 = arith.mulf %get3A_24, %mul3A_25 : vector<20x512x64xf32>
    %broadcast_in_dim3A_27 = vector.shape_cast %sub3A_20 : vector<1x64xf32> to vector<1x1x64xf32>
    %add3A_28 = vector.broadcast %broadcast_in_dim3A_27 : vector<1x1x64xf32> to vector<20x512x64xf32>
    %add3A_29 = arith.addf %mul3A_26, %add3A_28 : vector<20x512x64xf32>
    %max3A = arith.constant 0.000000e+00 : f32
    %max3A_30 = vector.broadcast %max3A : f32 to vector<20x512x64xf32>
    %max3A_31 = arith.maximumf %add3A_29, %max3A_30 : vector<20x512x64xf32>
    %reshape3A = vector.shape_cast %max3A_31 : vector<20x512x64xf32> to vector<10240x64xf32>
    %get3A_32 = arith.constant 0 : index
    %get3A_33 = arith.constant 0 : index
    %get3A_34 = vector.load %arg5[%get3A_32, %get3A_33] : memref<64x64xf32, #tpu.memory_space<vmem>>, vector<64x64xf32>
    %dot_general3A = arith.constant dense<0.000000e+00> : vector<10240x64xf32>
    %dot_general3A_35 = tpu.matmul %reshape3A, %get3A_34, %dot_general3A {dimension_numbers = #tpu.dot_dimension_numbers<[1], [0], [0], [1], [0, 0, 1, 1], [], []>, transpose_lhs_hint = false} : vector<10240x64xf32>, vector<64x64xf32>, vector<10240x64xf32> -> vector<10240x64xf32>
    %get3A_36 = arith.constant 0 : index
    %get3A_37 = arith.constant 0 : index
    %get3A_38 = vector.load %arg6[%get3A_36, %get3A_37] : memref<1x64xf32, #tpu.memory_space<vmem>>, vector<1x64xf32>
    %add3A_39 = vector.broadcast %get3A_38 : vector<1x64xf32> to vector<10240x64xf32>
    %add3A_40 = arith.addf %dot_general3A_35, %add3A_39 : vector<10240x64xf32>
    %reshape3A_41 = vector.shape_cast %add3A_40 : vector<10240x64xf32> to vector<20x512x64xf32>
    %reduce_max3A = arith.constant dense<0xFF800000> : vector<512x64xf32>
    %reduce_max3A_42 = vector.multi_reduction <maximumf>, %reshape3A_41, %reduce_max3A [0] : vector<20x512x64xf32> to vector<512x64xf32>
    %swap3A = arith.constant 0 : index
    %swap3A_43 = arith.constant 0 : index
    %swap3A_44 = vector.load %arg10[%swap3A, %swap3A_43] : memref<512x64xf32, #tpu.memory_space<vmem>>, vector<512x64xf32>
    tpu.vector_store %arg10[%swap3A, %swap3A_43], %reduce_max3A_42 {strides = array<i32>} : memref<512x64xf32, #tpu.memory_space<vmem>>, vector<512x64xf32>,
    %get3A_45 = arith.constant 0 : index
    %get3A_46 = arith.constant 0 : index
    %get3A_47 = vector.load %arg7[%get3A_45, %get3A_46] : memref<64x128xf32, #tpu.memory_space<vmem>>, vector<64x128xf32>
    %dot_general3A_48 = arith.constant dense<0.000000e+00> : vector<512x128xf32>
    %dot_general3A_49 = tpu.matmul %reduce_max3A_42, %get3A_47, %dot_general3A_48 {dimension_numbers = #tpu.dot_dimension_numbers<[1], [0], [0], [1], [0, 0, 1, 1], [], []>, transpose_lhs_hint = false} : vector<512x64xf32>, vector<64x128xf32>, vector<512x128xf32> -> vector<512x128xf32>
    %get3A_50 = arith.constant 0 : index
    %get3A_51 = arith.constant 0 : index
    %get3A_52 = vector.load %arg8[%get3A_50, %get3A_51] : memref<1x128xf32, #tpu.memory_space<vmem>>, vector<1x128xf32>
    %add3A_53 = vector.broadcast %get3A_52 : vector<1x128xf32> to vector<512x128xf32>
    %add3A_54 = arith.addf %dot_general3A_49, %add3A_53 : vector<512x128xf32>
    %swap3A_55 = arith.constant 0 : index
    %swap3A_56 = arith.constant 0 : index
    %swap3A_57 = vector.load %arg11[%swap3A_55, %swap3A_56] : memref<512x128xf32, #tpu.memory_space<vmem>>, vector<512x128xf32>
    tpu.vector_store %arg11[%swap3A_55, %swap3A_56], %add3A_54 {strides = array<i32>} : memref<512x128xf32, #tpu.memory_space<vmem>>, vector<512x128xf32>,
    %get3A_58 = arith.constant 0 : index
    %get3A_59 = arith.constant 0 : index
    %get3A_60 = vector.load %arg9[%get3A_58, %get3A_59] : memref<64x128xf32, #tpu.memory_space<vmem>>, vector<64x128xf32>
    %dot_general3A_61 = arith.constant dense<0.000000e+00> : vector<512x128xf32>
    %dot_general3A_62 = tpu.matmul %reduce_max3A_42, %get3A_60, %dot_general3A_61 {dimension_numbers = #tpu.dot_dimension_numbers<[1], [0], [0], [1], [0, 0, 1, 1], [], []>, transpose_lhs_hint = false} : vector<512x64xf32>, vector<64x128xf32>, vector<512x128xf32> -> vector<512x128xf32>
    %swap3A_63 = arith.constant 0 : index
    %swap3A_64 = arith.constant 0 : index
    %swap3A_65 = vector.load %arg12[%swap3A_63, %swap3A_64] : memref<512x128xf32, #tpu.memory_space<vmem>>, vector<512x128xf32>
    tpu.vector_store %arg12[%swap3A_63, %swap3A_64], %dot_general3A_62 {strides = array<i32>} : memref<512x128xf32, #tpu.memory_space<vmem>>, vector<512x128xf32>,
    %mul3A_66 = arith.mulf %reduce_max3A_42, %reduce_max3A_42 : vector<512x64xf32>
    %reduce_sum3A = arith.constant dense<0.000000e+00> : vector<512xf32>
    %reduce_sum3A_67 = vector.multi_reduction <add>, %mul3A_66, %reduce_sum3A [1] : vector<512x64xf32> to vector<512xf32>
    %broadcast_in_dim3A_68 = vector.shape_cast %reduce_sum3A_67 : vector<512xf32> to vector<512x1xf32>
    %swap3A_69 = arith.constant 0 : index
    %swap3A_70 = arith.constant 0 : index
    %swap3A_71 = vector.load %arg13[%swap3A_69, %swap3A_70] : memref<512x1xf32, #tpu.memory_space<vmem>>, vector<512x1xf32>
    tpu.vector_store %arg13[%swap3A_69, %swap3A_70], %broadcast_in_dim3A_68 {strides = array<i32>} : memref<512x1xf32, #tpu.memory_space<vmem>>, vector<512x1xf32>,
    return
  }
  func.func @transform_0(%arg0: i32) -> (i32, i32, i32) {
    %c0_i32 = arith.constant 0 : i32
    %c0_i32_0 = arith.constant 0 : i32
    %c0_i32_1 = arith.constant 0 : i32
    return %c0_i32, %arg0, %c0_i32_0 : i32, i32, i32
  }
  func.func @transform_1(%arg0: i32) -> (i32, i32) {
    %c0_i32 = arith.constant 0 : i32
    %c0_i32_0 = arith.constant 0 : i32
    %c0_i32_1 = arith.constant 0 : i32
    return %c0_i32, %c0_i32_0 : i32, i32
  }
  func.func @transform_2(%arg0: i32) -> (i32, i32) {
    %c0_i32 = arith.constant 0 : i32
    %c0_i32_0 = arith.constant 0 : i32
    %c0_i32_1 = arith.constant 0 : i32
    return %c0_i32, %c0_i32_0 : i32, i32
  }
  func.func @transform_3(%arg0: i32) -> (i32, i32) {
    %c0_i32 = arith.constant 0 : i32
    %c0_i32_0 = arith.constant 0 : i32
    %c0_i32_1 = arith.constant 0 : i32
    return %c0_i32, %c0_i32_0 : i32, i32
  }
  func.func @transform_4(%arg0: i32) -> (i32, i32) {
    %c0_i32 = arith.constant 0 : i32
    %c0_i32_0 = arith.constant 0 : i32
    %c0_i32_1 = arith.constant 0 : i32
    return %c0_i32, %c0_i32_0 : i32, i32
  }
  func.func @transform_5(%arg0: i32) -> (i32, i32) {
    %c0_i32 = arith.constant 0 : i32
    %c0_i32_0 = arith.constant 0 : i32
    %c0_i32_1 = arith.constant 0 : i32
    return %c0_i32, %c0_i32_0 : i32, i32
  }
  func.func @transform_6(%arg0: i32) -> (i32, i32) {
    %c0_i32 = arith.constant 0 : i32
    %c0_i32_0 = arith.constant 0 : i32
    %c0_i32_1 = arith.constant 0 : i32
    return %c0_i32, %c0_i32_0 : i32, i32
  }
  func.func @transform_7(%arg0: i32) -> (i32, i32) {
    %c0_i32 = arith.constant 0 : i32
    %c0_i32_0 = arith.constant 0 : i32
    %c0_i32_1 = arith.constant 0 : i32
    return %c0_i32, %c0_i32_0 : i32, i32
  }
  func.func @transform_8(%arg0: i32) -> (i32, i32) {
    %c0_i32 = arith.constant 0 : i32
    %c0_i32_0 = arith.constant 0 : i32
    %c0_i32_1 = arith.constant 0 : i32
    return %c0_i32, %c0_i32_0 : i32, i32
  }
  func.func @transform_9(%arg0: i32) -> (i32, i32) {
    %c0_i32 = arith.constant 0 : i32
    %c0_i32_0 = arith.constant 0 : i32
    return %arg0, %c0_i32 : i32, i32
  }
  func.func @transform_10(%arg0: i32) -> (i32, i32) {
    %c0_i32 = arith.constant 0 : i32
    %c0_i32_0 = arith.constant 0 : i32
    return %arg0, %c0_i32 : i32, i32
  }
  func.func @transform_11(%arg0: i32) -> (i32, i32) {
    %c0_i32 = arith.constant 0 : i32
    %c0_i32_0 = arith.constant 0 : i32
    return %arg0, %c0_i32 : i32, i32
  }
  func.func @transform_12(%arg0: i32) -> (i32, i32) {
    %c0_i32 = arith.constant 0 : i32
    %c0_i32_0 = arith.constant 0 : i32
    return %arg0, %c0_i32 : i32, i32
  }
}

module attributes {stable_mosaic.version = 14 : i64} {
  func.func @_knn_body(%arg0: i32, %arg1: memref<32xi32, #tpu.memory_space<smem>>, %arg2: memref<32xi32, #tpu.memory_space<smem>>, %arg3: memref<8192x64xf32, #tpu.memory_space<vmem>>, %arg4: memref<256x64xf32, #tpu.memory_space<vmem>>, %arg5: memref<8192x1xf32, #tpu.memory_space<vmem>>, %arg6: memref<8192x1xi32, #tpu.memory_space<vmem>>, %arg7: memref<1x256xi32, #tpu.memory_space<vmem>>, %arg8: memref<20x256xi32, #tpu.memory_space<vmem>>, %arg9: memref<8192x256xf32, #tpu.memory_space<vmem>>) attributes {dimension_semantics = [#tpu.dimension_semantics<arbitrary>], iteration_bounds = array<i64: 32>, scalar_prefetch = 2 : i64, scratch_operands = 1 : i64, tpu.core_type = #tpu.core_type<tc>, window_params = [{pipeline_mode = #tpu.pipeline_mode<synchronous>, transform_indices = @transform_0, window_bounds = array<i64: 8192, 64>}, {transform_indices = @transform_1, window_bounds = array<i64: 256, 64>}, {pipeline_mode = #tpu.pipeline_mode<synchronous>, transform_indices = @transform_2, window_bounds = array<i64: 8192, 1>}, {pipeline_mode = #tpu.pipeline_mode<synchronous>, transform_indices = @transform_3, window_bounds = array<i64: 8192, 1>}, {transform_indices = @transform_4, window_bounds = array<i64: 1, 256>}, {transform_indices = @transform_5, window_bounds = array<i64: 20, 256>}]} {
    %get3A = arith.index_cast %arg0 : i32 to index
    %get3A_0 = memref.load %arg1[%get3A] : memref<32xi32, #tpu.memory_space<smem>>
    %get3A_1 = arith.index_cast %arg0 : i32 to index
    %get3A_2 = memref.load %arg2[%get3A_1] : memref<32xi32, #tpu.memory_space<smem>>
    %get3A_3 = arith.constant 0 : index
    %get3A_4 = arith.constant 0 : index
    %get3A_5 = vector.load %arg7[%get3A_3, %get3A_4] : memref<1x256xi32, #tpu.memory_space<vmem>>, vector<1x256xi32>
    %get3A_6 = arith.constant 0 : index
    %get3A_7 = arith.constant 0 : index
    %get3A_8 = vector.load %arg4[%get3A_6, %get3A_7] : memref<256x64xf32, #tpu.memory_space<vmem>>, vector<256x64xf32>
    %broadcast_in_dim3A = arith.constant 1.000000e+00 : f32
    %broadcast_in_dim3A_9 = vector.broadcast %broadcast_in_dim3A : f32 to vector<1x64xf32>
    %mul3A = arith.mulf %get3A_8, %get3A_8 : vector<256x64xf32>
    %dot_general3A = arith.constant dense<0.000000e+00> : vector<1x256xf32>
    %dot_general3A_10 = tpu.matmul %broadcast_in_dim3A_9, %mul3A, %dot_general3A {dimension_numbers = #tpu.dot_dimension_numbers<[1], [1], [0], [0], [0, 0, 1, 0], [], []>, transpose_lhs_hint = false} : vector<1x64xf32>, vector<256x64xf32>, vector<1x256xf32> -> vector<1x256xf32>
    %iota3A = tpu.iota {dimensions = array<i32: 0>} : vector<512x256xi32>
    %broadcast_in_dim3A_11 = arith.constant 0x7F800000 : f32
    %broadcast_in_dim3A_12 = vector.broadcast %broadcast_in_dim3A_11 : f32 to vector<1x256xf32>
    %broadcast_in_dim3A_13 = arith.constant 1073741824 : i32
    %broadcast_in_dim3A_14 = vector.broadcast %broadcast_in_dim3A_13 : i32 to vector<1x256xi32>
    %while3A = arith.constant 0 : i32
    %while3A_15 = arith.subi %get3A_2, %while3A : i32
    %while3A_16 = arith.addi %while3A, %while3A_15 : i32
    %while3A_17 = arith.constant 1 : i32
    %while3A_18 = arith.divsi %while3A_15, %while3A_17 : i32
    %while3A_19 = arith.muli %while3A_18, %while3A_17 : i32
    %while3A_20 = arith.addi %while3A, %while3A_19 : i32
    %while3A_21 = arith.constant 1 : i32
    %while3A_22:2 = scf.for %while3A_236 = %while3A to %while3A_20 step %while3A_21 iter_args(%while3A_237 = %broadcast_in_dim3A_12, %while3A_238 = %broadcast_in_dim3A_14) -> (vector<1x256xf32>, vector<1x256xi32>)  : i32 {
      %mul3A_239 = arith.constant 512 : i32
      %mul3A_240 = arith.muli %while3A_236, %mul3A_239 : i32
      %add3A = arith.addi %get3A_0, %mul3A_240 : i32
      %min3A = arith.constant 7680 : i32
      %min3A_241 = arith.minsi %add3A, %min3A : i32
      %get3A_242 = arith.index_cast %min3A_241 : i32 to index
      %get3A_243 = arith.constant 0 : index
      %get3A_244 = vector.load %arg3[%get3A_242, %get3A_243] : memref<8192x64xf32, #tpu.memory_space<vmem>>, vector<512x64xf32>
      %dot_general3A_245 = arith.constant dense<0.000000e+00> : vector<512x256xf32>
      %dot_general3A_246 = tpu.matmul %get3A_244, %get3A_8, %dot_general3A_245 {dimension_numbers = #tpu.dot_dimension_numbers<[1], [1], [0], [0], [0, 0, 1, 0], [], []>, transpose_lhs_hint = false} : vector<512x64xf32>, vector<256x64xf32>, vector<512x256xf32> -> vector<512x256xf32>
      %get3A_247 = arith.index_cast %min3A_241 : i32 to index
      %get3A_248 = arith.constant 0 : index
      %get3A_249 = vector.load %arg5[%get3A_247, %get3A_248] : memref<8192x1xf32, #tpu.memory_space<vmem>>, vector<512x1xf32>
      %add3A_250 = vector.broadcast %get3A_249 : vector<512x1xf32> to vector<512x256xf32>
      %add3A_251 = vector.broadcast %dot_general3A_10 : vector<1x256xf32> to vector<512x256xf32>
      %add3A_252 = arith.addf %add3A_250, %add3A_251 : vector<512x256xf32>
      %mul3A_253 = arith.constant 2.000000e+00 : f32
      %mul3A_254 = vector.broadcast %mul3A_253 : f32 to vector<512x256xf32>
      %mul3A_255 = arith.mulf %mul3A_254, %dot_general3A_246 : vector<512x256xf32>
      %sub3A = arith.subf %add3A_252, %mul3A_255 : vector<512x256xf32>
      %get3A_256 = arith.index_cast %min3A_241 : i32 to index
      %get3A_257 = arith.constant 0 : index
      %get3A_258 = vector.load %arg6[%get3A_256, %get3A_257] : memref<8192x1xi32, #tpu.memory_space<vmem>>, vector<512x1xi32>
      %ne3A = vector.broadcast %get3A_258 : vector<512x1xi32> to vector<512x256xi32>
      %ne3A_259 = vector.broadcast %get3A_5 : vector<1x256xi32> to vector<512x256xi32>
      %ne3A_260 = arith.cmpi ne, %ne3A, %ne3A_259 : vector<512x256xi32>
      %jit3A = arith.constant 1.000000e+30 : f32
      %broadcast_in_dim3A_261 = vector.broadcast %jit3A : f32 to vector<512x256xf32>
      %select_n3A = arith.select %ne3A_260, %broadcast_in_dim3A_261, %sub3A : vector<512x256xi1>, vector<512x256xf32>
      %mul3A_262 = arith.constant 512 : i32
      %mul3A_263 = arith.muli %while3A_236, %mul3A_262 : i32
      %swap3A_264 = arith.index_cast %mul3A_263 : i32 to index
      %swap3A_265 = arith.constant 0 : index
      %swap3A_266 = vector.load %arg9[%swap3A_264, %swap3A_265] : memref<8192x256xf32, #tpu.memory_space<vmem>>, vector<512x256xf32>
      tpu.vector_store %arg9[%swap3A_264, %swap3A_265], %select_n3A {strides = array<i32>} : memref<8192x256xf32, #tpu.memory_space<vmem>>, vector<512x256xf32>,
      %reduce_min3A = arith.constant dense<0x7F800000> : vector<256xf32>
      %reduce_min3A_267 = vector.multi_reduction <minimumf>, %select_n3A, %reduce_min3A [0] : vector<512x256xf32> to vector<256xf32>
      %broadcast_in_dim3A_268 = vector.shape_cast %reduce_min3A_267 : vector<256xf32> to vector<1x256xf32>
      %eq3A = vector.broadcast %broadcast_in_dim3A_268 : vector<1x256xf32> to vector<512x256xf32>
      %eq3A_269 = arith.cmpf oeq, %select_n3A, %eq3A : vector<512x256xf32>
      %jit3A_270 = arith.constant 1073741824 : i32
      %broadcast_in_dim3A_271 = vector.broadcast %jit3A_270 : i32 to vector<512x256xi32>
      %select_n3A_272 = arith.select %eq3A_269, %iota3A, %broadcast_in_dim3A_271 : vector<512x256xi1>, vector<512x256xi32>
      %reduce_min3A_273 = arith.constant dense<2147483647> : vector<256xi32>
      %reduce_min3A_274 = vector.multi_reduction <minsi>, %select_n3A_272, %reduce_min3A_273 [0] : vector<512x256xi32> to vector<256xi32>
      %broadcast_in_dim3A_275 = vector.shape_cast %reduce_min3A_274 : vector<256xi32> to vector<1x256xi32>
      %add3A_276 = vector.broadcast %min3A_241 : i32 to vector<1x256xi32>
      %add3A_277 = arith.addi %broadcast_in_dim3A_275, %add3A_276 : vector<1x256xi32>
      %lt3A = arith.cmpf olt, %broadcast_in_dim3A_268, %while3A_237 : vector<1x256xf32>
      %min3A_278 = arith.minimumf %while3A_237, %broadcast_in_dim3A_268 : vector<1x256xf32>
      %select_n3A_279 = arith.select %lt3A, %add3A_277, %while3A_238 : vector<1x256xi1>, vector<1x256xi32>
      scf.yield %min3A_278, %select_n3A_279 : vector<1x256xf32>, vector<1x256xi32>
    }
    %while3A_23 = arith.constant 1 : i32
    %while3A_24:2 = scf.for %while3A_236 = %while3A_20 to %while3A_16 step %while3A_23 iter_args(%while3A_237 = %while3A_22#0, %while3A_238 = %while3A_22#1) -> (vector<1x256xf32>, vector<1x256xi32>)  : i32 {
      %mul3A_239 = arith.constant 512 : i32
      %mul3A_240 = arith.muli %while3A_236, %mul3A_239 : i32
      %add3A = arith.addi %get3A_0, %mul3A_240 : i32
      %min3A = arith.constant 7680 : i32
      %min3A_241 = arith.minsi %add3A, %min3A : i32
      %get3A_242 = arith.index_cast %min3A_241 : i32 to index
      %get3A_243 = arith.constant 0 : index
      %get3A_244 = vector.load %arg3[%get3A_242, %get3A_243] : memref<8192x64xf32, #tpu.memory_space<vmem>>, vector<512x64xf32>
      %dot_general3A_245 = arith.constant dense<0.000000e+00> : vector<512x256xf32>
      %dot_general3A_246 = tpu.matmul %get3A_244, %get3A_8, %dot_general3A_245 {dimension_numbers = #tpu.dot_dimension_numbers<[1], [1], [0], [0], [0, 0, 1, 0], [], []>, transpose_lhs_hint = false} : vector<512x64xf32>, vector<256x64xf32>, vector<512x256xf32> -> vector<512x256xf32>
      %get3A_247 = arith.index_cast %min3A_241 : i32 to index
      %get3A_248 = arith.constant 0 : index
      %get3A_249 = vector.load %arg5[%get3A_247, %get3A_248] : memref<8192x1xf32, #tpu.memory_space<vmem>>, vector<512x1xf32>
      %add3A_250 = vector.broadcast %get3A_249 : vector<512x1xf32> to vector<512x256xf32>
      %add3A_251 = vector.broadcast %dot_general3A_10 : vector<1x256xf32> to vector<512x256xf32>
      %add3A_252 = arith.addf %add3A_250, %add3A_251 : vector<512x256xf32>
      %mul3A_253 = arith.constant 2.000000e+00 : f32
      %mul3A_254 = vector.broadcast %mul3A_253 : f32 to vector<512x256xf32>
      %mul3A_255 = arith.mulf %mul3A_254, %dot_general3A_246 : vector<512x256xf32>
      %sub3A = arith.subf %add3A_252, %mul3A_255 : vector<512x256xf32>
      %get3A_256 = arith.index_cast %min3A_241 : i32 to index
      %get3A_257 = arith.constant 0 : index
      %get3A_258 = vector.load %arg6[%get3A_256, %get3A_257] : memref<8192x1xi32, #tpu.memory_space<vmem>>, vector<512x1xi32>
      %ne3A = vector.broadcast %get3A_258 : vector<512x1xi32> to vector<512x256xi32>
      %ne3A_259 = vector.broadcast %get3A_5 : vector<1x256xi32> to vector<512x256xi32>
      %ne3A_260 = arith.cmpi ne, %ne3A, %ne3A_259 : vector<512x256xi32>
      %jit3A = arith.constant 1.000000e+30 : f32
      %broadcast_in_dim3A_261 = vector.broadcast %jit3A : f32 to vector<512x256xf32>
      %select_n3A = arith.select %ne3A_260, %broadcast_in_dim3A_261, %sub3A : vector<512x256xi1>, vector<512x256xf32>
      %mul3A_262 = arith.constant 512 : i32
      %mul3A_263 = arith.muli %while3A_236, %mul3A_262 : i32
      %swap3A_264 = arith.index_cast %mul3A_263 : i32 to index
      %swap3A_265 = arith.constant 0 : index
      %swap3A_266 = vector.load %arg9[%swap3A_264, %swap3A_265] : memref<8192x256xf32, #tpu.memory_space<vmem>>, vector<512x256xf32>
      tpu.vector_store %arg9[%swap3A_264, %swap3A_265], %select_n3A {strides = array<i32>} : memref<8192x256xf32, #tpu.memory_space<vmem>>, vector<512x256xf32>,
      %reduce_min3A = arith.constant dense<0x7F800000> : vector<256xf32>
      %reduce_min3A_267 = vector.multi_reduction <minimumf>, %select_n3A, %reduce_min3A [0] : vector<512x256xf32> to vector<256xf32>
      %broadcast_in_dim3A_268 = vector.shape_cast %reduce_min3A_267 : vector<256xf32> to vector<1x256xf32>
      %eq3A = vector.broadcast %broadcast_in_dim3A_268 : vector<1x256xf32> to vector<512x256xf32>
      %eq3A_269 = arith.cmpf oeq, %select_n3A, %eq3A : vector<512x256xf32>
      %jit3A_270 = arith.constant 1073741824 : i32
      %broadcast_in_dim3A_271 = vector.broadcast %jit3A_270 : i32 to vector<512x256xi32>
      %select_n3A_272 = arith.select %eq3A_269, %iota3A, %broadcast_in_dim3A_271 : vector<512x256xi1>, vector<512x256xi32>
      %reduce_min3A_273 = arith.constant dense<2147483647> : vector<256xi32>
      %reduce_min3A_274 = vector.multi_reduction <minsi>, %select_n3A_272, %reduce_min3A_273 [0] : vector<512x256xi32> to vector<256xi32>
      %broadcast_in_dim3A_275 = vector.shape_cast %reduce_min3A_274 : vector<256xi32> to vector<1x256xi32>
      %add3A_276 = vector.broadcast %min3A_241 : i32 to vector<1x256xi32>
      %add3A_277 = arith.addi %broadcast_in_dim3A_275, %add3A_276 : vector<1x256xi32>
      %lt3A = arith.cmpf olt, %broadcast_in_dim3A_268, %while3A_237 : vector<1x256xf32>
      %min3A_278 = arith.minimumf %while3A_237, %broadcast_in_dim3A_268 : vector<1x256xf32>
      %select_n3A_279 = arith.select %lt3A, %add3A_277, %while3A_238 : vector<1x256xi1>, vector<1x256xi32>
      scf.yield %min3A_278, %select_n3A_279 : vector<1x256xf32>, vector<1x256xi32>
    }
    %while3A_25 = arith.constant 0 : i32
    %while3A_26 = arith.subi %get3A_2, %while3A_25 : i32
    %while3A_27 = arith.addi %while3A_25, %while3A_26 : i32
    %while3A_28 = arith.constant 1 : i32
    %while3A_29 = arith.divsi %while3A_26, %while3A_28 : i32
    %while3A_30 = arith.muli %while3A_29, %while3A_28 : i32
    %while3A_31 = arith.addi %while3A_25, %while3A_30 : i32
    %while3A_32 = arith.constant 1 : i32
    %while3A_33:2 = scf.for %while3A_236 = %while3A_25 to %while3A_31 step %while3A_32 iter_args(%while3A_237 = %broadcast_in_dim3A_12, %while3A_238 = %broadcast_in_dim3A_14) -> (vector<1x256xf32>, vector<1x256xi32>)  : i32 {
      %mul3A_239 = arith.constant 512 : i32
      %mul3A_240 = arith.muli %while3A_236, %mul3A_239 : i32
      %add3A = arith.addi %get3A_0, %mul3A_240 : i32
      %min3A = arith.constant 7680 : i32
      %min3A_241 = arith.minsi %add3A, %min3A : i32
      %mul3A_242 = arith.constant 512 : i32
      %mul3A_243 = arith.muli %while3A_236, %mul3A_242 : i32
      %get3A_244 = arith.index_cast %mul3A_243 : i32 to index
      %get3A_245 = arith.constant 0 : index
      %get3A_246 = vector.load %arg9[%get3A_244, %get3A_245] : memref<8192x256xf32, #tpu.memory_space<vmem>>, vector<512x256xf32>
      %sub3A = vector.broadcast %min3A_241 : i32 to vector<1x256xi32>
      %sub3A_247 = arith.subi %while3A_24#1, %sub3A : vector<1x256xi32>
      %eq3A = vector.broadcast %sub3A_247 : vector<1x256xi32> to vector<512x256xi32>
      %eq3A_248 = arith.cmpi eq, %iota3A, %eq3A : vector<512x256xi32>
      %jit3A = arith.constant 2.000000e+30 : f32
      %broadcast_in_dim3A_249 = vector.broadcast %jit3A : f32 to vector<512x256xf32>
      %select_n3A = arith.select %eq3A_248, %broadcast_in_dim3A_249, %get3A_246 : vector<512x256xi1>, vector<512x256xf32>
      %mul3A_250 = arith.constant 512 : i32
      %mul3A_251 = arith.muli %while3A_236, %mul3A_250 : i32
      %swap3A_252 = arith.index_cast %mul3A_251 : i32 to index
      %swap3A_253 = arith.constant 0 : index
      %swap3A_254 = vector.load %arg9[%swap3A_252, %swap3A_253] : memref<8192x256xf32, #tpu.memory_space<vmem>>, vector<512x256xf32>
      tpu.vector_store %arg9[%swap3A_252, %swap3A_253], %select_n3A {strides = array<i32>} : memref<8192x256xf32, #tpu.memory_space<vmem>>, vector<512x256xf32>,
      %reduce_min3A = arith.constant dense<0x7F800000> : vector<256xf32>
      %reduce_min3A_255 = vector.multi_reduction <minimumf>, %select_n3A, %reduce_min3A [0] : vector<512x256xf32> to vector<256xf32>
      %broadcast_in_dim3A_256 = vector.shape_cast %reduce_min3A_255 : vector<256xf32> to vector<1x256xf32>
      %eq3A_257 = vector.broadcast %broadcast_in_dim3A_256 : vector<1x256xf32> to vector<512x256xf32>
      %eq3A_258 = arith.cmpf oeq, %select_n3A, %eq3A_257 : vector<512x256xf32>
      %jit3A_259 = arith.constant 1073741824 : i32
      %broadcast_in_dim3A_260 = vector.broadcast %jit3A_259 : i32 to vector<512x256xi32>
      %select_n3A_261 = arith.select %eq3A_258, %iota3A, %broadcast_in_dim3A_260 : vector<512x256xi1>, vector<512x256xi32>
      %reduce_min3A_262 = arith.constant dense<2147483647> : vector<256xi32>
      %reduce_min3A_263 = vector.multi_reduction <minsi>, %select_n3A_261, %reduce_min3A_262 [0] : vector<512x256xi32> to vector<256xi32>
      %broadcast_in_dim3A_264 = vector.shape_cast %reduce_min3A_263 : vector<256xi32> to vector<1x256xi32>
      %add3A_265 = vector.broadcast %min3A_241 : i32 to vector<1x256xi32>
      %add3A_266 = arith.addi %broadcast_in_dim3A_264, %add3A_265 : vector<1x256xi32>
      %lt3A = arith.cmpf olt, %broadcast_in_dim3A_256, %while3A_237 : vector<1x256xf32>
      %min3A_267 = arith.minimumf %while3A_237, %broadcast_in_dim3A_256 : vector<1x256xf32>
      %select_n3A_268 = arith.select %lt3A, %add3A_266, %while3A_238 : vector<1x256xi1>, vector<1x256xi32>
      scf.yield %min3A_267, %select_n3A_268 : vector<1x256xf32>, vector<1x256xi32>
    }
    %while3A_34 = arith.constant 1 : i32
    %while3A_35:2 = scf.for %while3A_236 = %while3A_31 to %while3A_27 step %while3A_34 iter_args(%while3A_237 = %while3A_33#0, %while3A_238 = %while3A_33#1) -> (vector<1x256xf32>, vector<1x256xi32>)  : i32 {
      %mul3A_239 = arith.constant 512 : i32
      %mul3A_240 = arith.muli %while3A_236, %mul3A_239 : i32
      %add3A = arith.addi %get3A_0, %mul3A_240 : i32
      %min3A = arith.constant 7680 : i32
      %min3A_241 = arith.minsi %add3A, %min3A : i32
      %mul3A_242 = arith.constant 512 : i32
      %mul3A_243 = arith.muli %while3A_236, %mul3A_242 : i32
      %get3A_244 = arith.index_cast %mul3A_243 : i32 to index
      %get3A_245 = arith.constant 0 : index
      %get3A_246 = vector.load %arg9[%get3A_244, %get3A_245] : memref<8192x256xf32, #tpu.memory_space<vmem>>, vector<512x256xf32>
      %sub3A = vector.broadcast %min3A_241 : i32 to vector<1x256xi32>
      %sub3A_247 = arith.subi %while3A_24#1, %sub3A : vector<1x256xi32>
      %eq3A = vector.broadcast %sub3A_247 : vector<1x256xi32> to vector<512x256xi32>
      %eq3A_248 = arith.cmpi eq, %iota3A, %eq3A : vector<512x256xi32>
      %jit3A = arith.constant 2.000000e+30 : f32
      %broadcast_in_dim3A_249 = vector.broadcast %jit3A : f32 to vector<512x256xf32>
      %select_n3A = arith.select %eq3A_248, %broadcast_in_dim3A_249, %get3A_246 : vector<512x256xi1>, vector<512x256xf32>
      %mul3A_250 = arith.constant 512 : i32
      %mul3A_251 = arith.muli %while3A_236, %mul3A_250 : i32
      %swap3A_252 = arith.index_cast %mul3A_251 : i32 to index
      %swap3A_253 = arith.constant 0 : index
      %swap3A_254 = vector.load %arg9[%swap3A_252, %swap3A_253] : memref<8192x256xf32, #tpu.memory_space<vmem>>, vector<512x256xf32>
      tpu.vector_store %arg9[%swap3A_252, %swap3A_253], %select_n3A {strides = array<i32>} : memref<8192x256xf32, #tpu.memory_space<vmem>>, vector<512x256xf32>,
      %reduce_min3A = arith.constant dense<0x7F800000> : vector<256xf32>
      %reduce_min3A_255 = vector.multi_reduction <minimumf>, %select_n3A, %reduce_min3A [0] : vector<512x256xf32> to vector<256xf32>
      %broadcast_in_dim3A_256 = vector.shape_cast %reduce_min3A_255 : vector<256xf32> to vector<1x256xf32>
      %eq3A_257 = vector.broadcast %broadcast_in_dim3A_256 : vector<1x256xf32> to vector<512x256xf32>
      %eq3A_258 = arith.cmpf oeq, %select_n3A, %eq3A_257 : vector<512x256xf32>
      %jit3A_259 = arith.constant 1073741824 : i32
      %broadcast_in_dim3A_260 = vector.broadcast %jit3A_259 : i32 to vector<512x256xi32>
      %select_n3A_261 = arith.select %eq3A_258, %iota3A, %broadcast_in_dim3A_260 : vector<512x256xi1>, vector<512x256xi32>
      %reduce_min3A_262 = arith.constant dense<2147483647> : vector<256xi32>
      %reduce_min3A_263 = vector.multi_reduction <minsi>, %select_n3A_261, %reduce_min3A_262 [0] : vector<512x256xi32> to vector<256xi32>
      %broadcast_in_dim3A_264 = vector.shape_cast %reduce_min3A_263 : vector<256xi32> to vector<1x256xi32>
      %add3A_265 = vector.broadcast %min3A_241 : i32 to vector<1x256xi32>
      %add3A_266 = arith.addi %broadcast_in_dim3A_264, %add3A_265 : vector<1x256xi32>
      %lt3A = arith.cmpf olt, %broadcast_in_dim3A_256, %while3A_237 : vector<1x256xf32>
      %min3A_267 = arith.minimumf %while3A_237, %broadcast_in_dim3A_256 : vector<1x256xf32>
      %select_n3A_268 = arith.select %lt3A, %add3A_266, %while3A_238 : vector<1x256xi1>, vector<1x256xi32>
      scf.yield %min3A_267, %select_n3A_268 : vector<1x256xf32>, vector<1x256xi32>
    }
    %while3A_36 = arith.constant 0 : i32
    %while3A_37 = arith.subi %get3A_2, %while3A_36 : i32
    %while3A_38 = arith.addi %while3A_36, %while3A_37 : i32
    %while3A_39 = arith.constant 1 : i32
    %while3A_40 = arith.divsi %while3A_37, %while3A_39 : i32
    %while3A_41 = arith.muli %while3A_40, %while3A_39 : i32
    %while3A_42 = arith.addi %while3A_36, %while3A_41 : i32
    %while3A_43 = arith.constant 1 : i32
    %while3A_44:2 = scf.for %while3A_236 = %while3A_36 to %while3A_42 step %while3A_43 iter_args(%while3A_237 = %broadcast_in_dim3A_12, %while3A_238 = %broadcast_in_dim3A_14) -> (vector<1x256xf32>, vector<1x256xi32>)  : i32 {
      %mul3A_239 = arith.constant 512 : i32
      %mul3A_240 = arith.muli %while3A_236, %mul3A_239 : i32
      %add3A = arith.addi %get3A_0, %mul3A_240 : i32
      %min3A = arith.constant 7680 : i32
      %min3A_241 = arith.minsi %add3A, %min3A : i32
      %mul3A_242 = arith.constant 512 : i32
      %mul3A_243 = arith.muli %while3A_236, %mul3A_242 : i32
      %get3A_244 = arith.index_cast %mul3A_243 : i32 to index
      %get3A_245 = arith.constant 0 : index
      %get3A_246 = vector.load %arg9[%get3A_244, %get3A_245] : memref<8192x256xf32, #tpu.memory_space<vmem>>, vector<512x256xf32>
      %sub3A = vector.broadcast %min3A_241 : i32 to vector<1x256xi32>
      %sub3A_247 = arith.subi %while3A_35#1, %sub3A : vector<1x256xi32>
      %eq3A = vector.broadcast %sub3A_247 : vector<1x256xi32> to vector<512x256xi32>
      %eq3A_248 = arith.cmpi eq, %iota3A, %eq3A : vector<512x256xi32>
      %jit3A = arith.constant 2.000000e+30 : f32
      %broadcast_in_dim3A_249 = vector.broadcast %jit3A : f32 to vector<512x256xf32>
      %select_n3A = arith.select %eq3A_248, %broadcast_in_dim3A_249, %get3A_246 : vector<512x256xi1>, vector<512x256xf32>
      %mul3A_250 = arith.constant 512 : i32
      %mul3A_251 = arith.muli %while3A_236, %mul3A_250 : i32
      %swap3A_252 = arith.index_cast %mul3A_251 : i32 to index
      %swap3A_253 = arith.constant 0 : index
      %swap3A_254 = vector.load %arg9[%swap3A_252, %swap3A_253] : memref<8192x256xf32, #tpu.memory_space<vmem>>, vector<512x256xf32>
      tpu.vector_store %arg9[%swap3A_252, %swap3A_253], %select_n3A {strides = array<i32>} : memref<8192x256xf32, #tpu.memory_space<vmem>>, vector<512x256xf32>,
      %reduce_min3A = arith.constant dense<0x7F800000> : vector<256xf32>
      %reduce_min3A_255 = vector.multi_reduction <minimumf>, %select_n3A, %reduce_min3A [0] : vector<512x256xf32> to vector<256xf32>
      %broadcast_in_dim3A_256 = vector.shape_cast %reduce_min3A_255 : vector<256xf32> to vector<1x256xf32>
      %eq3A_257 = vector.broadcast %broadcast_in_dim3A_256 : vector<1x256xf32> to vector<512x256xf32>
      %eq3A_258 = arith.cmpf oeq, %select_n3A, %eq3A_257 : vector<512x256xf32>
      %jit3A_259 = arith.constant 1073741824 : i32
      %broadcast_in_dim3A_260 = vector.broadcast %jit3A_259 : i32 to vector<512x256xi32>
      %select_n3A_261 = arith.select %eq3A_258, %iota3A, %broadcast_in_dim3A_260 : vector<512x256xi1>, vector<512x256xi32>
      %reduce_min3A_262 = arith.constant dense<2147483647> : vector<256xi32>
      %reduce_min3A_263 = vector.multi_reduction <minsi>, %select_n3A_261, %reduce_min3A_262 [0] : vector<512x256xi32> to vector<256xi32>
      %broadcast_in_dim3A_264 = vector.shape_cast %reduce_min3A_263 : vector<256xi32> to vector<1x256xi32>
      %add3A_265 = vector.broadcast %min3A_241 : i32 to vector<1x256xi32>
      %add3A_266 = arith.addi %broadcast_in_dim3A_264, %add3A_265 : vector<1x256xi32>
      %lt3A = arith.cmpf olt, %broadcast_in_dim3A_256, %while3A_237 : vector<1x256xf32>
      %min3A_267 = arith.minimumf %while3A_237, %broadcast_in_dim3A_256 : vector<1x256xf32>
      %select_n3A_268 = arith.select %lt3A, %add3A_266, %while3A_238 : vector<1x256xi1>, vector<1x256xi32>
      scf.yield %min3A_267, %select_n3A_268 : vector<1x256xf32>, vector<1x256xi32>
    }
    %while3A_45 = arith.constant 1 : i32
    %while3A_46:2 = scf.for %while3A_236 = %while3A_42 to %while3A_38 step %while3A_45 iter_args(%while3A_237 = %while3A_44#0, %while3A_238 = %while3A_44#1) -> (vector<1x256xf32>, vector<1x256xi32>)  : i32 {
      %mul3A_239 = arith.constant 512 : i32
      %mul3A_240 = arith.muli %while3A_236, %mul3A_239 : i32
      %add3A = arith.addi %get3A_0, %mul3A_240 : i32
      %min3A = arith.constant 7680 : i32
      %min3A_241 = arith.minsi %add3A, %min3A : i32
      %mul3A_242 = arith.constant 512 : i32
      %mul3A_243 = arith.muli %while3A_236, %mul3A_242 : i32
      %get3A_244 = arith.index_cast %mul3A_243 : i32 to index
      %get3A_245 = arith.constant 0 : index
      %get3A_246 = vector.load %arg9[%get3A_244, %get3A_245] : memref<8192x256xf32, #tpu.memory_space<vmem>>, vector<512x256xf32>
      %sub3A = vector.broadcast %min3A_241 : i32 to vector<1x256xi32>
      %sub3A_247 = arith.subi %while3A_35#1, %sub3A : vector<1x256xi32>
      %eq3A = vector.broadcast %sub3A_247 : vector<1x256xi32> to vector<512x256xi32>
      %eq3A_248 = arith.cmpi eq, %iota3A, %eq3A : vector<512x256xi32>
      %jit3A = arith.constant 2.000000e+30 : f32
      %broadcast_in_dim3A_249 = vector.broadcast %jit3A : f32 to vector<512x256xf32>
      %select_n3A = arith.select %eq3A_248, %broadcast_in_dim3A_249, %get3A_246 : vector<512x256xi1>, vector<512x256xf32>
      %mul3A_250 = arith.constant 512 : i32
      %mul3A_251 = arith.muli %while3A_236, %mul3A_250 : i32
      %swap3A_252 = arith.index_cast %mul3A_251 : i32 to index
      %swap3A_253 = arith.constant 0 : index
      %swap3A_254 = vector.load %arg9[%swap3A_252, %swap3A_253] : memref<8192x256xf32, #tpu.memory_space<vmem>>, vector<512x256xf32>
      tpu.vector_store %arg9[%swap3A_252, %swap3A_253], %select_n3A {strides = array<i32>} : memref<8192x256xf32, #tpu.memory_space<vmem>>, vector<512x256xf32>,
      %reduce_min3A = arith.constant dense<0x7F800000> : vector<256xf32>
      %reduce_min3A_255 = vector.multi_reduction <minimumf>, %select_n3A, %reduce_min3A [0] : vector<512x256xf32> to vector<256xf32>
      %broadcast_in_dim3A_256 = vector.shape_cast %reduce_min3A_255 : vector<256xf32> to vector<1x256xf32>
      %eq3A_257 = vector.broadcast %broadcast_in_dim3A_256 : vector<1x256xf32> to vector<512x256xf32>
      %eq3A_258 = arith.cmpf oeq, %select_n3A, %eq3A_257 : vector<512x256xf32>
      %jit3A_259 = arith.constant 1073741824 : i32
      %broadcast_in_dim3A_260 = vector.broadcast %jit3A_259 : i32 to vector<512x256xi32>
      %select_n3A_261 = arith.select %eq3A_258, %iota3A, %broadcast_in_dim3A_260 : vector<512x256xi1>, vector<512x256xi32>
      %reduce_min3A_262 = arith.constant dense<2147483647> : vector<256xi32>
      %reduce_min3A_263 = vector.multi_reduction <minsi>, %select_n3A_261, %reduce_min3A_262 [0] : vector<512x256xi32> to vector<256xi32>
      %broadcast_in_dim3A_264 = vector.shape_cast %reduce_min3A_263 : vector<256xi32> to vector<1x256xi32>
      %add3A_265 = vector.broadcast %min3A_241 : i32 to vector<1x256xi32>
      %add3A_266 = arith.addi %broadcast_in_dim3A_264, %add3A_265 : vector<1x256xi32>
      %lt3A = arith.cmpf olt, %broadcast_in_dim3A_256, %while3A_237 : vector<1x256xf32>
      %min3A_267 = arith.minimumf %while3A_237, %broadcast_in_dim3A_256 : vector<1x256xf32>
      %select_n3A_268 = arith.select %lt3A, %add3A_266, %while3A_238 : vector<1x256xi1>, vector<1x256xi32>
      scf.yield %min3A_267, %select_n3A_268 : vector<1x256xf32>, vector<1x256xi32>
    }
    %while3A_47 = arith.constant 0 : i32
    %while3A_48 = arith.subi %get3A_2, %while3A_47 : i32
    %while3A_49 = arith.addi %while3A_47, %while3A_48 : i32
    %while3A_50 = arith.constant 1 : i32
    %while3A_51 = arith.divsi %while3A_48, %while3A_50 : i32
    %while3A_52 = arith.muli %while3A_51, %while3A_50 : i32
    %while3A_53 = arith.addi %while3A_47, %while3A_52 : i32
    %while3A_54 = arith.constant 1 : i32
    %while3A_55:2 = scf.for %while3A_236 = %while3A_47 to %while3A_53 step %while3A_54 iter_args(%while3A_237 = %broadcast_in_dim3A_12, %while3A_238 = %broadcast_in_dim3A_14) -> (vector<1x256xf32>, vector<1x256xi32>)  : i32 {
      %mul3A_239 = arith.constant 512 : i32
      %mul3A_240 = arith.muli %while3A_236, %mul3A_239 : i32
      %add3A = arith.addi %get3A_0, %mul3A_240 : i32
      %min3A = arith.constant 7680 : i32
      %min3A_241 = arith.minsi %add3A, %min3A : i32
      %mul3A_242 = arith.constant 512 : i32
      %mul3A_243 = arith.muli %while3A_236, %mul3A_242 : i32
      %get3A_244 = arith.index_cast %mul3A_243 : i32 to index
      %get3A_245 = arith.constant 0 : index
      %get3A_246 = vector.load %arg9[%get3A_244, %get3A_245] : memref<8192x256xf32, #tpu.memory_space<vmem>>, vector<512x256xf32>
      %sub3A = vector.broadcast %min3A_241 : i32 to vector<1x256xi32>
      %sub3A_247 = arith.subi %while3A_46#1, %sub3A : vector<1x256xi32>
      %eq3A = vector.broadcast %sub3A_247 : vector<1x256xi32> to vector<512x256xi32>
      %eq3A_248 = arith.cmpi eq, %iota3A, %eq3A : vector<512x256xi32>
      %jit3A = arith.constant 2.000000e+30 : f32
      %broadcast_in_dim3A_249 = vector.broadcast %jit3A : f32 to vector<512x256xf32>
      %select_n3A = arith.select %eq3A_248, %broadcast_in_dim3A_249, %get3A_246 : vector<512x256xi1>, vector<512x256xf32>
      %mul3A_250 = arith.constant 512 : i32
      %mul3A_251 = arith.muli %while3A_236, %mul3A_250 : i32
      %swap3A_252 = arith.index_cast %mul3A_251 : i32 to index
      %swap3A_253 = arith.constant 0 : index
      %swap3A_254 = vector.load %arg9[%swap3A_252, %swap3A_253] : memref<8192x256xf32, #tpu.memory_space<vmem>>, vector<512x256xf32>
      tpu.vector_store %arg9[%swap3A_252, %swap3A_253], %select_n3A {strides = array<i32>} : memref<8192x256xf32, #tpu.memory_space<vmem>>, vector<512x256xf32>,
      %reduce_min3A = arith.constant dense<0x7F800000> : vector<256xf32>
      %reduce_min3A_255 = vector.multi_reduction <minimumf>, %select_n3A, %reduce_min3A [0] : vector<512x256xf32> to vector<256xf32>
      %broadcast_in_dim3A_256 = vector.shape_cast %reduce_min3A_255 : vector<256xf32> to vector<1x256xf32>
      %eq3A_257 = vector.broadcast %broadcast_in_dim3A_256 : vector<1x256xf32> to vector<512x256xf32>
      %eq3A_258 = arith.cmpf oeq, %select_n3A, %eq3A_257 : vector<512x256xf32>
      %jit3A_259 = arith.constant 1073741824 : i32
      %broadcast_in_dim3A_260 = vector.broadcast %jit3A_259 : i32 to vector<512x256xi32>
      %select_n3A_261 = arith.select %eq3A_258, %iota3A, %broadcast_in_dim3A_260 : vector<512x256xi1>, vector<512x256xi32>
      %reduce_min3A_262 = arith.constant dense<2147483647> : vector<256xi32>
      %reduce_min3A_263 = vector.multi_reduction <minsi>, %select_n3A_261, %reduce_min3A_262 [0] : vector<512x256xi32> to vector<256xi32>
      %broadcast_in_dim3A_264 = vector.shape_cast %reduce_min3A_263 : vector<256xi32> to vector<1x256xi32>
      %add3A_265 = vector.broadcast %min3A_241 : i32 to vector<1x256xi32>
      %add3A_266 = arith.addi %broadcast_in_dim3A_264, %add3A_265 : vector<1x256xi32>
      %lt3A = arith.cmpf olt, %broadcast_in_dim3A_256, %while3A_237 : vector<1x256xf32>
      %min3A_267 = arith.minimumf %while3A_237, %broadcast_in_dim3A_256 : vector<1x256xf32>
      %select_n3A_268 = arith.select %lt3A, %add3A_266, %while3A_238 : vector<1x256xi1>, vector<1x256xi32>
      scf.yield %min3A_267, %select_n3A_268 : vector<1x256xf32>, vector<1x256xi32>
    }
    %while3A_56 = arith.constant 1 : i32
    %while3A_57:2 = scf.for %while3A_236 = %while3A_53 to %while3A_49 step %while3A_56 iter_args(%while3A_237 = %while3A_55#0, %while3A_238 = %while3A_55#1) -> (vector<1x256xf32>, vector<1x256xi32>)  : i32 {
      %mul3A_239 = arith.constant 512 : i32
      %mul3A_240 = arith.muli %while3A_236, %mul3A_239 : i32
      %add3A = arith.addi %get3A_0, %mul3A_240 : i32
      %min3A = arith.constant 7680 : i32
      %min3A_241 = arith.minsi %add3A, %min3A : i32
      %mul3A_242 = arith.constant 512 : i32
      %mul3A_243 = arith.muli %while3A_236, %mul3A_242 : i32
      %get3A_244 = arith.index_cast %mul3A_243 : i32 to index
      %get3A_245 = arith.constant 0 : index
      %get3A_246 = vector.load %arg9[%get3A_244, %get3A_245] : memref<8192x256xf32, #tpu.memory_space<vmem>>, vector<512x256xf32>
      %sub3A = vector.broadcast %min3A_241 : i32 to vector<1x256xi32>
      %sub3A_247 = arith.subi %while3A_46#1, %sub3A : vector<1x256xi32>
      %eq3A = vector.broadcast %sub3A_247 : vector<1x256xi32> to vector<512x256xi32>
      %eq3A_248 = arith.cmpi eq, %iota3A, %eq3A : vector<512x256xi32>
      %jit3A = arith.constant 2.000000e+30 : f32
      %broadcast_in_dim3A_249 = vector.broadcast %jit3A : f32 to vector<512x256xf32>
      %select_n3A = arith.select %eq3A_248, %broadcast_in_dim3A_249, %get3A_246 : vector<512x256xi1>, vector<512x256xf32>
      %mul3A_250 = arith.constant 512 : i32
      %mul3A_251 = arith.muli %while3A_236, %mul3A_250 : i32
      %swap3A_252 = arith.index_cast %mul3A_251 : i32 to index
      %swap3A_253 = arith.constant 0 : index
      %swap3A_254 = vector.load %arg9[%swap3A_252, %swap3A_253] : memref<8192x256xf32, #tpu.memory_space<vmem>>, vector<512x256xf32>
      tpu.vector_store %arg9[%swap3A_252, %swap3A_253], %select_n3A {strides = array<i32>} : memref<8192x256xf32, #tpu.memory_space<vmem>>, vector<512x256xf32>,
      %reduce_min3A = arith.constant dense<0x7F800000> : vector<256xf32>
      %reduce_min3A_255 = vector.multi_reduction <minimumf>, %select_n3A, %reduce_min3A [0] : vector<512x256xf32> to vector<256xf32>
      %broadcast_in_dim3A_256 = vector.shape_cast %reduce_min3A_255 : vector<256xf32> to vector<1x256xf32>
      %eq3A_257 = vector.broadcast %broadcast_in_dim3A_256 : vector<1x256xf32> to vector<512x256xf32>
      %eq3A_258 = arith.cmpf oeq, %select_n3A, %eq3A_257 : vector<512x256xf32>
      %jit3A_259 = arith.constant 1073741824 : i32
      %broadcast_in_dim3A_260 = vector.broadcast %jit3A_259 : i32 to vector<512x256xi32>
      %select_n3A_261 = arith.select %eq3A_258, %iota3A, %broadcast_in_dim3A_260 : vector<512x256xi1>, vector<512x256xi32>
      %reduce_min3A_262 = arith.constant dense<2147483647> : vector<256xi32>
      %reduce_min3A_263 = vector.multi_reduction <minsi>, %select_n3A_261, %reduce_min3A_262 [0] : vector<512x256xi32> to vector<256xi32>
      %broadcast_in_dim3A_264 = vector.shape_cast %reduce_min3A_263 : vector<256xi32> to vector<1x256xi32>
      %add3A_265 = vector.broadcast %min3A_241 : i32 to vector<1x256xi32>
      %add3A_266 = arith.addi %broadcast_in_dim3A_264, %add3A_265 : vector<1x256xi32>
      %lt3A = arith.cmpf olt, %broadcast_in_dim3A_256, %while3A_237 : vector<1x256xf32>
      %min3A_267 = arith.minimumf %while3A_237, %broadcast_in_dim3A_256 : vector<1x256xf32>
      %select_n3A_268 = arith.select %lt3A, %add3A_266, %while3A_238 : vector<1x256xi1>, vector<1x256xi32>
      scf.yield %min3A_267, %select_n3A_268 : vector<1x256xf32>, vector<1x256xi32>
    }
    %while3A_58 = arith.constant 0 : i32
    %while3A_59 = arith.subi %get3A_2, %while3A_58 : i32
    %while3A_60 = arith.addi %while3A_58, %while3A_59 : i32
    %while3A_61 = arith.constant 1 : i32
    %while3A_62 = arith.divsi %while3A_59, %while3A_61 : i32
    %while3A_63 = arith.muli %while3A_62, %while3A_61 : i32
    %while3A_64 = arith.addi %while3A_58, %while3A_63 : i32
    %while3A_65 = arith.constant 1 : i32
    %while3A_66:2 = scf.for %while3A_236 = %while3A_58 to %while3A_64 step %while3A_65 iter_args(%while3A_237 = %broadcast_in_dim3A_12, %while3A_238 = %broadcast_in_dim3A_14) -> (vector<1x256xf32>, vector<1x256xi32>)  : i32 {
      %mul3A_239 = arith.constant 512 : i32
      %mul3A_240 = arith.muli %while3A_236, %mul3A_239 : i32
      %add3A = arith.addi %get3A_0, %mul3A_240 : i32
      %min3A = arith.constant 7680 : i32
      %min3A_241 = arith.minsi %add3A, %min3A : i32
      %mul3A_242 = arith.constant 512 : i32
      %mul3A_243 = arith.muli %while3A_236, %mul3A_242 : i32
      %get3A_244 = arith.index_cast %mul3A_243 : i32 to index
      %get3A_245 = arith.constant 0 : index
      %get3A_246 = vector.load %arg9[%get3A_244, %get3A_245] : memref<8192x256xf32, #tpu.memory_space<vmem>>, vector<512x256xf32>
      %sub3A = vector.broadcast %min3A_241 : i32 to vector<1x256xi32>
      %sub3A_247 = arith.subi %while3A_57#1, %sub3A : vector<1x256xi32>
      %eq3A = vector.broadcast %sub3A_247 : vector<1x256xi32> to vector<512x256xi32>
      %eq3A_248 = arith.cmpi eq, %iota3A, %eq3A : vector<512x256xi32>
      %jit3A = arith.constant 2.000000e+30 : f32
      %broadcast_in_dim3A_249 = vector.broadcast %jit3A : f32 to vector<512x256xf32>
      %select_n3A = arith.select %eq3A_248, %broadcast_in_dim3A_249, %get3A_246 : vector<512x256xi1>, vector<512x256xf32>
      %mul3A_250 = arith.constant 512 : i32
      %mul3A_251 = arith.muli %while3A_236, %mul3A_250 : i32
      %swap3A_252 = arith.index_cast %mul3A_251 : i32 to index
      %swap3A_253 = arith.constant 0 : index
      %swap3A_254 = vector.load %arg9[%swap3A_252, %swap3A_253] : memref<8192x256xf32, #tpu.memory_space<vmem>>, vector<512x256xf32>
      tpu.vector_store %arg9[%swap3A_252, %swap3A_253], %select_n3A {strides = array<i32>} : memref<8192x256xf32, #tpu.memory_space<vmem>>, vector<512x256xf32>,
      %reduce_min3A = arith.constant dense<0x7F800000> : vector<256xf32>
      %reduce_min3A_255 = vector.multi_reduction <minimumf>, %select_n3A, %reduce_min3A [0] : vector<512x256xf32> to vector<256xf32>
      %broadcast_in_dim3A_256 = vector.shape_cast %reduce_min3A_255 : vector<256xf32> to vector<1x256xf32>
      %eq3A_257 = vector.broadcast %broadcast_in_dim3A_256 : vector<1x256xf32> to vector<512x256xf32>
      %eq3A_258 = arith.cmpf oeq, %select_n3A, %eq3A_257 : vector<512x256xf32>
      %jit3A_259 = arith.constant 1073741824 : i32
      %broadcast_in_dim3A_260 = vector.broadcast %jit3A_259 : i32 to vector<512x256xi32>
      %select_n3A_261 = arith.select %eq3A_258, %iota3A, %broadcast_in_dim3A_260 : vector<512x256xi1>, vector<512x256xi32>
      %reduce_min3A_262 = arith.constant dense<2147483647> : vector<256xi32>
      %reduce_min3A_263 = vector.multi_reduction <minsi>, %select_n3A_261, %reduce_min3A_262 [0] : vector<512x256xi32> to vector<256xi32>
      %broadcast_in_dim3A_264 = vector.shape_cast %reduce_min3A_263 : vector<256xi32> to vector<1x256xi32>
      %add3A_265 = vector.broadcast %min3A_241 : i32 to vector<1x256xi32>
      %add3A_266 = arith.addi %broadcast_in_dim3A_264, %add3A_265 : vector<1x256xi32>
      %lt3A = arith.cmpf olt, %broadcast_in_dim3A_256, %while3A_237 : vector<1x256xf32>
      %min3A_267 = arith.minimumf %while3A_237, %broadcast_in_dim3A_256 : vector<1x256xf32>
      %select_n3A_268 = arith.select %lt3A, %add3A_266, %while3A_238 : vector<1x256xi1>, vector<1x256xi32>
      scf.yield %min3A_267, %select_n3A_268 : vector<1x256xf32>, vector<1x256xi32>
    }
    %while3A_67 = arith.constant 1 : i32
    %while3A_68:2 = scf.for %while3A_236 = %while3A_64 to %while3A_60 step %while3A_67 iter_args(%while3A_237 = %while3A_66#0, %while3A_238 = %while3A_66#1) -> (vector<1x256xf32>, vector<1x256xi32>)  : i32 {
      %mul3A_239 = arith.constant 512 : i32
      %mul3A_240 = arith.muli %while3A_236, %mul3A_239 : i32
      %add3A = arith.addi %get3A_0, %mul3A_240 : i32
      %min3A = arith.constant 7680 : i32
      %min3A_241 = arith.minsi %add3A, %min3A : i32
      %mul3A_242 = arith.constant 512 : i32
      %mul3A_243 = arith.muli %while3A_236, %mul3A_242 : i32
      %get3A_244 = arith.index_cast %mul3A_243 : i32 to index
      %get3A_245 = arith.constant 0 : index
      %get3A_246 = vector.load %arg9[%get3A_244, %get3A_245] : memref<8192x256xf32, #tpu.memory_space<vmem>>, vector<512x256xf32>
      %sub3A = vector.broadcast %min3A_241 : i32 to vector<1x256xi32>
      %sub3A_247 = arith.subi %while3A_57#1, %sub3A : vector<1x256xi32>
      %eq3A = vector.broadcast %sub3A_247 : vector<1x256xi32> to vector<512x256xi32>
      %eq3A_248 = arith.cmpi eq, %iota3A, %eq3A : vector<512x256xi32>
      %jit3A = arith.constant 2.000000e+30 : f32
      %broadcast_in_dim3A_249 = vector.broadcast %jit3A : f32 to vector<512x256xf32>
      %select_n3A = arith.select %eq3A_248, %broadcast_in_dim3A_249, %get3A_246 : vector<512x256xi1>, vector<512x256xf32>
      %mul3A_250 = arith.constant 512 : i32
      %mul3A_251 = arith.muli %while3A_236, %mul3A_250 : i32
      %swap3A_252 = arith.index_cast %mul3A_251 : i32 to index
      %swap3A_253 = arith.constant 0 : index
      %swap3A_254 = vector.load %arg9[%swap3A_252, %swap3A_253] : memref<8192x256xf32, #tpu.memory_space<vmem>>, vector<512x256xf32>
      tpu.vector_store %arg9[%swap3A_252, %swap3A_253], %select_n3A {strides = array<i32>} : memref<8192x256xf32, #tpu.memory_space<vmem>>, vector<512x256xf32>,
      %reduce_min3A = arith.constant dense<0x7F800000> : vector<256xf32>
      %reduce_min3A_255 = vector.multi_reduction <minimumf>, %select_n3A, %reduce_min3A [0] : vector<512x256xf32> to vector<256xf32>
      %broadcast_in_dim3A_256 = vector.shape_cast %reduce_min3A_255 : vector<256xf32> to vector<1x256xf32>
      %eq3A_257 = vector.broadcast %broadcast_in_dim3A_256 : vector<1x256xf32> to vector<512x256xf32>
      %eq3A_258 = arith.cmpf oeq, %select_n3A, %eq3A_257 : vector<512x256xf32>
      %jit3A_259 = arith.constant 1073741824 : i32
      %broadcast_in_dim3A_260 = vector.broadcast %jit3A_259 : i32 to vector<512x256xi32>
      %select_n3A_261 = arith.select %eq3A_258, %iota3A, %broadcast_in_dim3A_260 : vector<512x256xi1>, vector<512x256xi32>
      %reduce_min3A_262 = arith.constant dense<2147483647> : vector<256xi32>
      %reduce_min3A_263 = vector.multi_reduction <minsi>, %select_n3A_261, %reduce_min3A_262 [0] : vector<512x256xi32> to vector<256xi32>
      %broadcast_in_dim3A_264 = vector.shape_cast %reduce_min3A_263 : vector<256xi32> to vector<1x256xi32>
      %add3A_265 = vector.broadcast %min3A_241 : i32 to vector<1x256xi32>
      %add3A_266 = arith.addi %broadcast_in_dim3A_264, %add3A_265 : vector<1x256xi32>
      %lt3A = arith.cmpf olt, %broadcast_in_dim3A_256, %while3A_237 : vector<1x256xf32>
      %min3A_267 = arith.minimumf %while3A_237, %broadcast_in_dim3A_256 : vector<1x256xf32>
      %select_n3A_268 = arith.select %lt3A, %add3A_266, %while3A_238 : vector<1x256xi1>, vector<1x256xi32>
      scf.yield %min3A_267, %select_n3A_268 : vector<1x256xf32>, vector<1x256xi32>
    }
    %while3A_69 = arith.constant 0 : i32
    %while3A_70 = arith.subi %get3A_2, %while3A_69 : i32
    %while3A_71 = arith.addi %while3A_69, %while3A_70 : i32
    %while3A_72 = arith.constant 1 : i32
    %while3A_73 = arith.divsi %while3A_70, %while3A_72 : i32
    %while3A_74 = arith.muli %while3A_73, %while3A_72 : i32
    %while3A_75 = arith.addi %while3A_69, %while3A_74 : i32
    %while3A_76 = arith.constant 1 : i32
    %while3A_77:2 = scf.for %while3A_236 = %while3A_69 to %while3A_75 step %while3A_76 iter_args(%while3A_237 = %broadcast_in_dim3A_12, %while3A_238 = %broadcast_in_dim3A_14) -> (vector<1x256xf32>, vector<1x256xi32>)  : i32 {
      %mul3A_239 = arith.constant 512 : i32
      %mul3A_240 = arith.muli %while3A_236, %mul3A_239 : i32
      %add3A = arith.addi %get3A_0, %mul3A_240 : i32
      %min3A = arith.constant 7680 : i32
      %min3A_241 = arith.minsi %add3A, %min3A : i32
      %mul3A_242 = arith.constant 512 : i32
      %mul3A_243 = arith.muli %while3A_236, %mul3A_242 : i32
      %get3A_244 = arith.index_cast %mul3A_243 : i32 to index
      %get3A_245 = arith.constant 0 : index
      %get3A_246 = vector.load %arg9[%get3A_244, %get3A_245] : memref<8192x256xf32, #tpu.memory_space<vmem>>, vector<512x256xf32>
      %sub3A = vector.broadcast %min3A_241 : i32 to vector<1x256xi32>
      %sub3A_247 = arith.subi %while3A_68#1, %sub3A : vector<1x256xi32>
      %eq3A = vector.broadcast %sub3A_247 : vector<1x256xi32> to vector<512x256xi32>
      %eq3A_248 = arith.cmpi eq, %iota3A, %eq3A : vector<512x256xi32>
      %jit3A = arith.constant 2.000000e+30 : f32
      %broadcast_in_dim3A_249 = vector.broadcast %jit3A : f32 to vector<512x256xf32>
      %select_n3A = arith.select %eq3A_248, %broadcast_in_dim3A_249, %get3A_246 : vector<512x256xi1>, vector<512x256xf32>
      %mul3A_250 = arith.constant 512 : i32
      %mul3A_251 = arith.muli %while3A_236, %mul3A_250 : i32
      %swap3A_252 = arith.index_cast %mul3A_251 : i32 to index
      %swap3A_253 = arith.constant 0 : index
      %swap3A_254 = vector.load %arg9[%swap3A_252, %swap3A_253] : memref<8192x256xf32, #tpu.memory_space<vmem>>, vector<512x256xf32>
      tpu.vector_store %arg9[%swap3A_252, %swap3A_253], %select_n3A {strides = array<i32>} : memref<8192x256xf32, #tpu.memory_space<vmem>>, vector<512x256xf32>,
      %reduce_min3A = arith.constant dense<0x7F800000> : vector<256xf32>
      %reduce_min3A_255 = vector.multi_reduction <minimumf>, %select_n3A, %reduce_min3A [0] : vector<512x256xf32> to vector<256xf32>
      %broadcast_in_dim3A_256 = vector.shape_cast %reduce_min3A_255 : vector<256xf32> to vector<1x256xf32>
      %eq3A_257 = vector.broadcast %broadcast_in_dim3A_256 : vector<1x256xf32> to vector<512x256xf32>
      %eq3A_258 = arith.cmpf oeq, %select_n3A, %eq3A_257 : vector<512x256xf32>
      %jit3A_259 = arith.constant 1073741824 : i32
      %broadcast_in_dim3A_260 = vector.broadcast %jit3A_259 : i32 to vector<512x256xi32>
      %select_n3A_261 = arith.select %eq3A_258, %iota3A, %broadcast_in_dim3A_260 : vector<512x256xi1>, vector<512x256xi32>
      %reduce_min3A_262 = arith.constant dense<2147483647> : vector<256xi32>
      %reduce_min3A_263 = vector.multi_reduction <minsi>, %select_n3A_261, %reduce_min3A_262 [0] : vector<512x256xi32> to vector<256xi32>
      %broadcast_in_dim3A_264 = vector.shape_cast %reduce_min3A_263 : vector<256xi32> to vector<1x256xi32>
      %add3A_265 = vector.broadcast %min3A_241 : i32 to vector<1x256xi32>
      %add3A_266 = arith.addi %broadcast_in_dim3A_264, %add3A_265 : vector<1x256xi32>
      %lt3A = arith.cmpf olt, %broadcast_in_dim3A_256, %while3A_237 : vector<1x256xf32>
      %min3A_267 = arith.minimumf %while3A_237, %broadcast_in_dim3A_256 : vector<1x256xf32>
      %select_n3A_268 = arith.select %lt3A, %add3A_266, %while3A_238 : vector<1x256xi1>, vector<1x256xi32>
      scf.yield %min3A_267, %select_n3A_268 : vector<1x256xf32>, vector<1x256xi32>
    }
    %while3A_78 = arith.constant 1 : i32
    %while3A_79:2 = scf.for %while3A_236 = %while3A_75 to %while3A_71 step %while3A_78 iter_args(%while3A_237 = %while3A_77#0, %while3A_238 = %while3A_77#1) -> (vector<1x256xf32>, vector<1x256xi32>)  : i32 {
      %mul3A_239 = arith.constant 512 : i32
      %mul3A_240 = arith.muli %while3A_236, %mul3A_239 : i32
      %add3A = arith.addi %get3A_0, %mul3A_240 : i32
      %min3A = arith.constant 7680 : i32
      %min3A_241 = arith.minsi %add3A, %min3A : i32
      %mul3A_242 = arith.constant 512 : i32
      %mul3A_243 = arith.muli %while3A_236, %mul3A_242 : i32
      %get3A_244 = arith.index_cast %mul3A_243 : i32 to index
      %get3A_245 = arith.constant 0 : index
      %get3A_246 = vector.load %arg9[%get3A_244, %get3A_245] : memref<8192x256xf32, #tpu.memory_space<vmem>>, vector<512x256xf32>
      %sub3A = vector.broadcast %min3A_241 : i32 to vector<1x256xi32>
      %sub3A_247 = arith.subi %while3A_68#1, %sub3A : vector<1x256xi32>
      %eq3A = vector.broadcast %sub3A_247 : vector<1x256xi32> to vector<512x256xi32>
      %eq3A_248 = arith.cmpi eq, %iota3A, %eq3A : vector<512x256xi32>
      %jit3A = arith.constant 2.000000e+30 : f32
      %broadcast_in_dim3A_249 = vector.broadcast %jit3A : f32 to vector<512x256xf32>
      %select_n3A = arith.select %eq3A_248, %broadcast_in_dim3A_249, %get3A_246 : vector<512x256xi1>, vector<512x256xf32>
      %mul3A_250 = arith.constant 512 : i32
      %mul3A_251 = arith.muli %while3A_236, %mul3A_250 : i32
      %swap3A_252 = arith.index_cast %mul3A_251 : i32 to index
      %swap3A_253 = arith.constant 0 : index
      %swap3A_254 = vector.load %arg9[%swap3A_252, %swap3A_253] : memref<8192x256xf32, #tpu.memory_space<vmem>>, vector<512x256xf32>
      tpu.vector_store %arg9[%swap3A_252, %swap3A_253], %select_n3A {strides = array<i32>} : memref<8192x256xf32, #tpu.memory_space<vmem>>, vector<512x256xf32>,
      %reduce_min3A = arith.constant dense<0x7F800000> : vector<256xf32>
      %reduce_min3A_255 = vector.multi_reduction <minimumf>, %select_n3A, %reduce_min3A [0] : vector<512x256xf32> to vector<256xf32>
      %broadcast_in_dim3A_256 = vector.shape_cast %reduce_min3A_255 : vector<256xf32> to vector<1x256xf32>
      %eq3A_257 = vector.broadcast %broadcast_in_dim3A_256 : vector<1x256xf32> to vector<512x256xf32>
      %eq3A_258 = arith.cmpf oeq, %select_n3A, %eq3A_257 : vector<512x256xf32>
      %jit3A_259 = arith.constant 1073741824 : i32
      %broadcast_in_dim3A_260 = vector.broadcast %jit3A_259 : i32 to vector<512x256xi32>
      %select_n3A_261 = arith.select %eq3A_258, %iota3A, %broadcast_in_dim3A_260 : vector<512x256xi1>, vector<512x256xi32>
      %reduce_min3A_262 = arith.constant dense<2147483647> : vector<256xi32>
      %reduce_min3A_263 = vector.multi_reduction <minsi>, %select_n3A_261, %reduce_min3A_262 [0] : vector<512x256xi32> to vector<256xi32>
      %broadcast_in_dim3A_264 = vector.shape_cast %reduce_min3A_263 : vector<256xi32> to vector<1x256xi32>
      %add3A_265 = vector.broadcast %min3A_241 : i32 to vector<1x256xi32>
      %add3A_266 = arith.addi %broadcast_in_dim3A_264, %add3A_265 : vector<1x256xi32>
      %lt3A = arith.cmpf olt, %broadcast_in_dim3A_256, %while3A_237 : vector<1x256xf32>
      %min3A_267 = arith.minimumf %while3A_237, %broadcast_in_dim3A_256 : vector<1x256xf32>
      %select_n3A_268 = arith.select %lt3A, %add3A_266, %while3A_238 : vector<1x256xi1>, vector<1x256xi32>
      scf.yield %min3A_267, %select_n3A_268 : vector<1x256xf32>, vector<1x256xi32>
    }
    %while3A_80 = arith.constant 0 : i32
    %while3A_81 = arith.subi %get3A_2, %while3A_80 : i32
    %while3A_82 = arith.addi %while3A_80, %while3A_81 : i32
    %while3A_83 = arith.constant 1 : i32
    %while3A_84 = arith.divsi %while3A_81, %while3A_83 : i32
    %while3A_85 = arith.muli %while3A_84, %while3A_83 : i32
    %while3A_86 = arith.addi %while3A_80, %while3A_85 : i32
    %while3A_87 = arith.constant 1 : i32
    %while3A_88:2 = scf.for %while3A_236 = %while3A_80 to %while3A_86 step %while3A_87 iter_args(%while3A_237 = %broadcast_in_dim3A_12, %while3A_238 = %broadcast_in_dim3A_14) -> (vector<1x256xf32>, vector<1x256xi32>)  : i32 {
      %mul3A_239 = arith.constant 512 : i32
      %mul3A_240 = arith.muli %while3A_236, %mul3A_239 : i32
      %add3A = arith.addi %get3A_0, %mul3A_240 : i32
      %min3A = arith.constant 7680 : i32
      %min3A_241 = arith.minsi %add3A, %min3A : i32
      %mul3A_242 = arith.constant 512 : i32
      %mul3A_243 = arith.muli %while3A_236, %mul3A_242 : i32
      %get3A_244 = arith.index_cast %mul3A_243 : i32 to index
      %get3A_245 = arith.constant 0 : index
      %get3A_246 = vector.load %arg9[%get3A_244, %get3A_245] : memref<8192x256xf32, #tpu.memory_space<vmem>>, vector<512x256xf32>
      %sub3A = vector.broadcast %min3A_241 : i32 to vector<1x256xi32>
      %sub3A_247 = arith.subi %while3A_79#1, %sub3A : vector<1x256xi32>
      %eq3A = vector.broadcast %sub3A_247 : vector<1x256xi32> to vector<512x256xi32>
      %eq3A_248 = arith.cmpi eq, %iota3A, %eq3A : vector<512x256xi32>
      %jit3A = arith.constant 2.000000e+30 : f32
      %broadcast_in_dim3A_249 = vector.broadcast %jit3A : f32 to vector<512x256xf32>
      %select_n3A = arith.select %eq3A_248, %broadcast_in_dim3A_249, %get3A_246 : vector<512x256xi1>, vector<512x256xf32>
      %mul3A_250 = arith.constant 512 : i32
      %mul3A_251 = arith.muli %while3A_236, %mul3A_250 : i32
      %swap3A_252 = arith.index_cast %mul3A_251 : i32 to index
      %swap3A_253 = arith.constant 0 : index
      %swap3A_254 = vector.load %arg9[%swap3A_252, %swap3A_253] : memref<8192x256xf32, #tpu.memory_space<vmem>>, vector<512x256xf32>
      tpu.vector_store %arg9[%swap3A_252, %swap3A_253], %select_n3A {strides = array<i32>} : memref<8192x256xf32, #tpu.memory_space<vmem>>, vector<512x256xf32>,
      %reduce_min3A = arith.constant dense<0x7F800000> : vector<256xf32>
      %reduce_min3A_255 = vector.multi_reduction <minimumf>, %select_n3A, %reduce_min3A [0] : vector<512x256xf32> to vector<256xf32>
      %broadcast_in_dim3A_256 = vector.shape_cast %reduce_min3A_255 : vector<256xf32> to vector<1x256xf32>
      %eq3A_257 = vector.broadcast %broadcast_in_dim3A_256 : vector<1x256xf32> to vector<512x256xf32>
      %eq3A_258 = arith.cmpf oeq, %select_n3A, %eq3A_257 : vector<512x256xf32>
      %jit3A_259 = arith.constant 1073741824 : i32
      %broadcast_in_dim3A_260 = vector.broadcast %jit3A_259 : i32 to vector<512x256xi32>
      %select_n3A_261 = arith.select %eq3A_258, %iota3A, %broadcast_in_dim3A_260 : vector<512x256xi1>, vector<512x256xi32>
      %reduce_min3A_262 = arith.constant dense<2147483647> : vector<256xi32>
      %reduce_min3A_263 = vector.multi_reduction <minsi>, %select_n3A_261, %reduce_min3A_262 [0] : vector<512x256xi32> to vector<256xi32>
      %broadcast_in_dim3A_264 = vector.shape_cast %reduce_min3A_263 : vector<256xi32> to vector<1x256xi32>
      %add3A_265 = vector.broadcast %min3A_241 : i32 to vector<1x256xi32>
      %add3A_266 = arith.addi %broadcast_in_dim3A_264, %add3A_265 : vector<1x256xi32>
      %lt3A = arith.cmpf olt, %broadcast_in_dim3A_256, %while3A_237 : vector<1x256xf32>
      %min3A_267 = arith.minimumf %while3A_237, %broadcast_in_dim3A_256 : vector<1x256xf32>
      %select_n3A_268 = arith.select %lt3A, %add3A_266, %while3A_238 : vector<1x256xi1>, vector<1x256xi32>
      scf.yield %min3A_267, %select_n3A_268 : vector<1x256xf32>, vector<1x256xi32>
    }
    %while3A_89 = arith.constant 1 : i32
    %while3A_90:2 = scf.for %while3A_236 = %while3A_86 to %while3A_82 step %while3A_89 iter_args(%while3A_237 = %while3A_88#0, %while3A_238 = %while3A_88#1) -> (vector<1x256xf32>, vector<1x256xi32>)  : i32 {
      %mul3A_239 = arith.constant 512 : i32
      %mul3A_240 = arith.muli %while3A_236, %mul3A_239 : i32
      %add3A = arith.addi %get3A_0, %mul3A_240 : i32
      %min3A = arith.constant 7680 : i32
      %min3A_241 = arith.minsi %add3A, %min3A : i32
      %mul3A_242 = arith.constant 512 : i32
      %mul3A_243 = arith.muli %while3A_236, %mul3A_242 : i32
      %get3A_244 = arith.index_cast %mul3A_243 : i32 to index
      %get3A_245 = arith.constant 0 : index
      %get3A_246 = vector.load %arg9[%get3A_244, %get3A_245] : memref<8192x256xf32, #tpu.memory_space<vmem>>, vector<512x256xf32>
      %sub3A = vector.broadcast %min3A_241 : i32 to vector<1x256xi32>
      %sub3A_247 = arith.subi %while3A_79#1, %sub3A : vector<1x256xi32>
      %eq3A = vector.broadcast %sub3A_247 : vector<1x256xi32> to vector<512x256xi32>
      %eq3A_248 = arith.cmpi eq, %iota3A, %eq3A : vector<512x256xi32>
      %jit3A = arith.constant 2.000000e+30 : f32
      %broadcast_in_dim3A_249 = vector.broadcast %jit3A : f32 to vector<512x256xf32>
      %select_n3A = arith.select %eq3A_248, %broadcast_in_dim3A_249, %get3A_246 : vector<512x256xi1>, vector<512x256xf32>
      %mul3A_250 = arith.constant 512 : i32
      %mul3A_251 = arith.muli %while3A_236, %mul3A_250 : i32
      %swap3A_252 = arith.index_cast %mul3A_251 : i32 to index
      %swap3A_253 = arith.constant 0 : index
      %swap3A_254 = vector.load %arg9[%swap3A_252, %swap3A_253] : memref<8192x256xf32, #tpu.memory_space<vmem>>, vector<512x256xf32>
      tpu.vector_store %arg9[%swap3A_252, %swap3A_253], %select_n3A {strides = array<i32>} : memref<8192x256xf32, #tpu.memory_space<vmem>>, vector<512x256xf32>,
      %reduce_min3A = arith.constant dense<0x7F800000> : vector<256xf32>
      %reduce_min3A_255 = vector.multi_reduction <minimumf>, %select_n3A, %reduce_min3A [0] : vector<512x256xf32> to vector<256xf32>
      %broadcast_in_dim3A_256 = vector.shape_cast %reduce_min3A_255 : vector<256xf32> to vector<1x256xf32>
      %eq3A_257 = vector.broadcast %broadcast_in_dim3A_256 : vector<1x256xf32> to vector<512x256xf32>
      %eq3A_258 = arith.cmpf oeq, %select_n3A, %eq3A_257 : vector<512x256xf32>
      %jit3A_259 = arith.constant 1073741824 : i32
      %broadcast_in_dim3A_260 = vector.broadcast %jit3A_259 : i32 to vector<512x256xi32>
      %select_n3A_261 = arith.select %eq3A_258, %iota3A, %broadcast_in_dim3A_260 : vector<512x256xi1>, vector<512x256xi32>
      %reduce_min3A_262 = arith.constant dense<2147483647> : vector<256xi32>
      %reduce_min3A_263 = vector.multi_reduction <minsi>, %select_n3A_261, %reduce_min3A_262 [0] : vector<512x256xi32> to vector<256xi32>
      %broadcast_in_dim3A_264 = vector.shape_cast %reduce_min3A_263 : vector<256xi32> to vector<1x256xi32>
      %add3A_265 = vector.broadcast %min3A_241 : i32 to vector<1x256xi32>
      %add3A_266 = arith.addi %broadcast_in_dim3A_264, %add3A_265 : vector<1x256xi32>
      %lt3A = arith.cmpf olt, %broadcast_in_dim3A_256, %while3A_237 : vector<1x256xf32>
      %min3A_267 = arith.minimumf %while3A_237, %broadcast_in_dim3A_256 : vector<1x256xf32>
      %select_n3A_268 = arith.select %lt3A, %add3A_266, %while3A_238 : vector<1x256xi1>, vector<1x256xi32>
      scf.yield %min3A_267, %select_n3A_268 : vector<1x256xf32>, vector<1x256xi32>
    }
    %while3A_91 = arith.constant 0 : i32
    %while3A_92 = arith.subi %get3A_2, %while3A_91 : i32
    %while3A_93 = arith.addi %while3A_91, %while3A_92 : i32
    %while3A_94 = arith.constant 1 : i32
    %while3A_95 = arith.divsi %while3A_92, %while3A_94 : i32
    %while3A_96 = arith.muli %while3A_95, %while3A_94 : i32
    %while3A_97 = arith.addi %while3A_91, %while3A_96 : i32
    %while3A_98 = arith.constant 1 : i32
    %while3A_99:2 = scf.for %while3A_236 = %while3A_91 to %while3A_97 step %while3A_98 iter_args(%while3A_237 = %broadcast_in_dim3A_12, %while3A_238 = %broadcast_in_dim3A_14) -> (vector<1x256xf32>, vector<1x256xi32>)  : i32 {
      %mul3A_239 = arith.constant 512 : i32
      %mul3A_240 = arith.muli %while3A_236, %mul3A_239 : i32
      %add3A = arith.addi %get3A_0, %mul3A_240 : i32
      %min3A = arith.constant 7680 : i32
      %min3A_241 = arith.minsi %add3A, %min3A : i32
      %mul3A_242 = arith.constant 512 : i32
      %mul3A_243 = arith.muli %while3A_236, %mul3A_242 : i32
      %get3A_244 = arith.index_cast %mul3A_243 : i32 to index
      %get3A_245 = arith.constant 0 : index
      %get3A_246 = vector.load %arg9[%get3A_244, %get3A_245] : memref<8192x256xf32, #tpu.memory_space<vmem>>, vector<512x256xf32>
      %sub3A = vector.broadcast %min3A_241 : i32 to vector<1x256xi32>
      %sub3A_247 = arith.subi %while3A_90#1, %sub3A : vector<1x256xi32>
      %eq3A = vector.broadcast %sub3A_247 : vector<1x256xi32> to vector<512x256xi32>
      %eq3A_248 = arith.cmpi eq, %iota3A, %eq3A : vector<512x256xi32>
      %jit3A = arith.constant 2.000000e+30 : f32
      %broadcast_in_dim3A_249 = vector.broadcast %jit3A : f32 to vector<512x256xf32>
      %select_n3A = arith.select %eq3A_248, %broadcast_in_dim3A_249, %get3A_246 : vector<512x256xi1>, vector<512x256xf32>
      %mul3A_250 = arith.constant 512 : i32
      %mul3A_251 = arith.muli %while3A_236, %mul3A_250 : i32
      %swap3A_252 = arith.index_cast %mul3A_251 : i32 to index
      %swap3A_253 = arith.constant 0 : index
      %swap3A_254 = vector.load %arg9[%swap3A_252, %swap3A_253] : memref<8192x256xf32, #tpu.memory_space<vmem>>, vector<512x256xf32>
      tpu.vector_store %arg9[%swap3A_252, %swap3A_253], %select_n3A {strides = array<i32>} : memref<8192x256xf32, #tpu.memory_space<vmem>>, vector<512x256xf32>,
      %reduce_min3A = arith.constant dense<0x7F800000> : vector<256xf32>
      %reduce_min3A_255 = vector.multi_reduction <minimumf>, %select_n3A, %reduce_min3A [0] : vector<512x256xf32> to vector<256xf32>
      %broadcast_in_dim3A_256 = vector.shape_cast %reduce_min3A_255 : vector<256xf32> to vector<1x256xf32>
      %eq3A_257 = vector.broadcast %broadcast_in_dim3A_256 : vector<1x256xf32> to vector<512x256xf32>
      %eq3A_258 = arith.cmpf oeq, %select_n3A, %eq3A_257 : vector<512x256xf32>
      %jit3A_259 = arith.constant 1073741824 : i32
      %broadcast_in_dim3A_260 = vector.broadcast %jit3A_259 : i32 to vector<512x256xi32>
      %select_n3A_261 = arith.select %eq3A_258, %iota3A, %broadcast_in_dim3A_260 : vector<512x256xi1>, vector<512x256xi32>
      %reduce_min3A_262 = arith.constant dense<2147483647> : vector<256xi32>
      %reduce_min3A_263 = vector.multi_reduction <minsi>, %select_n3A_261, %reduce_min3A_262 [0] : vector<512x256xi32> to vector<256xi32>
      %broadcast_in_dim3A_264 = vector.shape_cast %reduce_min3A_263 : vector<256xi32> to vector<1x256xi32>
      %add3A_265 = vector.broadcast %min3A_241 : i32 to vector<1x256xi32>
      %add3A_266 = arith.addi %broadcast_in_dim3A_264, %add3A_265 : vector<1x256xi32>
      %lt3A = arith.cmpf olt, %broadcast_in_dim3A_256, %while3A_237 : vector<1x256xf32>
      %min3A_267 = arith.minimumf %while3A_237, %broadcast_in_dim3A_256 : vector<1x256xf32>
      %select_n3A_268 = arith.select %lt3A, %add3A_266, %while3A_238 : vector<1x256xi1>, vector<1x256xi32>
      scf.yield %min3A_267, %select_n3A_268 : vector<1x256xf32>, vector<1x256xi32>
    }
    %while3A_100 = arith.constant 1 : i32
    %while3A_101:2 = scf.for %while3A_236 = %while3A_97 to %while3A_93 step %while3A_100 iter_args(%while3A_237 = %while3A_99#0, %while3A_238 = %while3A_99#1) -> (vector<1x256xf32>, vector<1x256xi32>)  : i32 {
      %mul3A_239 = arith.constant 512 : i32
      %mul3A_240 = arith.muli %while3A_236, %mul3A_239 : i32
      %add3A = arith.addi %get3A_0, %mul3A_240 : i32
      %min3A = arith.constant 7680 : i32
      %min3A_241 = arith.minsi %add3A, %min3A : i32
      %mul3A_242 = arith.constant 512 : i32
      %mul3A_243 = arith.muli %while3A_236, %mul3A_242 : i32
      %get3A_244 = arith.index_cast %mul3A_243 : i32 to index
      %get3A_245 = arith.constant 0 : index
      %get3A_246 = vector.load %arg9[%get3A_244, %get3A_245] : memref<8192x256xf32, #tpu.memory_space<vmem>>, vector<512x256xf32>
      %sub3A = vector.broadcast %min3A_241 : i32 to vector<1x256xi32>
      %sub3A_247 = arith.subi %while3A_90#1, %sub3A : vector<1x256xi32>
      %eq3A = vector.broadcast %sub3A_247 : vector<1x256xi32> to vector<512x256xi32>
      %eq3A_248 = arith.cmpi eq, %iota3A, %eq3A : vector<512x256xi32>
      %jit3A = arith.constant 2.000000e+30 : f32
      %broadcast_in_dim3A_249 = vector.broadcast %jit3A : f32 to vector<512x256xf32>
      %select_n3A = arith.select %eq3A_248, %broadcast_in_dim3A_249, %get3A_246 : vector<512x256xi1>, vector<512x256xf32>
      %mul3A_250 = arith.constant 512 : i32
      %mul3A_251 = arith.muli %while3A_236, %mul3A_250 : i32
      %swap3A_252 = arith.index_cast %mul3A_251 : i32 to index
      %swap3A_253 = arith.constant 0 : index
      %swap3A_254 = vector.load %arg9[%swap3A_252, %swap3A_253] : memref<8192x256xf32, #tpu.memory_space<vmem>>, vector<512x256xf32>
      tpu.vector_store %arg9[%swap3A_252, %swap3A_253], %select_n3A {strides = array<i32>} : memref<8192x256xf32, #tpu.memory_space<vmem>>, vector<512x256xf32>,
      %reduce_min3A = arith.constant dense<0x7F800000> : vector<256xf32>
      %reduce_min3A_255 = vector.multi_reduction <minimumf>, %select_n3A, %reduce_min3A [0] : vector<512x256xf32> to vector<256xf32>
      %broadcast_in_dim3A_256 = vector.shape_cast %reduce_min3A_255 : vector<256xf32> to vector<1x256xf32>
      %eq3A_257 = vector.broadcast %broadcast_in_dim3A_256 : vector<1x256xf32> to vector<512x256xf32>
      %eq3A_258 = arith.cmpf oeq, %select_n3A, %eq3A_257 : vector<512x256xf32>
      %jit3A_259 = arith.constant 1073741824 : i32
      %broadcast_in_dim3A_260 = vector.broadcast %jit3A_259 : i32 to vector<512x256xi32>
      %select_n3A_261 = arith.select %eq3A_258, %iota3A, %broadcast_in_dim3A_260 : vector<512x256xi1>, vector<512x256xi32>
      %reduce_min3A_262 = arith.constant dense<2147483647> : vector<256xi32>
      %reduce_min3A_263 = vector.multi_reduction <minsi>, %select_n3A_261, %reduce_min3A_262 [0] : vector<512x256xi32> to vector<256xi32>
      %broadcast_in_dim3A_264 = vector.shape_cast %reduce_min3A_263 : vector<256xi32> to vector<1x256xi32>
      %add3A_265 = vector.broadcast %min3A_241 : i32 to vector<1x256xi32>
      %add3A_266 = arith.addi %broadcast_in_dim3A_264, %add3A_265 : vector<1x256xi32>
      %lt3A = arith.cmpf olt, %broadcast_in_dim3A_256, %while3A_237 : vector<1x256xf32>
      %min3A_267 = arith.minimumf %while3A_237, %broadcast_in_dim3A_256 : vector<1x256xf32>
      %select_n3A_268 = arith.select %lt3A, %add3A_266, %while3A_238 : vector<1x256xi1>, vector<1x256xi32>
      scf.yield %min3A_267, %select_n3A_268 : vector<1x256xf32>, vector<1x256xi32>
    }
    %while3A_102 = arith.constant 0 : i32
    %while3A_103 = arith.subi %get3A_2, %while3A_102 : i32
    %while3A_104 = arith.addi %while3A_102, %while3A_103 : i32
    %while3A_105 = arith.constant 1 : i32
    %while3A_106 = arith.divsi %while3A_103, %while3A_105 : i32
    %while3A_107 = arith.muli %while3A_106, %while3A_105 : i32
    %while3A_108 = arith.addi %while3A_102, %while3A_107 : i32
    %while3A_109 = arith.constant 1 : i32
    %while3A_110:2 = scf.for %while3A_236 = %while3A_102 to %while3A_108 step %while3A_109 iter_args(%while3A_237 = %broadcast_in_dim3A_12, %while3A_238 = %broadcast_in_dim3A_14) -> (vector<1x256xf32>, vector<1x256xi32>)  : i32 {
      %mul3A_239 = arith.constant 512 : i32
      %mul3A_240 = arith.muli %while3A_236, %mul3A_239 : i32
      %add3A = arith.addi %get3A_0, %mul3A_240 : i32
      %min3A = arith.constant 7680 : i32
      %min3A_241 = arith.minsi %add3A, %min3A : i32
      %mul3A_242 = arith.constant 512 : i32
      %mul3A_243 = arith.muli %while3A_236, %mul3A_242 : i32
      %get3A_244 = arith.index_cast %mul3A_243 : i32 to index
      %get3A_245 = arith.constant 0 : index
      %get3A_246 = vector.load %arg9[%get3A_244, %get3A_245] : memref<8192x256xf32, #tpu.memory_space<vmem>>, vector<512x256xf32>
      %sub3A = vector.broadcast %min3A_241 : i32 to vector<1x256xi32>
      %sub3A_247 = arith.subi %while3A_101#1, %sub3A : vector<1x256xi32>
      %eq3A = vector.broadcast %sub3A_247 : vector<1x256xi32> to vector<512x256xi32>
      %eq3A_248 = arith.cmpi eq, %iota3A, %eq3A : vector<512x256xi32>
      %jit3A = arith.constant 2.000000e+30 : f32
      %broadcast_in_dim3A_249 = vector.broadcast %jit3A : f32 to vector<512x256xf32>
      %select_n3A = arith.select %eq3A_248, %broadcast_in_dim3A_249, %get3A_246 : vector<512x256xi1>, vector<512x256xf32>
      %mul3A_250 = arith.constant 512 : i32
      %mul3A_251 = arith.muli %while3A_236, %mul3A_250 : i32
      %swap3A_252 = arith.index_cast %mul3A_251 : i32 to index
      %swap3A_253 = arith.constant 0 : index
      %swap3A_254 = vector.load %arg9[%swap3A_252, %swap3A_253] : memref<8192x256xf32, #tpu.memory_space<vmem>>, vector<512x256xf32>
      tpu.vector_store %arg9[%swap3A_252, %swap3A_253], %select_n3A {strides = array<i32>} : memref<8192x256xf32, #tpu.memory_space<vmem>>, vector<512x256xf32>,
      %reduce_min3A = arith.constant dense<0x7F800000> : vector<256xf32>
      %reduce_min3A_255 = vector.multi_reduction <minimumf>, %select_n3A, %reduce_min3A [0] : vector<512x256xf32> to vector<256xf32>
      %broadcast_in_dim3A_256 = vector.shape_cast %reduce_min3A_255 : vector<256xf32> to vector<1x256xf32>
      %eq3A_257 = vector.broadcast %broadcast_in_dim3A_256 : vector<1x256xf32> to vector<512x256xf32>
      %eq3A_258 = arith.cmpf oeq, %select_n3A, %eq3A_257 : vector<512x256xf32>
      %jit3A_259 = arith.constant 1073741824 : i32
      %broadcast_in_dim3A_260 = vector.broadcast %jit3A_259 : i32 to vector<512x256xi32>
      %select_n3A_261 = arith.select %eq3A_258, %iota3A, %broadcast_in_dim3A_260 : vector<512x256xi1>, vector<512x256xi32>
      %reduce_min3A_262 = arith.constant dense<2147483647> : vector<256xi32>
      %reduce_min3A_263 = vector.multi_reduction <minsi>, %select_n3A_261, %reduce_min3A_262 [0] : vector<512x256xi32> to vector<256xi32>
      %broadcast_in_dim3A_264 = vector.shape_cast %reduce_min3A_263 : vector<256xi32> to vector<1x256xi32>
      %add3A_265 = vector.broadcast %min3A_241 : i32 to vector<1x256xi32>
      %add3A_266 = arith.addi %broadcast_in_dim3A_264, %add3A_265 : vector<1x256xi32>
      %lt3A = arith.cmpf olt, %broadcast_in_dim3A_256, %while3A_237 : vector<1x256xf32>
      %min3A_267 = arith.minimumf %while3A_237, %broadcast_in_dim3A_256 : vector<1x256xf32>
      %select_n3A_268 = arith.select %lt3A, %add3A_266, %while3A_238 : vector<1x256xi1>, vector<1x256xi32>
      scf.yield %min3A_267, %select_n3A_268 : vector<1x256xf32>, vector<1x256xi32>
    }
    %while3A_111 = arith.constant 1 : i32
    %while3A_112:2 = scf.for %while3A_236 = %while3A_108 to %while3A_104 step %while3A_111 iter_args(%while3A_237 = %while3A_110#0, %while3A_238 = %while3A_110#1) -> (vector<1x256xf32>, vector<1x256xi32>)  : i32 {
      %mul3A_239 = arith.constant 512 : i32
      %mul3A_240 = arith.muli %while3A_236, %mul3A_239 : i32
      %add3A = arith.addi %get3A_0, %mul3A_240 : i32
      %min3A = arith.constant 7680 : i32
      %min3A_241 = arith.minsi %add3A, %min3A : i32
      %mul3A_242 = arith.constant 512 : i32
      %mul3A_243 = arith.muli %while3A_236, %mul3A_242 : i32
      %get3A_244 = arith.index_cast %mul3A_243 : i32 to index
      %get3A_245 = arith.constant 0 : index
      %get3A_246 = vector.load %arg9[%get3A_244, %get3A_245] : memref<8192x256xf32, #tpu.memory_space<vmem>>, vector<512x256xf32>
      %sub3A = vector.broadcast %min3A_241 : i32 to vector<1x256xi32>
      %sub3A_247 = arith.subi %while3A_101#1, %sub3A : vector<1x256xi32>
      %eq3A = vector.broadcast %sub3A_247 : vector<1x256xi32> to vector<512x256xi32>
      %eq3A_248 = arith.cmpi eq, %iota3A, %eq3A : vector<512x256xi32>
      %jit3A = arith.constant 2.000000e+30 : f32
      %broadcast_in_dim3A_249 = vector.broadcast %jit3A : f32 to vector<512x256xf32>
      %select_n3A = arith.select %eq3A_248, %broadcast_in_dim3A_249, %get3A_246 : vector<512x256xi1>, vector<512x256xf32>
      %mul3A_250 = arith.constant 512 : i32
      %mul3A_251 = arith.muli %while3A_236, %mul3A_250 : i32
      %swap3A_252 = arith.index_cast %mul3A_251 : i32 to index
      %swap3A_253 = arith.constant 0 : index
      %swap3A_254 = vector.load %arg9[%swap3A_252, %swap3A_253] : memref<8192x256xf32, #tpu.memory_space<vmem>>, vector<512x256xf32>
      tpu.vector_store %arg9[%swap3A_252, %swap3A_253], %select_n3A {strides = array<i32>} : memref<8192x256xf32, #tpu.memory_space<vmem>>, vector<512x256xf32>,
      %reduce_min3A = arith.constant dense<0x7F800000> : vector<256xf32>
      %reduce_min3A_255 = vector.multi_reduction <minimumf>, %select_n3A, %reduce_min3A [0] : vector<512x256xf32> to vector<256xf32>
      %broadcast_in_dim3A_256 = vector.shape_cast %reduce_min3A_255 : vector<256xf32> to vector<1x256xf32>
      %eq3A_257 = vector.broadcast %broadcast_in_dim3A_256 : vector<1x256xf32> to vector<512x256xf32>
      %eq3A_258 = arith.cmpf oeq, %select_n3A, %eq3A_257 : vector<512x256xf32>
      %jit3A_259 = arith.constant 1073741824 : i32
      %broadcast_in_dim3A_260 = vector.broadcast %jit3A_259 : i32 to vector<512x256xi32>
      %select_n3A_261 = arith.select %eq3A_258, %iota3A, %broadcast_in_dim3A_260 : vector<512x256xi1>, vector<512x256xi32>
      %reduce_min3A_262 = arith.constant dense<2147483647> : vector<256xi32>
      %reduce_min3A_263 = vector.multi_reduction <minsi>, %select_n3A_261, %reduce_min3A_262 [0] : vector<512x256xi32> to vector<256xi32>
      %broadcast_in_dim3A_264 = vector.shape_cast %reduce_min3A_263 : vector<256xi32> to vector<1x256xi32>
      %add3A_265 = vector.broadcast %min3A_241 : i32 to vector<1x256xi32>
      %add3A_266 = arith.addi %broadcast_in_dim3A_264, %add3A_265 : vector<1x256xi32>
      %lt3A = arith.cmpf olt, %broadcast_in_dim3A_256, %while3A_237 : vector<1x256xf32>
      %min3A_267 = arith.minimumf %while3A_237, %broadcast_in_dim3A_256 : vector<1x256xf32>
      %select_n3A_268 = arith.select %lt3A, %add3A_266, %while3A_238 : vector<1x256xi1>, vector<1x256xi32>
      scf.yield %min3A_267, %select_n3A_268 : vector<1x256xf32>, vector<1x256xi32>
    }
    %while3A_113 = arith.constant 0 : i32
    %while3A_114 = arith.subi %get3A_2, %while3A_113 : i32
    %while3A_115 = arith.addi %while3A_113, %while3A_114 : i32
    %while3A_116 = arith.constant 1 : i32
    %while3A_117 = arith.divsi %while3A_114, %while3A_116 : i32
    %while3A_118 = arith.muli %while3A_117, %while3A_116 : i32
    %while3A_119 = arith.addi %while3A_113, %while3A_118 : i32
    %while3A_120 = arith.constant 1 : i32
    %while3A_121:2 = scf.for %while3A_236 = %while3A_113 to %while3A_119 step %while3A_120 iter_args(%while3A_237 = %broadcast_in_dim3A_12, %while3A_238 = %broadcast_in_dim3A_14) -> (vector<1x256xf32>, vector<1x256xi32>)  : i32 {
      %mul3A_239 = arith.constant 512 : i32
      %mul3A_240 = arith.muli %while3A_236, %mul3A_239 : i32
      %add3A = arith.addi %get3A_0, %mul3A_240 : i32
      %min3A = arith.constant 7680 : i32
      %min3A_241 = arith.minsi %add3A, %min3A : i32
      %mul3A_242 = arith.constant 512 : i32
      %mul3A_243 = arith.muli %while3A_236, %mul3A_242 : i32
      %get3A_244 = arith.index_cast %mul3A_243 : i32 to index
      %get3A_245 = arith.constant 0 : index
      %get3A_246 = vector.load %arg9[%get3A_244, %get3A_245] : memref<8192x256xf32, #tpu.memory_space<vmem>>, vector<512x256xf32>
      %sub3A = vector.broadcast %min3A_241 : i32 to vector<1x256xi32>
      %sub3A_247 = arith.subi %while3A_112#1, %sub3A : vector<1x256xi32>
      %eq3A = vector.broadcast %sub3A_247 : vector<1x256xi32> to vector<512x256xi32>
      %eq3A_248 = arith.cmpi eq, %iota3A, %eq3A : vector<512x256xi32>
      %jit3A = arith.constant 2.000000e+30 : f32
      %broadcast_in_dim3A_249 = vector.broadcast %jit3A : f32 to vector<512x256xf32>
      %select_n3A = arith.select %eq3A_248, %broadcast_in_dim3A_249, %get3A_246 : vector<512x256xi1>, vector<512x256xf32>
      %mul3A_250 = arith.constant 512 : i32
      %mul3A_251 = arith.muli %while3A_236, %mul3A_250 : i32
      %swap3A_252 = arith.index_cast %mul3A_251 : i32 to index
      %swap3A_253 = arith.constant 0 : index
      %swap3A_254 = vector.load %arg9[%swap3A_252, %swap3A_253] : memref<8192x256xf32, #tpu.memory_space<vmem>>, vector<512x256xf32>
      tpu.vector_store %arg9[%swap3A_252, %swap3A_253], %select_n3A {strides = array<i32>} : memref<8192x256xf32, #tpu.memory_space<vmem>>, vector<512x256xf32>,
      %reduce_min3A = arith.constant dense<0x7F800000> : vector<256xf32>
      %reduce_min3A_255 = vector.multi_reduction <minimumf>, %select_n3A, %reduce_min3A [0] : vector<512x256xf32> to vector<256xf32>
      %broadcast_in_dim3A_256 = vector.shape_cast %reduce_min3A_255 : vector<256xf32> to vector<1x256xf32>
      %eq3A_257 = vector.broadcast %broadcast_in_dim3A_256 : vector<1x256xf32> to vector<512x256xf32>
      %eq3A_258 = arith.cmpf oeq, %select_n3A, %eq3A_257 : vector<512x256xf32>
      %jit3A_259 = arith.constant 1073741824 : i32
      %broadcast_in_dim3A_260 = vector.broadcast %jit3A_259 : i32 to vector<512x256xi32>
      %select_n3A_261 = arith.select %eq3A_258, %iota3A, %broadcast_in_dim3A_260 : vector<512x256xi1>, vector<512x256xi32>
      %reduce_min3A_262 = arith.constant dense<2147483647> : vector<256xi32>
      %reduce_min3A_263 = vector.multi_reduction <minsi>, %select_n3A_261, %reduce_min3A_262 [0] : vector<512x256xi32> to vector<256xi32>
      %broadcast_in_dim3A_264 = vector.shape_cast %reduce_min3A_263 : vector<256xi32> to vector<1x256xi32>
      %add3A_265 = vector.broadcast %min3A_241 : i32 to vector<1x256xi32>
      %add3A_266 = arith.addi %broadcast_in_dim3A_264, %add3A_265 : vector<1x256xi32>
      %lt3A = arith.cmpf olt, %broadcast_in_dim3A_256, %while3A_237 : vector<1x256xf32>
      %min3A_267 = arith.minimumf %while3A_237, %broadcast_in_dim3A_256 : vector<1x256xf32>
      %select_n3A_268 = arith.select %lt3A, %add3A_266, %while3A_238 : vector<1x256xi1>, vector<1x256xi32>
      scf.yield %min3A_267, %select_n3A_268 : vector<1x256xf32>, vector<1x256xi32>
    }
    %while3A_122 = arith.constant 1 : i32
    %while3A_123:2 = scf.for %while3A_236 = %while3A_119 to %while3A_115 step %while3A_122 iter_args(%while3A_237 = %while3A_121#0, %while3A_238 = %while3A_121#1) -> (vector<1x256xf32>, vector<1x256xi32>)  : i32 {
      %mul3A_239 = arith.constant 512 : i32
      %mul3A_240 = arith.muli %while3A_236, %mul3A_239 : i32
      %add3A = arith.addi %get3A_0, %mul3A_240 : i32
      %min3A = arith.constant 7680 : i32
      %min3A_241 = arith.minsi %add3A, %min3A : i32
      %mul3A_242 = arith.constant 512 : i32
      %mul3A_243 = arith.muli %while3A_236, %mul3A_242 : i32
      %get3A_244 = arith.index_cast %mul3A_243 : i32 to index
      %get3A_245 = arith.constant 0 : index
      %get3A_246 = vector.load %arg9[%get3A_244, %get3A_245] : memref<8192x256xf32, #tpu.memory_space<vmem>>, vector<512x256xf32>
      %sub3A = vector.broadcast %min3A_241 : i32 to vector<1x256xi32>
      %sub3A_247 = arith.subi %while3A_112#1, %sub3A : vector<1x256xi32>
      %eq3A = vector.broadcast %sub3A_247 : vector<1x256xi32> to vector<512x256xi32>
      %eq3A_248 = arith.cmpi eq, %iota3A, %eq3A : vector<512x256xi32>
      %jit3A = arith.constant 2.000000e+30 : f32
      %broadcast_in_dim3A_249 = vector.broadcast %jit3A : f32 to vector<512x256xf32>
      %select_n3A = arith.select %eq3A_248, %broadcast_in_dim3A_249, %get3A_246 : vector<512x256xi1>, vector<512x256xf32>
      %mul3A_250 = arith.constant 512 : i32
      %mul3A_251 = arith.muli %while3A_236, %mul3A_250 : i32
      %swap3A_252 = arith.index_cast %mul3A_251 : i32 to index
      %swap3A_253 = arith.constant 0 : index
      %swap3A_254 = vector.load %arg9[%swap3A_252, %swap3A_253] : memref<8192x256xf32, #tpu.memory_space<vmem>>, vector<512x256xf32>
      tpu.vector_store %arg9[%swap3A_252, %swap3A_253], %select_n3A {strides = array<i32>} : memref<8192x256xf32, #tpu.memory_space<vmem>>, vector<512x256xf32>,
      %reduce_min3A = arith.constant dense<0x7F800000> : vector<256xf32>
      %reduce_min3A_255 = vector.multi_reduction <minimumf>, %select_n3A, %reduce_min3A [0] : vector<512x256xf32> to vector<256xf32>
      %broadcast_in_dim3A_256 = vector.shape_cast %reduce_min3A_255 : vector<256xf32> to vector<1x256xf32>
      %eq3A_257 = vector.broadcast %broadcast_in_dim3A_256 : vector<1x256xf32> to vector<512x256xf32>
      %eq3A_258 = arith.cmpf oeq, %select_n3A, %eq3A_257 : vector<512x256xf32>
      %jit3A_259 = arith.constant 1073741824 : i32
      %broadcast_in_dim3A_260 = vector.broadcast %jit3A_259 : i32 to vector<512x256xi32>
      %select_n3A_261 = arith.select %eq3A_258, %iota3A, %broadcast_in_dim3A_260 : vector<512x256xi1>, vector<512x256xi32>
      %reduce_min3A_262 = arith.constant dense<2147483647> : vector<256xi32>
      %reduce_min3A_263 = vector.multi_reduction <minsi>, %select_n3A_261, %reduce_min3A_262 [0] : vector<512x256xi32> to vector<256xi32>
      %broadcast_in_dim3A_264 = vector.shape_cast %reduce_min3A_263 : vector<256xi32> to vector<1x256xi32>
      %add3A_265 = vector.broadcast %min3A_241 : i32 to vector<1x256xi32>
      %add3A_266 = arith.addi %broadcast_in_dim3A_264, %add3A_265 : vector<1x256xi32>
      %lt3A = arith.cmpf olt, %broadcast_in_dim3A_256, %while3A_237 : vector<1x256xf32>
      %min3A_267 = arith.minimumf %while3A_237, %broadcast_in_dim3A_256 : vector<1x256xf32>
      %select_n3A_268 = arith.select %lt3A, %add3A_266, %while3A_238 : vector<1x256xi1>, vector<1x256xi32>
      scf.yield %min3A_267, %select_n3A_268 : vector<1x256xf32>, vector<1x256xi32>
    }
    %while3A_124 = arith.constant 0 : i32
    %while3A_125 = arith.subi %get3A_2, %while3A_124 : i32
    %while3A_126 = arith.addi %while3A_124, %while3A_125 : i32
    %while3A_127 = arith.constant 1 : i32
    %while3A_128 = arith.divsi %while3A_125, %while3A_127 : i32
    %while3A_129 = arith.muli %while3A_128, %while3A_127 : i32
    %while3A_130 = arith.addi %while3A_124, %while3A_129 : i32
    %while3A_131 = arith.constant 1 : i32
    %while3A_132:2 = scf.for %while3A_236 = %while3A_124 to %while3A_130 step %while3A_131 iter_args(%while3A_237 = %broadcast_in_dim3A_12, %while3A_238 = %broadcast_in_dim3A_14) -> (vector<1x256xf32>, vector<1x256xi32>)  : i32 {
      %mul3A_239 = arith.constant 512 : i32
      %mul3A_240 = arith.muli %while3A_236, %mul3A_239 : i32
      %add3A = arith.addi %get3A_0, %mul3A_240 : i32
      %min3A = arith.constant 7680 : i32
      %min3A_241 = arith.minsi %add3A, %min3A : i32
      %mul3A_242 = arith.constant 512 : i32
      %mul3A_243 = arith.muli %while3A_236, %mul3A_242 : i32
      %get3A_244 = arith.index_cast %mul3A_243 : i32 to index
      %get3A_245 = arith.constant 0 : index
      %get3A_246 = vector.load %arg9[%get3A_244, %get3A_245] : memref<8192x256xf32, #tpu.memory_space<vmem>>, vector<512x256xf32>
      %sub3A = vector.broadcast %min3A_241 : i32 to vector<1x256xi32>
      %sub3A_247 = arith.subi %while3A_123#1, %sub3A : vector<1x256xi32>
      %eq3A = vector.broadcast %sub3A_247 : vector<1x256xi32> to vector<512x256xi32>
      %eq3A_248 = arith.cmpi eq, %iota3A, %eq3A : vector<512x256xi32>
      %jit3A = arith.constant 2.000000e+30 : f32
      %broadcast_in_dim3A_249 = vector.broadcast %jit3A : f32 to vector<512x256xf32>
      %select_n3A = arith.select %eq3A_248, %broadcast_in_dim3A_249, %get3A_246 : vector<512x256xi1>, vector<512x256xf32>
      %mul3A_250 = arith.constant 512 : i32
      %mul3A_251 = arith.muli %while3A_236, %mul3A_250 : i32
      %swap3A_252 = arith.index_cast %mul3A_251 : i32 to index
      %swap3A_253 = arith.constant 0 : index
      %swap3A_254 = vector.load %arg9[%swap3A_252, %swap3A_253] : memref<8192x256xf32, #tpu.memory_space<vmem>>, vector<512x256xf32>
      tpu.vector_store %arg9[%swap3A_252, %swap3A_253], %select_n3A {strides = array<i32>} : memref<8192x256xf32, #tpu.memory_space<vmem>>, vector<512x256xf32>,
      %reduce_min3A = arith.constant dense<0x7F800000> : vector<256xf32>
      %reduce_min3A_255 = vector.multi_reduction <minimumf>, %select_n3A, %reduce_min3A [0] : vector<512x256xf32> to vector<256xf32>
      %broadcast_in_dim3A_256 = vector.shape_cast %reduce_min3A_255 : vector<256xf32> to vector<1x256xf32>
      %eq3A_257 = vector.broadcast %broadcast_in_dim3A_256 : vector<1x256xf32> to vector<512x256xf32>
      %eq3A_258 = arith.cmpf oeq, %select_n3A, %eq3A_257 : vector<512x256xf32>
      %jit3A_259 = arith.constant 1073741824 : i32
      %broadcast_in_dim3A_260 = vector.broadcast %jit3A_259 : i32 to vector<512x256xi32>
      %select_n3A_261 = arith.select %eq3A_258, %iota3A, %broadcast_in_dim3A_260 : vector<512x256xi1>, vector<512x256xi32>
      %reduce_min3A_262 = arith.constant dense<2147483647> : vector<256xi32>
      %reduce_min3A_263 = vector.multi_reduction <minsi>, %select_n3A_261, %reduce_min3A_262 [0] : vector<512x256xi32> to vector<256xi32>
      %broadcast_in_dim3A_264 = vector.shape_cast %reduce_min3A_263 : vector<256xi32> to vector<1x256xi32>
      %add3A_265 = vector.broadcast %min3A_241 : i32 to vector<1x256xi32>
      %add3A_266 = arith.addi %broadcast_in_dim3A_264, %add3A_265 : vector<1x256xi32>
      %lt3A = arith.cmpf olt, %broadcast_in_dim3A_256, %while3A_237 : vector<1x256xf32>
      %min3A_267 = arith.minimumf %while3A_237, %broadcast_in_dim3A_256 : vector<1x256xf32>
      %select_n3A_268 = arith.select %lt3A, %add3A_266, %while3A_238 : vector<1x256xi1>, vector<1x256xi32>
      scf.yield %min3A_267, %select_n3A_268 : vector<1x256xf32>, vector<1x256xi32>
    }
    %while3A_133 = arith.constant 1 : i32
    %while3A_134:2 = scf.for %while3A_236 = %while3A_130 to %while3A_126 step %while3A_133 iter_args(%while3A_237 = %while3A_132#0, %while3A_238 = %while3A_132#1) -> (vector<1x256xf32>, vector<1x256xi32>)  : i32 {
      %mul3A_239 = arith.constant 512 : i32
      %mul3A_240 = arith.muli %while3A_236, %mul3A_239 : i32
      %add3A = arith.addi %get3A_0, %mul3A_240 : i32
      %min3A = arith.constant 7680 : i32
      %min3A_241 = arith.minsi %add3A, %min3A : i32
      %mul3A_242 = arith.constant 512 : i32
      %mul3A_243 = arith.muli %while3A_236, %mul3A_242 : i32
      %get3A_244 = arith.index_cast %mul3A_243 : i32 to index
      %get3A_245 = arith.constant 0 : index
      %get3A_246 = vector.load %arg9[%get3A_244, %get3A_245] : memref<8192x256xf32, #tpu.memory_space<vmem>>, vector<512x256xf32>
      %sub3A = vector.broadcast %min3A_241 : i32 to vector<1x256xi32>
      %sub3A_247 = arith.subi %while3A_123#1, %sub3A : vector<1x256xi32>
      %eq3A = vector.broadcast %sub3A_247 : vector<1x256xi32> to vector<512x256xi32>
      %eq3A_248 = arith.cmpi eq, %iota3A, %eq3A : vector<512x256xi32>
      %jit3A = arith.constant 2.000000e+30 : f32
      %broadcast_in_dim3A_249 = vector.broadcast %jit3A : f32 to vector<512x256xf32>
      %select_n3A = arith.select %eq3A_248, %broadcast_in_dim3A_249, %get3A_246 : vector<512x256xi1>, vector<512x256xf32>
      %mul3A_250 = arith.constant 512 : i32
      %mul3A_251 = arith.muli %while3A_236, %mul3A_250 : i32
      %swap3A_252 = arith.index_cast %mul3A_251 : i32 to index
      %swap3A_253 = arith.constant 0 : index
      %swap3A_254 = vector.load %arg9[%swap3A_252, %swap3A_253] : memref<8192x256xf32, #tpu.memory_space<vmem>>, vector<512x256xf32>
      tpu.vector_store %arg9[%swap3A_252, %swap3A_253], %select_n3A {strides = array<i32>} : memref<8192x256xf32, #tpu.memory_space<vmem>>, vector<512x256xf32>,
      %reduce_min3A = arith.constant dense<0x7F800000> : vector<256xf32>
      %reduce_min3A_255 = vector.multi_reduction <minimumf>, %select_n3A, %reduce_min3A [0] : vector<512x256xf32> to vector<256xf32>
      %broadcast_in_dim3A_256 = vector.shape_cast %reduce_min3A_255 : vector<256xf32> to vector<1x256xf32>
      %eq3A_257 = vector.broadcast %broadcast_in_dim3A_256 : vector<1x256xf32> to vector<512x256xf32>
      %eq3A_258 = arith.cmpf oeq, %select_n3A, %eq3A_257 : vector<512x256xf32>
      %jit3A_259 = arith.constant 1073741824 : i32
      %broadcast_in_dim3A_260 = vector.broadcast %jit3A_259 : i32 to vector<512x256xi32>
      %select_n3A_261 = arith.select %eq3A_258, %iota3A, %broadcast_in_dim3A_260 : vector<512x256xi1>, vector<512x256xi32>
      %reduce_min3A_262 = arith.constant dense<2147483647> : vector<256xi32>
      %reduce_min3A_263 = vector.multi_reduction <minsi>, %select_n3A_261, %reduce_min3A_262 [0] : vector<512x256xi32> to vector<256xi32>
      %broadcast_in_dim3A_264 = vector.shape_cast %reduce_min3A_263 : vector<256xi32> to vector<1x256xi32>
      %add3A_265 = vector.broadcast %min3A_241 : i32 to vector<1x256xi32>
      %add3A_266 = arith.addi %broadcast_in_dim3A_264, %add3A_265 : vector<1x256xi32>
      %lt3A = arith.cmpf olt, %broadcast_in_dim3A_256, %while3A_237 : vector<1x256xf32>
      %min3A_267 = arith.minimumf %while3A_237, %broadcast_in_dim3A_256 : vector<1x256xf32>
      %select_n3A_268 = arith.select %lt3A, %add3A_266, %while3A_238 : vector<1x256xi1>, vector<1x256xi32>
      scf.yield %min3A_267, %select_n3A_268 : vector<1x256xf32>, vector<1x256xi32>
    }
    %while3A_135 = arith.constant 0 : i32
    %while3A_136 = arith.subi %get3A_2, %while3A_135 : i32
    %while3A_137 = arith.addi %while3A_135, %while3A_136 : i32
    %while3A_138 = arith.constant 1 : i32
    %while3A_139 = arith.divsi %while3A_136, %while3A_138 : i32
    %while3A_140 = arith.muli %while3A_139, %while3A_138 : i32
    %while3A_141 = arith.addi %while3A_135, %while3A_140 : i32
    %while3A_142 = arith.constant 1 : i32
    %while3A_143:2 = scf.for %while3A_236 = %while3A_135 to %while3A_141 step %while3A_142 iter_args(%while3A_237 = %broadcast_in_dim3A_12, %while3A_238 = %broadcast_in_dim3A_14) -> (vector<1x256xf32>, vector<1x256xi32>)  : i32 {
      %mul3A_239 = arith.constant 512 : i32
      %mul3A_240 = arith.muli %while3A_236, %mul3A_239 : i32
      %add3A = arith.addi %get3A_0, %mul3A_240 : i32
      %min3A = arith.constant 7680 : i32
      %min3A_241 = arith.minsi %add3A, %min3A : i32
      %mul3A_242 = arith.constant 512 : i32
      %mul3A_243 = arith.muli %while3A_236, %mul3A_242 : i32
      %get3A_244 = arith.index_cast %mul3A_243 : i32 to index
      %get3A_245 = arith.constant 0 : index
      %get3A_246 = vector.load %arg9[%get3A_244, %get3A_245] : memref<8192x256xf32, #tpu.memory_space<vmem>>, vector<512x256xf32>
      %sub3A = vector.broadcast %min3A_241 : i32 to vector<1x256xi32>
      %sub3A_247 = arith.subi %while3A_134#1, %sub3A : vector<1x256xi32>
      %eq3A = vector.broadcast %sub3A_247 : vector<1x256xi32> to vector<512x256xi32>
      %eq3A_248 = arith.cmpi eq, %iota3A, %eq3A : vector<512x256xi32>
      %jit3A = arith.constant 2.000000e+30 : f32
      %broadcast_in_dim3A_249 = vector.broadcast %jit3A : f32 to vector<512x256xf32>
      %select_n3A = arith.select %eq3A_248, %broadcast_in_dim3A_249, %get3A_246 : vector<512x256xi1>, vector<512x256xf32>
      %mul3A_250 = arith.constant 512 : i32
      %mul3A_251 = arith.muli %while3A_236, %mul3A_250 : i32
      %swap3A_252 = arith.index_cast %mul3A_251 : i32 to index
      %swap3A_253 = arith.constant 0 : index
      %swap3A_254 = vector.load %arg9[%swap3A_252, %swap3A_253] : memref<8192x256xf32, #tpu.memory_space<vmem>>, vector<512x256xf32>
      tpu.vector_store %arg9[%swap3A_252, %swap3A_253], %select_n3A {strides = array<i32>} : memref<8192x256xf32, #tpu.memory_space<vmem>>, vector<512x256xf32>,
      %reduce_min3A = arith.constant dense<0x7F800000> : vector<256xf32>
      %reduce_min3A_255 = vector.multi_reduction <minimumf>, %select_n3A, %reduce_min3A [0] : vector<512x256xf32> to vector<256xf32>
      %broadcast_in_dim3A_256 = vector.shape_cast %reduce_min3A_255 : vector<256xf32> to vector<1x256xf32>
      %eq3A_257 = vector.broadcast %broadcast_in_dim3A_256 : vector<1x256xf32> to vector<512x256xf32>
      %eq3A_258 = arith.cmpf oeq, %select_n3A, %eq3A_257 : vector<512x256xf32>
      %jit3A_259 = arith.constant 1073741824 : i32
      %broadcast_in_dim3A_260 = vector.broadcast %jit3A_259 : i32 to vector<512x256xi32>
      %select_n3A_261 = arith.select %eq3A_258, %iota3A, %broadcast_in_dim3A_260 : vector<512x256xi1>, vector<512x256xi32>
      %reduce_min3A_262 = arith.constant dense<2147483647> : vector<256xi32>
      %reduce_min3A_263 = vector.multi_reduction <minsi>, %select_n3A_261, %reduce_min3A_262 [0] : vector<512x256xi32> to vector<256xi32>
      %broadcast_in_dim3A_264 = vector.shape_cast %reduce_min3A_263 : vector<256xi32> to vector<1x256xi32>
      %add3A_265 = vector.broadcast %min3A_241 : i32 to vector<1x256xi32>
      %add3A_266 = arith.addi %broadcast_in_dim3A_264, %add3A_265 : vector<1x256xi32>
      %lt3A = arith.cmpf olt, %broadcast_in_dim3A_256, %while3A_237 : vector<1x256xf32>
      %min3A_267 = arith.minimumf %while3A_237, %broadcast_in_dim3A_256 : vector<1x256xf32>
      %select_n3A_268 = arith.select %lt3A, %add3A_266, %while3A_238 : vector<1x256xi1>, vector<1x256xi32>
      scf.yield %min3A_267, %select_n3A_268 : vector<1x256xf32>, vector<1x256xi32>
    }
    %while3A_144 = arith.constant 1 : i32
    %while3A_145:2 = scf.for %while3A_236 = %while3A_141 to %while3A_137 step %while3A_144 iter_args(%while3A_237 = %while3A_143#0, %while3A_238 = %while3A_143#1) -> (vector<1x256xf32>, vector<1x256xi32>)  : i32 {
      %mul3A_239 = arith.constant 512 : i32
      %mul3A_240 = arith.muli %while3A_236, %mul3A_239 : i32
      %add3A = arith.addi %get3A_0, %mul3A_240 : i32
      %min3A = arith.constant 7680 : i32
      %min3A_241 = arith.minsi %add3A, %min3A : i32
      %mul3A_242 = arith.constant 512 : i32
      %mul3A_243 = arith.muli %while3A_236, %mul3A_242 : i32
      %get3A_244 = arith.index_cast %mul3A_243 : i32 to index
      %get3A_245 = arith.constant 0 : index
      %get3A_246 = vector.load %arg9[%get3A_244, %get3A_245] : memref<8192x256xf32, #tpu.memory_space<vmem>>, vector<512x256xf32>
      %sub3A = vector.broadcast %min3A_241 : i32 to vector<1x256xi32>
      %sub3A_247 = arith.subi %while3A_134#1, %sub3A : vector<1x256xi32>
      %eq3A = vector.broadcast %sub3A_247 : vector<1x256xi32> to vector<512x256xi32>
      %eq3A_248 = arith.cmpi eq, %iota3A, %eq3A : vector<512x256xi32>
      %jit3A = arith.constant 2.000000e+30 : f32
      %broadcast_in_dim3A_249 = vector.broadcast %jit3A : f32 to vector<512x256xf32>
      %select_n3A = arith.select %eq3A_248, %broadcast_in_dim3A_249, %get3A_246 : vector<512x256xi1>, vector<512x256xf32>
      %mul3A_250 = arith.constant 512 : i32
      %mul3A_251 = arith.muli %while3A_236, %mul3A_250 : i32
      %swap3A_252 = arith.index_cast %mul3A_251 : i32 to index
      %swap3A_253 = arith.constant 0 : index
      %swap3A_254 = vector.load %arg9[%swap3A_252, %swap3A_253] : memref<8192x256xf32, #tpu.memory_space<vmem>>, vector<512x256xf32>
      tpu.vector_store %arg9[%swap3A_252, %swap3A_253], %select_n3A {strides = array<i32>} : memref<8192x256xf32, #tpu.memory_space<vmem>>, vector<512x256xf32>,
      %reduce_min3A = arith.constant dense<0x7F800000> : vector<256xf32>
      %reduce_min3A_255 = vector.multi_reduction <minimumf>, %select_n3A, %reduce_min3A [0] : vector<512x256xf32> to vector<256xf32>
      %broadcast_in_dim3A_256 = vector.shape_cast %reduce_min3A_255 : vector<256xf32> to vector<1x256xf32>
      %eq3A_257 = vector.broadcast %broadcast_in_dim3A_256 : vector<1x256xf32> to vector<512x256xf32>
      %eq3A_258 = arith.cmpf oeq, %select_n3A, %eq3A_257 : vector<512x256xf32>
      %jit3A_259 = arith.constant 1073741824 : i32
      %broadcast_in_dim3A_260 = vector.broadcast %jit3A_259 : i32 to vector<512x256xi32>
      %select_n3A_261 = arith.select %eq3A_258, %iota3A, %broadcast_in_dim3A_260 : vector<512x256xi1>, vector<512x256xi32>
      %reduce_min3A_262 = arith.constant dense<2147483647> : vector<256xi32>
      %reduce_min3A_263 = vector.multi_reduction <minsi>, %select_n3A_261, %reduce_min3A_262 [0] : vector<512x256xi32> to vector<256xi32>
      %broadcast_in_dim3A_264 = vector.shape_cast %reduce_min3A_263 : vector<256xi32> to vector<1x256xi32>
      %add3A_265 = vector.broadcast %min3A_241 : i32 to vector<1x256xi32>
      %add3A_266 = arith.addi %broadcast_in_dim3A_264, %add3A_265 : vector<1x256xi32>
      %lt3A = arith.cmpf olt, %broadcast_in_dim3A_256, %while3A_237 : vector<1x256xf32>
      %min3A_267 = arith.minimumf %while3A_237, %broadcast_in_dim3A_256 : vector<1x256xf32>
      %select_n3A_268 = arith.select %lt3A, %add3A_266, %while3A_238 : vector<1x256xi1>, vector<1x256xi32>
      scf.yield %min3A_267, %select_n3A_268 : vector<1x256xf32>, vector<1x256xi32>
    }
    %while3A_146 = arith.constant 0 : i32
    %while3A_147 = arith.subi %get3A_2, %while3A_146 : i32
    %while3A_148 = arith.addi %while3A_146, %while3A_147 : i32
    %while3A_149 = arith.constant 1 : i32
    %while3A_150 = arith.divsi %while3A_147, %while3A_149 : i32
    %while3A_151 = arith.muli %while3A_150, %while3A_149 : i32
    %while3A_152 = arith.addi %while3A_146, %while3A_151 : i32
    %while3A_153 = arith.constant 1 : i32
    %while3A_154:2 = scf.for %while3A_236 = %while3A_146 to %while3A_152 step %while3A_153 iter_args(%while3A_237 = %broadcast_in_dim3A_12, %while3A_238 = %broadcast_in_dim3A_14) -> (vector<1x256xf32>, vector<1x256xi32>)  : i32 {
      %mul3A_239 = arith.constant 512 : i32
      %mul3A_240 = arith.muli %while3A_236, %mul3A_239 : i32
      %add3A = arith.addi %get3A_0, %mul3A_240 : i32
      %min3A = arith.constant 7680 : i32
      %min3A_241 = arith.minsi %add3A, %min3A : i32
      %mul3A_242 = arith.constant 512 : i32
      %mul3A_243 = arith.muli %while3A_236, %mul3A_242 : i32
      %get3A_244 = arith.index_cast %mul3A_243 : i32 to index
      %get3A_245 = arith.constant 0 : index
      %get3A_246 = vector.load %arg9[%get3A_244, %get3A_245] : memref<8192x256xf32, #tpu.memory_space<vmem>>, vector<512x256xf32>
      %sub3A = vector.broadcast %min3A_241 : i32 to vector<1x256xi32>
      %sub3A_247 = arith.subi %while3A_145#1, %sub3A : vector<1x256xi32>
      %eq3A = vector.broadcast %sub3A_247 : vector<1x256xi32> to vector<512x256xi32>
      %eq3A_248 = arith.cmpi eq, %iota3A, %eq3A : vector<512x256xi32>
      %jit3A = arith.constant 2.000000e+30 : f32
      %broadcast_in_dim3A_249 = vector.broadcast %jit3A : f32 to vector<512x256xf32>
      %select_n3A = arith.select %eq3A_248, %broadcast_in_dim3A_249, %get3A_246 : vector<512x256xi1>, vector<512x256xf32>
      %mul3A_250 = arith.constant 512 : i32
      %mul3A_251 = arith.muli %while3A_236, %mul3A_250 : i32
      %swap3A_252 = arith.index_cast %mul3A_251 : i32 to index
      %swap3A_253 = arith.constant 0 : index
      %swap3A_254 = vector.load %arg9[%swap3A_252, %swap3A_253] : memref<8192x256xf32, #tpu.memory_space<vmem>>, vector<512x256xf32>
      tpu.vector_store %arg9[%swap3A_252, %swap3A_253], %select_n3A {strides = array<i32>} : memref<8192x256xf32, #tpu.memory_space<vmem>>, vector<512x256xf32>,
      %reduce_min3A = arith.constant dense<0x7F800000> : vector<256xf32>
      %reduce_min3A_255 = vector.multi_reduction <minimumf>, %select_n3A, %reduce_min3A [0] : vector<512x256xf32> to vector<256xf32>
      %broadcast_in_dim3A_256 = vector.shape_cast %reduce_min3A_255 : vector<256xf32> to vector<1x256xf32>
      %eq3A_257 = vector.broadcast %broadcast_in_dim3A_256 : vector<1x256xf32> to vector<512x256xf32>
      %eq3A_258 = arith.cmpf oeq, %select_n3A, %eq3A_257 : vector<512x256xf32>
      %jit3A_259 = arith.constant 1073741824 : i32
      %broadcast_in_dim3A_260 = vector.broadcast %jit3A_259 : i32 to vector<512x256xi32>
      %select_n3A_261 = arith.select %eq3A_258, %iota3A, %broadcast_in_dim3A_260 : vector<512x256xi1>, vector<512x256xi32>
      %reduce_min3A_262 = arith.constant dense<2147483647> : vector<256xi32>
      %reduce_min3A_263 = vector.multi_reduction <minsi>, %select_n3A_261, %reduce_min3A_262 [0] : vector<512x256xi32> to vector<256xi32>
      %broadcast_in_dim3A_264 = vector.shape_cast %reduce_min3A_263 : vector<256xi32> to vector<1x256xi32>
      %add3A_265 = vector.broadcast %min3A_241 : i32 to vector<1x256xi32>
      %add3A_266 = arith.addi %broadcast_in_dim3A_264, %add3A_265 : vector<1x256xi32>
      %lt3A = arith.cmpf olt, %broadcast_in_dim3A_256, %while3A_237 : vector<1x256xf32>
      %min3A_267 = arith.minimumf %while3A_237, %broadcast_in_dim3A_256 : vector<1x256xf32>
      %select_n3A_268 = arith.select %lt3A, %add3A_266, %while3A_238 : vector<1x256xi1>, vector<1x256xi32>
      scf.yield %min3A_267, %select_n3A_268 : vector<1x256xf32>, vector<1x256xi32>
    }
    %while3A_155 = arith.constant 1 : i32
    %while3A_156:2 = scf.for %while3A_236 = %while3A_152 to %while3A_148 step %while3A_155 iter_args(%while3A_237 = %while3A_154#0, %while3A_238 = %while3A_154#1) -> (vector<1x256xf32>, vector<1x256xi32>)  : i32 {
      %mul3A_239 = arith.constant 512 : i32
      %mul3A_240 = arith.muli %while3A_236, %mul3A_239 : i32
      %add3A = arith.addi %get3A_0, %mul3A_240 : i32
      %min3A = arith.constant 7680 : i32
      %min3A_241 = arith.minsi %add3A, %min3A : i32
      %mul3A_242 = arith.constant 512 : i32
      %mul3A_243 = arith.muli %while3A_236, %mul3A_242 : i32
      %get3A_244 = arith.index_cast %mul3A_243 : i32 to index
      %get3A_245 = arith.constant 0 : index
      %get3A_246 = vector.load %arg9[%get3A_244, %get3A_245] : memref<8192x256xf32, #tpu.memory_space<vmem>>, vector<512x256xf32>
      %sub3A = vector.broadcast %min3A_241 : i32 to vector<1x256xi32>
      %sub3A_247 = arith.subi %while3A_145#1, %sub3A : vector<1x256xi32>
      %eq3A = vector.broadcast %sub3A_247 : vector<1x256xi32> to vector<512x256xi32>
      %eq3A_248 = arith.cmpi eq, %iota3A, %eq3A : vector<512x256xi32>
      %jit3A = arith.constant 2.000000e+30 : f32
      %broadcast_in_dim3A_249 = vector.broadcast %jit3A : f32 to vector<512x256xf32>
      %select_n3A = arith.select %eq3A_248, %broadcast_in_dim3A_249, %get3A_246 : vector<512x256xi1>, vector<512x256xf32>
      %mul3A_250 = arith.constant 512 : i32
      %mul3A_251 = arith.muli %while3A_236, %mul3A_250 : i32
      %swap3A_252 = arith.index_cast %mul3A_251 : i32 to index
      %swap3A_253 = arith.constant 0 : index
      %swap3A_254 = vector.load %arg9[%swap3A_252, %swap3A_253] : memref<8192x256xf32, #tpu.memory_space<vmem>>, vector<512x256xf32>
      tpu.vector_store %arg9[%swap3A_252, %swap3A_253], %select_n3A {strides = array<i32>} : memref<8192x256xf32, #tpu.memory_space<vmem>>, vector<512x256xf32>,
      %reduce_min3A = arith.constant dense<0x7F800000> : vector<256xf32>
      %reduce_min3A_255 = vector.multi_reduction <minimumf>, %select_n3A, %reduce_min3A [0] : vector<512x256xf32> to vector<256xf32>
      %broadcast_in_dim3A_256 = vector.shape_cast %reduce_min3A_255 : vector<256xf32> to vector<1x256xf32>
      %eq3A_257 = vector.broadcast %broadcast_in_dim3A_256 : vector<1x256xf32> to vector<512x256xf32>
      %eq3A_258 = arith.cmpf oeq, %select_n3A, %eq3A_257 : vector<512x256xf32>
      %jit3A_259 = arith.constant 1073741824 : i32
      %broadcast_in_dim3A_260 = vector.broadcast %jit3A_259 : i32 to vector<512x256xi32>
      %select_n3A_261 = arith.select %eq3A_258, %iota3A, %broadcast_in_dim3A_260 : vector<512x256xi1>, vector<512x256xi32>
      %reduce_min3A_262 = arith.constant dense<2147483647> : vector<256xi32>
      %reduce_min3A_263 = vector.multi_reduction <minsi>, %select_n3A_261, %reduce_min3A_262 [0] : vector<512x256xi32> to vector<256xi32>
      %broadcast_in_dim3A_264 = vector.shape_cast %reduce_min3A_263 : vector<256xi32> to vector<1x256xi32>
      %add3A_265 = vector.broadcast %min3A_241 : i32 to vector<1x256xi32>
      %add3A_266 = arith.addi %broadcast_in_dim3A_264, %add3A_265 : vector<1x256xi32>
      %lt3A = arith.cmpf olt, %broadcast_in_dim3A_256, %while3A_237 : vector<1x256xf32>
      %min3A_267 = arith.minimumf %while3A_237, %broadcast_in_dim3A_256 : vector<1x256xf32>
      %select_n3A_268 = arith.select %lt3A, %add3A_266, %while3A_238 : vector<1x256xi1>, vector<1x256xi32>
      scf.yield %min3A_267, %select_n3A_268 : vector<1x256xf32>, vector<1x256xi32>
    }
    %while3A_157 = arith.constant 0 : i32
    %while3A_158 = arith.subi %get3A_2, %while3A_157 : i32
    %while3A_159 = arith.addi %while3A_157, %while3A_158 : i32
    %while3A_160 = arith.constant 1 : i32
    %while3A_161 = arith.divsi %while3A_158, %while3A_160 : i32
    %while3A_162 = arith.muli %while3A_161, %while3A_160 : i32
    %while3A_163 = arith.addi %while3A_157, %while3A_162 : i32
    %while3A_164 = arith.constant 1 : i32
    %while3A_165:2 = scf.for %while3A_236 = %while3A_157 to %while3A_163 step %while3A_164 iter_args(%while3A_237 = %broadcast_in_dim3A_12, %while3A_238 = %broadcast_in_dim3A_14) -> (vector<1x256xf32>, vector<1x256xi32>)  : i32 {
      %mul3A_239 = arith.constant 512 : i32
      %mul3A_240 = arith.muli %while3A_236, %mul3A_239 : i32
      %add3A = arith.addi %get3A_0, %mul3A_240 : i32
      %min3A = arith.constant 7680 : i32
      %min3A_241 = arith.minsi %add3A, %min3A : i32
      %mul3A_242 = arith.constant 512 : i32
      %mul3A_243 = arith.muli %while3A_236, %mul3A_242 : i32
      %get3A_244 = arith.index_cast %mul3A_243 : i32 to index
      %get3A_245 = arith.constant 0 : index
      %get3A_246 = vector.load %arg9[%get3A_244, %get3A_245] : memref<8192x256xf32, #tpu.memory_space<vmem>>, vector<512x256xf32>
      %sub3A = vector.broadcast %min3A_241 : i32 to vector<1x256xi32>
      %sub3A_247 = arith.subi %while3A_156#1, %sub3A : vector<1x256xi32>
      %eq3A = vector.broadcast %sub3A_247 : vector<1x256xi32> to vector<512x256xi32>
      %eq3A_248 = arith.cmpi eq, %iota3A, %eq3A : vector<512x256xi32>
      %jit3A = arith.constant 2.000000e+30 : f32
      %broadcast_in_dim3A_249 = vector.broadcast %jit3A : f32 to vector<512x256xf32>
      %select_n3A = arith.select %eq3A_248, %broadcast_in_dim3A_249, %get3A_246 : vector<512x256xi1>, vector<512x256xf32>
      %mul3A_250 = arith.constant 512 : i32
      %mul3A_251 = arith.muli %while3A_236, %mul3A_250 : i32
      %swap3A_252 = arith.index_cast %mul3A_251 : i32 to index
      %swap3A_253 = arith.constant 0 : index
      %swap3A_254 = vector.load %arg9[%swap3A_252, %swap3A_253] : memref<8192x256xf32, #tpu.memory_space<vmem>>, vector<512x256xf32>
      tpu.vector_store %arg9[%swap3A_252, %swap3A_253], %select_n3A {strides = array<i32>} : memref<8192x256xf32, #tpu.memory_space<vmem>>, vector<512x256xf32>,
      %reduce_min3A = arith.constant dense<0x7F800000> : vector<256xf32>
      %reduce_min3A_255 = vector.multi_reduction <minimumf>, %select_n3A, %reduce_min3A [0] : vector<512x256xf32> to vector<256xf32>
      %broadcast_in_dim3A_256 = vector.shape_cast %reduce_min3A_255 : vector<256xf32> to vector<1x256xf32>
      %eq3A_257 = vector.broadcast %broadcast_in_dim3A_256 : vector<1x256xf32> to vector<512x256xf32>
      %eq3A_258 = arith.cmpf oeq, %select_n3A, %eq3A_257 : vector<512x256xf32>
      %jit3A_259 = arith.constant 1073741824 : i32
      %broadcast_in_dim3A_260 = vector.broadcast %jit3A_259 : i32 to vector<512x256xi32>
      %select_n3A_261 = arith.select %eq3A_258, %iota3A, %broadcast_in_dim3A_260 : vector<512x256xi1>, vector<512x256xi32>
      %reduce_min3A_262 = arith.constant dense<2147483647> : vector<256xi32>
      %reduce_min3A_263 = vector.multi_reduction <minsi>, %select_n3A_261, %reduce_min3A_262 [0] : vector<512x256xi32> to vector<256xi32>
      %broadcast_in_dim3A_264 = vector.shape_cast %reduce_min3A_263 : vector<256xi32> to vector<1x256xi32>
      %add3A_265 = vector.broadcast %min3A_241 : i32 to vector<1x256xi32>
      %add3A_266 = arith.addi %broadcast_in_dim3A_264, %add3A_265 : vector<1x256xi32>
      %lt3A = arith.cmpf olt, %broadcast_in_dim3A_256, %while3A_237 : vector<1x256xf32>
      %min3A_267 = arith.minimumf %while3A_237, %broadcast_in_dim3A_256 : vector<1x256xf32>
      %select_n3A_268 = arith.select %lt3A, %add3A_266, %while3A_238 : vector<1x256xi1>, vector<1x256xi32>
      scf.yield %min3A_267, %select_n3A_268 : vector<1x256xf32>, vector<1x256xi32>
    }
    %while3A_166 = arith.constant 1 : i32
    %while3A_167:2 = scf.for %while3A_236 = %while3A_163 to %while3A_159 step %while3A_166 iter_args(%while3A_237 = %while3A_165#0, %while3A_238 = %while3A_165#1) -> (vector<1x256xf32>, vector<1x256xi32>)  : i32 {
      %mul3A_239 = arith.constant 512 : i32
      %mul3A_240 = arith.muli %while3A_236, %mul3A_239 : i32
      %add3A = arith.addi %get3A_0, %mul3A_240 : i32
      %min3A = arith.constant 7680 : i32
      %min3A_241 = arith.minsi %add3A, %min3A : i32
      %mul3A_242 = arith.constant 512 : i32
      %mul3A_243 = arith.muli %while3A_236, %mul3A_242 : i32
      %get3A_244 = arith.index_cast %mul3A_243 : i32 to index
      %get3A_245 = arith.constant 0 : index
      %get3A_246 = vector.load %arg9[%get3A_244, %get3A_245] : memref<8192x256xf32, #tpu.memory_space<vmem>>, vector<512x256xf32>
      %sub3A = vector.broadcast %min3A_241 : i32 to vector<1x256xi32>
      %sub3A_247 = arith.subi %while3A_156#1, %sub3A : vector<1x256xi32>
      %eq3A = vector.broadcast %sub3A_247 : vector<1x256xi32> to vector<512x256xi32>
      %eq3A_248 = arith.cmpi eq, %iota3A, %eq3A : vector<512x256xi32>
      %jit3A = arith.constant 2.000000e+30 : f32
      %broadcast_in_dim3A_249 = vector.broadcast %jit3A : f32 to vector<512x256xf32>
      %select_n3A = arith.select %eq3A_248, %broadcast_in_dim3A_249, %get3A_246 : vector<512x256xi1>, vector<512x256xf32>
      %mul3A_250 = arith.constant 512 : i32
      %mul3A_251 = arith.muli %while3A_236, %mul3A_250 : i32
      %swap3A_252 = arith.index_cast %mul3A_251 : i32 to index
      %swap3A_253 = arith.constant 0 : index
      %swap3A_254 = vector.load %arg9[%swap3A_252, %swap3A_253] : memref<8192x256xf32, #tpu.memory_space<vmem>>, vector<512x256xf32>
      tpu.vector_store %arg9[%swap3A_252, %swap3A_253], %select_n3A {strides = array<i32>} : memref<8192x256xf32, #tpu.memory_space<vmem>>, vector<512x256xf32>,
      %reduce_min3A = arith.constant dense<0x7F800000> : vector<256xf32>
      %reduce_min3A_255 = vector.multi_reduction <minimumf>, %select_n3A, %reduce_min3A [0] : vector<512x256xf32> to vector<256xf32>
      %broadcast_in_dim3A_256 = vector.shape_cast %reduce_min3A_255 : vector<256xf32> to vector<1x256xf32>
      %eq3A_257 = vector.broadcast %broadcast_in_dim3A_256 : vector<1x256xf32> to vector<512x256xf32>
      %eq3A_258 = arith.cmpf oeq, %select_n3A, %eq3A_257 : vector<512x256xf32>
      %jit3A_259 = arith.constant 1073741824 : i32
      %broadcast_in_dim3A_260 = vector.broadcast %jit3A_259 : i32 to vector<512x256xi32>
      %select_n3A_261 = arith.select %eq3A_258, %iota3A, %broadcast_in_dim3A_260 : vector<512x256xi1>, vector<512x256xi32>
      %reduce_min3A_262 = arith.constant dense<2147483647> : vector<256xi32>
      %reduce_min3A_263 = vector.multi_reduction <minsi>, %select_n3A_261, %reduce_min3A_262 [0] : vector<512x256xi32> to vector<256xi32>
      %broadcast_in_dim3A_264 = vector.shape_cast %reduce_min3A_263 : vector<256xi32> to vector<1x256xi32>
      %add3A_265 = vector.broadcast %min3A_241 : i32 to vector<1x256xi32>
      %add3A_266 = arith.addi %broadcast_in_dim3A_264, %add3A_265 : vector<1x256xi32>
      %lt3A = arith.cmpf olt, %broadcast_in_dim3A_256, %while3A_237 : vector<1x256xf32>
      %min3A_267 = arith.minimumf %while3A_237, %broadcast_in_dim3A_256 : vector<1x256xf32>
      %select_n3A_268 = arith.select %lt3A, %add3A_266, %while3A_238 : vector<1x256xi1>, vector<1x256xi32>
      scf.yield %min3A_267, %select_n3A_268 : vector<1x256xf32>, vector<1x256xi32>
    }
    %while3A_168 = arith.constant 0 : i32
    %while3A_169 = arith.subi %get3A_2, %while3A_168 : i32
    %while3A_170 = arith.addi %while3A_168, %while3A_169 : i32
    %while3A_171 = arith.constant 1 : i32
    %while3A_172 = arith.divsi %while3A_169, %while3A_171 : i32
    %while3A_173 = arith.muli %while3A_172, %while3A_171 : i32
    %while3A_174 = arith.addi %while3A_168, %while3A_173 : i32
    %while3A_175 = arith.constant 1 : i32
    %while3A_176:2 = scf.for %while3A_236 = %while3A_168 to %while3A_174 step %while3A_175 iter_args(%while3A_237 = %broadcast_in_dim3A_12, %while3A_238 = %broadcast_in_dim3A_14) -> (vector<1x256xf32>, vector<1x256xi32>)  : i32 {
      %mul3A_239 = arith.constant 512 : i32
      %mul3A_240 = arith.muli %while3A_236, %mul3A_239 : i32
      %add3A = arith.addi %get3A_0, %mul3A_240 : i32
      %min3A = arith.constant 7680 : i32
      %min3A_241 = arith.minsi %add3A, %min3A : i32
      %mul3A_242 = arith.constant 512 : i32
      %mul3A_243 = arith.muli %while3A_236, %mul3A_242 : i32
      %get3A_244 = arith.index_cast %mul3A_243 : i32 to index
      %get3A_245 = arith.constant 0 : index
      %get3A_246 = vector.load %arg9[%get3A_244, %get3A_245] : memref<8192x256xf32, #tpu.memory_space<vmem>>, vector<512x256xf32>
      %sub3A = vector.broadcast %min3A_241 : i32 to vector<1x256xi32>
      %sub3A_247 = arith.subi %while3A_167#1, %sub3A : vector<1x256xi32>
      %eq3A = vector.broadcast %sub3A_247 : vector<1x256xi32> to vector<512x256xi32>
      %eq3A_248 = arith.cmpi eq, %iota3A, %eq3A : vector<512x256xi32>
      %jit3A = arith.constant 2.000000e+30 : f32
      %broadcast_in_dim3A_249 = vector.broadcast %jit3A : f32 to vector<512x256xf32>
      %select_n3A = arith.select %eq3A_248, %broadcast_in_dim3A_249, %get3A_246 : vector<512x256xi1>, vector<512x256xf32>
      %mul3A_250 = arith.constant 512 : i32
      %mul3A_251 = arith.muli %while3A_236, %mul3A_250 : i32
      %swap3A_252 = arith.index_cast %mul3A_251 : i32 to index
      %swap3A_253 = arith.constant 0 : index
      %swap3A_254 = vector.load %arg9[%swap3A_252, %swap3A_253] : memref<8192x256xf32, #tpu.memory_space<vmem>>, vector<512x256xf32>
      tpu.vector_store %arg9[%swap3A_252, %swap3A_253], %select_n3A {strides = array<i32>} : memref<8192x256xf32, #tpu.memory_space<vmem>>, vector<512x256xf32>,
      %reduce_min3A = arith.constant dense<0x7F800000> : vector<256xf32>
      %reduce_min3A_255 = vector.multi_reduction <minimumf>, %select_n3A, %reduce_min3A [0] : vector<512x256xf32> to vector<256xf32>
      %broadcast_in_dim3A_256 = vector.shape_cast %reduce_min3A_255 : vector<256xf32> to vector<1x256xf32>
      %eq3A_257 = vector.broadcast %broadcast_in_dim3A_256 : vector<1x256xf32> to vector<512x256xf32>
      %eq3A_258 = arith.cmpf oeq, %select_n3A, %eq3A_257 : vector<512x256xf32>
      %jit3A_259 = arith.constant 1073741824 : i32
      %broadcast_in_dim3A_260 = vector.broadcast %jit3A_259 : i32 to vector<512x256xi32>
      %select_n3A_261 = arith.select %eq3A_258, %iota3A, %broadcast_in_dim3A_260 : vector<512x256xi1>, vector<512x256xi32>
      %reduce_min3A_262 = arith.constant dense<2147483647> : vector<256xi32>
      %reduce_min3A_263 = vector.multi_reduction <minsi>, %select_n3A_261, %reduce_min3A_262 [0] : vector<512x256xi32> to vector<256xi32>
      %broadcast_in_dim3A_264 = vector.shape_cast %reduce_min3A_263 : vector<256xi32> to vector<1x256xi32>
      %add3A_265 = vector.broadcast %min3A_241 : i32 to vector<1x256xi32>
      %add3A_266 = arith.addi %broadcast_in_dim3A_264, %add3A_265 : vector<1x256xi32>
      %lt3A = arith.cmpf olt, %broadcast_in_dim3A_256, %while3A_237 : vector<1x256xf32>
      %min3A_267 = arith.minimumf %while3A_237, %broadcast_in_dim3A_256 : vector<1x256xf32>
      %select_n3A_268 = arith.select %lt3A, %add3A_266, %while3A_238 : vector<1x256xi1>, vector<1x256xi32>
      scf.yield %min3A_267, %select_n3A_268 : vector<1x256xf32>, vector<1x256xi32>
    }
    %while3A_177 = arith.constant 1 : i32
    %while3A_178:2 = scf.for %while3A_236 = %while3A_174 to %while3A_170 step %while3A_177 iter_args(%while3A_237 = %while3A_176#0, %while3A_238 = %while3A_176#1) -> (vector<1x256xf32>, vector<1x256xi32>)  : i32 {
      %mul3A_239 = arith.constant 512 : i32
      %mul3A_240 = arith.muli %while3A_236, %mul3A_239 : i32
      %add3A = arith.addi %get3A_0, %mul3A_240 : i32
      %min3A = arith.constant 7680 : i32
      %min3A_241 = arith.minsi %add3A, %min3A : i32
      %mul3A_242 = arith.constant 512 : i32
      %mul3A_243 = arith.muli %while3A_236, %mul3A_242 : i32
      %get3A_244 = arith.index_cast %mul3A_243 : i32 to index
      %get3A_245 = arith.constant 0 : index
      %get3A_246 = vector.load %arg9[%get3A_244, %get3A_245] : memref<8192x256xf32, #tpu.memory_space<vmem>>, vector<512x256xf32>
      %sub3A = vector.broadcast %min3A_241 : i32 to vector<1x256xi32>
      %sub3A_247 = arith.subi %while3A_167#1, %sub3A : vector<1x256xi32>
      %eq3A = vector.broadcast %sub3A_247 : vector<1x256xi32> to vector<512x256xi32>
      %eq3A_248 = arith.cmpi eq, %iota3A, %eq3A : vector<512x256xi32>
      %jit3A = arith.constant 2.000000e+30 : f32
      %broadcast_in_dim3A_249 = vector.broadcast %jit3A : f32 to vector<512x256xf32>
      %select_n3A = arith.select %eq3A_248, %broadcast_in_dim3A_249, %get3A_246 : vector<512x256xi1>, vector<512x256xf32>
      %mul3A_250 = arith.constant 512 : i32
      %mul3A_251 = arith.muli %while3A_236, %mul3A_250 : i32
      %swap3A_252 = arith.index_cast %mul3A_251 : i32 to index
      %swap3A_253 = arith.constant 0 : index
      %swap3A_254 = vector.load %arg9[%swap3A_252, %swap3A_253] : memref<8192x256xf32, #tpu.memory_space<vmem>>, vector<512x256xf32>
      tpu.vector_store %arg9[%swap3A_252, %swap3A_253], %select_n3A {strides = array<i32>} : memref<8192x256xf32, #tpu.memory_space<vmem>>, vector<512x256xf32>,
      %reduce_min3A = arith.constant dense<0x7F800000> : vector<256xf32>
      %reduce_min3A_255 = vector.multi_reduction <minimumf>, %select_n3A, %reduce_min3A [0] : vector<512x256xf32> to vector<256xf32>
      %broadcast_in_dim3A_256 = vector.shape_cast %reduce_min3A_255 : vector<256xf32> to vector<1x256xf32>
      %eq3A_257 = vector.broadcast %broadcast_in_dim3A_256 : vector<1x256xf32> to vector<512x256xf32>
      %eq3A_258 = arith.cmpf oeq, %select_n3A, %eq3A_257 : vector<512x256xf32>
      %jit3A_259 = arith.constant 1073741824 : i32
      %broadcast_in_dim3A_260 = vector.broadcast %jit3A_259 : i32 to vector<512x256xi32>
      %select_n3A_261 = arith.select %eq3A_258, %iota3A, %broadcast_in_dim3A_260 : vector<512x256xi1>, vector<512x256xi32>
      %reduce_min3A_262 = arith.constant dense<2147483647> : vector<256xi32>
      %reduce_min3A_263 = vector.multi_reduction <minsi>, %select_n3A_261, %reduce_min3A_262 [0] : vector<512x256xi32> to vector<256xi32>
      %broadcast_in_dim3A_264 = vector.shape_cast %reduce_min3A_263 : vector<256xi32> to vector<1x256xi32>
      %add3A_265 = vector.broadcast %min3A_241 : i32 to vector<1x256xi32>
      %add3A_266 = arith.addi %broadcast_in_dim3A_264, %add3A_265 : vector<1x256xi32>
      %lt3A = arith.cmpf olt, %broadcast_in_dim3A_256, %while3A_237 : vector<1x256xf32>
      %min3A_267 = arith.minimumf %while3A_237, %broadcast_in_dim3A_256 : vector<1x256xf32>
      %select_n3A_268 = arith.select %lt3A, %add3A_266, %while3A_238 : vector<1x256xi1>, vector<1x256xi32>
      scf.yield %min3A_267, %select_n3A_268 : vector<1x256xf32>, vector<1x256xi32>
    }
    %while3A_179 = arith.constant 0 : i32
    %while3A_180 = arith.subi %get3A_2, %while3A_179 : i32
    %while3A_181 = arith.addi %while3A_179, %while3A_180 : i32
    %while3A_182 = arith.constant 1 : i32
    %while3A_183 = arith.divsi %while3A_180, %while3A_182 : i32
    %while3A_184 = arith.muli %while3A_183, %while3A_182 : i32
    %while3A_185 = arith.addi %while3A_179, %while3A_184 : i32
    %while3A_186 = arith.constant 1 : i32
    %while3A_187:2 = scf.for %while3A_236 = %while3A_179 to %while3A_185 step %while3A_186 iter_args(%while3A_237 = %broadcast_in_dim3A_12, %while3A_238 = %broadcast_in_dim3A_14) -> (vector<1x256xf32>, vector<1x256xi32>)  : i32 {
      %mul3A_239 = arith.constant 512 : i32
      %mul3A_240 = arith.muli %while3A_236, %mul3A_239 : i32
      %add3A = arith.addi %get3A_0, %mul3A_240 : i32
      %min3A = arith.constant 7680 : i32
      %min3A_241 = arith.minsi %add3A, %min3A : i32
      %mul3A_242 = arith.constant 512 : i32
      %mul3A_243 = arith.muli %while3A_236, %mul3A_242 : i32
      %get3A_244 = arith.index_cast %mul3A_243 : i32 to index
      %get3A_245 = arith.constant 0 : index
      %get3A_246 = vector.load %arg9[%get3A_244, %get3A_245] : memref<8192x256xf32, #tpu.memory_space<vmem>>, vector<512x256xf32>
      %sub3A = vector.broadcast %min3A_241 : i32 to vector<1x256xi32>
      %sub3A_247 = arith.subi %while3A_178#1, %sub3A : vector<1x256xi32>
      %eq3A = vector.broadcast %sub3A_247 : vector<1x256xi32> to vector<512x256xi32>
      %eq3A_248 = arith.cmpi eq, %iota3A, %eq3A : vector<512x256xi32>
      %jit3A = arith.constant 2.000000e+30 : f32
      %broadcast_in_dim3A_249 = vector.broadcast %jit3A : f32 to vector<512x256xf32>
      %select_n3A = arith.select %eq3A_248, %broadcast_in_dim3A_249, %get3A_246 : vector<512x256xi1>, vector<512x256xf32>
      %mul3A_250 = arith.constant 512 : i32
      %mul3A_251 = arith.muli %while3A_236, %mul3A_250 : i32
      %swap3A_252 = arith.index_cast %mul3A_251 : i32 to index
      %swap3A_253 = arith.constant 0 : index
      %swap3A_254 = vector.load %arg9[%swap3A_252, %swap3A_253] : memref<8192x256xf32, #tpu.memory_space<vmem>>, vector<512x256xf32>
      tpu.vector_store %arg9[%swap3A_252, %swap3A_253], %select_n3A {strides = array<i32>} : memref<8192x256xf32, #tpu.memory_space<vmem>>, vector<512x256xf32>,
      %reduce_min3A = arith.constant dense<0x7F800000> : vector<256xf32>
      %reduce_min3A_255 = vector.multi_reduction <minimumf>, %select_n3A, %reduce_min3A [0] : vector<512x256xf32> to vector<256xf32>
      %broadcast_in_dim3A_256 = vector.shape_cast %reduce_min3A_255 : vector<256xf32> to vector<1x256xf32>
      %eq3A_257 = vector.broadcast %broadcast_in_dim3A_256 : vector<1x256xf32> to vector<512x256xf32>
      %eq3A_258 = arith.cmpf oeq, %select_n3A, %eq3A_257 : vector<512x256xf32>
      %jit3A_259 = arith.constant 1073741824 : i32
      %broadcast_in_dim3A_260 = vector.broadcast %jit3A_259 : i32 to vector<512x256xi32>
      %select_n3A_261 = arith.select %eq3A_258, %iota3A, %broadcast_in_dim3A_260 : vector<512x256xi1>, vector<512x256xi32>
      %reduce_min3A_262 = arith.constant dense<2147483647> : vector<256xi32>
      %reduce_min3A_263 = vector.multi_reduction <minsi>, %select_n3A_261, %reduce_min3A_262 [0] : vector<512x256xi32> to vector<256xi32>
      %broadcast_in_dim3A_264 = vector.shape_cast %reduce_min3A_263 : vector<256xi32> to vector<1x256xi32>
      %add3A_265 = vector.broadcast %min3A_241 : i32 to vector<1x256xi32>
      %add3A_266 = arith.addi %broadcast_in_dim3A_264, %add3A_265 : vector<1x256xi32>
      %lt3A = arith.cmpf olt, %broadcast_in_dim3A_256, %while3A_237 : vector<1x256xf32>
      %min3A_267 = arith.minimumf %while3A_237, %broadcast_in_dim3A_256 : vector<1x256xf32>
      %select_n3A_268 = arith.select %lt3A, %add3A_266, %while3A_238 : vector<1x256xi1>, vector<1x256xi32>
      scf.yield %min3A_267, %select_n3A_268 : vector<1x256xf32>, vector<1x256xi32>
    }
    %while3A_188 = arith.constant 1 : i32
    %while3A_189:2 = scf.for %while3A_236 = %while3A_185 to %while3A_181 step %while3A_188 iter_args(%while3A_237 = %while3A_187#0, %while3A_238 = %while3A_187#1) -> (vector<1x256xf32>, vector<1x256xi32>)  : i32 {
      %mul3A_239 = arith.constant 512 : i32
      %mul3A_240 = arith.muli %while3A_236, %mul3A_239 : i32
      %add3A = arith.addi %get3A_0, %mul3A_240 : i32
      %min3A = arith.constant 7680 : i32
      %min3A_241 = arith.minsi %add3A, %min3A : i32
      %mul3A_242 = arith.constant 512 : i32
      %mul3A_243 = arith.muli %while3A_236, %mul3A_242 : i32
      %get3A_244 = arith.index_cast %mul3A_243 : i32 to index
      %get3A_245 = arith.constant 0 : index
      %get3A_246 = vector.load %arg9[%get3A_244, %get3A_245] : memref<8192x256xf32, #tpu.memory_space<vmem>>, vector<512x256xf32>
      %sub3A = vector.broadcast %min3A_241 : i32 to vector<1x256xi32>
      %sub3A_247 = arith.subi %while3A_178#1, %sub3A : vector<1x256xi32>
      %eq3A = vector.broadcast %sub3A_247 : vector<1x256xi32> to vector<512x256xi32>
      %eq3A_248 = arith.cmpi eq, %iota3A, %eq3A : vector<512x256xi32>
      %jit3A = arith.constant 2.000000e+30 : f32
      %broadcast_in_dim3A_249 = vector.broadcast %jit3A : f32 to vector<512x256xf32>
      %select_n3A = arith.select %eq3A_248, %broadcast_in_dim3A_249, %get3A_246 : vector<512x256xi1>, vector<512x256xf32>
      %mul3A_250 = arith.constant 512 : i32
      %mul3A_251 = arith.muli %while3A_236, %mul3A_250 : i32
      %swap3A_252 = arith.index_cast %mul3A_251 : i32 to index
      %swap3A_253 = arith.constant 0 : index
      %swap3A_254 = vector.load %arg9[%swap3A_252, %swap3A_253] : memref<8192x256xf32, #tpu.memory_space<vmem>>, vector<512x256xf32>
      tpu.vector_store %arg9[%swap3A_252, %swap3A_253], %select_n3A {strides = array<i32>} : memref<8192x256xf32, #tpu.memory_space<vmem>>, vector<512x256xf32>,
      %reduce_min3A = arith.constant dense<0x7F800000> : vector<256xf32>
      %reduce_min3A_255 = vector.multi_reduction <minimumf>, %select_n3A, %reduce_min3A [0] : vector<512x256xf32> to vector<256xf32>
      %broadcast_in_dim3A_256 = vector.shape_cast %reduce_min3A_255 : vector<256xf32> to vector<1x256xf32>
      %eq3A_257 = vector.broadcast %broadcast_in_dim3A_256 : vector<1x256xf32> to vector<512x256xf32>
      %eq3A_258 = arith.cmpf oeq, %select_n3A, %eq3A_257 : vector<512x256xf32>
      %jit3A_259 = arith.constant 1073741824 : i32
      %broadcast_in_dim3A_260 = vector.broadcast %jit3A_259 : i32 to vector<512x256xi32>
      %select_n3A_261 = arith.select %eq3A_258, %iota3A, %broadcast_in_dim3A_260 : vector<512x256xi1>, vector<512x256xi32>
      %reduce_min3A_262 = arith.constant dense<2147483647> : vector<256xi32>
      %reduce_min3A_263 = vector.multi_reduction <minsi>, %select_n3A_261, %reduce_min3A_262 [0] : vector<512x256xi32> to vector<256xi32>
      %broadcast_in_dim3A_264 = vector.shape_cast %reduce_min3A_263 : vector<256xi32> to vector<1x256xi32>
      %add3A_265 = vector.broadcast %min3A_241 : i32 to vector<1x256xi32>
      %add3A_266 = arith.addi %broadcast_in_dim3A_264, %add3A_265 : vector<1x256xi32>
      %lt3A = arith.cmpf olt, %broadcast_in_dim3A_256, %while3A_237 : vector<1x256xf32>
      %min3A_267 = arith.minimumf %while3A_237, %broadcast_in_dim3A_256 : vector<1x256xf32>
      %select_n3A_268 = arith.select %lt3A, %add3A_266, %while3A_238 : vector<1x256xi1>, vector<1x256xi32>
      scf.yield %min3A_267, %select_n3A_268 : vector<1x256xf32>, vector<1x256xi32>
    }
    %while3A_190 = arith.constant 0 : i32
    %while3A_191 = arith.subi %get3A_2, %while3A_190 : i32
    %while3A_192 = arith.addi %while3A_190, %while3A_191 : i32
    %while3A_193 = arith.constant 1 : i32
    %while3A_194 = arith.divsi %while3A_191, %while3A_193 : i32
    %while3A_195 = arith.muli %while3A_194, %while3A_193 : i32
    %while3A_196 = arith.addi %while3A_190, %while3A_195 : i32
    %while3A_197 = arith.constant 1 : i32
    %while3A_198:2 = scf.for %while3A_236 = %while3A_190 to %while3A_196 step %while3A_197 iter_args(%while3A_237 = %broadcast_in_dim3A_12, %while3A_238 = %broadcast_in_dim3A_14) -> (vector<1x256xf32>, vector<1x256xi32>)  : i32 {
      %mul3A_239 = arith.constant 512 : i32
      %mul3A_240 = arith.muli %while3A_236, %mul3A_239 : i32
      %add3A = arith.addi %get3A_0, %mul3A_240 : i32
      %min3A = arith.constant 7680 : i32
      %min3A_241 = arith.minsi %add3A, %min3A : i32
      %mul3A_242 = arith.constant 512 : i32
      %mul3A_243 = arith.muli %while3A_236, %mul3A_242 : i32
      %get3A_244 = arith.index_cast %mul3A_243 : i32 to index
      %get3A_245 = arith.constant 0 : index
      %get3A_246 = vector.load %arg9[%get3A_244, %get3A_245] : memref<8192x256xf32, #tpu.memory_space<vmem>>, vector<512x256xf32>
      %sub3A = vector.broadcast %min3A_241 : i32 to vector<1x256xi32>
      %sub3A_247 = arith.subi %while3A_189#1, %sub3A : vector<1x256xi32>
      %eq3A = vector.broadcast %sub3A_247 : vector<1x256xi32> to vector<512x256xi32>
      %eq3A_248 = arith.cmpi eq, %iota3A, %eq3A : vector<512x256xi32>
      %jit3A = arith.constant 2.000000e+30 : f32
      %broadcast_in_dim3A_249 = vector.broadcast %jit3A : f32 to vector<512x256xf32>
      %select_n3A = arith.select %eq3A_248, %broadcast_in_dim3A_249, %get3A_246 : vector<512x256xi1>, vector<512x256xf32>
      %mul3A_250 = arith.constant 512 : i32
      %mul3A_251 = arith.muli %while3A_236, %mul3A_250 : i32
      %swap3A_252 = arith.index_cast %mul3A_251 : i32 to index
      %swap3A_253 = arith.constant 0 : index
      %swap3A_254 = vector.load %arg9[%swap3A_252, %swap3A_253] : memref<8192x256xf32, #tpu.memory_space<vmem>>, vector<512x256xf32>
      tpu.vector_store %arg9[%swap3A_252, %swap3A_253], %select_n3A {strides = array<i32>} : memref<8192x256xf32, #tpu.memory_space<vmem>>, vector<512x256xf32>,
      %reduce_min3A = arith.constant dense<0x7F800000> : vector<256xf32>
      %reduce_min3A_255 = vector.multi_reduction <minimumf>, %select_n3A, %reduce_min3A [0] : vector<512x256xf32> to vector<256xf32>
      %broadcast_in_dim3A_256 = vector.shape_cast %reduce_min3A_255 : vector<256xf32> to vector<1x256xf32>
      %eq3A_257 = vector.broadcast %broadcast_in_dim3A_256 : vector<1x256xf32> to vector<512x256xf32>
      %eq3A_258 = arith.cmpf oeq, %select_n3A, %eq3A_257 : vector<512x256xf32>
      %jit3A_259 = arith.constant 1073741824 : i32
      %broadcast_in_dim3A_260 = vector.broadcast %jit3A_259 : i32 to vector<512x256xi32>
      %select_n3A_261 = arith.select %eq3A_258, %iota3A, %broadcast_in_dim3A_260 : vector<512x256xi1>, vector<512x256xi32>
      %reduce_min3A_262 = arith.constant dense<2147483647> : vector<256xi32>
      %reduce_min3A_263 = vector.multi_reduction <minsi>, %select_n3A_261, %reduce_min3A_262 [0] : vector<512x256xi32> to vector<256xi32>
      %broadcast_in_dim3A_264 = vector.shape_cast %reduce_min3A_263 : vector<256xi32> to vector<1x256xi32>
      %add3A_265 = vector.broadcast %min3A_241 : i32 to vector<1x256xi32>
      %add3A_266 = arith.addi %broadcast_in_dim3A_264, %add3A_265 : vector<1x256xi32>
      %lt3A = arith.cmpf olt, %broadcast_in_dim3A_256, %while3A_237 : vector<1x256xf32>
      %min3A_267 = arith.minimumf %while3A_237, %broadcast_in_dim3A_256 : vector<1x256xf32>
      %select_n3A_268 = arith.select %lt3A, %add3A_266, %while3A_238 : vector<1x256xi1>, vector<1x256xi32>
      scf.yield %min3A_267, %select_n3A_268 : vector<1x256xf32>, vector<1x256xi32>
    }
    %while3A_199 = arith.constant 1 : i32
    %while3A_200:2 = scf.for %while3A_236 = %while3A_196 to %while3A_192 step %while3A_199 iter_args(%while3A_237 = %while3A_198#0, %while3A_238 = %while3A_198#1) -> (vector<1x256xf32>, vector<1x256xi32>)  : i32 {
      %mul3A_239 = arith.constant 512 : i32
      %mul3A_240 = arith.muli %while3A_236, %mul3A_239 : i32
      %add3A = arith.addi %get3A_0, %mul3A_240 : i32
      %min3A = arith.constant 7680 : i32
      %min3A_241 = arith.minsi %add3A, %min3A : i32
      %mul3A_242 = arith.constant 512 : i32
      %mul3A_243 = arith.muli %while3A_236, %mul3A_242 : i32
      %get3A_244 = arith.index_cast %mul3A_243 : i32 to index
      %get3A_245 = arith.constant 0 : index
      %get3A_246 = vector.load %arg9[%get3A_244, %get3A_245] : memref<8192x256xf32, #tpu.memory_space<vmem>>, vector<512x256xf32>
      %sub3A = vector.broadcast %min3A_241 : i32 to vector<1x256xi32>
      %sub3A_247 = arith.subi %while3A_189#1, %sub3A : vector<1x256xi32>
      %eq3A = vector.broadcast %sub3A_247 : vector<1x256xi32> to vector<512x256xi32>
      %eq3A_248 = arith.cmpi eq, %iota3A, %eq3A : vector<512x256xi32>
      %jit3A = arith.constant 2.000000e+30 : f32
      %broadcast_in_dim3A_249 = vector.broadcast %jit3A : f32 to vector<512x256xf32>
      %select_n3A = arith.select %eq3A_248, %broadcast_in_dim3A_249, %get3A_246 : vector<512x256xi1>, vector<512x256xf32>
      %mul3A_250 = arith.constant 512 : i32
      %mul3A_251 = arith.muli %while3A_236, %mul3A_250 : i32
      %swap3A_252 = arith.index_cast %mul3A_251 : i32 to index
      %swap3A_253 = arith.constant 0 : index
      %swap3A_254 = vector.load %arg9[%swap3A_252, %swap3A_253] : memref<8192x256xf32, #tpu.memory_space<vmem>>, vector<512x256xf32>
      tpu.vector_store %arg9[%swap3A_252, %swap3A_253], %select_n3A {strides = array<i32>} : memref<8192x256xf32, #tpu.memory_space<vmem>>, vector<512x256xf32>,
      %reduce_min3A = arith.constant dense<0x7F800000> : vector<256xf32>
      %reduce_min3A_255 = vector.multi_reduction <minimumf>, %select_n3A, %reduce_min3A [0] : vector<512x256xf32> to vector<256xf32>
      %broadcast_in_dim3A_256 = vector.shape_cast %reduce_min3A_255 : vector<256xf32> to vector<1x256xf32>
      %eq3A_257 = vector.broadcast %broadcast_in_dim3A_256 : vector<1x256xf32> to vector<512x256xf32>
      %eq3A_258 = arith.cmpf oeq, %select_n3A, %eq3A_257 : vector<512x256xf32>
      %jit3A_259 = arith.constant 1073741824 : i32
      %broadcast_in_dim3A_260 = vector.broadcast %jit3A_259 : i32 to vector<512x256xi32>
      %select_n3A_261 = arith.select %eq3A_258, %iota3A, %broadcast_in_dim3A_260 : vector<512x256xi1>, vector<512x256xi32>
      %reduce_min3A_262 = arith.constant dense<2147483647> : vector<256xi32>
      %reduce_min3A_263 = vector.multi_reduction <minsi>, %select_n3A_261, %reduce_min3A_262 [0] : vector<512x256xi32> to vector<256xi32>
      %broadcast_in_dim3A_264 = vector.shape_cast %reduce_min3A_263 : vector<256xi32> to vector<1x256xi32>
      %add3A_265 = vector.broadcast %min3A_241 : i32 to vector<1x256xi32>
      %add3A_266 = arith.addi %broadcast_in_dim3A_264, %add3A_265 : vector<1x256xi32>
      %lt3A = arith.cmpf olt, %broadcast_in_dim3A_256, %while3A_237 : vector<1x256xf32>
      %min3A_267 = arith.minimumf %while3A_237, %broadcast_in_dim3A_256 : vector<1x256xf32>
      %select_n3A_268 = arith.select %lt3A, %add3A_266, %while3A_238 : vector<1x256xi1>, vector<1x256xi32>
      scf.yield %min3A_267, %select_n3A_268 : vector<1x256xf32>, vector<1x256xi32>
    }
    %while3A_201 = arith.constant 0 : i32
    %while3A_202 = arith.subi %get3A_2, %while3A_201 : i32
    %while3A_203 = arith.addi %while3A_201, %while3A_202 : i32
    %while3A_204 = arith.constant 1 : i32
    %while3A_205 = arith.divsi %while3A_202, %while3A_204 : i32
    %while3A_206 = arith.muli %while3A_205, %while3A_204 : i32
    %while3A_207 = arith.addi %while3A_201, %while3A_206 : i32
    %while3A_208 = arith.constant 1 : i32
    %while3A_209:2 = scf.for %while3A_236 = %while3A_201 to %while3A_207 step %while3A_208 iter_args(%while3A_237 = %broadcast_in_dim3A_12, %while3A_238 = %broadcast_in_dim3A_14) -> (vector<1x256xf32>, vector<1x256xi32>)  : i32 {
      %mul3A_239 = arith.constant 512 : i32
      %mul3A_240 = arith.muli %while3A_236, %mul3A_239 : i32
      %add3A = arith.addi %get3A_0, %mul3A_240 : i32
      %min3A = arith.constant 7680 : i32
      %min3A_241 = arith.minsi %add3A, %min3A : i32
      %mul3A_242 = arith.constant 512 : i32
      %mul3A_243 = arith.muli %while3A_236, %mul3A_242 : i32
      %get3A_244 = arith.index_cast %mul3A_243 : i32 to index
      %get3A_245 = arith.constant 0 : index
      %get3A_246 = vector.load %arg9[%get3A_244, %get3A_245] : memref<8192x256xf32, #tpu.memory_space<vmem>>, vector<512x256xf32>
      %sub3A = vector.broadcast %min3A_241 : i32 to vector<1x256xi32>
      %sub3A_247 = arith.subi %while3A_200#1, %sub3A : vector<1x256xi32>
      %eq3A = vector.broadcast %sub3A_247 : vector<1x256xi32> to vector<512x256xi32>
      %eq3A_248 = arith.cmpi eq, %iota3A, %eq3A : vector<512x256xi32>
      %jit3A = arith.constant 2.000000e+30 : f32
      %broadcast_in_dim3A_249 = vector.broadcast %jit3A : f32 to vector<512x256xf32>
      %select_n3A = arith.select %eq3A_248, %broadcast_in_dim3A_249, %get3A_246 : vector<512x256xi1>, vector<512x256xf32>
      %mul3A_250 = arith.constant 512 : i32
      %mul3A_251 = arith.muli %while3A_236, %mul3A_250 : i32
      %swap3A_252 = arith.index_cast %mul3A_251 : i32 to index
      %swap3A_253 = arith.constant 0 : index
      %swap3A_254 = vector.load %arg9[%swap3A_252, %swap3A_253] : memref<8192x256xf32, #tpu.memory_space<vmem>>, vector<512x256xf32>
      tpu.vector_store %arg9[%swap3A_252, %swap3A_253], %select_n3A {strides = array<i32>} : memref<8192x256xf32, #tpu.memory_space<vmem>>, vector<512x256xf32>,
      %reduce_min3A = arith.constant dense<0x7F800000> : vector<256xf32>
      %reduce_min3A_255 = vector.multi_reduction <minimumf>, %select_n3A, %reduce_min3A [0] : vector<512x256xf32> to vector<256xf32>
      %broadcast_in_dim3A_256 = vector.shape_cast %reduce_min3A_255 : vector<256xf32> to vector<1x256xf32>
      %eq3A_257 = vector.broadcast %broadcast_in_dim3A_256 : vector<1x256xf32> to vector<512x256xf32>
      %eq3A_258 = arith.cmpf oeq, %select_n3A, %eq3A_257 : vector<512x256xf32>
      %jit3A_259 = arith.constant 1073741824 : i32
      %broadcast_in_dim3A_260 = vector.broadcast %jit3A_259 : i32 to vector<512x256xi32>
      %select_n3A_261 = arith.select %eq3A_258, %iota3A, %broadcast_in_dim3A_260 : vector<512x256xi1>, vector<512x256xi32>
      %reduce_min3A_262 = arith.constant dense<2147483647> : vector<256xi32>
      %reduce_min3A_263 = vector.multi_reduction <minsi>, %select_n3A_261, %reduce_min3A_262 [0] : vector<512x256xi32> to vector<256xi32>
      %broadcast_in_dim3A_264 = vector.shape_cast %reduce_min3A_263 : vector<256xi32> to vector<1x256xi32>
      %add3A_265 = vector.broadcast %min3A_241 : i32 to vector<1x256xi32>
      %add3A_266 = arith.addi %broadcast_in_dim3A_264, %add3A_265 : vector<1x256xi32>
      %lt3A = arith.cmpf olt, %broadcast_in_dim3A_256, %while3A_237 : vector<1x256xf32>
      %min3A_267 = arith.minimumf %while3A_237, %broadcast_in_dim3A_256 : vector<1x256xf32>
      %select_n3A_268 = arith.select %lt3A, %add3A_266, %while3A_238 : vector<1x256xi1>, vector<1x256xi32>
      scf.yield %min3A_267, %select_n3A_268 : vector<1x256xf32>, vector<1x256xi32>
    }
    %while3A_210 = arith.constant 1 : i32
    %while3A_211:2 = scf.for %while3A_236 = %while3A_207 to %while3A_203 step %while3A_210 iter_args(%while3A_237 = %while3A_209#0, %while3A_238 = %while3A_209#1) -> (vector<1x256xf32>, vector<1x256xi32>)  : i32 {
      %mul3A_239 = arith.constant 512 : i32
      %mul3A_240 = arith.muli %while3A_236, %mul3A_239 : i32
      %add3A = arith.addi %get3A_0, %mul3A_240 : i32
      %min3A = arith.constant 7680 : i32
      %min3A_241 = arith.minsi %add3A, %min3A : i32
      %mul3A_242 = arith.constant 512 : i32
      %mul3A_243 = arith.muli %while3A_236, %mul3A_242 : i32
      %get3A_244 = arith.index_cast %mul3A_243 : i32 to index
      %get3A_245 = arith.constant 0 : index
      %get3A_246 = vector.load %arg9[%get3A_244, %get3A_245] : memref<8192x256xf32, #tpu.memory_space<vmem>>, vector<512x256xf32>
      %sub3A = vector.broadcast %min3A_241 : i32 to vector<1x256xi32>
      %sub3A_247 = arith.subi %while3A_200#1, %sub3A : vector<1x256xi32>
      %eq3A = vector.broadcast %sub3A_247 : vector<1x256xi32> to vector<512x256xi32>
      %eq3A_248 = arith.cmpi eq, %iota3A, %eq3A : vector<512x256xi32>
      %jit3A = arith.constant 2.000000e+30 : f32
      %broadcast_in_dim3A_249 = vector.broadcast %jit3A : f32 to vector<512x256xf32>
      %select_n3A = arith.select %eq3A_248, %broadcast_in_dim3A_249, %get3A_246 : vector<512x256xi1>, vector<512x256xf32>
      %mul3A_250 = arith.constant 512 : i32
      %mul3A_251 = arith.muli %while3A_236, %mul3A_250 : i32
      %swap3A_252 = arith.index_cast %mul3A_251 : i32 to index
      %swap3A_253 = arith.constant 0 : index
      %swap3A_254 = vector.load %arg9[%swap3A_252, %swap3A_253] : memref<8192x256xf32, #tpu.memory_space<vmem>>, vector<512x256xf32>
      tpu.vector_store %arg9[%swap3A_252, %swap3A_253], %select_n3A {strides = array<i32>} : memref<8192x256xf32, #tpu.memory_space<vmem>>, vector<512x256xf32>,
      %reduce_min3A = arith.constant dense<0x7F800000> : vector<256xf32>
      %reduce_min3A_255 = vector.multi_reduction <minimumf>, %select_n3A, %reduce_min3A [0] : vector<512x256xf32> to vector<256xf32>
      %broadcast_in_dim3A_256 = vector.shape_cast %reduce_min3A_255 : vector<256xf32> to vector<1x256xf32>
      %eq3A_257 = vector.broadcast %broadcast_in_dim3A_256 : vector<1x256xf32> to vector<512x256xf32>
      %eq3A_258 = arith.cmpf oeq, %select_n3A, %eq3A_257 : vector<512x256xf32>
      %jit3A_259 = arith.constant 1073741824 : i32
      %broadcast_in_dim3A_260 = vector.broadcast %jit3A_259 : i32 to vector<512x256xi32>
      %select_n3A_261 = arith.select %eq3A_258, %iota3A, %broadcast_in_dim3A_260 : vector<512x256xi1>, vector<512x256xi32>
      %reduce_min3A_262 = arith.constant dense<2147483647> : vector<256xi32>
      %reduce_min3A_263 = vector.multi_reduction <minsi>, %select_n3A_261, %reduce_min3A_262 [0] : vector<512x256xi32> to vector<256xi32>
      %broadcast_in_dim3A_264 = vector.shape_cast %reduce_min3A_263 : vector<256xi32> to vector<1x256xi32>
      %add3A_265 = vector.broadcast %min3A_241 : i32 to vector<1x256xi32>
      %add3A_266 = arith.addi %broadcast_in_dim3A_264, %add3A_265 : vector<1x256xi32>
      %lt3A = arith.cmpf olt, %broadcast_in_dim3A_256, %while3A_237 : vector<1x256xf32>
      %min3A_267 = arith.minimumf %while3A_237, %broadcast_in_dim3A_256 : vector<1x256xf32>
      %select_n3A_268 = arith.select %lt3A, %add3A_266, %while3A_238 : vector<1x256xi1>, vector<1x256xi32>
      scf.yield %min3A_267, %select_n3A_268 : vector<1x256xf32>, vector<1x256xi32>
    }
    %while3A_212 = arith.constant 0 : i32
    %while3A_213 = arith.subi %get3A_2, %while3A_212 : i32
    %while3A_214 = arith.addi %while3A_212, %while3A_213 : i32
    %while3A_215 = arith.constant 1 : i32
    %while3A_216 = arith.divsi %while3A_213, %while3A_215 : i32
    %while3A_217 = arith.muli %while3A_216, %while3A_215 : i32
    %while3A_218 = arith.addi %while3A_212, %while3A_217 : i32
    %while3A_219 = arith.constant 1 : i32
    %while3A_220:2 = scf.for %while3A_236 = %while3A_212 to %while3A_218 step %while3A_219 iter_args(%while3A_237 = %broadcast_in_dim3A_12, %while3A_238 = %broadcast_in_dim3A_14) -> (vector<1x256xf32>, vector<1x256xi32>)  : i32 {
      %mul3A_239 = arith.constant 512 : i32
      %mul3A_240 = arith.muli %while3A_236, %mul3A_239 : i32
      %add3A = arith.addi %get3A_0, %mul3A_240 : i32
      %min3A = arith.constant 7680 : i32
      %min3A_241 = arith.minsi %add3A, %min3A : i32
      %mul3A_242 = arith.constant 512 : i32
      %mul3A_243 = arith.muli %while3A_236, %mul3A_242 : i32
      %get3A_244 = arith.index_cast %mul3A_243 : i32 to index
      %get3A_245 = arith.constant 0 : index
      %get3A_246 = vector.load %arg9[%get3A_244, %get3A_245] : memref<8192x256xf32, #tpu.memory_space<vmem>>, vector<512x256xf32>
      %sub3A = vector.broadcast %min3A_241 : i32 to vector<1x256xi32>
      %sub3A_247 = arith.subi %while3A_211#1, %sub3A : vector<1x256xi32>
      %eq3A = vector.broadcast %sub3A_247 : vector<1x256xi32> to vector<512x256xi32>
      %eq3A_248 = arith.cmpi eq, %iota3A, %eq3A : vector<512x256xi32>
      %jit3A = arith.constant 2.000000e+30 : f32
      %broadcast_in_dim3A_249 = vector.broadcast %jit3A : f32 to vector<512x256xf32>
      %select_n3A = arith.select %eq3A_248, %broadcast_in_dim3A_249, %get3A_246 : vector<512x256xi1>, vector<512x256xf32>
      %mul3A_250 = arith.constant 512 : i32
      %mul3A_251 = arith.muli %while3A_236, %mul3A_250 : i32
      %swap3A_252 = arith.index_cast %mul3A_251 : i32 to index
      %swap3A_253 = arith.constant 0 : index
      %swap3A_254 = vector.load %arg9[%swap3A_252, %swap3A_253] : memref<8192x256xf32, #tpu.memory_space<vmem>>, vector<512x256xf32>
      tpu.vector_store %arg9[%swap3A_252, %swap3A_253], %select_n3A {strides = array<i32>} : memref<8192x256xf32, #tpu.memory_space<vmem>>, vector<512x256xf32>,
      %reduce_min3A = arith.constant dense<0x7F800000> : vector<256xf32>
      %reduce_min3A_255 = vector.multi_reduction <minimumf>, %select_n3A, %reduce_min3A [0] : vector<512x256xf32> to vector<256xf32>
      %broadcast_in_dim3A_256 = vector.shape_cast %reduce_min3A_255 : vector<256xf32> to vector<1x256xf32>
      %eq3A_257 = vector.broadcast %broadcast_in_dim3A_256 : vector<1x256xf32> to vector<512x256xf32>
      %eq3A_258 = arith.cmpf oeq, %select_n3A, %eq3A_257 : vector<512x256xf32>
      %jit3A_259 = arith.constant 1073741824 : i32
      %broadcast_in_dim3A_260 = vector.broadcast %jit3A_259 : i32 to vector<512x256xi32>
      %select_n3A_261 = arith.select %eq3A_258, %iota3A, %broadcast_in_dim3A_260 : vector<512x256xi1>, vector<512x256xi32>
      %reduce_min3A_262 = arith.constant dense<2147483647> : vector<256xi32>
      %reduce_min3A_263 = vector.multi_reduction <minsi>, %select_n3A_261, %reduce_min3A_262 [0] : vector<512x256xi32> to vector<256xi32>
      %broadcast_in_dim3A_264 = vector.shape_cast %reduce_min3A_263 : vector<256xi32> to vector<1x256xi32>
      %add3A_265 = vector.broadcast %min3A_241 : i32 to vector<1x256xi32>
      %add3A_266 = arith.addi %broadcast_in_dim3A_264, %add3A_265 : vector<1x256xi32>
      %lt3A = arith.cmpf olt, %broadcast_in_dim3A_256, %while3A_237 : vector<1x256xf32>
      %min3A_267 = arith.minimumf %while3A_237, %broadcast_in_dim3A_256 : vector<1x256xf32>
      %select_n3A_268 = arith.select %lt3A, %add3A_266, %while3A_238 : vector<1x256xi1>, vector<1x256xi32>
      scf.yield %min3A_267, %select_n3A_268 : vector<1x256xf32>, vector<1x256xi32>
    }
    %while3A_221 = arith.constant 1 : i32
    %while3A_222:2 = scf.for %while3A_236 = %while3A_218 to %while3A_214 step %while3A_221 iter_args(%while3A_237 = %while3A_220#0, %while3A_238 = %while3A_220#1) -> (vector<1x256xf32>, vector<1x256xi32>)  : i32 {
      %mul3A_239 = arith.constant 512 : i32
      %mul3A_240 = arith.muli %while3A_236, %mul3A_239 : i32
      %add3A = arith.addi %get3A_0, %mul3A_240 : i32
      %min3A = arith.constant 7680 : i32
      %min3A_241 = arith.minsi %add3A, %min3A : i32
      %mul3A_242 = arith.constant 512 : i32
      %mul3A_243 = arith.muli %while3A_236, %mul3A_242 : i32
      %get3A_244 = arith.index_cast %mul3A_243 : i32 to index
      %get3A_245 = arith.constant 0 : index
      %get3A_246 = vector.load %arg9[%get3A_244, %get3A_245] : memref<8192x256xf32, #tpu.memory_space<vmem>>, vector<512x256xf32>
      %sub3A = vector.broadcast %min3A_241 : i32 to vector<1x256xi32>
      %sub3A_247 = arith.subi %while3A_211#1, %sub3A : vector<1x256xi32>
      %eq3A = vector.broadcast %sub3A_247 : vector<1x256xi32> to vector<512x256xi32>
      %eq3A_248 = arith.cmpi eq, %iota3A, %eq3A : vector<512x256xi32>
      %jit3A = arith.constant 2.000000e+30 : f32
      %broadcast_in_dim3A_249 = vector.broadcast %jit3A : f32 to vector<512x256xf32>
      %select_n3A = arith.select %eq3A_248, %broadcast_in_dim3A_249, %get3A_246 : vector<512x256xi1>, vector<512x256xf32>
      %mul3A_250 = arith.constant 512 : i32
      %mul3A_251 = arith.muli %while3A_236, %mul3A_250 : i32
      %swap3A_252 = arith.index_cast %mul3A_251 : i32 to index
      %swap3A_253 = arith.constant 0 : index
      %swap3A_254 = vector.load %arg9[%swap3A_252, %swap3A_253] : memref<8192x256xf32, #tpu.memory_space<vmem>>, vector<512x256xf32>
      tpu.vector_store %arg9[%swap3A_252, %swap3A_253], %select_n3A {strides = array<i32>} : memref<8192x256xf32, #tpu.memory_space<vmem>>, vector<512x256xf32>,
      %reduce_min3A = arith.constant dense<0x7F800000> : vector<256xf32>
      %reduce_min3A_255 = vector.multi_reduction <minimumf>, %select_n3A, %reduce_min3A [0] : vector<512x256xf32> to vector<256xf32>
      %broadcast_in_dim3A_256 = vector.shape_cast %reduce_min3A_255 : vector<256xf32> to vector<1x256xf32>
      %eq3A_257 = vector.broadcast %broadcast_in_dim3A_256 : vector<1x256xf32> to vector<512x256xf32>
      %eq3A_258 = arith.cmpf oeq, %select_n3A, %eq3A_257 : vector<512x256xf32>
      %jit3A_259 = arith.constant 1073741824 : i32
      %broadcast_in_dim3A_260 = vector.broadcast %jit3A_259 : i32 to vector<512x256xi32>
      %select_n3A_261 = arith.select %eq3A_258, %iota3A, %broadcast_in_dim3A_260 : vector<512x256xi1>, vector<512x256xi32>
      %reduce_min3A_262 = arith.constant dense<2147483647> : vector<256xi32>
      %reduce_min3A_263 = vector.multi_reduction <minsi>, %select_n3A_261, %reduce_min3A_262 [0] : vector<512x256xi32> to vector<256xi32>
      %broadcast_in_dim3A_264 = vector.shape_cast %reduce_min3A_263 : vector<256xi32> to vector<1x256xi32>
      %add3A_265 = vector.broadcast %min3A_241 : i32 to vector<1x256xi32>
      %add3A_266 = arith.addi %broadcast_in_dim3A_264, %add3A_265 : vector<1x256xi32>
      %lt3A = arith.cmpf olt, %broadcast_in_dim3A_256, %while3A_237 : vector<1x256xf32>
      %min3A_267 = arith.minimumf %while3A_237, %broadcast_in_dim3A_256 : vector<1x256xf32>
      %select_n3A_268 = arith.select %lt3A, %add3A_266, %while3A_238 : vector<1x256xi1>, vector<1x256xi32>
      scf.yield %min3A_267, %select_n3A_268 : vector<1x256xf32>, vector<1x256xi32>
    }
    %while3A_223 = arith.constant 0 : i32
    %while3A_224 = arith.subi %get3A_2, %while3A_223 : i32
    %while3A_225 = arith.addi %while3A_223, %while3A_224 : i32
    %while3A_226 = arith.constant 1 : i32
    %while3A_227 = arith.divsi %while3A_224, %while3A_226 : i32
    %while3A_228 = arith.muli %while3A_227, %while3A_226 : i32
    %while3A_229 = arith.addi %while3A_223, %while3A_228 : i32
    %while3A_230 = arith.constant 1 : i32
    %while3A_231:2 = scf.for %while3A_236 = %while3A_223 to %while3A_229 step %while3A_230 iter_args(%while3A_237 = %broadcast_in_dim3A_12, %while3A_238 = %broadcast_in_dim3A_14) -> (vector<1x256xf32>, vector<1x256xi32>)  : i32 {
      %mul3A_239 = arith.constant 512 : i32
      %mul3A_240 = arith.muli %while3A_236, %mul3A_239 : i32
      %add3A = arith.addi %get3A_0, %mul3A_240 : i32
      %min3A = arith.constant 7680 : i32
      %min3A_241 = arith.minsi %add3A, %min3A : i32
      %mul3A_242 = arith.constant 512 : i32
      %mul3A_243 = arith.muli %while3A_236, %mul3A_242 : i32
      %get3A_244 = arith.index_cast %mul3A_243 : i32 to index
      %get3A_245 = arith.constant 0 : index
      %get3A_246 = vector.load %arg9[%get3A_244, %get3A_245] : memref<8192x256xf32, #tpu.memory_space<vmem>>, vector<512x256xf32>
      %sub3A = vector.broadcast %min3A_241 : i32 to vector<1x256xi32>
      %sub3A_247 = arith.subi %while3A_222#1, %sub3A : vector<1x256xi32>
      %eq3A = vector.broadcast %sub3A_247 : vector<1x256xi32> to vector<512x256xi32>
      %eq3A_248 = arith.cmpi eq, %iota3A, %eq3A : vector<512x256xi32>
      %jit3A = arith.constant 2.000000e+30 : f32
      %broadcast_in_dim3A_249 = vector.broadcast %jit3A : f32 to vector<512x256xf32>
      %select_n3A = arith.select %eq3A_248, %broadcast_in_dim3A_249, %get3A_246 : vector<512x256xi1>, vector<512x256xf32>
      %reduce_min3A = arith.constant dense<0x7F800000> : vector<256xf32>
      %reduce_min3A_250 = vector.multi_reduction <minimumf>, %select_n3A, %reduce_min3A [0] : vector<512x256xf32> to vector<256xf32>
      %broadcast_in_dim3A_251 = vector.shape_cast %reduce_min3A_250 : vector<256xf32> to vector<1x256xf32>
      %eq3A_252 = vector.broadcast %broadcast_in_dim3A_251 : vector<1x256xf32> to vector<512x256xf32>
      %eq3A_253 = arith.cmpf oeq, %select_n3A, %eq3A_252 : vector<512x256xf32>
      %jit3A_254 = arith.constant 1073741824 : i32
      %broadcast_in_dim3A_255 = vector.broadcast %jit3A_254 : i32 to vector<512x256xi32>
      %select_n3A_256 = arith.select %eq3A_253, %iota3A, %broadcast_in_dim3A_255 : vector<512x256xi1>, vector<512x256xi32>
      %reduce_min3A_257 = arith.constant dense<2147483647> : vector<256xi32>
      %reduce_min3A_258 = vector.multi_reduction <minsi>, %select_n3A_256, %reduce_min3A_257 [0] : vector<512x256xi32> to vector<256xi32>
      %broadcast_in_dim3A_259 = vector.shape_cast %reduce_min3A_258 : vector<256xi32> to vector<1x256xi32>
      %add3A_260 = vector.broadcast %min3A_241 : i32 to vector<1x256xi32>
      %add3A_261 = arith.addi %broadcast_in_dim3A_259, %add3A_260 : vector<1x256xi32>
      %lt3A = arith.cmpf olt, %broadcast_in_dim3A_251, %while3A_237 : vector<1x256xf32>
      %min3A_262 = arith.minimumf %while3A_237, %broadcast_in_dim3A_251 : vector<1x256xf32>
      %select_n3A_263 = arith.select %lt3A, %add3A_261, %while3A_238 : vector<1x256xi1>, vector<1x256xi32>
      scf.yield %min3A_262, %select_n3A_263 : vector<1x256xf32>, vector<1x256xi32>
    }
    %while3A_232 = arith.constant 1 : i32
    %while3A_233:2 = scf.for %while3A_236 = %while3A_229 to %while3A_225 step %while3A_232 iter_args(%while3A_237 = %while3A_231#0, %while3A_238 = %while3A_231#1) -> (vector<1x256xf32>, vector<1x256xi32>)  : i32 {
      %mul3A_239 = arith.constant 512 : i32
      %mul3A_240 = arith.muli %while3A_236, %mul3A_239 : i32
      %add3A = arith.addi %get3A_0, %mul3A_240 : i32
      %min3A = arith.constant 7680 : i32
      %min3A_241 = arith.minsi %add3A, %min3A : i32
      %mul3A_242 = arith.constant 512 : i32
      %mul3A_243 = arith.muli %while3A_236, %mul3A_242 : i32
      %get3A_244 = arith.index_cast %mul3A_243 : i32 to index
      %get3A_245 = arith.constant 0 : index
      %get3A_246 = vector.load %arg9[%get3A_244, %get3A_245] : memref<8192x256xf32, #tpu.memory_space<vmem>>, vector<512x256xf32>
      %sub3A = vector.broadcast %min3A_241 : i32 to vector<1x256xi32>
      %sub3A_247 = arith.subi %while3A_222#1, %sub3A : vector<1x256xi32>
      %eq3A = vector.broadcast %sub3A_247 : vector<1x256xi32> to vector<512x256xi32>
      %eq3A_248 = arith.cmpi eq, %iota3A, %eq3A : vector<512x256xi32>
      %jit3A = arith.constant 2.000000e+30 : f32
      %broadcast_in_dim3A_249 = vector.broadcast %jit3A : f32 to vector<512x256xf32>
      %select_n3A = arith.select %eq3A_248, %broadcast_in_dim3A_249, %get3A_246 : vector<512x256xi1>, vector<512x256xf32>
      %reduce_min3A = arith.constant dense<0x7F800000> : vector<256xf32>
      %reduce_min3A_250 = vector.multi_reduction <minimumf>, %select_n3A, %reduce_min3A [0] : vector<512x256xf32> to vector<256xf32>
      %broadcast_in_dim3A_251 = vector.shape_cast %reduce_min3A_250 : vector<256xf32> to vector<1x256xf32>
      %eq3A_252 = vector.broadcast %broadcast_in_dim3A_251 : vector<1x256xf32> to vector<512x256xf32>
      %eq3A_253 = arith.cmpf oeq, %select_n3A, %eq3A_252 : vector<512x256xf32>
      %jit3A_254 = arith.constant 1073741824 : i32
      %broadcast_in_dim3A_255 = vector.broadcast %jit3A_254 : i32 to vector<512x256xi32>
      %select_n3A_256 = arith.select %eq3A_253, %iota3A, %broadcast_in_dim3A_255 : vector<512x256xi1>, vector<512x256xi32>
      %reduce_min3A_257 = arith.constant dense<2147483647> : vector<256xi32>
      %reduce_min3A_258 = vector.multi_reduction <minsi>, %select_n3A_256, %reduce_min3A_257 [0] : vector<512x256xi32> to vector<256xi32>
      %broadcast_in_dim3A_259 = vector.shape_cast %reduce_min3A_258 : vector<256xi32> to vector<1x256xi32>
      %add3A_260 = vector.broadcast %min3A_241 : i32 to vector<1x256xi32>
      %add3A_261 = arith.addi %broadcast_in_dim3A_259, %add3A_260 : vector<1x256xi32>
      %lt3A = arith.cmpf olt, %broadcast_in_dim3A_251, %while3A_237 : vector<1x256xf32>
      %min3A_262 = arith.minimumf %while3A_237, %broadcast_in_dim3A_251 : vector<1x256xf32>
      %select_n3A_263 = arith.select %lt3A, %add3A_261, %while3A_238 : vector<1x256xi1>, vector<1x256xi32>
      scf.yield %min3A_262, %select_n3A_263 : vector<1x256xf32>, vector<1x256xi32>
    }
    %concatenate3A = tpu.concatenate %while3A_24#1, %while3A_35#1, %while3A_46#1, %while3A_57#1, %while3A_68#1, %while3A_79#1, %while3A_90#1, %while3A_101#1, %while3A_112#1, %while3A_123#1, %while3A_134#1, %while3A_145#1, %while3A_156#1, %while3A_167#1, %while3A_178#1, %while3A_189#1, %while3A_200#1, %while3A_211#1, %while3A_222#1, %while3A_233#1 in 0 : vector<1x256xi32>, vector<1x256xi32>, vector<1x256xi32>, vector<1x256xi32>, vector<1x256xi32>, vector<1x256xi32>, vector<1x256xi32>, vector<1x256xi32>, vector<1x256xi32>, vector<1x256xi32>, vector<1x256xi32>, vector<1x256xi32>, vector<1x256xi32>, vector<1x256xi32>, vector<1x256xi32>, vector<1x256xi32>, vector<1x256xi32>, vector<1x256xi32>, vector<1x256xi32>, vector<1x256xi32> -> vector<20x256xi32>
    %swap3A = arith.constant 0 : index
    %swap3A_234 = arith.constant 0 : index
    %swap3A_235 = vector.load %arg8[%swap3A, %swap3A_234] : memref<20x256xi32, #tpu.memory_space<vmem>>, vector<20x256xi32>
    tpu.vector_store %arg8[%swap3A, %swap3A_234], %concatenate3A {strides = array<i32>} : memref<20x256xi32, #tpu.memory_space<vmem>>, vector<20x256xi32>,
    return
  }
  func.func @transform_0(%arg0: i32, %arg1: memref<32xi32, #tpu.memory_space<smem>>, %arg2: memref<32xi32, #tpu.memory_space<smem>>) -> (i32, i32) {
    %c0_i32 = arith.constant 0 : i32
    %c0_i32_0 = arith.constant 0 : i32
    %c0_i32_1 = arith.constant 0 : i32
    return %c0_i32, %c0_i32_0 : i32, i32
  }
  func.func @transform_1(%arg0: i32, %arg1: memref<32xi32, #tpu.memory_space<smem>>, %arg2: memref<32xi32, #tpu.memory_space<smem>>) -> (i32, i32) {
    %c0_i32 = arith.constant 0 : i32
    %c0_i32_0 = arith.constant 0 : i32
    return %arg0, %c0_i32 : i32, i32
  }
  func.func @transform_2(%arg0: i32, %arg1: memref<32xi32, #tpu.memory_space<smem>>, %arg2: memref<32xi32, #tpu.memory_space<smem>>) -> (i32, i32) {
    %c0_i32 = arith.constant 0 : i32
    %c0_i32_0 = arith.constant 0 : i32
    %c0_i32_1 = arith.constant 0 : i32
    return %c0_i32, %c0_i32_0 : i32, i32
  }
  func.func @transform_3(%arg0: i32, %arg1: memref<32xi32, #tpu.memory_space<smem>>, %arg2: memref<32xi32, #tpu.memory_space<smem>>) -> (i32, i32) {
    %c0_i32 = arith.constant 0 : i32
    %c0_i32_0 = arith.constant 0 : i32
    %c0_i32_1 = arith.constant 0 : i32
    return %c0_i32, %c0_i32_0 : i32, i32
  }
  func.func @transform_4(%arg0: i32, %arg1: memref<32xi32, #tpu.memory_space<smem>>, %arg2: memref<32xi32, #tpu.memory_space<smem>>) -> (i32, i32) {
    %c0_i32 = arith.constant 0 : i32
    %c0_i32_0 = arith.constant 0 : i32
    return %c0_i32, %arg0 : i32, i32
  }
  func.func @transform_5(%arg0: i32, %arg1: memref<32xi32, #tpu.memory_space<smem>>, %arg2: memref<32xi32, #tpu.memory_space<smem>>) -> (i32, i32) {
    %c0_i32 = arith.constant 0 : i32
    %c0_i32_0 = arith.constant 0 : i32
    return %c0_i32, %arg0 : i32, i32
  }
}

module attributes {stable_mosaic.version = 14 : i64} {
  func.func @_pool_body(%arg0: i32, %arg1: memref<16xi32, #tpu.memory_space<smem>>, %arg2: memref<16xi32, #tpu.memory_space<smem>>, %arg3: memref<512x64xf32, #tpu.memory_space<vmem>>, %arg4: memref<20x512x128xf32, #tpu.memory_space<vmem>>, %arg5: memref<512x128xf32, #tpu.memory_space<vmem>>, %arg6: memref<512x1xi32, #tpu.memory_space<vmem>>, %arg7: memref<192x1024xf32, #tpu.memory_space<vmem>>, %arg8: memref<1x1024xf32, #tpu.memory_space<vmem>>, %arg9: memref<1024x512xf32, #tpu.memory_space<vmem>>, %arg10: memref<1x512xf32, #tpu.memory_space<vmem>>, %arg11: memref<512x256xf32, #tpu.memory_space<vmem>>, %arg12: memref<1x256xf32, #tpu.memory_space<vmem>>, %arg13: memref<256x40xf32, #tpu.memory_space<vmem>>, %arg14: memref<1x40xf32, #tpu.memory_space<vmem>>, %arg15: memref<8x40xf32, #tpu.memory_space<vmem>>, %arg16: memref<8x1024xf32, #tpu.memory_space<vmem>>) attributes {dimension_semantics = [#tpu.dimension_semantics<arbitrary>], iteration_bounds = array<i64: 17>, scalar_prefetch = 2 : i64, scratch_operands = 1 : i64, tpu.core_type = #tpu.core_type<tc>, window_params = [{transform_indices = @transform_0, window_bounds = array<i64: 512, 64>}, {transform_indices = @transform_1, window_bounds = array<i64: 20, 512, 128>}, {transform_indices = @transform_2, window_bounds = array<i64: 512, 128>}, {transform_indices = @transform_3, window_bounds = array<i64: 512, 1>}, {pipeline_mode = #tpu.pipeline_mode<synchronous>, transform_indices = @transform_4, window_bounds = array<i64: 192, 1024>}, {pipeline_mode = #tpu.pipeline_mode<synchronous>, transform_indices = @transform_5, window_bounds = array<i64: 1, 1024>}, {pipeline_mode = #tpu.pipeline_mode<synchronous>, transform_indices = @transform_6, window_bounds = array<i64: 1024, 512>}, {pipeline_mode = #tpu.pipeline_mode<synchronous>, transform_indices = @transform_7, window_bounds = array<i64: 1, 512>}, {pipeline_mode = #tpu.pipeline_mode<synchronous>, transform_indices = @transform_8, window_bounds = array<i64: 512, 256>}, {pipeline_mode = #tpu.pipeline_mode<synchronous>, transform_indices = @transform_9, window_bounds = array<i64: 1, 256>}, {pipeline_mode = #tpu.pipeline_mode<synchronous>, transform_indices = @transform_10, window_bounds = array<i64: 256, 40>}, {pipeline_mode = #tpu.pipeline_mode<synchronous>, transform_indices = @transform_11, window_bounds = array<i64: 1, 40>}, {pipeline_mode = #tpu.pipeline_mode<synchronous>, transform_indices = @transform_12, window_bounds = array<i64: 8, 40>}]} {
    %eq3A = arith.constant 0 : i32
    %eq3A_0 = arith.cmpi eq, %arg0, %eq3A : i32
    %convert_element_type3A = arith.extui %eq3A_0 : i1 to i32
    %cond3A = arith.constant 0 : i32
    %cond3A_1 = arith.cmpi ne, %convert_element_type3A, %cond3A : i32
    scf.if %cond3A_1 {
      %broadcast_in_dim3A = arith.constant 0xFF800000 : f32
      %broadcast_in_dim3A_11 = vector.broadcast %broadcast_in_dim3A : f32 to vector<8x1024xf32>
      %swap3A = arith.constant 0 : index
      %swap3A_12 = arith.constant 0 : index
      %swap3A_13 = vector.load %arg16[%swap3A, %swap3A_12] : memref<8x1024xf32, #tpu.memory_space<vmem>>, vector<8x1024xf32>
      tpu.vector_store %arg16[%swap3A, %swap3A_12], %broadcast_in_dim3A_11 {strides = array<i32>} : memref<8x1024xf32, #tpu.memory_space<vmem>>, vector<8x1024xf32>,
    } else {
    }
    %lt3A = arith.constant 16 : i32
    %lt3A_2 = arith.cmpi slt, %arg0, %lt3A : i32
    %convert_element_type3A_3 = arith.extui %lt3A_2 : i1 to i32
    %cond3A_4 = arith.constant 0 : i32
    %cond3A_5 = arith.cmpi ne, %convert_element_type3A_3, %cond3A_4 : i32
    scf.if %cond3A_5 {
      %get3A = arith.constant 0 : index
      %get3A_11 = arith.constant 0 : index
      %get3A_12 = vector.load %arg5[%get3A, %get3A_11] : memref<512x128xf32, #tpu.memory_space<vmem>>, vector<512x128xf32>
      %get3A_13 = arith.constant 0 : index
      %get3A_14 = arith.constant 0 : index
      %get3A_15 = arith.constant 0 : index
      %get3A_16 = vector.load %arg4[%get3A_13, %get3A_14, %get3A_15] : memref<20x512x128xf32, #tpu.memory_space<vmem>>, vector<20x512x128xf32>
      %reduce_max3A = arith.constant dense<0xFF800000> : vector<512x128xf32>
      %reduce_max3A_17 = vector.multi_reduction <maximumf>, %get3A_16, %reduce_max3A [0] : vector<20x512x128xf32> to vector<512x128xf32>
      %add3A = arith.addf %get3A_12, %reduce_max3A_17 : vector<512x128xf32>
      %get3A_18 = arith.constant 0 : index
      %get3A_19 = arith.constant 0 : index
      %get3A_20 = vector.load %arg3[%get3A_18, %get3A_19] : memref<512x64xf32, #tpu.memory_space<vmem>>, vector<512x64xf32>
      %concatenate3A = tpu.concatenate %get3A_20, %add3A in 1 : vector<512x64xf32>, vector<512x128xf32> -> vector<512x192xf32>
      %get3A_21 = arith.constant 0 : index
      %get3A_22 = arith.constant 0 : index
      %get3A_23 = vector.load %arg7[%get3A_21, %get3A_22] : memref<192x1024xf32, #tpu.memory_space<vmem>>, vector<192x1024xf32>
      %dot_general3A = arith.constant dense<0.000000e+00> : vector<512x1024xf32>
      %dot_general3A_24 = tpu.matmul %concatenate3A, %get3A_23, %dot_general3A {dimension_numbers = #tpu.dot_dimension_numbers<[1], [0], [0], [1], [0, 0, 1, 1], [], []>, transpose_lhs_hint = false} : vector<512x192xf32>, vector<192x1024xf32>, vector<512x1024xf32> -> vector<512x1024xf32>
      %get3A_25 = arith.constant 0 : index
      %get3A_26 = arith.constant 0 : index
      %get3A_27 = vector.load %arg8[%get3A_25, %get3A_26] : memref<1x1024xf32, #tpu.memory_space<vmem>>, vector<1x1024xf32>
      %add3A_28 = vector.broadcast %get3A_27 : vector<1x1024xf32> to vector<512x1024xf32>
      %add3A_29 = arith.addf %dot_general3A_24, %add3A_28 : vector<512x1024xf32>
      %get3A_30 = arith.constant 0 : index
      %get3A_31 = arith.constant 0 : index
      %get3A_32 = vector.load %arg6[%get3A_30, %get3A_31] : memref<512x1xi32, #tpu.memory_space<vmem>>, vector<512x1xi32>
      %min3A = arith.constant 15 : i32
      %min3A_33 = arith.minsi %arg0, %min3A : i32
      %get3A_34 = arith.index_cast %min3A_33 : i32 to index
      %get3A_35 = memref.load %arg1[%get3A_34] : memref<16xi32, #tpu.memory_space<smem>>
      %get3A_36 = arith.index_cast %min3A_33 : i32 to index
      %get3A_37 = memref.load %arg2[%get3A_36] : memref<16xi32, #tpu.memory_space<smem>>
      %add3A_38 = arith.constant 1 : i32
      %add3A_39 = arith.addi %get3A_37, %add3A_38 : i32
      %while3A = arith.constant 0 : i32
      %while3A_40 = arith.subi %add3A_39, %get3A_35 : i32
      %while3A_41 = arith.addi %get3A_35, %while3A_40 : i32
      %while3A_42 = arith.constant 1 : i32
      %while3A_43 = arith.divsi %while3A_40, %while3A_42 : i32
      %while3A_44 = arith.muli %while3A_43, %while3A_42 : i32
      %while3A_45 = arith.addi %get3A_35, %while3A_44 : i32
      %while3A_46 = arith.constant 1 : i32
      scf.for %while3A_48 = %get3A_35 to %while3A_45 step %while3A_46  : i32 {
        %eq3A_49 = vector.broadcast %while3A_48 : i32 to vector<512x1xi32>
        %eq3A_50 = arith.cmpi eq, %get3A_32, %eq3A_49 : vector<512x1xi32>
        %jit3A = arith.constant 0xFF800000 : f32
        %broadcast_in_dim3A = vector.shape_cast %eq3A_50 : vector<512x1xi1> to vector<512x1xi1>
        %broadcast_in_dim3A_51 = vector.broadcast %broadcast_in_dim3A : vector<512x1xi1> to vector<512x1024xi1>
        %broadcast_in_dim3A_52 = vector.broadcast %jit3A : f32 to vector<512x1024xf32>
        %select_n3A = arith.select %broadcast_in_dim3A_51, %add3A_29, %broadcast_in_dim3A_52 : vector<512x1024xi1>, vector<512x1024xf32>
        %reduce_max3A_53 = arith.constant dense<0xFF800000> : vector<1024xf32>
        %reduce_max3A_54 = vector.multi_reduction <maximumf>, %select_n3A, %reduce_max3A_53 [0] : vector<512x1024xf32> to vector<1024xf32>
        %broadcast_in_dim3A_55 = vector.shape_cast %reduce_max3A_54 : vector<1024xf32> to vector<1x1024xf32>
        %get3A_56 = arith.index_cast %while3A_48 : i32 to index
        %get3A_57 = arith.constant 0 : index
        %get3A_58 = vector.load %arg16[%get3A_56, %get3A_57] : memref<8x1024xf32, #tpu.memory_space<vmem>>, vector<1x1024xf32>
        %max3A = arith.maximumf %get3A_58, %broadcast_in_dim3A_55 : vector<1x1024xf32>
        %swap3A = arith.index_cast %while3A_48 : i32 to index
        %swap3A_59 = arith.constant 0 : index
        %swap3A_60 = vector.load %arg16[%swap3A, %swap3A_59] : memref<8x1024xf32, #tpu.memory_space<vmem>>, vector<1x1024xf32>
        tpu.vector_store %arg16[%swap3A, %swap3A_59], %max3A {strides = array<i32>} : memref<8x1024xf32, #tpu.memory_space<vmem>>, vector<1x1024xf32>,
      }
      %while3A_47 = arith.constant 1 : i32
      scf.for %while3A_48 = %while3A_45 to %while3A_41 step %while3A_47  : i32 {
        %eq3A_49 = vector.broadcast %while3A_48 : i32 to vector<512x1xi32>
        %eq3A_50 = arith.cmpi eq, %get3A_32, %eq3A_49 : vector<512x1xi32>
        %jit3A = arith.constant 0xFF800000 : f32
        %broadcast_in_dim3A = vector.shape_cast %eq3A_50 : vector<512x1xi1> to vector<512x1xi1>
        %broadcast_in_dim3A_51 = vector.broadcast %broadcast_in_dim3A : vector<512x1xi1> to vector<512x1024xi1>
        %broadcast_in_dim3A_52 = vector.broadcast %jit3A : f32 to vector<512x1024xf32>
        %select_n3A = arith.select %broadcast_in_dim3A_51, %add3A_29, %broadcast_in_dim3A_52 : vector<512x1024xi1>, vector<512x1024xf32>
        %reduce_max3A_53 = arith.constant dense<0xFF800000> : vector<1024xf32>
        %reduce_max3A_54 = vector.multi_reduction <maximumf>, %select_n3A, %reduce_max3A_53 [0] : vector<512x1024xf32> to vector<1024xf32>
        %broadcast_in_dim3A_55 = vector.shape_cast %reduce_max3A_54 : vector<1024xf32> to vector<1x1024xf32>
        %get3A_56 = arith.index_cast %while3A_48 : i32 to index
        %get3A_57 = arith.constant 0 : index
        %get3A_58 = vector.load %arg16[%get3A_56, %get3A_57] : memref<8x1024xf32, #tpu.memory_space<vmem>>, vector<1x1024xf32>
        %max3A = arith.maximumf %get3A_58, %broadcast_in_dim3A_55 : vector<1x1024xf32>
        %swap3A = arith.index_cast %while3A_48 : i32 to index
        %swap3A_59 = arith.constant 0 : index
        %swap3A_60 = vector.load %arg16[%swap3A, %swap3A_59] : memref<8x1024xf32, #tpu.memory_space<vmem>>, vector<1x1024xf32>
        tpu.vector_store %arg16[%swap3A, %swap3A_59], %max3A {strides = array<i32>} : memref<8x1024xf32, #tpu.memory_space<vmem>>, vector<1x1024xf32>,
      }
    } else {
    }
    %eq3A_6 = arith.constant 16 : i32
    %eq3A_7 = arith.cmpi eq, %arg0, %eq3A_6 : i32
    %convert_element_type3A_8 = arith.extui %eq3A_7 : i1 to i32
    %cond3A_9 = arith.constant 0 : i32
    %cond3A_10 = arith.cmpi ne, %convert_element_type3A_8, %cond3A_9 : i32
    scf.if %cond3A_10 {
      %get3A = arith.constant 0 : index
      %get3A_11 = arith.constant 0 : index
      %get3A_12 = vector.load %arg16[%get3A, %get3A_11] : memref<8x1024xf32, #tpu.memory_space<vmem>>, vector<8x1024xf32>
      %get3A_13 = arith.constant 0 : index
      %get3A_14 = arith.constant 0 : index
      %get3A_15 = vector.load %arg9[%get3A_13, %get3A_14] : memref<1024x512xf32, #tpu.memory_space<vmem>>, vector<1024x512xf32>
      %dot_general3A = arith.constant dense<0.000000e+00> : vector<8x512xf32>
      %dot_general3A_16 = tpu.matmul %get3A_12, %get3A_15, %dot_general3A {dimension_numbers = #tpu.dot_dimension_numbers<[1], [0], [0], [1], [0, 0, 1, 1], [], []>, transpose_lhs_hint = false} : vector<8x1024xf32>, vector<1024x512xf32>, vector<8x512xf32> -> vector<8x512xf32>
      %get3A_17 = arith.constant 0 : index
      %get3A_18 = arith.constant 0 : index
      %get3A_19 = vector.load %arg10[%get3A_17, %get3A_18] : memref<1x512xf32, #tpu.memory_space<vmem>>, vector<1x512xf32>
      %add3A = vector.broadcast %get3A_19 : vector<1x512xf32> to vector<8x512xf32>
      %add3A_20 = arith.addf %dot_general3A_16, %add3A : vector<8x512xf32>
      %max3A = arith.constant 0.000000e+00 : f32
      %max3A_21 = vector.broadcast %max3A : f32 to vector<8x512xf32>
      %max3A_22 = arith.maximumf %add3A_20, %max3A_21 : vector<8x512xf32>
      %get3A_23 = arith.constant 0 : index
      %get3A_24 = arith.constant 0 : index
      %get3A_25 = vector.load %arg11[%get3A_23, %get3A_24] : memref<512x256xf32, #tpu.memory_space<vmem>>, vector<512x256xf32>
      %dot_general3A_26 = arith.constant dense<0.000000e+00> : vector<8x256xf32>
      %dot_general3A_27 = tpu.matmul %max3A_22, %get3A_25, %dot_general3A_26 {dimension_numbers = #tpu.dot_dimension_numbers<[1], [0], [0], [1], [0, 0, 1, 1], [], []>, transpose_lhs_hint = false} : vector<8x512xf32>, vector<512x256xf32>, vector<8x256xf32> -> vector<8x256xf32>
      %get3A_28 = arith.constant 0 : index
      %get3A_29 = arith.constant 0 : index
      %get3A_30 = vector.load %arg12[%get3A_28, %get3A_29] : memref<1x256xf32, #tpu.memory_space<vmem>>, vector<1x256xf32>
      %add3A_31 = vector.broadcast %get3A_30 : vector<1x256xf32> to vector<8x256xf32>
      %add3A_32 = arith.addf %dot_general3A_27, %add3A_31 : vector<8x256xf32>
      %max3A_33 = arith.constant 0.000000e+00 : f32
      %max3A_34 = vector.broadcast %max3A_33 : f32 to vector<8x256xf32>
      %max3A_35 = arith.maximumf %add3A_32, %max3A_34 : vector<8x256xf32>
      %get3A_36 = arith.constant 0 : index
      %get3A_37 = arith.constant 0 : index
      %get3A_38 = vector.load %arg13[%get3A_36, %get3A_37] : memref<256x40xf32, #tpu.memory_space<vmem>>, vector<256x40xf32>
      %dot_general3A_39 = arith.constant dense<0.000000e+00> : vector<8x40xf32>
      %dot_general3A_40 = tpu.matmul %max3A_35, %get3A_38, %dot_general3A_39 {dimension_numbers = #tpu.dot_dimension_numbers<[1], [0], [0], [1], [0, 0, 1, 1], [], []>, transpose_lhs_hint = false} : vector<8x256xf32>, vector<256x40xf32>, vector<8x40xf32> -> vector<8x40xf32>
      %get3A_41 = arith.constant 0 : index
      %get3A_42 = arith.constant 0 : index
      %get3A_43 = vector.load %arg14[%get3A_41, %get3A_42] : memref<1x40xf32, #tpu.memory_space<vmem>>, vector<1x40xf32>
      %add3A_44 = vector.broadcast %get3A_43 : vector<1x40xf32> to vector<8x40xf32>
      %add3A_45 = arith.addf %dot_general3A_40, %add3A_44 : vector<8x40xf32>
      %reduce_max3A = arith.constant dense<0xFF800000> : vector<8xf32>
      %reduce_max3A_46 = vector.multi_reduction <maximumf>, %add3A_45, %reduce_max3A [1] : vector<8x40xf32> to vector<8xf32>
      %broadcast_in_dim3A = vector.shape_cast %reduce_max3A_46 : vector<8xf32> to vector<8x1xf32>
      %sub3A = vector.broadcast %broadcast_in_dim3A : vector<8x1xf32> to vector<8x40xf32>
      %sub3A_47 = arith.subf %add3A_45, %sub3A : vector<8x40xf32>
      %exp3A = math.exp %sub3A_47 : vector<8x40xf32>
      %reduce_sum3A = arith.constant dense<0.000000e+00> : vector<8xf32>
      %reduce_sum3A_48 = vector.multi_reduction <add>, %exp3A, %reduce_sum3A [1] : vector<8x40xf32> to vector<8xf32>
      %broadcast_in_dim3A_49 = vector.shape_cast %reduce_sum3A_48 : vector<8xf32> to vector<8x1xf32>
      %log3A = math.log %broadcast_in_dim3A_49 : vector<8x1xf32>
      %sub3A_50 = vector.broadcast %log3A : vector<8x1xf32> to vector<8x40xf32>
      %sub3A_51 = arith.subf %sub3A_47, %sub3A_50 : vector<8x40xf32>
      %swap3A = arith.constant 0 : index
      %swap3A_52 = arith.constant 0 : index
      %swap3A_53 = vector.load %arg15[%swap3A, %swap3A_52] : memref<8x40xf32, #tpu.memory_space<vmem>>, vector<8x40xf32>
      tpu.vector_store %arg15[%swap3A, %swap3A_52], %sub3A_51 {strides = array<i32>} : memref<8x40xf32, #tpu.memory_space<vmem>>, vector<8x40xf32>,
    } else {
    }
    return
  }
  func.func @transform_0(%arg0: i32, %arg1: memref<16xi32, #tpu.memory_space<smem>>, %arg2: memref<16xi32, #tpu.memory_space<smem>>) -> (i32, i32) {
    %min3A = arith.constant 15 : i32
    %min3A_0 = arith.minsi %arg0, %min3A : i32
    %c0_i32 = arith.constant 0 : i32
    %c0_i32_1 = arith.constant 0 : i32
    return %min3A_0, %c0_i32 : i32, i32
  }
  func.func @transform_1(%arg0: i32, %arg1: memref<16xi32, #tpu.memory_space<smem>>, %arg2: memref<16xi32, #tpu.memory_space<smem>>) -> (i32, i32, i32) {
    %min3A = arith.constant 15 : i32
    %min3A_0 = arith.minsi %arg0, %min3A : i32
    %c0_i32 = arith.constant 0 : i32
    %c0_i32_1 = arith.constant 0 : i32
    %c0_i32_2 = arith.constant 0 : i32
    return %c0_i32, %min3A_0, %c0_i32_1 : i32, i32, i32
  }
  func.func @transform_2(%arg0: i32, %arg1: memref<16xi32, #tpu.memory_space<smem>>, %arg2: memref<16xi32, #tpu.memory_space<smem>>) -> (i32, i32) {
    %min3A = arith.constant 15 : i32
    %min3A_0 = arith.minsi %arg0, %min3A : i32
    %c0_i32 = arith.constant 0 : i32
    %c0_i32_1 = arith.constant 0 : i32
    return %min3A_0, %c0_i32 : i32, i32
  }
  func.func @transform_3(%arg0: i32, %arg1: memref<16xi32, #tpu.memory_space<smem>>, %arg2: memref<16xi32, #tpu.memory_space<smem>>) -> (i32, i32) {
    %min3A = arith.constant 15 : i32
    %min3A_0 = arith.minsi %arg0, %min3A : i32
    %c0_i32 = arith.constant 0 : i32
    %c0_i32_1 = arith.constant 0 : i32
    return %min3A_0, %c0_i32 : i32, i32
  }
  func.func @transform_4(%arg0: i32, %arg1: memref<16xi32, #tpu.memory_space<smem>>, %arg2: memref<16xi32, #tpu.memory_space<smem>>) -> (i32, i32) {
    %c0_i32 = arith.constant 0 : i32
    %c0_i32_0 = arith.constant 0 : i32
    %c0_i32_1 = arith.constant 0 : i32
    return %c0_i32, %c0_i32_0 : i32, i32
  }
  func.func @transform_5(%arg0: i32, %arg1: memref<16xi32, #tpu.memory_space<smem>>, %arg2: memref<16xi32, #tpu.memory_space<smem>>) -> (i32, i32) {
    %c0_i32 = arith.constant 0 : i32
    %c0_i32_0 = arith.constant 0 : i32
    %c0_i32_1 = arith.constant 0 : i32
    return %c0_i32, %c0_i32_0 : i32, i32
  }
  func.func @transform_6(%arg0: i32, %arg1: memref<16xi32, #tpu.memory_space<smem>>, %arg2: memref<16xi32, #tpu.memory_space<smem>>) -> (i32, i32) {
    %c0_i32 = arith.constant 0 : i32
    %c0_i32_0 = arith.constant 0 : i32
    %c0_i32_1 = arith.constant 0 : i32
    return %c0_i32, %c0_i32_0 : i32, i32
  }
  func.func @transform_7(%arg0: i32, %arg1: memref<16xi32, #tpu.memory_space<smem>>, %arg2: memref<16xi32, #tpu.memory_space<smem>>) -> (i32, i32) {
    %c0_i32 = arith.constant 0 : i32
    %c0_i32_0 = arith.constant 0 : i32
    %c0_i32_1 = arith.constant 0 : i32
    return %c0_i32, %c0_i32_0 : i32, i32
  }
  func.func @transform_8(%arg0: i32, %arg1: memref<16xi32, #tpu.memory_space<smem>>, %arg2: memref<16xi32, #tpu.memory_space<smem>>) -> (i32, i32) {
    %c0_i32 = arith.constant 0 : i32
    %c0_i32_0 = arith.constant 0 : i32
    %c0_i32_1 = arith.constant 0 : i32
    return %c0_i32, %c0_i32_0 : i32, i32
  }
  func.func @transform_9(%arg0: i32, %arg1: memref<16xi32, #tpu.memory_space<smem>>, %arg2: memref<16xi32, #tpu.memory_space<smem>>) -> (i32, i32) {
    %c0_i32 = arith.constant 0 : i32
    %c0_i32_0 = arith.constant 0 : i32
    %c0_i32_1 = arith.constant 0 : i32
    return %c0_i32, %c0_i32_0 : i32, i32
  }
  func.func @transform_10(%arg0: i32, %arg1: memref<16xi32, #tpu.memory_space<smem>>, %arg2: memref<16xi32, #tpu.memory_space<smem>>) -> (i32, i32) {
    %c0_i32 = arith.constant 0 : i32
    %c0_i32_0 = arith.constant 0 : i32
    %c0_i32_1 = arith.constant 0 : i32
    return %c0_i32, %c0_i32_0 : i32, i32
  }
  func.func @transform_11(%arg0: i32, %arg1: memref<16xi32, #tpu.memory_space<smem>>, %arg2: memref<16xi32, #tpu.memory_space<smem>>) -> (i32, i32) {
    %c0_i32 = arith.constant 0 : i32
    %c0_i32_0 = arith.constant 0 : i32
    %c0_i32_1 = arith.constant 0 : i32
    return %c0_i32, %c0_i32_0 : i32, i32
  }
  func.func @transform_12(%arg0: i32, %arg1: memref<16xi32, #tpu.memory_space<smem>>, %arg2: memref<16xi32, #tpu.memory_space<smem>>) -> (i32, i32) {
    %c0_i32 = arith.constant 0 : i32
    %c0_i32_0 = arith.constant 0 : i32
    %c0_i32_1 = arith.constant 0 : i32
    return %c0_i32, %c0_i32_0 : i32, i32
  }
}

</mosaic_0001>

<sc_bundles>
// kernel: kernel.10.cloned.1.call-start
scs
__scs_entry_jumppad:
0x0: {  	(pc) =	sbr.rel $0x88, $3  }
0x1: {  	(tag) =	ssettag $0x0;
	lr =	simm.s32 $0x1  }
0x2: {  	[smem:$0x3F8B] =	sst lr;
	_ =	strace $0xD0000000  }
0x3: {  	_ = 	snop  }
0x4: {  	_ = 	snop  }
0x5: {  	_ = 	snop  }
0x6: {  	_ = 	snop  }
0x7: {  	_ = 	snop  }
__scs_overlays_trampoline_lowered:
0x8: {  	[smem:$0x3F9A] =	sst s0  }
0x9: {  	[smem:$0x3F9B] =	sst s1  }
0xa: {  	[smem:$0x3F9C] =	sst s2  }
0xb: {  	[smem:$0x3F9D] =	sst s3  }
0xc: {  	[smem:$0x3F9E] =	sst s4  }
0xd: {  	[smem:$0x3F9F] =	sst s5  }
0xe: {  	[smem:$0x3FA0] =	sst s6  }
0xf: {  	[smem:$0x3FA1] =	sst s7  }
0x10: {  	[smem:$0x3FA2] =	sst s8  }
0x11: {  	[smem:$0x3FA3] =	sst s9;
	s0 =	simm.s32 @!p0 $0x0  }
0x12: {  	s1 =	sld [smem:$0x3F89];
	s0 =	simm.s32 @p0 $0x1  }
0x13: {  	[smem:$0x3FA4] =	sst s0;
	s0 =	simm.s32 @!p1 $0x0  }
0x14: {  	s2 =	sld [smem:$0x3F88];
	s0 =	simm.s32 @p1 $0x1  }
0x15: {  	[smem:$0x3FA5] =	sst s0;
	s0 =	simm.s32 @!p2 $0x0  }
0x16: {  	s3 =	sld [smem:$0x3FDB];
	s0 =	simm.s32 @p2 $0x1  }
0x17: {  	s4 =	simm.s32 $0x1BF5;
	[smem:$0x3FA7] =	sst s0  }
0x18: {  	s0 =	sld [smem:$0x3F8A];
	_ =	swait.ge [sflag:s4], $0x0  }
0x19: {  	s7 =	sld [smem:$0x3F8B]  }
0x1a: {  	s8 =	sadd.s32 $0xFFFFE003, lr  }
0x1b: {  	s9 =	sadd.s32 $0xFFFFFEF7, lr;
	s5 =	simm.s32 $0xFFFFFFFF;
	p2 =	slt.u32 s8, $0xFFFFF086  }
0x1c: {  	p1 =	slt.u32 s9, $0xF7A;
	s5 =	simm.s32 @!p2 $0x0  }
0x1d: {  	s5 =	simm.s32 @p1 $0x1;
	p0 =	seq.s32 s7, s2  }
0x1e: {  	s7 =	smul.u32 @!p0 $0xF7A, s2;
	p2 =	seq.s32 @!p0 s5, $0x0  }
0x1f: {  	s9 =	smul.u32 $0xF7A, s1;
	s8 =	simm.s32 @!p0 $0x1BF5;
	p2 =	por !p2, p0  }
0x20: {  	[sflag:s8] =	ssyncset.s32 @!p0 $0xFFFFF086;
	s6 =	sadd.s32 @!p0 s3, s7;
	s7 =	simm.s32 @!p0 $0x108  }
0x21: {  	s3 =	sadd.s32 s3, s9;
	s6 =	sadd.s32 @!p0 $0x88, s6;
	s7 =	simm.s32 @p2 $0x1082  }
0x22: {  	[simem:s7], [sflag:s8] =	dma.local @!p0 [hbm:s6], $0xF7A  }
0x23: {  	s9 =	sor.u32 $0xD0000000, s2;
	s6 =	simm.s32 $0x108;
	_ =	swait.ge @!p0 [sflag:s8], $0x0  }
0x24: {  	s3 =	sadd.s32 $0x88, s3;
	s6 =	simm.s32 @!p1 $0x1082;
	[sflag:s4] =	ssyncset.s32 $0xFFFFF086  }
0x25: {  	[simem:s6], [sflag:s4] =	dma.local [hbm:s3], $0xF7A  }
0x26: {  	[smem:$0x3F8B] =	sst s1;
	(tag) =	ssettag s2;
	_ =	strace s9  }
0x27: {  	s1 =	sld [smem:$0x3F9B]  }
0x28: {  	s2 =	sld [smem:$0x3F9C]  }
0x29: {  	s4 =	sld [smem:$0x3F9E]  }
0x2a: {  	p0 =	seq.s32 s5, $0x0;
	s5 =	sld [smem:$0x3F9F]  }
0x2b: {  	s6 =	sld [smem:$0x3FA0]  }
0x2c: {  	s7 =	sld [smem:$0x3FA1]  }
0x2d: {  	s3 =	simm.s32 $0x108;
	s8 =	sld [smem:$0x3FA2]  }
0x2e: {  	s3 =	simm.s32 @!p0 $0x1082;
	s9 =	sld [smem:$0x3FA3]  }
0x2f: {  	lr =	sadd.s32 s0, s3;
	s0 =	sld [smem:$0x3F9A]  }
0x30: {  	s3 =	sld [smem:$0x3F9D]  }
0x31: {  	[smem:$0x3FA6] =	sst s10  }
0x32: {  	s10 =	sld [smem:$0x3FA4];
	_ =	sdelay $0x3  }
0x33: {  	p0 =	seq.s32 s10, $0x1;
	s10 =	sld [smem:$0x3FA6];
	_ =	sdelay $0x3  }
0x34: {  	[smem:$0x3FA6] =	sst s10  }
0x35: {  	s10 =	sld [smem:$0x3FA5];
	_ =	sdelay $0x3  }
0x36: {  	p1 =	seq.s32 s10, $0x1;
	s10 =	sld [smem:$0x3FA6];
	_ =	sdelay $0x3  }
0x37: {  	[smem:$0x3FA6] =	sst s10  }
0x38: {  	s10 =	sld [smem:$0x3FA7]  }
0x39: {  	_ = 	snop;
	(pc) =	sbr.ind lr, $3  }
0x3a: {  	_ = 	snop  }
0x3b: {  	_ = 	snop  }
0x3c: {  	p2 =	seq.s32 s10, $0x1;
	s10 =	sld [smem:$0x3FA6]  }
0x3d: {  	_ =	shalt  }
0x3e: {  	_ =	shalt  }
0x3f: {  	_ =	shalt  }
0x40: {  	_ =	shalt  }
0x41: {  	_ =	shalt  }
0x42: {  	_ =	shalt  }
0x43: {  	_ =	shalt  }
0x44: {  	_ =	shalt  }
0x45: {  	_ =	shalt  }
0x46: {  	_ =	shalt  }
0x47: {  	_ =	shalt  }
0x48: {  	_ =	shalt  }
0x49: {  	_ =	shalt  }
0x4a: {  	_ =	shalt  }
0x4b: {  	_ =	shalt  }
0x4c: {  	_ =	shalt  }
0x4d: {  	_ =	shalt  }
0x4e: {  	_ =	shalt  }
0x4f: {  	_ =	shalt  }
0x50: {  	_ =	shalt  }
0x51: {  	_ =	shalt  }
0x52: {  	_ =	shalt  }
0x53: {  	_ =	shalt  }
0x54: {  	_ =	shalt  }
0x55: {  	_ =	shalt  }
0x56: {  	_ =	shalt  }
0x57: {  	_ =	shalt  }
0x58: {  	_ =	shalt  }
0x59: {  	_ =	shalt  }
0x5a: {  	_ =	shalt  }
0x5b: {  	_ =	shalt  }
0x5c: {  	_ =	shalt  }
0x5d: {  	_ =	shalt  }
0x5e: {  	_ =	shalt  }
0x5f: {  	_ =	shalt  }
0x60: {  	_ =	shalt  }
0x61: {  	_ =	shalt  }
0x62: {  	_ =	shalt  }
0x63: {  	_ =	shalt  }
0x64: {  	_ =	shalt  }
0x65: {  	_ =	shalt  }
0x66: {  	_ =	shalt  }
0x67: {  	_ =	shalt  }
0x68: {  	_ =	shalt  }
0x69: {  	_ =	shalt  }
0x6a: {  	_ =	shalt  }
0x6b: {  	_ =	shalt  }
0x6c: {  	_ =	shalt  }
0x6d: {  	_ =	shalt  }
0x6e: {  	_ =	shalt  }
0x6f: {  	_ =	shalt  }
0x70: {  	_ =	shalt  }
0x71: {  	_ =	shalt  }
0x72: {  	_ =	shalt  }
0x73: {  	_ =	shalt  }
0x74: {  	_ =	shalt  }
0x75: {  	_ =	shalt  }
0x76: {  	_ =	shalt  }
0x77: {  	_ =	shalt  }
0x78: {  	_ =	shalt  }
0x79: {  	_ =	shalt  }
0x7a: {  	_ =	shalt  }
0x7b: {  	_ =	shalt  }
0x7c: {  	_ =	shalt  }
0x7d: {  	_ =	shalt  }
0x7e: {  	_ =	shalt  }
0x7f: {  	_ =	shalt  }
0x80: {  	_ =	shalt  }
0x81: {  	_ =	shalt  }
0x82: {  	_ =	shalt  }
0x83: {  	_ =	shalt  }
0x84: {  	_ =	shalt  }
0x85: {  	_ =	shalt  }
0x86: {  	_ =	shalt  }
0x87: {  	_ =	shalt  }
.Lfunc_end0:
.L_simem_size_0:
called_computation_lowered:
.L_overlay_start_0:
0x88: {  	s2 =	sld [smem:$0x3FD9]  }
0x89: {  	s3 =	sld [smem:$0x3FFE];
	_ =	sdelay $0x1  }
0x8a: {  	s1 =	srdreg.scid  }
0x8b: {  	s0 =	sand.u32 $0x1, s1  }
0x8c: {  	s16 =	sshll.u32 s0, $0xA;
	s2 =	sadd.s32 s3, s2  }
0x8d: {  	s2 =	sadd.s32 s2, s16  }
0x8e: {  	[smem:$0x3FB2] =	sst s2  }
0x8f: {  	_ = 	snop  }
0x90: {  	(tm) =	ssettm $0x1  }
0x91: {  	s17 =	sld [smem:$0x3FFB];
	_ =	sdelay $0x3  }
0x92: {  	_ =	strace s17  }
0x93: {  	s2 =	sld [smem:$0x3FFC];
	_ =	sdelay $0x3  }
0x94: {  	_ =	strace s2  }
0x95: {  	s2 =	sld [smem:$0x3FFD];
	_ =	sdelay $0x3  }
0x96: {  	_ =	strace s2  }
0x97: {  	_ =	strace $0x8FFFFFFF  }
0x98: {  	s18 =	sld [smem:$0x3FDB];
	_ =	sdelay $0x1  }
0x99: {  	s19 =	simm.s32 $_scs_section_size  }
0x9a: {  	s4 =	simm.s32 $_size__tile_overlayer_lowered;
	s5 =	simm.s32 $_tile_overlayer_lowered  }
0x9b: {  	s22 =	simm.s32 $0x1BFF;
	s21 =	sshll.u32 s5, $0x1;
	s2 =	sadd.s32 s19, s18  }
0x9c: {  	s6 =	simm.s32 $0x0;
	s20 =	sshll.u32 s4, $0x1;
	s4 =	sadd.s32 s21, s2  }
0x9d: {  	[timem:s6], [sflag:s22] =	dma.local [hbm:s4], s20  }
0x9e: {  	_ =	swait.ge [sflag:s22], s20  }
0x9f: {  	s3 =	ssub.s32 $0x0, s20;
	[sflag:s22] =	ssyncset.done $0x0  }
0xa0: {  	[sflag:s22] =	ssyncadd.s32 s3;
	_ =	sdelay $0x1  }
0xa1: {  	s23 =	simm.s32 $0x1B8B  }
0xa2: {  	_ =	swait.ge [sflag:s23], $0x1  }
0xa3: {  	[sflag:s23] =	ssyncset.done $0x0  }
0xa4: {  	s25 =	simm.s32 $0x1B8E;
	s24 =	sld [smem:$0x3FFE];
	[sflag:s23] =	ssyncadd.s32 $0xFFFFFFFF  }
0xa5: {  	s26 =	simm.s32 $execute0_lowered;
	[smem:$0x3FD2] =	sst s25  }
0xa6: {  	s4 =	sshll.u32 s26, $0x1;
	_ =	strace $0x80000046;
	[dreg:$0x1] =	wrdreg $0xFFFFFFFF  }
0xa7: {  	s28 =	simm.s32 $_size_execute0_lowered;
	s2 =	sadd.s32 s2, s4;
	[dreg:$0x0] =	wrdreg $0x0  }
0xa8: {  	s4 =	sshll.u32 s28, $0x1;
	[dreg:$0x2] =	wrdreg s2  }
0xa9: {  	[dreg:$0x3] =	wrdreg s4  }
0xaa: {  	[dreg:$0x4] =	wrdreg $0xC0  }
0xab: {  	_ =	task [dreg:s6], $0x5FFFF  }
0xac: {  	[dreg:$0x1] =	wrdreg $0xFFFFFFFF  }
0xad: {  	[dreg:$0x0] =	wrdreg $0x60  }
0xae: {  	[dreg:$0x2] =	wrdreg s24  }
0xaf: {  	[dreg:$0x3] =	wrdreg $0x9  }
0xb0: {  	_ =	task.clear_ibuf [dreg:s6], $0x4FFFF;
	_ =	strace $0x90000046  }
0xb1: {  	s29 =	simm.s32 $0x9;
	_ =	strace $0x80000048  }
0xb2: {  	_ =	swait.ge [sflag:s29], $0x1  }
0xb3: {  	[sflag:s29] =	ssyncadd.s32 $0xFFFFFFFF  }
0xb4: {  	_ =	strace $0x90000048  }
0xb5: {  	_ =	sfence  }
0xb6: {  	s30 =	sld [smem:$0x0];
	_ =	sdelay $0x2  }
0xb7: {  	s31 =	sshll.u32 s1, $0xD;
	s1 =	sshrl.u32 s1, $0x2  }
0xb8: {  	s3 =	sand.u32 $0x4000, s31;
	s1 =	sadd.s32 s1, s30  }
0xb9: {  	s0 =	sor.u32 s3, s0;
	s1 =	sshll.u32 s1, $0x11  }
0xba: {  	s0 =	sor.u32 s1, s0  }
0xbb: {  	s0 =	sadd.s32 $0x8F2B, s0  }
0xbc: {  	[sflag:s0] =	ssyncadd.remote.s32 $0x1  }
0xbd: {  	_ =	sfence.sel $0xFFFF  }
0xbe: {  	[dreg:$0x0] =	wrdreg $0xFFFFFFFF;
	(pc) =	sbr.abs _section_cstart, $3  }
0xbf: {  	[dreg:$0x1] =	wrdreg $0xFFFFFFFF  }
0xc0: {  	_ =	task.clear_ibuf [dreg:s6], $0x2FFFF;
	_ =	strace $0x9FFFFFFF  }
0xc1: {  	(tm) =	ssettm $0x7FFFFFFF  }
tec
execute0_lowered:
.L_overlay_start_1:
0x0: {  	(tag) =	ssettag $0x1  }
0x1: {  	s4 =	rddreg [dreg:$0x0]  }
0x2: {  	s0 =	rddreg [dreg:$0x1];
	s2 =	simm.s32 $0x0  }
0x3: {  	s3 =	srdreg.scid;
	s1 =	stileid.u32;
	s16 =	simm.s32 $0x8200  }
0x4: {  	s17 =	simm.s32 $0x2;
	s18 =	simm.s32 $0x0;
	s12 =	smul.u32 $0x28000, s1  }
0x5: {  	[smem:$0x7FF] =	sst s2;
	s8 =	sand.u32 $0x1, s3;
	s13 =	smul.u32 $0x2800, s1  }
0x6: {  	s5 =	sshll.u32 s1, $0x1;
	s3 =	sadd.s32 $0x3600, s4;
	s14 =	smul.u32 $0x1400, s8  }
0x7: {  	s11 =	sadd.s32 $0x23600, s4;
	s5 =	sor.u32 s8, s5;
	s15 =	smul.u32 $0x14000, s8  }
0x8: {  	s10 =	sadd.s32 $0x28600, s4;
	s6 =	ssub.s32 $0x2, s8;
	s9 =	smul.u32 $0x1400, s5  }
0x9: {  	_ =	strace $0x80000047;
	s7 =	sshrl.u32 s6, $0x1;
	s24 =	smul.u32 $0x14000, s5  }
0xa: {  	s28 =	sadd.s32 s12, s10;
	s23 =	ssub.s32 s6, s7;
	s29 =	sadd.s32 s14, s13  }
0xb: {  	s13 =	simm.s32 $0x100;
	s14 =	simm.s32 $0x200;
	s4 =	smax.u32 s23, $0x1  }
0xc: {  	s25 =	sshrl.u32 s9, $0x3;
	s9 =	sor.u32 $0x100, s9;
	s6 =	sadd.s32 s10, s24  }
0xd: {  	s30 =	sor.u32 $0x300, s29;
	s5 =	sadd.s32 s11, s25;
	s26 =	sshrl.u32 s9, $0x3  }
0xe: {  	s9 =	sshll.u32 s9, $0x4;
	s12 =	sshrl.u32 s30, $0x3;
	s7 =	sadd.s32 s11, s26  }
0xf: {  	s8 =	sadd.s32 s10, s9;
	s9 =	sadd.s32 s15, s28;
	s10 =	sor.u32 $0x200, s29  }
0x10: {  	s15 =	simm.s32 $0x1;
	s9 =	sadd.s32 $0x3000, s9;
	s31 =	sshrl.u32 s10, $0x3  }
0x11: {  	s10 =	sadd.s32 s12, s11;
	s12 =	simm.s32 $0x3;
	s11 =	sadd.s32 s31, s11  }
.LBB2_1:
0x12: {  	[tilespmem:s2], [sflag:$0x3] =	stream.linear.gather [hbm4b:s5+s2], $0x100, $0x38;
	[tilespmem:$0x10200] =	vst v63  }
0x13: {  	_ =	swait.ge [sflag:s12], $0x100  }
0x14: {  	[sflag:s12] =	ssyncset.done $0x0  }
0x15: {  	[sflag:s12] =	ssyncadd.s32 $0xFFFFFF00  }
0x16: {  	[tilespmem:s14], [sflag:$0x1] =	stream.indirect.gather [hbm4b:s3+s13], $0x80, s2, s13, $0xb8;
	[tilespmem:$0x10200] =	vst v63  }
0x17: {  	_ =	swait.ge [sflag:s15], $0x8000  }
0x18: {  	[sflag:s15] =	ssyncset.done $0x0  }
0x19: {  	[sflag:s15] =	ssyncadd.s32 $0xFFFF8000  }
0x1a: {  	[hbm4b:s6+s2] =	stream.linear.scatter [tilespmem:s14], [sflag:$0x2], $0x8000, $0x38;
	[tilespmem:$0x10200] =	vst v63  }
0x1b: {  	_ = 	snop  }
0x1c: {  	[tilespmem:s13], [sflag:$0x3] =	stream.linear.gather [hbm4b:s7+s2], $0x100, $0x38;
	[tilespmem:$0x10200] =	vst v63  }
0x1d: {  	_ =	swait.ge [sflag:s12], $0x100  }
0x1e: {  	[sflag:s12] =	ssyncset.done $0x0  }
0x1f: {  	[sflag:s12] =	ssyncadd.s32 $0xFFFFFF00  }
0x20: {  	[tilespmem:s16], [sflag:$0x1] =	stream.indirect.gather [hbm4b:s3+s13], $0x80, s13, s13, $0xb8;
	[tilespmem:$0x10200] =	vst v63  }
0x21: {  	_ =	swait.ge [sflag:s15], $0x8000  }
0x22: {  	[sflag:s15] =	ssyncset.done $0x0  }
0x23: {  	[sflag:s15] =	ssyncadd.s32 $0xFFFF8000  }
0x24: {  	[hbm4b:s8+s2] =	stream.linear.scatter [tilespmem:s16], [sflag:$0x2], $0x8000, $0x38;
	[tilespmem:$0x10200] =	vst v63  }
0x25: {  	_ =	swait.ge [sflag:s17], $0x8000  }
0x26: {  	[sflag:s17] =	ssyncset.done $0x0  }
0x27: {  	s19 =	sadd.s32 $0x0, s11;
	[sflag:s17] =	ssyncadd.s32 $0xFFFF8000  }
0x28: {  	[tilespmem:s2], [sflag:$0x3] =	stream.linear.gather [hbm4b:s19+s2], $0x100, $0x38;
	[tilespmem:$0x10200] =	vst v63  }
0x29: {  	_ =	swait.ge [sflag:s12], $0x100  }
0x2a: {  	[sflag:s12] =	ssyncset.done $0x0  }
0x2b: {  	[sflag:s12] =	ssyncadd.s32 $0xFFFFFF00  }
0x2c: {  	[tilespmem:s14], [sflag:$0x1] =	stream.indirect.gather [hbm4b:s3+s13], $0x80, s2, s13, $0xb8;
	[tilespmem:$0x10200] =	vst v63  }
0x2d: {  	_ =	swait.ge [sflag:s15], $0x8000  }
0x2e: {  	[sflag:s15] =	ssyncset.done $0x0  }
0x2f: {  	s30 =	sadd.s32 $0xFFFFF000, s9;
	[sflag:s15] =	ssyncadd.s32 $0xFFFF8000  }
0x30: {  	[hbm4b:s30+s2] =	stream.linear.scatter [tilespmem:s14], [sflag:$0x2], $0x8000, $0x38;
	[tilespmem:$0x10200] =	vst v63  }
0x31: {  	_ =	swait.ge [sflag:s17], $0x8000  }
0x32: {  	[sflag:s17] =	ssyncset.done $0x0  }
0x33: {  	s31 =	sadd.s32 $0x0, s10;
	[sflag:s17] =	ssyncadd.s32 $0xFFFF8000  }
0x34: {  	[tilespmem:s13], [sflag:$0x3] =	stream.linear.gather [hbm4b:s31+s2], $0x100, $0x38;
	[tilespmem:$0x10200] =	vst v63  }
0x35: {  	_ =	swait.ge [sflag:s12], $0x100  }
0x36: {  	[sflag:s12] =	ssyncset.done $0x0  }
0x37: {  	[sflag:s12] =	ssyncadd.s32 $0xFFFFFF00  }
0x38: {  	[tilespmem:s16], [sflag:$0x1] =	stream.indirect.gather [hbm4b:s3+s13], $0x80, s13, s13, $0xb8;
	[tilespmem:$0x10200] =	vst v63  }
0x39: {  	_ =	swait.ge [sflag:s15], $0x8000  }
0x3a: {  	s20 =	sadd.s32 $0x2000, s9;
	[sflag:s15] =	ssyncset.done $0x0  }
0x3b: {  	s21 =	smov.u32 s9;
	s19 =	simm.s32 $0x40;
	[sflag:s15] =	ssyncadd.s32 $0xFFFF8000  }
.LBB2_2:
0x3c: {  	[hbm4b:s21+s2] =	stream.linear.scatter [tilespmem:s16], [sflag:$0x2], $0x8000, $0x38;
	[tilespmem:$0x10200] =	vst v63  }
0x3d: {  	s22 =	smov.u32 s19;
	s21 =	smov.u32 s20  }
0x3e: {  	p0 =	sne.s32 s19, $0x200;
	s19 =	sadd.s32 $0x40, s19;
	_ =	swait.ge [sflag:s17], $0x8000  }
0x3f: {  	[sflag:s17] =	ssyncset.done $0x0  }
0x40: {  	s23 =	sadd.s32 s22, s11;
	[sflag:s17] =	ssyncadd.s32 $0xFFFF8000  }
0x41: {  	[tilespmem:s2], [sflag:$0x3] =	stream.linear.gather [hbm4b:s23+s2], $0x100, $0x38;
	[tilespmem:$0x10200] =	vst v63  }
0x42: {  	_ =	swait.ge [sflag:s12], $0x100  }
0x43: {  	[sflag:s12] =	ssyncset.done $0x0  }
0x44: {  	[sflag:s12] =	ssyncadd.s32 $0xFFFFFF00  }
0x45: {  	[tilespmem:s14], [sflag:$0x1] =	stream.indirect.gather [hbm4b:s3+s13], $0x80, s2, s13, $0xb8;
	[tilespmem:$0x10200] =	vst v63  }
0x46: {  	_ =	swait.ge [sflag:s15], $0x8000  }
0x47: {  	[sflag:s15] =	ssyncset.done $0x0  }
0x48: {  	s23 =	sadd.s32 $0xFFFFF000, s20;
	[sflag:s15] =	ssyncadd.s32 $0xFFFF8000  }
0x49: {  	[hbm4b:s23+s2] =	stream.linear.scatter [tilespmem:s14], [sflag:$0x2], $0x8000, $0x38;
	[tilespmem:$0x10200] =	vst v63  }
0x4a: {  	_ =	swait.ge [sflag:s17], $0x8000  }
0x4b: {  	[sflag:s17] =	ssyncset.done $0x0  }
0x4c: {  	s22 =	sadd.s32 s22, s10;
	[sflag:s17] =	ssyncadd.s32 $0xFFFF8000  }
0x4d: {  	[tilespmem:s13], [sflag:$0x3] =	stream.linear.gather [hbm4b:s22+s2], $0x100, $0x38;
	[tilespmem:$0x10200] =	vst v63  }
0x4e: {  	_ =	swait.ge [sflag:s12], $0x100  }
0x4f: {  	[sflag:s12] =	ssyncset.done $0x0  }
.Ltmp0:
0x50: {  	[sflag:s12] =	ssyncadd.s32 $0xFFFFFF00;
	(pc) =	sbr.rel @p0 .LBB2_2-.Ltmp0, $4  }
0x51: {  	[tilespmem:s16], [sflag:$0x1] =	stream.indirect.gather [hbm4b:s3+s13], $0x80, s13, s13, $0xb8;
	[tilespmem:$0x10200] =	vst v63  }
0x52: {  	_ =	swait.ge [sflag:s15], $0x8000  }
0x53: {  	[sflag:s15] =	ssyncset.done $0x0  }
0x54: {  	s20 =	sadd.s32 $0x2000, s20;
	[sflag:s15] =	ssyncadd.s32 $0xFFFF8000  }
0x55: {  	[hbm4b:s21+s2] =	stream.linear.scatter [tilespmem:s16], [sflag:$0x2], $0x8000, $0x38;
	[tilespmem:$0x10200] =	vst v63  }
0x56: {  	s18 =	sadd.s32 $0x1, s18  }
0x57: {  	_ =	swait.ge [sflag:s17], $0x8000;
	p0 =	sne.s32 s18, s4  }
.Ltmp1:
0x58: {  	[sflag:s17] =	ssyncset.done $0x0;
	(pc) =	sbr.rel @p0 .LBB2_1-.Ltmp1, $4  }
0x59: {  	[sflag:s17] =	ssyncadd.s32 $0xFFFF8000  }
0x5a: {  	_ =	swait.ge [sflag:s17], $0x8000  }
0x5b: {  	[sflag:s17] =	ssyncset.done $0x0  }
0x5c: {  	[sflag:s17] =	ssyncadd.s32 $0xFFFF8000  }
0x5d: {  	_ =	sfence.sel $0x180000  }
0x5e: {  	[bflag:$0x0] =	sbarrier.arrive $0xFFFF  }
0x5f: {  	p0 =	sne.s32 s1, $0x0;
	_ =	strace $0x90000047  }
0x60: {  	s0 =	sadd.s32 @!p0 $0x100000, s0;
	[bflag:$0x2] =	sbarrier.arrive $0xFFFF  }
0x61: {  	[sflag:s0] =	ssyncadd.tile.s32 @!p0 $0x1;
	_ =	shalt  }
.Lfunc_end2:
_tile_overlayer_lowered:
.L_overlay_start_2:
0x62: {  	(tag) =	ssettag $0x2  }
0x63: {  	s0 =	rddreg [dreg:$0x0];
	s2 =	stileid.u32  }
0x64: {  	s1 =	rddreg [dreg:$0x1];
	p0 =	sne.s32 s2, $0x0  }
0x65: {  	s3 =	rddreg [dreg:$0x2];
	[bflag:$0x3] =	sbarrier.arrive $0xFFFF;
	s2 =	simm.s32 @!p0 $0x1C03  }
0x66: {  	[timem:s3], [sflag:s2] =	dma.local @!p0 [hbm:s0], s1  }
0x67: {  	s0 =	simm.s32 @!p0 $0x3  }
0x68: {  	_ =	swait.ge @!p0 [sflag:s0], s1  }
0x69: {  	s1 =	ssub.s32 @!p0 $0x0, s1;
	[sflag:s0] =	ssyncset.done @!p0 $0x0  }
0x6a: {  	[sflag:s0] =	ssyncadd.s32 @!p0 s1  }
0x6b: {  	[bflag:$0x3] =	sbarrier.arrive $0xFFFF  }
0x6c: {  	_ =	shalt  }

// kernel: kernel.13.cloned.1.call-start
scs
__scs_entry_jumppad:
0x0: {  	(pc) =	sbr.rel $0x88, $3  }
0x1: {  	(tag) =	ssettag $0x0;
	lr =	simm.s32 $0x1  }
0x2: {  	[smem:$0x3F8B] =	sst lr;
	_ =	strace $0xD0000000  }
0x3: {  	_ = 	snop  }
0x4: {  	_ = 	snop  }
0x5: {  	_ = 	snop  }
0x6: {  	_ = 	snop  }
0x7: {  	_ = 	snop  }
__scs_overlays_trampoline_lowered:
0x8: {  	[smem:$0x3F9A] =	sst s0  }
0x9: {  	[smem:$0x3F9B] =	sst s1  }
0xa: {  	[smem:$0x3F9C] =	sst s2  }
0xb: {  	[smem:$0x3F9D] =	sst s3  }
0xc: {  	[smem:$0x3F9E] =	sst s4  }
0xd: {  	[smem:$0x3F9F] =	sst s5  }
0xe: {  	[smem:$0x3FA0] =	sst s6  }
0xf: {  	[smem:$0x3FA1] =	sst s7  }
0x10: {  	[smem:$0x3FA2] =	sst s8  }
0x11: {  	[smem:$0x3FA3] =	sst s9;
	s0 =	simm.s32 @!p0 $0x0  }
0x12: {  	s1 =	sld [smem:$0x3F89];
	s0 =	simm.s32 @p0 $0x1  }
0x13: {  	[smem:$0x3FA4] =	sst s0;
	s0 =	simm.s32 @!p1 $0x0  }
0x14: {  	s2 =	sld [smem:$0x3F88];
	s0 =	simm.s32 @p1 $0x1  }
0x15: {  	[smem:$0x3FA5] =	sst s0;
	s0 =	simm.s32 @!p2 $0x0  }
0x16: {  	s3 =	sld [smem:$0x3FDB];
	s0 =	simm.s32 @p2 $0x1  }
0x17: {  	s4 =	simm.s32 $0x1BF5;
	[smem:$0x3FA7] =	sst s0  }
0x18: {  	s0 =	sld [smem:$0x3F8A];
	_ =	swait.ge [sflag:s4], $0x0  }
0x19: {  	s7 =	sld [smem:$0x3F8B]  }
0x1a: {  	s8 =	sadd.s32 $0xFFFFE003, lr  }
0x1b: {  	s9 =	sadd.s32 $0xFFFFFEF7, lr;
	s5 =	simm.s32 $0xFFFFFFFF;
	p2 =	slt.u32 s8, $0xFFFFF086  }
0x1c: {  	p1 =	slt.u32 s9, $0xF7A;
	s5 =	simm.s32 @!p2 $0x0  }
0x1d: {  	s5 =	simm.s32 @p1 $0x1;
	p0 =	seq.s32 s7, s2  }
0x1e: {  	s7 =	smul.u32 @!p0 $0xF7A, s2;
	p2 =	seq.s32 @!p0 s5, $0x0  }
0x1f: {  	s9 =	smul.u32 $0xF7A, s1;
	s8 =	simm.s32 @!p0 $0x1BF5;
	p2 =	por !p2, p0  }
0x20: {  	[sflag:s8] =	ssyncset.s32 @!p0 $0xFFFFF086;
	s6 =	sadd.s32 @!p0 s3, s7;
	s7 =	simm.s32 @!p0 $0x108  }
0x21: {  	s3 =	sadd.s32 s3, s9;
	s6 =	sadd.s32 @!p0 $0x88, s6;
	s7 =	simm.s32 @p2 $0x1082  }
0x22: {  	[simem:s7], [sflag:s8] =	dma.local @!p0 [hbm:s6], $0xF7A  }
0x23: {  	s9 =	sor.u32 $0xD0000000, s2;
	s6 =	simm.s32 $0x108;
	_ =	swait.ge @!p0 [sflag:s8], $0x0  }
0x24: {  	s3 =	sadd.s32 $0x88, s3;
	s6 =	simm.s32 @!p1 $0x1082;
	[sflag:s4] =	ssyncset.s32 $0xFFFFF086  }
0x25: {  	[simem:s6], [sflag:s4] =	dma.local [hbm:s3], $0xF7A  }
0x26: {  	[smem:$0x3F8B] =	sst s1;
	(tag) =	ssettag s2;
	_ =	strace s9  }
0x27: {  	s1 =	sld [smem:$0x3F9B]  }
0x28: {  	s2 =	sld [smem:$0x3F9C]  }
0x29: {  	s4 =	sld [smem:$0x3F9E]  }
0x2a: {  	p0 =	seq.s32 s5, $0x0;
	s5 =	sld [smem:$0x3F9F]  }
0x2b: {  	s6 =	sld [smem:$0x3FA0]  }
0x2c: {  	s7 =	sld [smem:$0x3FA1]  }
0x2d: {  	s3 =	simm.s32 $0x108;
	s8 =	sld [smem:$0x3FA2]  }
0x2e: {  	s3 =	simm.s32 @!p0 $0x1082;
	s9 =	sld [smem:$0x3FA3]  }
0x2f: {  	lr =	sadd.s32 s0, s3;
	s0 =	sld [smem:$0x3F9A]  }
0x30: {  	s3 =	sld [smem:$0x3F9D]  }
0x31: {  	[smem:$0x3FA6] =	sst s10  }
0x32: {  	s10 =	sld [smem:$0x3FA4];
	_ =	sdelay $0x3  }
0x33: {  	p0 =	seq.s32 s10, $0x1;
	s10 =	sld [smem:$0x3FA6];
	_ =	sdelay $0x3  }
0x34: {  	[smem:$0x3FA6] =	sst s10  }
0x35: {  	s10 =	sld [smem:$0x3FA5];
	_ =	sdelay $0x3  }
0x36: {  	p1 =	seq.s32 s10, $0x1;
	s10 =	sld [smem:$0x3FA6];
	_ =	sdelay $0x3  }
0x37: {  	[smem:$0x3FA6] =	sst s10  }
0x38: {  	s10 =	sld [smem:$0x3FA7]  }
0x39: {  	_ = 	snop;
	(pc) =	sbr.ind lr, $3  }
0x3a: {  	_ = 	snop  }
0x3b: {  	_ = 	snop  }
0x3c: {  	p2 =	seq.s32 s10, $0x1;
	s10 =	sld [smem:$0x3FA6]  }
0x3d: {  	_ =	shalt  }
0x3e: {  	_ =	shalt  }
0x3f: {  	_ =	shalt  }
0x40: {  	_ =	shalt  }
0x41: {  	_ =	shalt  }
0x42: {  	_ =	shalt  }
0x43: {  	_ =	shalt  }
0x44: {  	_ =	shalt  }
0x45: {  	_ =	shalt  }
0x46: {  	_ =	shalt  }
0x47: {  	_ =	shalt  }
0x48: {  	_ =	shalt  }
0x49: {  	_ =	shalt  }
0x4a: {  	_ =	shalt  }
0x4b: {  	_ =	shalt  }
0x4c: {  	_ =	shalt  }
0x4d: {  	_ =	shalt  }
0x4e: {  	_ =	shalt  }
0x4f: {  	_ =	shalt  }
0x50: {  	_ =	shalt  }
0x51: {  	_ =	shalt  }
0x52: {  	_ =	shalt  }
0x53: {  	_ =	shalt  }
0x54: {  	_ =	shalt  }
0x55: {  	_ =	shalt  }
0x56: {  	_ =	shalt  }
0x57: {  	_ =	shalt  }
0x58: {  	_ =	shalt  }
0x59: {  	_ =	shalt  }
0x5a: {  	_ =	shalt  }
0x5b: {  	_ =	shalt  }
0x5c: {  	_ =	shalt  }
0x5d: {  	_ =	shalt  }
0x5e: {  	_ =	shalt  }
0x5f: {  	_ =	shalt  }
0x60: {  	_ =	shalt  }
0x61: {  	_ =	shalt  }
0x62: {  	_ =	shalt  }
0x63: {  	_ =	shalt  }
0x64: {  	_ =	shalt  }
0x65: {  	_ =	shalt  }
0x66: {  	_ =	shalt  }
0x67: {  	_ =	shalt  }
0x68: {  	_ =	shalt  }
0x69: {  	_ =	shalt  }
0x6a: {  	_ =	shalt  }
0x6b: {  	_ =	shalt  }
0x6c: {  	_ =	shalt  }
0x6d: {  	_ =	shalt  }
0x6e: {  	_ =	shalt  }
0x6f: {  	_ =	shalt  }
0x70: {  	_ =	shalt  }
0x71: {  	_ =	shalt  }
0x72: {  	_ =	shalt  }
0x73: {  	_ =	shalt  }
0x74: {  	_ =	shalt  }
0x75: {  	_ =	shalt  }
0x76: {  	_ =	shalt  }
0x77: {  	_ =	shalt  }
0x78: {  	_ =	shalt  }
0x79: {  	_ =	shalt  }
0x7a: {  	_ =	shalt  }
0x7b: {  	_ =	shalt  }
0x7c: {  	_ =	shalt  }
0x7d: {  	_ =	shalt  }
0x7e: {  	_ =	shalt  }
0x7f: {  	_ =	shalt  }
0x80: {  	_ =	shalt  }
0x81: {  	_ =	shalt  }
0x82: {  	_ =	shalt  }
0x83: {  	_ =	shalt  }
0x84: {  	_ =	shalt  }
0x85: {  	_ =	shalt  }
0x86: {  	_ =	shalt  }
0x87: {  	_ =	shalt  }
.Lfunc_end0:
.L_simem_size_0:
called_computation.1_lowered:
.L_overlay_start_0:
0x88: {  	s2 =	sld [smem:$0x3FD9]  }
0x89: {  	s3 =	sld [smem:$0x3FFE];
	_ =	sdelay $0x1  }
0x8a: {  	s1 =	srdreg.scid  }
0x8b: {  	s0 =	sand.u32 $0x1, s1  }
0x8c: {  	s16 =	sshll.u32 s0, $0xA;
	s2 =	sadd.s32 s3, s2  }
0x8d: {  	s2 =	sadd.s32 s2, s16  }
0x8e: {  	[smem:$0x3FB2] =	sst s2  }
0x8f: {  	_ = 	snop  }
0x90: {  	(tm) =	ssettm $0x1  }
0x91: {  	s17 =	sld [smem:$0x3FFB];
	_ =	sdelay $0x3  }
0x92: {  	_ =	strace s17  }
0x93: {  	s2 =	sld [smem:$0x3FFC];
	_ =	sdelay $0x3  }
0x94: {  	_ =	strace s2  }
0x95: {  	s2 =	sld [smem:$0x3FFD];
	_ =	sdelay $0x3  }
0x96: {  	_ =	strace s2  }
0x97: {  	_ =	strace $0x8FFFFFFF  }
0x98: {  	s18 =	sld [smem:$0x3FDB];
	_ =	sdelay $0x1  }
0x99: {  	s19 =	simm.s32 $_scs_section_size  }
0x9a: {  	s4 =	simm.s32 $_size__tile_overlayer_lowered;
	s5 =	simm.s32 $_tile_overlayer_lowered  }
0x9b: {  	s22 =	simm.s32 $0x1BFF;
	s21 =	sshll.u32 s5, $0x1;
	s2 =	sadd.s32 s19, s18  }
0x9c: {  	s6 =	simm.s32 $0x0;
	s20 =	sshll.u32 s4, $0x1;
	s4 =	sadd.s32 s21, s2  }
0x9d: {  	[timem:s6], [sflag:s22] =	dma.local [hbm:s4], s20  }
0x9e: {  	_ =	swait.ge [sflag:s22], s20  }
0x9f: {  	s3 =	ssub.s32 $0x0, s20;
	[sflag:s22] =	ssyncset.done $0x0  }
0xa0: {  	[sflag:s22] =	ssyncadd.s32 s3;
	_ =	sdelay $0x1  }
0xa1: {  	s23 =	simm.s32 $0x1B8B  }
0xa2: {  	_ =	swait.ge [sflag:s23], $0x1  }
0xa3: {  	[sflag:s23] =	ssyncset.done $0x0  }
0xa4: {  	s25 =	simm.s32 $0x1B8E;
	s24 =	sld [smem:$0x3FFE];
	[sflag:s23] =	ssyncadd.s32 $0xFFFFFFFF  }
0xa5: {  	s26 =	simm.s32 $execute0_lowered;
	[smem:$0x3FD2] =	sst s25  }
0xa6: {  	s4 =	sshll.u32 s26, $0x1;
	_ =	strace $0x80000049;
	[dreg:$0x1] =	wrdreg $0xFFFFFFFF  }
0xa7: {  	s28 =	simm.s32 $_size_execute0_lowered;
	s2 =	sadd.s32 s2, s4;
	[dreg:$0x0] =	wrdreg $0x0  }
0xa8: {  	s4 =	sshll.u32 s28, $0x1;
	[dreg:$0x2] =	wrdreg s2  }
0xa9: {  	[dreg:$0x3] =	wrdreg s4  }
0xaa: {  	[dreg:$0x4] =	wrdreg $0xC0  }
0xab: {  	_ =	task [dreg:s6], $0x5FFFF  }
0xac: {  	[dreg:$0x1] =	wrdreg $0xFFFFFFFF  }
0xad: {  	[dreg:$0x0] =	wrdreg $0x60  }
0xae: {  	[dreg:$0x2] =	wrdreg s24  }
0xaf: {  	[dreg:$0x3] =	wrdreg $0x9  }
0xb0: {  	_ =	task.clear_ibuf [dreg:s6], $0x4FFFF;
	_ =	strace $0x90000049  }
0xb1: {  	s29 =	simm.s32 $0x9;
	_ =	strace $0x8000004B  }
0xb2: {  	_ =	swait.ge [sflag:s29], $0x1  }
0xb3: {  	[sflag:s29] =	ssyncadd.s32 $0xFFFFFFFF  }
0xb4: {  	_ =	strace $0x9000004B  }
0xb5: {  	_ =	sfence  }
0xb6: {  	s30 =	sld [smem:$0x0];
	_ =	sdelay $0x2  }
0xb7: {  	s31 =	sshll.u32 s1, $0xD;
	s1 =	sshrl.u32 s1, $0x2  }
0xb8: {  	s3 =	sand.u32 $0x4000, s31;
	s1 =	sadd.s32 s1, s30  }
0xb9: {  	s0 =	sor.u32 s3, s0;
	s1 =	sshll.u32 s1, $0x11  }
0xba: {  	s0 =	sor.u32 s1, s0  }
0xbb: {  	s0 =	sadd.s32 $0x8F2B, s0  }
0xbc: {  	[sflag:s0] =	ssyncadd.remote.s32 $0x1  }
0xbd: {  	_ =	sfence.sel $0xFFFF  }
0xbe: {  	[dreg:$0x0] =	wrdreg $0xFFFFFFFF;
	(pc) =	sbr.abs _section_cstart, $3  }
0xbf: {  	[dreg:$0x1] =	wrdreg $0xFFFFFFFF  }
0xc0: {  	_ =	task.clear_ibuf [dreg:s6], $0x2FFFF;
	_ =	strace $0x9FFFFFFF  }
0xc1: {  	(tm) =	ssettm $0x7FFFFFFF  }
tec
execute0_lowered:
.L_overlay_start_1:
0x0: {  	(tag) =	ssettag $0x1  }
0x1: {  	s4 =	rddreg [dreg:$0x0]  }
0x2: {  	s0 =	rddreg [dreg:$0x1];
	s2 =	simm.s32 $0x0  }
0x3: {  	s3 =	srdreg.scid;
	s1 =	stileid.u32;
	s16 =	simm.s32 $0x8200  }
0x4: {  	s17 =	simm.s32 $0x2;
	s18 =	simm.s32 $0x0;
	s12 =	smul.u32 $0x28000, s1  }
0x5: {  	[smem:$0x7FF] =	sst s2;
	s8 =	sand.u32 $0x1, s3;
	s13 =	smul.u32 $0x2800, s1  }
0x6: {  	s5 =	sshll.u32 s1, $0x1;
	s3 =	sadd.s32 $0x3600, s4;
	s14 =	smul.u32 $0x1400, s8  }
0x7: {  	s11 =	sadd.s32 $0x23600, s4;
	s5 =	sor.u32 s8, s5;
	s15 =	smul.u32 $0x14000, s8  }
0x8: {  	s10 =	sadd.s32 $0x28600, s4;
	s6 =	ssub.s32 $0x2, s8;
	s9 =	smul.u32 $0x1400, s5  }
0x9: {  	_ =	strace $0x8000004A;
	s7 =	sshrl.u32 s6, $0x1;
	s24 =	smul.u32 $0x14000, s5  }
0xa: {  	s28 =	sadd.s32 s12, s10;
	s23 =	ssub.s32 s6, s7;
	s29 =	sadd.s32 s14, s13  }
0xb: {  	s13 =	simm.s32 $0x100;
	s14 =	simm.s32 $0x200;
	s4 =	smax.u32 s23, $0x1  }
0xc: {  	s25 =	sshrl.u32 s9, $0x3;
	s9 =	sor.u32 $0x100, s9;
	s6 =	sadd.s32 s10, s24  }
0xd: {  	s30 =	sor.u32 $0x300, s29;
	s5 =	sadd.s32 s11, s25;
	s26 =	sshrl.u32 s9, $0x3  }
0xe: {  	s9 =	sshll.u32 s9, $0x4;
	s12 =	sshrl.u32 s30, $0x3;
	s7 =	sadd.s32 s11, s26  }
0xf: {  	s8 =	sadd.s32 s10, s9;
	s9 =	sadd.s32 s15, s28;
	s10 =	sor.u32 $0x200, s29  }
0x10: {  	s15 =	simm.s32 $0x1;
	s9 =	sadd.s32 $0x3000, s9;
	s31 =	sshrl.u32 s10, $0x3  }
0x11: {  	s10 =	sadd.s32 s12, s11;
	s12 =	simm.s32 $0x3;
	s11 =	sadd.s32 s31, s11  }
.LBB2_1:
0x12: {  	[tilespmem:s2], [sflag:$0x3] =	stream.linear.gather [hbm4b:s5+s2], $0x100, $0x38;
	[tilespmem:$0x10200] =	vst v63  }
0x13: {  	_ =	swait.ge [sflag:s12], $0x100  }
0x14: {  	[sflag:s12] =	ssyncset.done $0x0  }
0x15: {  	[sflag:s12] =	ssyncadd.s32 $0xFFFFFF00  }
0x16: {  	[tilespmem:s14], [sflag:$0x1] =	stream.indirect.gather [hbm4b:s3+s13], $0x80, s2, s13, $0xb8;
	[tilespmem:$0x10200] =	vst v63  }
0x17: {  	_ =	swait.ge [sflag:s15], $0x8000  }
0x18: {  	[sflag:s15] =	ssyncset.done $0x0  }
0x19: {  	[sflag:s15] =	ssyncadd.s32 $0xFFFF8000  }
0x1a: {  	[hbm4b:s6+s2] =	stream.linear.scatter [tilespmem:s14], [sflag:$0x2], $0x8000, $0x38;
	[tilespmem:$0x10200] =	vst v63  }
0x1b: {  	_ = 	snop  }
0x1c: {  	[tilespmem:s13], [sflag:$0x3] =	stream.linear.gather [hbm4b:s7+s2], $0x100, $0x38;
	[tilespmem:$0x10200] =	vst v63  }
0x1d: {  	_ =	swait.ge [sflag:s12], $0x100  }
0x1e: {  	[sflag:s12] =	ssyncset.done $0x0  }
0x1f: {  	[sflag:s12] =	ssyncadd.s32 $0xFFFFFF00  }
0x20: {  	[tilespmem:s16], [sflag:$0x1] =	stream.indirect.gather [hbm4b:s3+s13], $0x80, s13, s13, $0xb8;
	[tilespmem:$0x10200] =	vst v63  }
0x21: {  	_ =	swait.ge [sflag:s15], $0x8000  }
0x22: {  	[sflag:s15] =	ssyncset.done $0x0  }
0x23: {  	[sflag:s15] =	ssyncadd.s32 $0xFFFF8000  }
0x24: {  	[hbm4b:s8+s2] =	stream.linear.scatter [tilespmem:s16], [sflag:$0x2], $0x8000, $0x38;
	[tilespmem:$0x10200] =	vst v63  }
0x25: {  	_ =	swait.ge [sflag:s17], $0x8000  }
0x26: {  	[sflag:s17] =	ssyncset.done $0x0  }
0x27: {  	s19 =	sadd.s32 $0x0, s11;
	[sflag:s17] =	ssyncadd.s32 $0xFFFF8000  }
0x28: {  	[tilespmem:s2], [sflag:$0x3] =	stream.linear.gather [hbm4b:s19+s2], $0x100, $0x38;
	[tilespmem:$0x10200] =	vst v63  }
0x29: {  	_ =	swait.ge [sflag:s12], $0x100  }
0x2a: {  	[sflag:s12] =	ssyncset.done $0x0  }
0x2b: {  	[sflag:s12] =	ssyncadd.s32 $0xFFFFFF00  }
0x2c: {  	[tilespmem:s14], [sflag:$0x1] =	stream.indirect.gather [hbm4b:s3+s13], $0x80, s2, s13, $0xb8;
	[tilespmem:$0x10200] =	vst v63  }
0x2d: {  	_ =	swait.ge [sflag:s15], $0x8000  }
0x2e: {  	[sflag:s15] =	ssyncset.done $0x0  }
0x2f: {  	s30 =	sadd.s32 $0xFFFFF000, s9;
	[sflag:s15] =	ssyncadd.s32 $0xFFFF8000  }
0x30: {  	[hbm4b:s30+s2] =	stream.linear.scatter [tilespmem:s14], [sflag:$0x2], $0x8000, $0x38;
	[tilespmem:$0x10200] =	vst v63  }
0x31: {  	_ =	swait.ge [sflag:s17], $0x8000  }
0x32: {  	[sflag:s17] =	ssyncset.done $0x0  }
0x33: {  	s31 =	sadd.s32 $0x0, s10;
	[sflag:s17] =	ssyncadd.s32 $0xFFFF8000  }
0x34: {  	[tilespmem:s13], [sflag:$0x3] =	stream.linear.gather [hbm4b:s31+s2], $0x100, $0x38;
	[tilespmem:$0x10200] =	vst v63  }
0x35: {  	_ =	swait.ge [sflag:s12], $0x100  }
0x36: {  	[sflag:s12] =	ssyncset.done $0x0  }
0x37: {  	[sflag:s12] =	ssyncadd.s32 $0xFFFFFF00  }
0x38: {  	[tilespmem:s16], [sflag:$0x1] =	stream.indirect.gather [hbm4b:s3+s13], $0x80, s13, s13, $0xb8;
	[tilespmem:$0x10200] =	vst v63  }
0x39: {  	_ =	swait.ge [sflag:s15], $0x8000  }
0x3a: {  	s20 =	sadd.s32 $0x2000, s9;
	[sflag:s15] =	ssyncset.done $0x0  }
0x3b: {  	s21 =	smov.u32 s9;
	s19 =	simm.s32 $0x40;
	[sflag:s15] =	ssyncadd.s32 $0xFFFF8000  }
.LBB2_2:
0x3c: {  	[hbm4b:s21+s2] =	stream.linear.scatter [tilespmem:s16], [sflag:$0x2], $0x8000, $0x38;
	[tilespmem:$0x10200] =	vst v63  }
0x3d: {  	s22 =	smov.u32 s19;
	s21 =	smov.u32 s20  }
0x3e: {  	p0 =	sne.s32 s19, $0x200;
	s19 =	sadd.s32 $0x40, s19;
	_ =	swait.ge [sflag:s17], $0x8000  }
0x3f: {  	[sflag:s17] =	ssyncset.done $0x0  }
0x40: {  	s23 =	sadd.s32 s22, s11;
	[sflag:s17] =	ssyncadd.s32 $0xFFFF8000  }
0x41: {  	[tilespmem:s2], [sflag:$0x3] =	stream.linear.gather [hbm4b:s23+s2], $0x100, $0x38;
	[tilespmem:$0x10200] =	vst v63  }
0x42: {  	_ =	swait.ge [sflag:s12], $0x100  }
0x43: {  	[sflag:s12] =	ssyncset.done $0x0  }
0x44: {  	[sflag:s12] =	ssyncadd.s32 $0xFFFFFF00  }
0x45: {  	[tilespmem:s14], [sflag:$0x1] =	stream.indirect.gather [hbm4b:s3+s13], $0x80, s2, s13, $0xb8;
	[tilespmem:$0x10200] =	vst v63  }
0x46: {  	_ =	swait.ge [sflag:s15], $0x8000  }
0x47: {  	[sflag:s15] =	ssyncset.done $0x0  }
0x48: {  	s23 =	sadd.s32 $0xFFFFF000, s20;
	[sflag:s15] =	ssyncadd.s32 $0xFFFF8000  }
0x49: {  	[hbm4b:s23+s2] =	stream.linear.scatter [tilespmem:s14], [sflag:$0x2], $0x8000, $0x38;
	[tilespmem:$0x10200] =	vst v63  }
0x4a: {  	_ =	swait.ge [sflag:s17], $0x8000  }
0x4b: {  	[sflag:s17] =	ssyncset.done $0x0  }
0x4c: {  	s22 =	sadd.s32 s22, s10;
	[sflag:s17] =	ssyncadd.s32 $0xFFFF8000  }
0x4d: {  	[tilespmem:s13], [sflag:$0x3] =	stream.linear.gather [hbm4b:s22+s2], $0x100, $0x38;
	[tilespmem:$0x10200] =	vst v63  }
0x4e: {  	_ =	swait.ge [sflag:s12], $0x100  }
0x4f: {  	[sflag:s12] =	ssyncset.done $0x0  }
.Ltmp0:
0x50: {  	[sflag:s12] =	ssyncadd.s32 $0xFFFFFF00;
	(pc) =	sbr.rel @p0 .LBB2_2-.Ltmp0, $4  }
0x51: {  	[tilespmem:s16], [sflag:$0x1] =	stream.indirect.gather [hbm4b:s3+s13], $0x80, s13, s13, $0xb8;
	[tilespmem:$0x10200] =	vst v63  }
0x52: {  	_ =	swait.ge [sflag:s15], $0x8000  }
0x53: {  	[sflag:s15] =	ssyncset.done $0x0  }
0x54: {  	s20 =	sadd.s32 $0x2000, s20;
	[sflag:s15] =	ssyncadd.s32 $0xFFFF8000  }
0x55: {  	[hbm4b:s21+s2] =	stream.linear.scatter [tilespmem:s16], [sflag:$0x2], $0x8000, $0x38;
	[tilespmem:$0x10200] =	vst v63  }
0x56: {  	s18 =	sadd.s32 $0x1, s18  }
0x57: {  	_ =	swait.ge [sflag:s17], $0x8000;
	p0 =	sne.s32 s18, s4  }
.Ltmp1:
0x58: {  	[sflag:s17] =	ssyncset.done $0x0;
	(pc) =	sbr.rel @p0 .LBB2_1-.Ltmp1, $4  }
0x59: {  	[sflag:s17] =	ssyncadd.s32 $0xFFFF8000  }
0x5a: {  	_ =	swait.ge [sflag:s17], $0x8000  }
0x5b: {  	[sflag:s17] =	ssyncset.done $0x0  }
0x5c: {  	[sflag:s17] =	ssyncadd.s32 $0xFFFF8000  }
0x5d: {  	_ =	sfence.sel $0x180000  }
0x5e: {  	[bflag:$0x0] =	sbarrier.arrive $0xFFFF  }
0x5f: {  	p0 =	sne.s32 s1, $0x0;
	_ =	strace $0x9000004A  }
0x60: {  	s0 =	sadd.s32 @!p0 $0x100000, s0;
	[bflag:$0x2] =	sbarrier.arrive $0xFFFF  }
0x61: {  	[sflag:s0] =	ssyncadd.tile.s32 @!p0 $0x1;
	_ =	shalt  }
.Lfunc_end2:
_tile_overlayer_lowered:
.L_overlay_start_2:
0x62: {  	(tag) =	ssettag $0x2  }
0x63: {  	s0 =	rddreg [dreg:$0x0];
	s2 =	stileid.u32  }
0x64: {  	s1 =	rddreg [dreg:$0x1];
	p0 =	sne.s32 s2, $0x0  }
0x65: {  	s3 =	rddreg [dreg:$0x2];
	[bflag:$0x3] =	sbarrier.arrive $0xFFFF;
	s2 =	simm.s32 @!p0 $0x1C03  }
0x66: {  	[timem:s3], [sflag:s2] =	dma.local @!p0 [hbm:s0], s1  }
0x67: {  	s0 =	simm.s32 @!p0 $0x3  }
0x68: {  	_ =	swait.ge @!p0 [sflag:s0], s1  }
0x69: {  	s1 =	ssub.s32 @!p0 $0x0, s1;
	[sflag:s0] =	ssyncset.done @!p0 $0x0  }
0x6a: {  	[sflag:s0] =	ssyncadd.s32 @!p0 s1  }
0x6b: {  	[bflag:$0x3] =	sbarrier.arrive $0xFFFF  }
0x6c: {  	_ =	shalt  }

</sc_bundles>
